<compile_context>
chip_gen: v7x
topology: tpu7x:2x2x1
jax: 0.10.2.dev20260603
libtpu: 0.0.44.dev20260713+nightly
codegen_flags: <defaults>
</compile_context>

<pallas_src>
import jax
import jax.numpy as jnp
from jax import lax
from jax.experimental import pallas as pl
from jax.experimental.pallas import tpu as pltpu
from jax.experimental.pallas import tpu_sc as plsc

NUM_NODES = 100000
MEM_DIM = 128
BATCH = 16384

NC = 2
NS = 16
NW = NC * NS
LANES = 16

BPW = BATCH // NW
GCH = 128
RANGE = 3128
LAST_RANGE = NUM_NODES - (NW - 1) * RANGE
UCH = 128
CCH = 384
RPAD = ((RANGE + CCH - 1) // CCH) * CCH


def _widx():
  return lax.axis_index("s") * NC + lax.axis_index("c")


def _mesh():
  return plsc.VectorSubcoreMesh(core_axis_name="c", subcore_axis_name="s")


def _gather_scan_body(ids_hbm, mem_hbm, h_hbm, w_hbm,
                      ids2d, ids_all, wtab, rows_v, sem_g):
  wid = _widx()
  base = wid * BPW
  nch = BPW // GCH

  for k in range(nch):
    pltpu.sync_copy(ids_hbm.at[pl.ds(base + k * GCH, GCH)], ids2d.at[k])
  for k in range(nch):
    pltpu.async_copy(mem_hbm.at[ids2d.at[k]],
                     rows_v.at[pl.ds(k * GCH, GCH)], sem_g)

  lo = wid * RANGE
  pltpu.sync_copy(ids_hbm, ids_all)
  neg1 = jnp.full((LANES,), -1, jnp.int32)
  def _init(j, _):
    wtab[pl.ds(j * LANES, LANES)] = neg1
    return 0
  lax.fori_loop(0, RPAD // LANES, _init, 0, unroll=8)

  iota = lax.broadcasted_iota(jnp.int32, (LANES,), 0)
  def _scan(i, _):
    v = ids_all[pl.ds(i * LANES, LANES)]
    pos = iota + i * LANES
    _, win = plsc.scan_count(v)
    inr = jnp.logical_and(v >= lo, v < lo + RANGE)
    plsc.store_scatter(wtab, [v - lo], pos, mask=jnp.logical_and(win, inr))
    return 0
  lax.fori_loop(0, BATCH // LANES, _scan, 0, unroll=8)
  pltpu.sync_copy(wtab, w_hbm.at[pl.ds(wid * RPAD, RPAD)])

  for k in range(nch):
    pltpu.make_async_copy(mem_hbm.at[ids2d.at[k]],
                          rows_v.at[pl.ds(k * GCH, GCH)], sem_g).wait()
  pltpu.sync_copy(rows_v, h_hbm.at[pl.ds(base, BPW)])


def _sc_gather_scan(node_ids, memory):
  f = pl.kernel(
      _gather_scan_body,
      out_type=(
          jax.ShapeDtypeStruct((BATCH, MEM_DIM), jnp.float32),
          jax.ShapeDtypeStruct((NW * RPAD,), jnp.int32),
      ),
      mesh=_mesh(),
      scratch_types=[
          pltpu.VMEM((BPW // GCH, GCH), jnp.int32),
          pltpu.VMEM((BATCH,), jnp.int32),
          pltpu.VMEM((RPAD,), jnp.int32),
          pltpu.VMEM((BPW, MEM_DIM), jnp.float32),
          pltpu.SemaphoreType.DMA,
      ],
      compiler_params=pltpu.CompilerParams(needs_layout_passes=False),
  )
  return f(node_ids, memory)


def _gru_body(m_ref, h_ref, wih_ref, whh_ref, bih_ref, bhh_ref, out_ref):
  m = m_ref[...]
  h = h_ref[...]
  dn = (((1,), (1,)), ((), ()))
  gi = lax.dot_general(m, wih_ref[...], dn,
                       preferred_element_type=jnp.float32)
  gh = lax.dot_general(h, whh_ref[...], dn,
                       preferred_element_type=jnp.float32)
  gi = gi + bih_ref[0:1, :]
  gh = gh + bhh_ref[0:1, :]
  i_r = gi[:, 0:MEM_DIM]
  i_z = gi[:, MEM_DIM:2 * MEM_DIM]
  i_n = gi[:, 2 * MEM_DIM:3 * MEM_DIM]
  h_r = gh[:, 0:MEM_DIM]
  h_z = gh[:, MEM_DIM:2 * MEM_DIM]
  h_n = gh[:, 2 * MEM_DIM:3 * MEM_DIM]
  r = jax.nn.sigmoid(i_r + h_r)
  z = jax.nn.sigmoid(i_z + h_z)
  n = jnp.tanh(i_n + r * h_n)
  out_ref[...] = (1.0 - z) * n + z * h


def _tc_gru(messages, h, W_ih, W_hh, b_ih, b_hh):
  bm = 2048
  grid = (BATCH // bm,)
  return pl.pallas_call(
      _gru_body,
      grid=grid,
      in_specs=[
          pl.BlockSpec((bm, MEM_DIM), lambda i: (i, 0)),
          pl.BlockSpec((bm, MEM_DIM), lambda i: (i, 0)),
          pl.BlockSpec((3 * MEM_DIM, MEM_DIM), lambda i: (0, 0)),
          pl.BlockSpec((3 * MEM_DIM, MEM_DIM), lambda i: (0, 0)),
          pl.BlockSpec((8, 3 * MEM_DIM), lambda i: (0, 0)),
          pl.BlockSpec((8, 3 * MEM_DIM), lambda i: (0, 0)),
      ],
      out_specs=pl.BlockSpec((bm, MEM_DIM), lambda i: (i, 0)),
      out_shape=jax.ShapeDtypeStruct((BATCH, MEM_DIM), jnp.float32),
      compiler_params=pltpu.CompilerParams(
          dimension_semantics=("arbitrary",)),
  )(messages, h, W_ih, W_hh, b_ih, b_hh)


def _merge_body(mem_hbm, w_hbm, newh_hbm, out_hbm,
                wtab, cbuf0, cbuf1, sem_c0, sem_c1, sem_o0, sem_o1):
  wid = _widx()
  lo = wid * RANGE
  is_last = wid == NW - 1
  pltpu.sync_copy(w_hbm.at[pl.ds(wid * RPAD, RPAD)], wtab)

  bufs = (cbuf0, cbuf1)
  csems = (sem_c0, sem_c1)
  osems = (sem_o0, sem_o1)

  def _run(n_rows):
    sizes = [CCH] * (n_rows // CCH)
    if n_rows % CCH:
      sizes.append(n_rows % CCH)
    offs = [sum(sizes[:k]) for k in range(len(sizes))]

    def _issue_in(k):
      b = k & 1
      return pltpu.async_copy(mem_hbm.at[pl.ds(lo + offs[k], sizes[k])],
                              bufs[b].at[pl.ds(0, sizes[k])], csems[b])

    d_in = _issue_in(0)
    for k, (off, sz) in enumerate(zip(offs, sizes)):
      b = k & 1
      d_in.wait()
      ovs = []
      for so in range(0, sz, UCH):
        ss = min(UCH, sz - so)
        src = newh_hbm.at[plsc.Indices(wtab.at[pl.ds(off + so, ss)],
                                       ignored_value=-1)]
        ovs.append(pltpu.async_copy(src, bufs[b].at[pl.ds(so, ss)],
                                    osems[b]))
      if k + 1 < len(sizes):
        d_in = _issue_in(k + 1)
      for d in ovs:
        d.wait()
      pltpu.sync_copy(bufs[b].at[pl.ds(0, sz)],
                      out_hbm.at[pl.ds(lo + off, sz)])

  @pl.when(jnp.logical_not(is_last))
  def _():
    _run(RANGE)
  @pl.when(is_last)
  def _():
    _run(LAST_RANGE)


def _sc_merge(memory, wvec, new_h):
  f = pl.kernel(
      _merge_body,
      out_type=jax.ShapeDtypeStruct((NUM_NODES, MEM_DIM), jnp.float32),
      mesh=_mesh(),
      scratch_types=[
          pltpu.VMEM((RPAD,), jnp.int32),
          pltpu.VMEM((CCH, MEM_DIM), jnp.float32),
          pltpu.VMEM((CCH, MEM_DIM), jnp.float32),
          pltpu.SemaphoreType.DMA,
          pltpu.SemaphoreType.DMA,
          pltpu.SemaphoreType.DMA,
          pltpu.SemaphoreType.DMA,
      ],
      compiler_params=pltpu.CompilerParams(needs_layout_passes=False),
  )
  return f(memory, wvec, new_h)


def kernel(node_ids, messages, memory, W_ih, W_hh, b_ih, b_hh):
  node_ids = node_ids.astype(jnp.int32)
  b_ih2 = jnp.broadcast_to(b_ih.reshape(1, -1), (8, 3 * MEM_DIM))
  b_hh2 = jnp.broadcast_to(b_hh.reshape(1, -1), (8, 3 * MEM_DIM))
  h, wvec = _sc_gather_scan(node_ids, memory)
  new_h = _tc_gru(messages, h, W_ih, W_hh, b_ih2, b_hh2)
  return _sc_merge(memory, wvec, new_h)

# --- scband reference (transcript-rebuilt; emitter-appended) ---
"""Pipeline reference for scband-memory-module-55722905699030 (READ-ONLY COPY).

The authoritative reference and input builder live on the scoring server;
editing this copy changes nothing except your own understanding.
"""

import jax, jax.numpy as jnp
import numpy as np

NUM_NODES = 100000
MEM_DIM = 128
MSG_DIM = 128
BATCH = 16384


def setup_inputs(seed: int = 0) -> dict:
    key = jax.random.key(seed)
    k1, k2, k3, k4, k5, k6, k7 = jax.random.split(key, 7)
    node_ids = jax.random.randint(k1, (BATCH,), 0, NUM_NODES, dtype=jnp.int64 if jax.config.read('jax_enable_x64') else jnp.int32)
    messages = jax.random.normal(k2, (BATCH, MSG_DIM), dtype=jnp.float32)
    memory = jax.random.normal(k3, (NUM_NODES, MEM_DIM), dtype=jnp.float32)
    s_ih = 1.0 / np.sqrt(MEM_DIM)
    W_ih = jax.random.uniform(k4, (3 * MEM_DIM, MSG_DIM), dtype=jnp.float32, minval=-s_ih, maxval=s_ih)
    W_hh = jax.random.uniform(k5, (3 * MEM_DIM, MEM_DIM), dtype=jnp.float32, minval=-s_ih, maxval=s_ih)
    b_ih = jax.random.uniform(k6, (3 * MEM_DIM,), dtype=jnp.float32, minval=-s_ih, maxval=s_ih)
    b_hh = jax.random.uniform(k7, (3 * MEM_DIM,), dtype=jnp.float32, minval=-s_ih, maxval=s_ih)
    return {"node_ids": node_ids, "messages": messages, "memory": memory,
            "W_ih": W_ih, "W_hh": W_hh, "b_ih": b_ih, "b_hh": b_hh}


def reference(node_ids, messages, memory, W_ih, W_hh, b_ih, b_hh):
    # gather current memory state for the touched nodes
    h = jnp.take(memory, node_ids, axis=0)
    # GRUCell (matches torch.nn.GRUCell math)
    gi = messages @ W_ih.T + b_ih
    gh = h @ W_hh.T + b_hh
    i_r, i_z, i_n = jnp.split(gi, 3, axis=1)
    h_r, h_z, h_n = jnp.split(gh, 3, axis=1)
    r = jax.nn.sigmoid(i_r + h_r)
    z = jax.nn.sigmoid(i_z + h_z)
    n = jnp.tanh(i_n + r * h_n)
    new_h = (1.0 - z) * n + z * h
    # scatter-overwrite into the memory table
    new_memory = memory.at[node_ids].set(new_h)
    return new_memory

if __name__ == "__main__":
    import jax
    _d = setup_inputs()
    print(jax.jit(kernel)(*tuple(_d.values())))

</pallas_src>

<mosaic_0001>
#map = affine_map<(d0, d1) -> (0, 0)>
#map1 = affine_map<(d0, d1) -> (0)>
module attributes {stable_mosaic.version = 14 : i64} {
  func.func @_merge_body(%arg0: i32, %arg1: i32, %arg2: memref<100000x128xf32, #tpu.memory_space<hbm>>, %arg3: memref<110592xi32, #tpu.memory_space<hbm>>, %arg4: memref<16384x128xf32, #tpu.memory_space<hbm>>, %arg5: memref<100000x128xf32, #tpu.memory_space<hbm>>, %arg6: memref<3456xi32, #tpu.memory_space<vmem>>, %arg7: memref<384x128xf32, #tpu.memory_space<vmem>>, %arg8: memref<384x128xf32, #tpu.memory_space<vmem>>, %arg9: memref<!tpu.dma_semaphore, #tpu.memory_space<semaphore_mem>>, %arg10: memref<!tpu.dma_semaphore, #tpu.memory_space<semaphore_mem>>, %arg11: memref<!tpu.dma_semaphore, #tpu.memory_space<semaphore_mem>>, %arg12: memref<!tpu.dma_semaphore, #tpu.memory_space<semaphore_mem>>) attributes {dimension_semantics = [#tpu.dimension_semantics<core_parallel>, #tpu.dimension_semantics<subcore_parallel>], iteration_bounds = array<i64: 2, 16>, scalar_prefetch = 0 : i64, scratch_operands = 7 : i64, tpu.core_type = #tpu.core_type<sc_vector_subcore>, window_params = [{transform_indices = #map}, {transform_indices = #map1}, {transform_indices = #map}, {transform_indices = #map}]} {
    %mul3A = arith.constant 2 : i32
    %mul3A_0 = arith.muli %arg1, %mul3A : i32
    %add3A = arith.addi %mul3A_0, %arg0 : i32
    %mul3A_1 = arith.constant 3128 : i32
    %mul3A_2 = arith.muli %add3A, %mul3A_1 : i32
    %eq3A = arith.constant 31 : i32
    %eq3A_3 = arith.cmpi eq, %add3A, %eq3A : i32
    %mul3A_4 = arith.constant 3456 : i32
    %mul3A_5 = arith.muli %add3A, %mul3A_4 : i32
    "tpu.region"() ({
      %run_scoped3A = tpu.sem_alloc : memref<!tpu.dma_semaphore, #tpu.memory_space<semaphore_mem>>
      %dma_start3A = tpu.memref_slice %arg3[%mul3A_5] : memref<110592xi32, #tpu.memory_space<hbm>> -> memref<3456xi32, #tpu.memory_space<hbm>>
      %dma_start3A_11 = tpu.memref_slice %arg3[%mul3A_5] : memref<110592xi32, #tpu.memory_space<hbm>> -> memref<3456xi32, #tpu.memory_space<hbm>>
      tpu.enqueue_dma source(%dma_start3A_11 : memref<3456xi32, #tpu.memory_space<hbm>>) target(%arg6 : memref<3456xi32, #tpu.memory_space<vmem>>) target_semaphore(%run_scoped3A : memref<!tpu.dma_semaphore, #tpu.memory_space<semaphore_mem>>)
      %dma_wait3A = tpu.memref_slice %arg3[%mul3A_5] : memref<110592xi32, #tpu.memory_space<hbm>> -> memref<3456xi32, #tpu.memory_space<hbm>>
      %dma_wait3A_12 = tpu.memref_slice %arg3[%mul3A_5] : memref<110592xi32, #tpu.memory_space<hbm>> -> memref<3456xi32, #tpu.memory_space<hbm>>
      tpu.wait_dma2 semaphore(%run_scoped3A : memref<!tpu.dma_semaphore, #tpu.memory_space<semaphore_mem>>) src(%dma_wait3A_12 : memref<3456xi32, #tpu.memory_space<hbm>>) dst(%arg6 : memref<3456xi32, #tpu.memory_space<vmem>>)
      tpu.yield
    }) : () -> ()
    %not3A = arith.constant true
    %not3A_6 = arith.xori %eq3A_3, %not3A : i1
    %convert_element_type3A = arith.extui %not3A_6 : i1 to i32
    %cond3A = arith.constant 0 : i32
    %cond3A_7 = arith.cmpi ne, %convert_element_type3A, %cond3A : i32
    scf.if %cond3A_7 {
      %add3A_11 = arith.constant 0 : i32
      %add3A_12 = arith.addi %mul3A_2, %add3A_11 : i32
      %dma_start3A = arith.constant 0 : i32
      %dma_start3A_13 = arith.constant 0 : i32
      %dma_start3A_14 = tpu.memref_slice %arg7[%dma_start3A, %dma_start3A_13] : memref<384x128xf32, #tpu.memory_space<vmem>> -> memref<384x128xf32, #tpu.memory_space<vmem>>
      %dma_start3A_15 = arith.constant 0 : i32
      %dma_start3A_16 = tpu.memref_slice %arg2[%add3A_12, %dma_start3A_15] : memref<100000x128xf32, #tpu.memory_space<hbm>> -> memref<384x128xf32, #tpu.memory_space<hbm>>
      %dma_start3A_17 = arith.constant 0 : i32
      %dma_start3A_18 = arith.constant 0 : i32
      %dma_start3A_19 = tpu.memref_slice %arg7[%dma_start3A_17, %dma_start3A_18] : memref<384x128xf32, #tpu.memory_space<vmem>> -> memref<384x128xf32, #tpu.memory_space<vmem>>
      %dma_start3A_20 = arith.constant 0 : i32
      %dma_start3A_21 = tpu.memref_slice %arg2[%add3A_12, %dma_start3A_20] : memref<100000x128xf32, #tpu.memory_space<hbm>> -> memref<384x128xf32, #tpu.memory_space<hbm>>
      tpu.enqueue_dma source(%dma_start3A_21 : memref<384x128xf32, #tpu.memory_space<hbm>>) target(%dma_start3A_19 : memref<384x128xf32, #tpu.memory_space<vmem>>) target_semaphore(%arg9 : memref<!tpu.dma_semaphore, #tpu.memory_space<semaphore_mem>>)
      %dma_wait3A = arith.constant 0 : i32
      %dma_wait3A_22 = arith.constant 0 : i32
      %dma_wait3A_23 = tpu.memref_slice %arg7[%dma_wait3A, %dma_wait3A_22] : memref<384x128xf32, #tpu.memory_space<vmem>> -> memref<384x128xf32, #tpu.memory_space<vmem>>
      %dma_wait3A_24 = arith.constant 0 : i32
      %dma_wait3A_25 = tpu.memref_slice %arg2[%add3A_12, %dma_wait3A_24] : memref<100000x128xf32, #tpu.memory_space<hbm>> -> memref<384x128xf32, #tpu.memory_space<hbm>>
      %dma_wait3A_26 = arith.constant 0 : i32
      %dma_wait3A_27 = arith.constant 0 : i32
      %dma_wait3A_28 = tpu.memref_slice %arg7[%dma_wait3A_26, %dma_wait3A_27] : memref<384x128xf32, #tpu.memory_space<vmem>> -> memref<384x128xf32, #tpu.memory_space<vmem>>
      %dma_wait3A_29 = arith.constant 0 : i32
      %dma_wait3A_30 = tpu.memref_slice %arg2[%add3A_12, %dma_wait3A_29] : memref<100000x128xf32, #tpu.memory_space<hbm>> -> memref<384x128xf32, #tpu.memory_space<hbm>>
      tpu.wait_dma2 semaphore(%arg9 : memref<!tpu.dma_semaphore, #tpu.memory_space<semaphore_mem>>) src(%dma_wait3A_30 : memref<384x128xf32, #tpu.memory_space<hbm>>) dst(%dma_wait3A_28 : memref<384x128xf32, #tpu.memory_space<vmem>>)
      %dma_start3A_31 = arith.constant 0 : i32
      %dma_start3A_32 = arith.constant 0 : i32
      %dma_start3A_33 = tpu.memref_slice %arg7[%dma_start3A_31, %dma_start3A_32] : memref<384x128xf32, #tpu.memory_space<vmem>> -> memref<128x128xf32, #tpu.memory_space<vmem>>
      %dma_start3A_34 = arith.constant 0 : i32
      %dma_start3A_35 = tpu.memref_slice %arg6[%dma_start3A_34] : memref<3456xi32, #tpu.memory_space<vmem>> -> memref<128xi32, #tpu.memory_space<vmem>>
      %dma_start3A_36 = arith.constant 0 : i32
      %dma_start3A_37 = arith.constant 0 : i32
      %dma_start3A_38 = tpu.memref_slice %arg4[%dma_start3A_36, %dma_start3A_37] : memref<16384x128xf32, #tpu.memory_space<hbm>> -> memref<16384x128xf32, #tpu.memory_space<hbm>>
      %dma_start3A_39 = arith.constant -1 : i32
      tpu.enqueue_indirect_dma source(%dma_start3A_38 : memref<16384x128xf32, #tpu.memory_space<hbm>>) target(%dma_start3A_33 : memref<128x128xf32, #tpu.memory_space<vmem>>) offsets(%dma_start3A_35 : memref<128xi32, #tpu.memory_space<vmem>>) offset_filter(%dma_start3A_39) semaphore(%arg11 : memref<!tpu.dma_semaphore, #tpu.memory_space<semaphore_mem>>)
      %dma_start3A_40 = arith.constant 128 : i32
      %dma_start3A_41 = arith.constant 0 : i32
      %dma_start3A_42 = tpu.memref_slice %arg7[%dma_start3A_40, %dma_start3A_41] : memref<384x128xf32, #tpu.memory_space<vmem>> -> memref<128x128xf32, #tpu.memory_space<vmem>>
      %dma_start3A_43 = arith.constant 128 : i32
      %dma_start3A_44 = tpu.memref_slice %arg6[%dma_start3A_43] : memref<3456xi32, #tpu.memory_space<vmem>> -> memref<128xi32, #tpu.memory_space<vmem>>
      %dma_start3A_45 = arith.constant 0 : i32
      %dma_start3A_46 = arith.constant 0 : i32
      %dma_start3A_47 = tpu.memref_slice %arg4[%dma_start3A_45, %dma_start3A_46] : memref<16384x128xf32, #tpu.memory_space<hbm>> -> memref<16384x128xf32, #tpu.memory_space<hbm>>
      %dma_start3A_48 = arith.constant -1 : i32
      tpu.enqueue_indirect_dma source(%dma_start3A_47 : memref<16384x128xf32, #tpu.memory_space<hbm>>) target(%dma_start3A_42 : memref<128x128xf32, #tpu.memory_space<vmem>>) offsets(%dma_start3A_44 : memref<128xi32, #tpu.memory_space<vmem>>) offset_filter(%dma_start3A_48) semaphore(%arg11 : memref<!tpu.dma_semaphore, #tpu.memory_space<semaphore_mem>>)
      %dma_start3A_49 = arith.constant 256 : i32
      %dma_start3A_50 = arith.constant 0 : i32
      %dma_start3A_51 = tpu.memref_slice %arg7[%dma_start3A_49, %dma_start3A_50] : memref<384x128xf32, #tpu.memory_space<vmem>> -> memref<128x128xf32, #tpu.memory_space<vmem>>
      %dma_start3A_52 = arith.constant 256 : i32
      %dma_start3A_53 = tpu.memref_slice %arg6[%dma_start3A_52] : memref<3456xi32, #tpu.memory_space<vmem>> -> memref<128xi32, #tpu.memory_space<vmem>>
      %dma_start3A_54 = arith.constant 0 : i32
      %dma_start3A_55 = arith.constant 0 : i32
      %dma_start3A_56 = tpu.memref_slice %arg4[%dma_start3A_54, %dma_start3A_55] : memref<16384x128xf32, #tpu.memory_space<hbm>> -> memref<16384x128xf32, #tpu.memory_space<hbm>>
      %dma_start3A_57 = arith.constant -1 : i32
      tpu.enqueue_indirect_dma source(%dma_start3A_56 : memref<16384x128xf32, #tpu.memory_space<hbm>>) target(%dma_start3A_51 : memref<128x128xf32, #tpu.memory_space<vmem>>) offsets(%dma_start3A_53 : memref<128xi32, #tpu.memory_space<vmem>>) offset_filter(%dma_start3A_57) semaphore(%arg11 : memref<!tpu.dma_semaphore, #tpu.memory_space<semaphore_mem>>)
      %add3A_58 = arith.constant 384 : i32
      %add3A_59 = arith.addi %mul3A_2, %add3A_58 : i32
      %dma_start3A_60 = arith.constant 0 : i32
      %dma_start3A_61 = arith.constant 0 : i32
      %dma_start3A_62 = tpu.memref_slice %arg8[%dma_start3A_60, %dma_start3A_61] : memref<384x128xf32, #tpu.memory_space<vmem>> -> memref<384x128xf32, #tpu.memory_space<vmem>>
      %dma_start3A_63 = arith.constant 0 : i32
      %dma_start3A_64 = tpu.memref_slice %arg2[%add3A_59, %dma_start3A_63] : memref<100000x128xf32, #tpu.memory_space<hbm>> -> memref<384x128xf32, #tpu.memory_space<hbm>>
      %dma_start3A_65 = arith.constant 0 : i32
      %dma_start3A_66 = arith.constant 0 : i32
      %dma_start3A_67 = tpu.memref_slice %arg8[%dma_start3A_65, %dma_start3A_66] : memref<384x128xf32, #tpu.memory_space<vmem>> -> memref<384x128xf32, #tpu.memory_space<vmem>>
      %dma_start3A_68 = arith.constant 0 : i32
      %dma_start3A_69 = tpu.memref_slice %arg2[%add3A_59, %dma_start3A_68] : memref<100000x128xf32, #tpu.memory_space<hbm>> -> memref<384x128xf32, #tpu.memory_space<hbm>>
      tpu.enqueue_dma source(%dma_start3A_69 : memref<384x128xf32, #tpu.memory_space<hbm>>) target(%dma_start3A_67 : memref<384x128xf32, #tpu.memory_space<vmem>>) target_semaphore(%arg10 : memref<!tpu.dma_semaphore, #tpu.memory_space<semaphore_mem>>)
      %dma_wait3A_70 = arith.constant 0 : i32
      %dma_wait3A_71 = arith.constant 0 : i32
      %dma_wait3A_72 = tpu.memref_slice %arg7[%dma_wait3A_70, %dma_wait3A_71] : memref<384x128xf32, #tpu.memory_space<vmem>> -> memref<128x128xf32, #tpu.memory_space<vmem>>
      %dma_wait3A_73 = arith.constant 0 : i32
      %dma_wait3A_74 = tpu.memref_slice %arg6[%dma_wait3A_73] : memref<3456xi32, #tpu.memory_space<vmem>> -> memref<128xi32, #tpu.memory_space<vmem>>
      %dma_wait3A_75 = arith.constant 0 : i32
      %dma_wait3A_76 = arith.constant 0 : i32
      %dma_wait3A_77 = tpu.memref_slice %arg4[%dma_wait3A_75, %dma_wait3A_76] : memref<16384x128xf32, #tpu.memory_space<hbm>> -> memref<16384x128xf32, #tpu.memory_space<hbm>>
      tpu.wait_indirect_dma semaphore(%arg11 : memref<!tpu.dma_semaphore, #tpu.memory_space<semaphore_mem>>) src(%dma_wait3A_77 : memref<16384x128xf32, #tpu.memory_space<hbm>>) dst(%dma_wait3A_72 : memref<128x128xf32, #tpu.memory_space<vmem>>)
      %dma_wait3A_78 = arith.constant 128 : i32
      %dma_wait3A_79 = arith.constant 0 : i32
      %dma_wait3A_80 = tpu.memref_slice %arg7[%dma_wait3A_78, %dma_wait3A_79] : memref<384x128xf32, #tpu.memory_space<vmem>> -> memref<128x128xf32, #tpu.memory_space<vmem>>
      %dma_wait3A_81 = arith.constant 128 : i32
      %dma_wait3A_82 = tpu.memref_slice %arg6[%dma_wait3A_81] : memref<3456xi32, #tpu.memory_space<vmem>> -> memref<128xi32, #tpu.memory_space<vmem>>
      %dma_wait3A_83 = arith.constant 0 : i32
      %dma_wait3A_84 = arith.constant 0 : i32
      %dma_wait3A_85 = tpu.memref_slice %arg4[%dma_wait3A_83, %dma_wait3A_84] : memref<16384x128xf32, #tpu.memory_space<hbm>> -> memref<16384x128xf32, #tpu.memory_space<hbm>>
      tpu.wait_indirect_dma semaphore(%arg11 : memref<!tpu.dma_semaphore, #tpu.memory_space<semaphore_mem>>) src(%dma_wait3A_85 : memref<16384x128xf32, #tpu.memory_space<hbm>>) dst(%dma_wait3A_80 : memref<128x128xf32, #tpu.memory_space<vmem>>)
      %dma_wait3A_86 = arith.constant 256 : i32
      %dma_wait3A_87 = arith.constant 0 : i32
      %dma_wait3A_88 = tpu.memref_slice %arg7[%dma_wait3A_86, %dma_wait3A_87] : memref<384x128xf32, #tpu.memory_space<vmem>> -> memref<128x128xf32, #tpu.memory_space<vmem>>
      %dma_wait3A_89 = arith.constant 256 : i32
      %dma_wait3A_90 = tpu.memref_slice %arg6[%dma_wait3A_89] : memref<3456xi32, #tpu.memory_space<vmem>> -> memref<128xi32, #tpu.memory_space<vmem>>
      %dma_wait3A_91 = arith.constant 0 : i32
      %dma_wait3A_92 = arith.constant 0 : i32
      %dma_wait3A_93 = tpu.memref_slice %arg4[%dma_wait3A_91, %dma_wait3A_92] : memref<16384x128xf32, #tpu.memory_space<hbm>> -> memref<16384x128xf32, #tpu.memory_space<hbm>>
      tpu.wait_indirect_dma semaphore(%arg11 : memref<!tpu.dma_semaphore, #tpu.memory_space<semaphore_mem>>) src(%dma_wait3A_93 : memref<16384x128xf32, #tpu.memory_space<hbm>>) dst(%dma_wait3A_88 : memref<128x128xf32, #tpu.memory_space<vmem>>)
      %add3A_94 = arith.constant 0 : i32
      %add3A_95 = arith.addi %mul3A_2, %add3A_94 : i32
      "tpu.region"() ({
        %run_scoped3A = tpu.sem_alloc : memref<!tpu.dma_semaphore, #tpu.memory_space<semaphore_mem>>
        %dma_start3A_650 = arith.constant 0 : i32
        %dma_start3A_651 = arith.constant 0 : i32
        %dma_start3A_652 = tpu.memref_slice %arg7[%dma_start3A_650, %dma_start3A_651] : memref<384x128xf32, #tpu.memory_space<vmem>> -> memref<384x128xf32, #tpu.memory_space<vmem>>
        %dma_start3A_653 = arith.constant 0 : i32
        %dma_start3A_654 = tpu.memref_slice %arg5[%add3A_95, %dma_start3A_653] : memref<100000x128xf32, #tpu.memory_space<hbm>> -> memref<384x128xf32, #tpu.memory_space<hbm>>
        %dma_start3A_655 = arith.constant 0 : i32
        %dma_start3A_656 = tpu.memref_slice %arg5[%add3A_95, %dma_start3A_655] : memref<100000x128xf32, #tpu.memory_space<hbm>> -> memref<384x128xf32, #tpu.memory_space<hbm>>
        %dma_start3A_657 = arith.constant 0 : i32
        %dma_start3A_658 = arith.constant 0 : i32
        %dma_start3A_659 = tpu.memref_slice %arg7[%dma_start3A_657, %dma_start3A_658] : memref<384x128xf32, #tpu.memory_space<vmem>> -> memref<384x128xf32, #tpu.memory_space<vmem>>
        tpu.enqueue_dma source(%dma_start3A_659 : memref<384x128xf32, #tpu.memory_space<vmem>>) target(%dma_start3A_656 : memref<384x128xf32, #tpu.memory_space<hbm>>) target_semaphore(%run_scoped3A : memref<!tpu.dma_semaphore, #tpu.memory_space<semaphore_mem>>)
        %dma_wait3A_660 = arith.constant 0 : i32
        %dma_wait3A_661 = arith.constant 0 : i32
        %dma_wait3A_662 = tpu.memref_slice %arg7[%dma_wait3A_660, %dma_wait3A_661] : memref<384x128xf32, #tpu.memory_space<vmem>> -> memref<384x128xf32, #tpu.memory_space<vmem>>
        %dma_wait3A_663 = arith.constant 0 : i32
        %dma_wait3A_664 = tpu.memref_slice %arg5[%add3A_95, %dma_wait3A_663] : memref<100000x128xf32, #tpu.memory_space<hbm>> -> memref<384x128xf32, #tpu.memory_space<hbm>>
        %dma_wait3A_665 = arith.constant 0 : i32
        %dma_wait3A_666 = tpu.memref_slice %arg5[%add3A_95, %dma_wait3A_665] : memref<100000x128xf32, #tpu.memory_space<hbm>> -> memref<384x128xf32, #tpu.memory_space<hbm>>
        %dma_wait3A_667 = arith.constant 0 : i32
        %dma_wait3A_668 = arith.constant 0 : i32
        %dma_wait3A_669 = tpu.memref_slice %arg7[%dma_wait3A_667, %dma_wait3A_668] : memref<384x128xf32, #tpu.memory_space<vmem>> -> memref<384x128xf32, #tpu.memory_space<vmem>>
        tpu.wait_dma2 semaphore(%run_scoped3A : memref<!tpu.dma_semaphore, #tpu.memory_space<semaphore_mem>>) src(%dma_wait3A_669 : memref<384x128xf32, #tpu.memory_space<vmem>>) dst(%dma_wait3A_666 : memref<384x128xf32, #tpu.memory_space<hbm>>)
        tpu.yield
      }) : () -> ()
      %dma_wait3A_96 = arith.constant 0 : i32
      %dma_wait3A_97 = arith.constant 0 : i32
      %dma_wait3A_98 = tpu.memref_slice %arg8[%dma_wait3A_96, %dma_wait3A_97] : memref<384x128xf32, #tpu.memory_space<vmem>> -> memref<384x128xf32, #tpu.memory_space<vmem>>
      %dma_wait3A_99 = arith.constant 0 : i32
      %dma_wait3A_100 = tpu.memref_slice %arg2[%add3A_59, %dma_wait3A_99] : memref<100000x128xf32, #tpu.memory_space<hbm>> -> memref<384x128xf32, #tpu.memory_space<hbm>>
      %dma_wait3A_101 = arith.constant 0 : i32
      %dma_wait3A_102 = arith.constant 0 : i32
      %dma_wait3A_103 = tpu.memref_slice %arg8[%dma_wait3A_101, %dma_wait3A_102] : memref<384x128xf32, #tpu.memory_space<vmem>> -> memref<384x128xf32, #tpu.memory_space<vmem>>
      %dma_wait3A_104 = arith.constant 0 : i32
      %dma_wait3A_105 = tpu.memref_slice %arg2[%add3A_59, %dma_wait3A_104] : memref<100000x128xf32, #tpu.memory_space<hbm>> -> memref<384x128xf32, #tpu.memory_space<hbm>>
      tpu.wait_dma2 semaphore(%arg10 : memref<!tpu.dma_semaphore, #tpu.memory_space<semaphore_mem>>) src(%dma_wait3A_105 : memref<384x128xf32, #tpu.memory_space<hbm>>) dst(%dma_wait3A_103 : memref<384x128xf32, #tpu.memory_space<vmem>>)
      %dma_start3A_106 = arith.constant 0 : i32
      %dma_start3A_107 = arith.constant 0 : i32
      %dma_start3A_108 = tpu.memref_slice %arg8[%dma_start3A_106, %dma_start3A_107] : memref<384x128xf32, #tpu.memory_space<vmem>> -> memref<128x128xf32, #tpu.memory_space<vmem>>
      %dma_start3A_109 = arith.constant 384 : i32
      %dma_start3A_110 = tpu.memref_slice %arg6[%dma_start3A_109] : memref<3456xi32, #tpu.memory_space<vmem>> -> memref<128xi32, #tpu.memory_space<vmem>>
      %dma_start3A_111 = arith.constant 0 : i32
      %dma_start3A_112 = arith.constant 0 : i32
      %dma_start3A_113 = tpu.memref_slice %arg4[%dma_start3A_111, %dma_start3A_112] : memref<16384x128xf32, #tpu.memory_space<hbm>> -> memref<16384x128xf32, #tpu.memory_space<hbm>>
      %dma_start3A_114 = arith.constant -1 : i32
      tpu.enqueue_indirect_dma source(%dma_start3A_113 : memref<16384x128xf32, #tpu.memory_space<hbm>>) target(%dma_start3A_108 : memref<128x128xf32, #tpu.memory_space<vmem>>) offsets(%dma_start3A_110 : memref<128xi32, #tpu.memory_space<vmem>>) offset_filter(%dma_start3A_114) semaphore(%arg12 : memref<!tpu.dma_semaphore, #tpu.memory_space<semaphore_mem>>)
      %dma_start3A_115 = arith.constant 128 : i32
      %dma_start3A_116 = arith.constant 0 : i32
      %dma_start3A_117 = tpu.memref_slice %arg8[%dma_start3A_115, %dma_start3A_116] : memref<384x128xf32, #tpu.memory_space<vmem>> -> memref<128x128xf32, #tpu.memory_space<vmem>>
      %dma_start3A_118 = arith.constant 512 : i32
      %dma_start3A_119 = tpu.memref_slice %arg6[%dma_start3A_118] : memref<3456xi32, #tpu.memory_space<vmem>> -> memref<128xi32, #tpu.memory_space<vmem>>
      %dma_start3A_120 = arith.constant 0 : i32
      %dma_start3A_121 = arith.constant 0 : i32
      %dma_start3A_122 = tpu.memref_slice %arg4[%dma_start3A_120, %dma_start3A_121] : memref<16384x128xf32, #tpu.memory_space<hbm>> -> memref<16384x128xf32, #tpu.memory_space<hbm>>
      %dma_start3A_123 = arith.constant -1 : i32
      tpu.enqueue_indirect_dma source(%dma_start3A_122 : memref<16384x128xf32, #tpu.memory_space<hbm>>) target(%dma_start3A_117 : memref<128x128xf32, #tpu.memory_space<vmem>>) offsets(%dma_start3A_119 : memref<128xi32, #tpu.memory_space<vmem>>) offset_filter(%dma_start3A_123) semaphore(%arg12 : memref<!tpu.dma_semaphore, #tpu.memory_space<semaphore_mem>>)
      %dma_start3A_124 = arith.constant 256 : i32
      %dma_start3A_125 = arith.constant 0 : i32
      %dma_start3A_126 = tpu.memref_slice %arg8[%dma_start3A_124, %dma_start3A_125] : memref<384x128xf32, #tpu.memory_space<vmem>> -> memref<128x128xf32, #tpu.memory_space<vmem>>
      %dma_start3A_127 = arith.constant 640 : i32
      %dma_start3A_128 = tpu.memref_slice %arg6[%dma_start3A_127] : memref<3456xi32, #tpu.memory_space<vmem>> -> memref<128xi32, #tpu.memory_space<vmem>>
      %dma_start3A_129 = arith.constant 0 : i32
      %dma_start3A_130 = arith.constant 0 : i32
      %dma_start3A_131 = tpu.memref_slice %arg4[%dma_start3A_129, %dma_start3A_130] : memref<16384x128xf32, #tpu.memory_space<hbm>> -> memref<16384x128xf32, #tpu.memory_space<hbm>>
      %dma_start3A_132 = arith.constant -1 : i32
      tpu.enqueue_indirect_dma source(%dma_start3A_131 : memref<16384x128xf32, #tpu.memory_space<hbm>>) target(%dma_start3A_126 : memref<128x128xf32, #tpu.memory_space<vmem>>) offsets(%dma_start3A_128 : memref<128xi32, #tpu.memory_space<vmem>>) offset_filter(%dma_start3A_132) semaphore(%arg12 : memref<!tpu.dma_semaphore, #tpu.memory_space<semaphore_mem>>)
      %add3A_133 = arith.constant 768 : i32
      %add3A_134 = arith.addi %mul3A_2, %add3A_133 : i32
      %dma_start3A_135 = arith.constant 0 : i32
      %dma_start3A_136 = arith.constant 0 : i32
      %dma_start3A_137 = tpu.memref_slice %arg7[%dma_start3A_135, %dma_start3A_136] : memref<384x128xf32, #tpu.memory_space<vmem>> -> memref<384x128xf32, #tpu.memory_space<vmem>>
      %dma_start3A_138 = arith.constant 0 : i32
      %dma_start3A_139 = tpu.memref_slice %arg2[%add3A_134, %dma_start3A_138] : memref<100000x128xf32, #tpu.memory_space<hbm>> -> memref<384x128xf32, #tpu.memory_space<hbm>>
      %dma_start3A_140 = arith.constant 0 : i32
      %dma_start3A_141 = arith.constant 0 : i32
      %dma_start3A_142 = tpu.memref_slice %arg7[%dma_start3A_140, %dma_start3A_141] : memref<384x128xf32, #tpu.memory_space<vmem>> -> memref<384x128xf32, #tpu.memory_space<vmem>>
      %dma_start3A_143 = arith.constant 0 : i32
      %dma_start3A_144 = tpu.memref_slice %arg2[%add3A_134, %dma_start3A_143] : memref<100000x128xf32, #tpu.memory_space<hbm>> -> memref<384x128xf32, #tpu.memory_space<hbm>>
      tpu.enqueue_dma source(%dma_start3A_144 : memref<384x128xf32, #tpu.memory_space<hbm>>) target(%dma_start3A_142 : memref<384x128xf32, #tpu.memory_space<vmem>>) target_semaphore(%arg9 : memref<!tpu.dma_semaphore, #tpu.memory_space<semaphore_mem>>)
      %dma_wait3A_145 = arith.constant 0 : i32
      %dma_wait3A_146 = arith.constant 0 : i32
      %dma_wait3A_147 = tpu.memref_slice %arg8[%dma_wait3A_145, %dma_wait3A_146] : memref<384x128xf32, #tpu.memory_space<vmem>> -> memref<128x128xf32, #tpu.memory_space<vmem>>
      %dma_wait3A_148 = arith.constant 384 : i32
      %dma_wait3A_149 = tpu.memref_slice %arg6[%dma_wait3A_148] : memref<3456xi32, #tpu.memory_space<vmem>> -> memref<128xi32, #tpu.memory_space<vmem>>
      %dma_wait3A_150 = arith.constant 0 : i32
      %dma_wait3A_151 = arith.constant 0 : i32
      %dma_wait3A_152 = tpu.memref_slice %arg4[%dma_wait3A_150, %dma_wait3A_151] : memref<16384x128xf32, #tpu.memory_space<hbm>> -> memref<16384x128xf32, #tpu.memory_space<hbm>>
      tpu.wait_indirect_dma semaphore(%arg12 : memref<!tpu.dma_semaphore, #tpu.memory_space<semaphore_mem>>) src(%dma_wait3A_152 : memref<16384x128xf32, #tpu.memory_space<hbm>>) dst(%dma_wait3A_147 : memref<128x128xf32, #tpu.memory_space<vmem>>)
      %dma_wait3A_153 = arith.constant 128 : i32
      %dma_wait3A_154 = arith.constant 0 : i32
      %dma_wait3A_155 = tpu.memref_slice %arg8[%dma_wait3A_153, %dma_wait3A_154] : memref<384x128xf32, #tpu.memory_space<vmem>> -> memref<128x128xf32, #tpu.memory_space<vmem>>
      %dma_wait3A_156 = arith.constant 512 : i32
      %dma_wait3A_157 = tpu.memref_slice %arg6[%dma_wait3A_156] : memref<3456xi32, #tpu.memory_space<vmem>> -> memref<128xi32, #tpu.memory_space<vmem>>
      %dma_wait3A_158 = arith.constant 0 : i32
      %dma_wait3A_159 = arith.constant 0 : i32
      %dma_wait3A_160 = tpu.memref_slice %arg4[%dma_wait3A_158, %dma_wait3A_159] : memref<16384x128xf32, #tpu.memory_space<hbm>> -> memref<16384x128xf32, #tpu.memory_space<hbm>>
      tpu.wait_indirect_dma semaphore(%arg12 : memref<!tpu.dma_semaphore, #tpu.memory_space<semaphore_mem>>) src(%dma_wait3A_160 : memref<16384x128xf32, #tpu.memory_space<hbm>>) dst(%dma_wait3A_155 : memref<128x128xf32, #tpu.memory_space<vmem>>)
      %dma_wait3A_161 = arith.constant 256 : i32
      %dma_wait3A_162 = arith.constant 0 : i32
      %dma_wait3A_163 = tpu.memref_slice %arg8[%dma_wait3A_161, %dma_wait3A_162] : memref<384x128xf32, #tpu.memory_space<vmem>> -> memref<128x128xf32, #tpu.memory_space<vmem>>
      %dma_wait3A_164 = arith.constant 640 : i32
      %dma_wait3A_165 = tpu.memref_slice %arg6[%dma_wait3A_164] : memref<3456xi32, #tpu.memory_space<vmem>> -> memref<128xi32, #tpu.memory_space<vmem>>
      %dma_wait3A_166 = arith.constant 0 : i32
      %dma_wait3A_167 = arith.constant 0 : i32
      %dma_wait3A_168 = tpu.memref_slice %arg4[%dma_wait3A_166, %dma_wait3A_167] : memref<16384x128xf32, #tpu.memory_space<hbm>> -> memref<16384x128xf32, #tpu.memory_space<hbm>>
      tpu.wait_indirect_dma semaphore(%arg12 : memref<!tpu.dma_semaphore, #tpu.memory_space<semaphore_mem>>) src(%dma_wait3A_168 : memref<16384x128xf32, #tpu.memory_space<hbm>>) dst(%dma_wait3A_163 : memref<128x128xf32, #tpu.memory_space<vmem>>)
      %add3A_169 = arith.constant 384 : i32
      %add3A_170 = arith.addi %mul3A_2, %add3A_169 : i32
      "tpu.region"() ({
        %run_scoped3A = tpu.sem_alloc : memref<!tpu.dma_semaphore, #tpu.memory_space<semaphore_mem>>
        %dma_start3A_650 = arith.constant 0 : i32
        %dma_start3A_651 = arith.constant 0 : i32
        %dma_start3A_652 = tpu.memref_slice %arg8[%dma_start3A_650, %dma_start3A_651] : memref<384x128xf32, #tpu.memory_space<vmem>> -> memref<384x128xf32, #tpu.memory_space<vmem>>
        %dma_start3A_653 = arith.constant 0 : i32
        %dma_start3A_654 = tpu.memref_slice %arg5[%add3A_170, %dma_start3A_653] : memref<100000x128xf32, #tpu.memory_space<hbm>> -> memref<384x128xf32, #tpu.memory_space<hbm>>
        %dma_start3A_655 = arith.constant 0 : i32
        %dma_start3A_656 = tpu.memref_slice %arg5[%add3A_170, %dma_start3A_655] : memref<100000x128xf32, #tpu.memory_space<hbm>> -> memref<384x128xf32, #tpu.memory_space<hbm>>
        %dma_start3A_657 = arith.constant 0 : i32
        %dma_start3A_658 = arith.constant 0 : i32
        %dma_start3A_659 = tpu.memref_slice %arg8[%dma_start3A_657, %dma_start3A_658] : memref<384x128xf32, #tpu.memory_space<vmem>> -> memref<384x128xf32, #tpu.memory_space<vmem>>
        tpu.enqueue_dma source(%dma_start3A_659 : memref<384x128xf32, #tpu.memory_space<vmem>>) target(%dma_start3A_656 : memref<384x128xf32, #tpu.memory_space<hbm>>) target_semaphore(%run_scoped3A : memref<!tpu.dma_semaphore, #tpu.memory_space<semaphore_mem>>)
        %dma_wait3A_660 = arith.constant 0 : i32
        %dma_wait3A_661 = arith.constant 0 : i32
        %dma_wait3A_662 = tpu.memref_slice %arg8[%dma_wait3A_660, %dma_wait3A_661] : memref<384x128xf32, #tpu.memory_space<vmem>> -> memref<384x128xf32, #tpu.memory_space<vmem>>
        %dma_wait3A_663 = arith.constant 0 : i32
        %dma_wait3A_664 = tpu.memref_slice %arg5[%add3A_170, %dma_wait3A_663] : memref<100000x128xf32, #tpu.memory_space<hbm>> -> memref<384x128xf32, #tpu.memory_space<hbm>>
        %dma_wait3A_665 = arith.constant 0 : i32
        %dma_wait3A_666 = tpu.memref_slice %arg5[%add3A_170, %dma_wait3A_665] : memref<100000x128xf32, #tpu.memory_space<hbm>> -> memref<384x128xf32, #tpu.memory_space<hbm>>
        %dma_wait3A_667 = arith.constant 0 : i32
        %dma_wait3A_668 = arith.constant 0 : i32
        %dma_wait3A_669 = tpu.memref_slice %arg8[%dma_wait3A_667, %dma_wait3A_668] : memref<384x128xf32, #tpu.memory_space<vmem>> -> memref<384x128xf32, #tpu.memory_space<vmem>>
        tpu.wait_dma2 semaphore(%run_scoped3A : memref<!tpu.dma_semaphore, #tpu.memory_space<semaphore_mem>>) src(%dma_wait3A_669 : memref<384x128xf32, #tpu.memory_space<vmem>>) dst(%dma_wait3A_666 : memref<384x128xf32, #tpu.memory_space<hbm>>)
        tpu.yield
      }) : () -> ()
      %dma_wait3A_171 = arith.constant 0 : i32
      %dma_wait3A_172 = arith.constant 0 : i32
      %dma_wait3A_173 = tpu.memref_slice %arg7[%dma_wait3A_171, %dma_wait3A_172] : memref<384x128xf32, #tpu.memory_space<vmem>> -> memref<384x128xf32, #tpu.memory_space<vmem>>
      %dma_wait3A_174 = arith.constant 0 : i32
      %dma_wait3A_175 = tpu.memref_slice %arg2[%add3A_134, %dma_wait3A_174] : memref<100000x128xf32, #tpu.memory_space<hbm>> -> memref<384x128xf32, #tpu.memory_space<hbm>>
      %dma_wait3A_176 = arith.constant 0 : i32
      %dma_wait3A_177 = arith.constant 0 : i32
      %dma_wait3A_178 = tpu.memref_slice %arg7[%dma_wait3A_176, %dma_wait3A_177] : memref<384x128xf32, #tpu.memory_space<vmem>> -> memref<384x128xf32, #tpu.memory_space<vmem>>
      %dma_wait3A_179 = arith.constant 0 : i32
      %dma_wait3A_180 = tpu.memref_slice %arg2[%add3A_134, %dma_wait3A_179] : memref<100000x128xf32, #tpu.memory_space<hbm>> -> memref<384x128xf32, #tpu.memory_space<hbm>>
      tpu.wait_dma2 semaphore(%arg9 : memref<!tpu.dma_semaphore, #tpu.memory_space<semaphore_mem>>) src(%dma_wait3A_180 : memref<384x128xf32, #tpu.memory_space<hbm>>) dst(%dma_wait3A_178 : memref<384x128xf32, #tpu.memory_space<vmem>>)
      %dma_start3A_181 = arith.constant 0 : i32
      %dma_start3A_182 = arith.constant 0 : i32
      %dma_start3A_183 = tpu.memref_slice %arg7[%dma_start3A_181, %dma_start3A_182] : memref<384x128xf32, #tpu.memory_space<vmem>> -> memref<128x128xf32, #tpu.memory_space<vmem>>
      %dma_start3A_184 = arith.constant 768 : i32
      %dma_start3A_185 = tpu.memref_slice %arg6[%dma_start3A_184] : memref<3456xi32, #tpu.memory_space<vmem>> -> memref<128xi32, #tpu.memory_space<vmem>>
      %dma_start3A_186 = arith.constant 0 : i32
      %dma_start3A_187 = arith.constant 0 : i32
      %dma_start3A_188 = tpu.memref_slice %arg4[%dma_start3A_186, %dma_start3A_187] : memref<16384x128xf32, #tpu.memory_space<hbm>> -> memref<16384x128xf32, #tpu.memory_space<hbm>>
      %dma_start3A_189 = arith.constant -1 : i32
      tpu.enqueue_indirect_dma source(%dma_start3A_188 : memref<16384x128xf32, #tpu.memory_space<hbm>>) target(%dma_start3A_183 : memref<128x128xf32, #tpu.memory_space<vmem>>) offsets(%dma_start3A_185 : memref<128xi32, #tpu.memory_space<vmem>>) offset_filter(%dma_start3A_189) semaphore(%arg11 : memref<!tpu.dma_semaphore, #tpu.memory_space<semaphore_mem>>)
      %dma_start3A_190 = arith.constant 128 : i32
      %dma_start3A_191 = arith.constant 0 : i32
      %dma_start3A_192 = tpu.memref_slice %arg7[%dma_start3A_190, %dma_start3A_191] : memref<384x128xf32, #tpu.memory_space<vmem>> -> memref<128x128xf32, #tpu.memory_space<vmem>>
      %dma_start3A_193 = arith.constant 896 : i32
      %dma_start3A_194 = tpu.memref_slice %arg6[%dma_start3A_193] : memref<3456xi32, #tpu.memory_space<vmem>> -> memref<128xi32, #tpu.memory_space<vmem>>
      %dma_start3A_195 = arith.constant 0 : i32
      %dma_start3A_196 = arith.constant 0 : i32
      %dma_start3A_197 = tpu.memref_slice %arg4[%dma_start3A_195, %dma_start3A_196] : memref<16384x128xf32, #tpu.memory_space<hbm>> -> memref<16384x128xf32, #tpu.memory_space<hbm>>
      %dma_start3A_198 = arith.constant -1 : i32
      tpu.enqueue_indirect_dma source(%dma_start3A_197 : memref<16384x128xf32, #tpu.memory_space<hbm>>) target(%dma_start3A_192 : memref<128x128xf32, #tpu.memory_space<vmem>>) offsets(%dma_start3A_194 : memref<128xi32, #tpu.memory_space<vmem>>) offset_filter(%dma_start3A_198) semaphore(%arg11 : memref<!tpu.dma_semaphore, #tpu.memory_space<semaphore_mem>>)
      %dma_start3A_199 = arith.constant 256 : i32
      %dma_start3A_200 = arith.constant 0 : i32
      %dma_start3A_201 = tpu.memref_slice %arg7[%dma_start3A_199, %dma_start3A_200] : memref<384x128xf32, #tpu.memory_space<vmem>> -> memref<128x128xf32, #tpu.memory_space<vmem>>
      %dma_start3A_202 = arith.constant 1024 : i32
      %dma_start3A_203 = tpu.memref_slice %arg6[%dma_start3A_202] : memref<3456xi32, #tpu.memory_space<vmem>> -> memref<128xi32, #tpu.memory_space<vmem>>
      %dma_start3A_204 = arith.constant 0 : i32
      %dma_start3A_205 = arith.constant 0 : i32
      %dma_start3A_206 = tpu.memref_slice %arg4[%dma_start3A_204, %dma_start3A_205] : memref<16384x128xf32, #tpu.memory_space<hbm>> -> memref<16384x128xf32, #tpu.memory_space<hbm>>
      %dma_start3A_207 = arith.constant -1 : i32
      tpu.enqueue_indirect_dma source(%dma_start3A_206 : memref<16384x128xf32, #tpu.memory_space<hbm>>) target(%dma_start3A_201 : memref<128x128xf32, #tpu.memory_space<vmem>>) offsets(%dma_start3A_203 : memref<128xi32, #tpu.memory_space<vmem>>) offset_filter(%dma_start3A_207) semaphore(%arg11 : memref<!tpu.dma_semaphore, #tpu.memory_space<semaphore_mem>>)
      %add3A_208 = arith.constant 1152 : i32
      %add3A_209 = arith.addi %mul3A_2, %add3A_208 : i32
      %dma_start3A_210 = arith.constant 0 : i32
      %dma_start3A_211 = arith.constant 0 : i32
      %dma_start3A_212 = tpu.memref_slice %arg8[%dma_start3A_210, %dma_start3A_211] : memref<384x128xf32, #tpu.memory_space<vmem>> -> memref<384x128xf32, #tpu.memory_space<vmem>>
      %dma_start3A_213 = arith.constant 0 : i32
      %dma_start3A_214 = tpu.memref_slice %arg2[%add3A_209, %dma_start3A_213] : memref<100000x128xf32, #tpu.memory_space<hbm>> -> memref<384x128xf32, #tpu.memory_space<hbm>>
      %dma_start3A_215 = arith.constant 0 : i32
      %dma_start3A_216 = arith.constant 0 : i32
      %dma_start3A_217 = tpu.memref_slice %arg8[%dma_start3A_215, %dma_start3A_216] : memref<384x128xf32, #tpu.memory_space<vmem>> -> memref<384x128xf32, #tpu.memory_space<vmem>>
      %dma_start3A_218 = arith.constant 0 : i32
      %dma_start3A_219 = tpu.memref_slice %arg2[%add3A_209, %dma_start3A_218] : memref<100000x128xf32, #tpu.memory_space<hbm>> -> memref<384x128xf32, #tpu.memory_space<hbm>>
      tpu.enqueue_dma source(%dma_start3A_219 : memref<384x128xf32, #tpu.memory_space<hbm>>) target(%dma_start3A_217 : memref<384x128xf32, #tpu.memory_space<vmem>>) target_semaphore(%arg10 : memref<!tpu.dma_semaphore, #tpu.memory_space<semaphore_mem>>)
      %dma_wait3A_220 = arith.constant 0 : i32
      %dma_wait3A_221 = arith.constant 0 : i32
      %dma_wait3A_222 = tpu.memref_slice %arg7[%dma_wait3A_220, %dma_wait3A_221] : memref<384x128xf32, #tpu.memory_space<vmem>> -> memref<128x128xf32, #tpu.memory_space<vmem>>
      %dma_wait3A_223 = arith.constant 768 : i32
      %dma_wait3A_224 = tpu.memref_slice %arg6[%dma_wait3A_223] : memref<3456xi32, #tpu.memory_space<vmem>> -> memref<128xi32, #tpu.memory_space<vmem>>
      %dma_wait3A_225 = arith.constant 0 : i32
      %dma_wait3A_226 = arith.constant 0 : i32
      %dma_wait3A_227 = tpu.memref_slice %arg4[%dma_wait3A_225, %dma_wait3A_226] : memref<16384x128xf32, #tpu.memory_space<hbm>> -> memref<16384x128xf32, #tpu.memory_space<hbm>>
      tpu.wait_indirect_dma semaphore(%arg11 : memref<!tpu.dma_semaphore, #tpu.memory_space<semaphore_mem>>) src(%dma_wait3A_227 : memref<16384x128xf32, #tpu.memory_space<hbm>>) dst(%dma_wait3A_222 : memref<128x128xf32, #tpu.memory_space<vmem>>)
      %dma_wait3A_228 = arith.constant 128 : i32
      %dma_wait3A_229 = arith.constant 0 : i32
      %dma_wait3A_230 = tpu.memref_slice %arg7[%dma_wait3A_228, %dma_wait3A_229] : memref<384x128xf32, #tpu.memory_space<vmem>> -> memref<128x128xf32, #tpu.memory_space<vmem>>
      %dma_wait3A_231 = arith.constant 896 : i32
      %dma_wait3A_232 = tpu.memref_slice %arg6[%dma_wait3A_231] : memref<3456xi32, #tpu.memory_space<vmem>> -> memref<128xi32, #tpu.memory_space<vmem>>
      %dma_wait3A_233 = arith.constant 0 : i32
      %dma_wait3A_234 = arith.constant 0 : i32
      %dma_wait3A_235 = tpu.memref_slice %arg4[%dma_wait3A_233, %dma_wait3A_234] : memref<16384x128xf32, #tpu.memory_space<hbm>> -> memref<16384x128xf32, #tpu.memory_space<hbm>>
      tpu.wait_indirect_dma semaphore(%arg11 : memref<!tpu.dma_semaphore, #tpu.memory_space<semaphore_mem>>) src(%dma_wait3A_235 : memref<16384x128xf32, #tpu.memory_space<hbm>>) dst(%dma_wait3A_230 : memref<128x128xf32, #tpu.memory_space<vmem>>)
      %dma_wait3A_236 = arith.constant 256 : i32
      %dma_wait3A_237 = arith.constant 0 : i32
      %dma_wait3A_238 = tpu.memref_slice %arg7[%dma_wait3A_236, %dma_wait3A_237] : memref<384x128xf32, #tpu.memory_space<vmem>> -> memref<128x128xf32, #tpu.memory_space<vmem>>
      %dma_wait3A_239 = arith.constant 1024 : i32
      %dma_wait3A_240 = tpu.memref_slice %arg6[%dma_wait3A_239] : memref<3456xi32, #tpu.memory_space<vmem>> -> memref<128xi32, #tpu.memory_space<vmem>>
      %dma_wait3A_241 = arith.constant 0 : i32
      %dma_wait3A_242 = arith.constant 0 : i32
      %dma_wait3A_243 = tpu.memref_slice %arg4[%dma_wait3A_241, %dma_wait3A_242] : memref<16384x128xf32, #tpu.memory_space<hbm>> -> memref<16384x128xf32, #tpu.memory_space<hbm>>
      tpu.wait_indirect_dma semaphore(%arg11 : memref<!tpu.dma_semaphore, #tpu.memory_space<semaphore_mem>>) src(%dma_wait3A_243 : memref<16384x128xf32, #tpu.memory_space<hbm>>) dst(%dma_wait3A_238 : memref<128x128xf32, #tpu.memory_space<vmem>>)
      %add3A_244 = arith.constant 768 : i32
      %add3A_245 = arith.addi %mul3A_2, %add3A_244 : i32
      "tpu.region"() ({
        %run_scoped3A = tpu.sem_alloc : memref<!tpu.dma_semaphore, #tpu.memory_space<semaphore_mem>>
        %dma_start3A_650 = arith.constant 0 : i32
        %dma_start3A_651 = arith.constant 0 : i32
        %dma_start3A_652 = tpu.memref_slice %arg7[%dma_start3A_650, %dma_start3A_651] : memref<384x128xf32, #tpu.memory_space<vmem>> -> memref<384x128xf32, #tpu.memory_space<vmem>>
        %dma_start3A_653 = arith.constant 0 : i32
        %dma_start3A_654 = tpu.memref_slice %arg5[%add3A_245, %dma_start3A_653] : memref<100000x128xf32, #tpu.memory_space<hbm>> -> memref<384x128xf32, #tpu.memory_space<hbm>>
        %dma_start3A_655 = arith.constant 0 : i32
        %dma_start3A_656 = tpu.memref_slice %arg5[%add3A_245, %dma_start3A_655] : memref<100000x128xf32, #tpu.memory_space<hbm>> -> memref<384x128xf32, #tpu.memory_space<hbm>>
        %dma_start3A_657 = arith.constant 0 : i32
        %dma_start3A_658 = arith.constant 0 : i32
        %dma_start3A_659 = tpu.memref_slice %arg7[%dma_start3A_657, %dma_start3A_658] : memref<384x128xf32, #tpu.memory_space<vmem>> -> memref<384x128xf32, #tpu.memory_space<vmem>>
        tpu.enqueue_dma source(%dma_start3A_659 : memref<384x128xf32, #tpu.memory_space<vmem>>) target(%dma_start3A_656 : memref<384x128xf32, #tpu.memory_space<hbm>>) target_semaphore(%run_scoped3A : memref<!tpu.dma_semaphore, #tpu.memory_space<semaphore_mem>>)
        %dma_wait3A_660 = arith.constant 0 : i32
        %dma_wait3A_661 = arith.constant 0 : i32
        %dma_wait3A_662 = tpu.memref_slice %arg7[%dma_wait3A_660, %dma_wait3A_661] : memref<384x128xf32, #tpu.memory_space<vmem>> -> memref<384x128xf32, #tpu.memory_space<vmem>>
        %dma_wait3A_663 = arith.constant 0 : i32
        %dma_wait3A_664 = tpu.memref_slice %arg5[%add3A_245, %dma_wait3A_663] : memref<100000x128xf32, #tpu.memory_space<hbm>> -> memref<384x128xf32, #tpu.memory_space<hbm>>
        %dma_wait3A_665 = arith.constant 0 : i32
        %dma_wait3A_666 = tpu.memref_slice %arg5[%add3A_245, %dma_wait3A_665] : memref<100000x128xf32, #tpu.memory_space<hbm>> -> memref<384x128xf32, #tpu.memory_space<hbm>>
        %dma_wait3A_667 = arith.constant 0 : i32
        %dma_wait3A_668 = arith.constant 0 : i32
        %dma_wait3A_669 = tpu.memref_slice %arg7[%dma_wait3A_667, %dma_wait3A_668] : memref<384x128xf32, #tpu.memory_space<vmem>> -> memref<384x128xf32, #tpu.memory_space<vmem>>
        tpu.wait_dma2 semaphore(%run_scoped3A : memref<!tpu.dma_semaphore, #tpu.memory_space<semaphore_mem>>) src(%dma_wait3A_669 : memref<384x128xf32, #tpu.memory_space<vmem>>) dst(%dma_wait3A_666 : memref<384x128xf32, #tpu.memory_space<hbm>>)
        tpu.yield
      }) : () -> ()
      %dma_wait3A_246 = arith.constant 0 : i32
      %dma_wait3A_247 = arith.constant 0 : i32
      %dma_wait3A_248 = tpu.memref_slice %arg8[%dma_wait3A_246, %dma_wait3A_247] : memref<384x128xf32, #tpu.memory_space<vmem>> -> memref<384x128xf32, #tpu.memory_space<vmem>>
      %dma_wait3A_249 = arith.constant 0 : i32
      %dma_wait3A_250 = tpu.memref_slice %arg2[%add3A_209, %dma_wait3A_249] : memref<100000x128xf32, #tpu.memory_space<hbm>> -> memref<384x128xf32, #tpu.memory_space<hbm>>
      %dma_wait3A_251 = arith.constant 0 : i32
      %dma_wait3A_252 = arith.constant 0 : i32
      %dma_wait3A_253 = tpu.memref_slice %arg8[%dma_wait3A_251, %dma_wait3A_252] : memref<384x128xf32, #tpu.memory_space<vmem>> -> memref<384x128xf32, #tpu.memory_space<vmem>>
      %dma_wait3A_254 = arith.constant 0 : i32
      %dma_wait3A_255 = tpu.memref_slice %arg2[%add3A_209, %dma_wait3A_254] : memref<100000x128xf32, #tpu.memory_space<hbm>> -> memref<384x128xf32, #tpu.memory_space<hbm>>
      tpu.wait_dma2 semaphore(%arg10 : memref<!tpu.dma_semaphore, #tpu.memory_space<semaphore_mem>>) src(%dma_wait3A_255 : memref<384x128xf32, #tpu.memory_space<hbm>>) dst(%dma_wait3A_253 : memref<384x128xf32, #tpu.memory_space<vmem>>)
      %dma_start3A_256 = arith.constant 0 : i32
      %dma_start3A_257 = arith.constant 0 : i32
      %dma_start3A_258 = tpu.memref_slice %arg8[%dma_start3A_256, %dma_start3A_257] : memref<384x128xf32, #tpu.memory_space<vmem>> -> memref<128x128xf32, #tpu.memory_space<vmem>>
      %dma_start3A_259 = arith.constant 1152 : i32
      %dma_start3A_260 = tpu.memref_slice %arg6[%dma_start3A_259] : memref<3456xi32, #tpu.memory_space<vmem>> -> memref<128xi32, #tpu.memory_space<vmem>>
      %dma_start3A_261 = arith.constant 0 : i32
      %dma_start3A_262 = arith.constant 0 : i32
      %dma_start3A_263 = tpu.memref_slice %arg4[%dma_start3A_261, %dma_start3A_262] : memref<16384x128xf32, #tpu.memory_space<hbm>> -> memref<16384x128xf32, #tpu.memory_space<hbm>>
      %dma_start3A_264 = arith.constant -1 : i32
      tpu.enqueue_indirect_dma source(%dma_start3A_263 : memref<16384x128xf32, #tpu.memory_space<hbm>>) target(%dma_start3A_258 : memref<128x128xf32, #tpu.memory_space<vmem>>) offsets(%dma_start3A_260 : memref<128xi32, #tpu.memory_space<vmem>>) offset_filter(%dma_start3A_264) semaphore(%arg12 : memref<!tpu.dma_semaphore, #tpu.memory_space<semaphore_mem>>)
      %dma_start3A_265 = arith.constant 128 : i32
      %dma_start3A_266 = arith.constant 0 : i32
      %dma_start3A_267 = tpu.memref_slice %arg8[%dma_start3A_265, %dma_start3A_266] : memref<384x128xf32, #tpu.memory_space<vmem>> -> memref<128x128xf32, #tpu.memory_space<vmem>>
      %dma_start3A_268 = arith.constant 1280 : i32
      %dma_start3A_269 = tpu.memref_slice %arg6[%dma_start3A_268] : memref<3456xi32, #tpu.memory_space<vmem>> -> memref<128xi32, #tpu.memory_space<vmem>>
      %dma_start3A_270 = arith.constant 0 : i32
      %dma_start3A_271 = arith.constant 0 : i32
      %dma_start3A_272 = tpu.memref_slice %arg4[%dma_start3A_270, %dma_start3A_271] : memref<16384x128xf32, #tpu.memory_space<hbm>> -> memref<16384x128xf32, #tpu.memory_space<hbm>>
      %dma_start3A_273 = arith.constant -1 : i32
      tpu.enqueue_indirect_dma source(%dma_start3A_272 : memref<16384x128xf32, #tpu.memory_space<hbm>>) target(%dma_start3A_267 : memref<128x128xf32, #tpu.memory_space<vmem>>) offsets(%dma_start3A_269 : memref<128xi32, #tpu.memory_space<vmem>>) offset_filter(%dma_start3A_273) semaphore(%arg12 : memref<!tpu.dma_semaphore, #tpu.memory_space<semaphore_mem>>)
      %dma_start3A_274 = arith.constant 256 : i32
      %dma_start3A_275 = arith.constant 0 : i32
      %dma_start3A_276 = tpu.memref_slice %arg8[%dma_start3A_274, %dma_start3A_275] : memref<384x128xf32, #tpu.memory_space<vmem>> -> memref<128x128xf32, #tpu.memory_space<vmem>>
      %dma_start3A_277 = arith.constant 1408 : i32
      %dma_start3A_278 = tpu.memref_slice %arg6[%dma_start3A_277] : memref<3456xi32, #tpu.memory_space<vmem>> -> memref<128xi32, #tpu.memory_space<vmem>>
      %dma_start3A_279 = arith.constant 0 : i32
      %dma_start3A_280 = arith.constant 0 : i32
      %dma_start3A_281 = tpu.memref_slice %arg4[%dma_start3A_279, %dma_start3A_280] : memref<16384x128xf32, #tpu.memory_space<hbm>> -> memref<16384x128xf32, #tpu.memory_space<hbm>>
      %dma_start3A_282 = arith.constant -1 : i32
      tpu.enqueue_indirect_dma source(%dma_start3A_281 : memref<16384x128xf32, #tpu.memory_space<hbm>>) target(%dma_start3A_276 : memref<128x128xf32, #tpu.memory_space<vmem>>) offsets(%dma_start3A_278 : memref<128xi32, #tpu.memory_space<vmem>>) offset_filter(%dma_start3A_282) semaphore(%arg12 : memref<!tpu.dma_semaphore, #tpu.memory_space<semaphore_mem>>)
      %add3A_283 = arith.constant 1536 : i32
      %add3A_284 = arith.addi %mul3A_2, %add3A_283 : i32
      %dma_start3A_285 = arith.constant 0 : i32
      %dma_start3A_286 = arith.constant 0 : i32
      %dma_start3A_287 = tpu.memref_slice %arg7[%dma_start3A_285, %dma_start3A_286] : memref<384x128xf32, #tpu.memory_space<vmem>> -> memref<384x128xf32, #tpu.memory_space<vmem>>
      %dma_start3A_288 = arith.constant 0 : i32
      %dma_start3A_289 = tpu.memref_slice %arg2[%add3A_284, %dma_start3A_288] : memref<100000x128xf32, #tpu.memory_space<hbm>> -> memref<384x128xf32, #tpu.memory_space<hbm>>
      %dma_start3A_290 = arith.constant 0 : i32
      %dma_start3A_291 = arith.constant 0 : i32
      %dma_start3A_292 = tpu.memref_slice %arg7[%dma_start3A_290, %dma_start3A_291] : memref<384x128xf32, #tpu.memory_space<vmem>> -> memref<384x128xf32, #tpu.memory_space<vmem>>
      %dma_start3A_293 = arith.constant 0 : i32
      %dma_start3A_294 = tpu.memref_slice %arg2[%add3A_284, %dma_start3A_293] : memref<100000x128xf32, #tpu.memory_space<hbm>> -> memref<384x128xf32, #tpu.memory_space<hbm>>
      tpu.enqueue_dma source(%dma_start3A_294 : memref<384x128xf32, #tpu.memory_space<hbm>>) target(%dma_start3A_292 : memref<384x128xf32, #tpu.memory_space<vmem>>) target_semaphore(%arg9 : memref<!tpu.dma_semaphore, #tpu.memory_space<semaphore_mem>>)
      %dma_wait3A_295 = arith.constant 0 : i32
      %dma_wait3A_296 = arith.constant 0 : i32
      %dma_wait3A_297 = tpu.memref_slice %arg8[%dma_wait3A_295, %dma_wait3A_296] : memref<384x128xf32, #tpu.memory_space<vmem>> -> memref<128x128xf32, #tpu.memory_space<vmem>>
      %dma_wait3A_298 = arith.constant 1152 : i32
      %dma_wait3A_299 = tpu.memref_slice %arg6[%dma_wait3A_298] : memref<3456xi32, #tpu.memory_space<vmem>> -> memref<128xi32, #tpu.memory_space<vmem>>
      %dma_wait3A_300 = arith.constant 0 : i32
      %dma_wait3A_301 = arith.constant 0 : i32
      %dma_wait3A_302 = tpu.memref_slice %arg4[%dma_wait3A_300, %dma_wait3A_301] : memref<16384x128xf32, #tpu.memory_space<hbm>> -> memref<16384x128xf32, #tpu.memory_space<hbm>>
      tpu.wait_indirect_dma semaphore(%arg12 : memref<!tpu.dma_semaphore, #tpu.memory_space<semaphore_mem>>) src(%dma_wait3A_302 : memref<16384x128xf32, #tpu.memory_space<hbm>>) dst(%dma_wait3A_297 : memref<128x128xf32, #tpu.memory_space<vmem>>)
      %dma_wait3A_303 = arith.constant 128 : i32
      %dma_wait3A_304 = arith.constant 0 : i32
      %dma_wait3A_305 = tpu.memref_slice %arg8[%dma_wait3A_303, %dma_wait3A_304] : memref<384x128xf32, #tpu.memory_space<vmem>> -> memref<128x128xf32, #tpu.memory_space<vmem>>
      %dma_wait3A_306 = arith.constant 1280 : i32
      %dma_wait3A_307 = tpu.memref_slice %arg6[%dma_wait3A_306] : memref<3456xi32, #tpu.memory_space<vmem>> -> memref<128xi32, #tpu.memory_space<vmem>>
      %dma_wait3A_308 = arith.constant 0 : i32
      %dma_wait3A_309 = arith.constant 0 : i32
      %dma_wait3A_310 = tpu.memref_slice %arg4[%dma_wait3A_308, %dma_wait3A_309] : memref<16384x128xf32, #tpu.memory_space<hbm>> -> memref<16384x128xf32, #tpu.memory_space<hbm>>
      tpu.wait_indirect_dma semaphore(%arg12 : memref<!tpu.dma_semaphore, #tpu.memory_space<semaphore_mem>>) src(%dma_wait3A_310 : memref<16384x128xf32, #tpu.memory_space<hbm>>) dst(%dma_wait3A_305 : memref<128x128xf32, #tpu.memory_space<vmem>>)
      %dma_wait3A_311 = arith.constant 256 : i32
      %dma_wait3A_312 = arith.constant 0 : i32
      %dma_wait3A_313 = tpu.memref_slice %arg8[%dma_wait3A_311, %dma_wait3A_312] : memref<384x128xf32, #tpu.memory_space<vmem>> -> memref<128x128xf32, #tpu.memory_space<vmem>>
      %dma_wait3A_314 = arith.constant 1408 : i32
      %dma_wait3A_315 = tpu.memref_slice %arg6[%dma_wait3A_314] : memref<3456xi32, #tpu.memory_space<vmem>> -> memref<128xi32, #tpu.memory_space<vmem>>
      %dma_wait3A_316 = arith.constant 0 : i32
      %dma_wait3A_317 = arith.constant 0 : i32
      %dma_wait3A_318 = tpu.memref_slice %arg4[%dma_wait3A_316, %dma_wait3A_317] : memref<16384x128xf32, #tpu.memory_space<hbm>> -> memref<16384x128xf32, #tpu.memory_space<hbm>>
      tpu.wait_indirect_dma semaphore(%arg12 : memref<!tpu.dma_semaphore, #tpu.memory_space<semaphore_mem>>) src(%dma_wait3A_318 : memref<16384x128xf32, #tpu.memory_space<hbm>>) dst(%dma_wait3A_313 : memref<128x128xf32, #tpu.memory_space<vmem>>)
      %add3A_319 = arith.constant 1152 : i32
      %add3A_320 = arith.addi %mul3A_2, %add3A_319 : i32
      "tpu.region"() ({
        %run_scoped3A = tpu.sem_alloc : memref<!tpu.dma_semaphore, #tpu.memory_space<semaphore_mem>>
        %dma_start3A_650 = arith.constant 0 : i32
        %dma_start3A_651 = arith.constant 0 : i32
        %dma_start3A_652 = tpu.memref_slice %arg8[%dma_start3A_650, %dma_start3A_651] : memref<384x128xf32, #tpu.memory_space<vmem>> -> memref<384x128xf32, #tpu.memory_space<vmem>>
        %dma_start3A_653 = arith.constant 0 : i32
        %dma_start3A_654 = tpu.memref_slice %arg5[%add3A_320, %dma_start3A_653] : memref<100000x128xf32, #tpu.memory_space<hbm>> -> memref<384x128xf32, #tpu.memory_space<hbm>>
        %dma_start3A_655 = arith.constant 0 : i32
        %dma_start3A_656 = tpu.memref_slice %arg5[%add3A_320, %dma_start3A_655] : memref<100000x128xf32, #tpu.memory_space<hbm>> -> memref<384x128xf32, #tpu.memory_space<hbm>>
        %dma_start3A_657 = arith.constant 0 : i32
        %dma_start3A_658 = arith.constant 0 : i32
        %dma_start3A_659 = tpu.memref_slice %arg8[%dma_start3A_657, %dma_start3A_658] : memref<384x128xf32, #tpu.memory_space<vmem>> -> memref<384x128xf32, #tpu.memory_space<vmem>>
        tpu.enqueue_dma source(%dma_start3A_659 : memref<384x128xf32, #tpu.memory_space<vmem>>) target(%dma_start3A_656 : memref<384x128xf32, #tpu.memory_space<hbm>>) target_semaphore(%run_scoped3A : memref<!tpu.dma_semaphore, #tpu.memory_space<semaphore_mem>>)
        %dma_wait3A_660 = arith.constant 0 : i32
        %dma_wait3A_661 = arith.constant 0 : i32
        %dma_wait3A_662 = tpu.memref_slice %arg8[%dma_wait3A_660, %dma_wait3A_661] : memref<384x128xf32, #tpu.memory_space<vmem>> -> memref<384x128xf32, #tpu.memory_space<vmem>>
        %dma_wait3A_663 = arith.constant 0 : i32
        %dma_wait3A_664 = tpu.memref_slice %arg5[%add3A_320, %dma_wait3A_663] : memref<100000x128xf32, #tpu.memory_space<hbm>> -> memref<384x128xf32, #tpu.memory_space<hbm>>
        %dma_wait3A_665 = arith.constant 0 : i32
        %dma_wait3A_666 = tpu.memref_slice %arg5[%add3A_320, %dma_wait3A_665] : memref<100000x128xf32, #tpu.memory_space<hbm>> -> memref<384x128xf32, #tpu.memory_space<hbm>>
        %dma_wait3A_667 = arith.constant 0 : i32
        %dma_wait3A_668 = arith.constant 0 : i32
        %dma_wait3A_669 = tpu.memref_slice %arg8[%dma_wait3A_667, %dma_wait3A_668] : memref<384x128xf32, #tpu.memory_space<vmem>> -> memref<384x128xf32, #tpu.memory_space<vmem>>
        tpu.wait_dma2 semaphore(%run_scoped3A : memref<!tpu.dma_semaphore, #tpu.memory_space<semaphore_mem>>) src(%dma_wait3A_669 : memref<384x128xf32, #tpu.memory_space<vmem>>) dst(%dma_wait3A_666 : memref<384x128xf32, #tpu.memory_space<hbm>>)
        tpu.yield
      }) : () -> ()
      %dma_wait3A_321 = arith.constant 0 : i32
      %dma_wait3A_322 = arith.constant 0 : i32
      %dma_wait3A_323 = tpu.memref_slice %arg7[%dma_wait3A_321, %dma_wait3A_322] : memref<384x128xf32, #tpu.memory_space<vmem>> -> memref<384x128xf32, #tpu.memory_space<vmem>>
      %dma_wait3A_324 = arith.constant 0 : i32
      %dma_wait3A_325 = tpu.memref_slice %arg2[%add3A_284, %dma_wait3A_324] : memref<100000x128xf32, #tpu.memory_space<hbm>> -> memref<384x128xf32, #tpu.memory_space<hbm>>
      %dma_wait3A_326 = arith.constant 0 : i32
      %dma_wait3A_327 = arith.constant 0 : i32
      %dma_wait3A_328 = tpu.memref_slice %arg7[%dma_wait3A_326, %dma_wait3A_327] : memref<384x128xf32, #tpu.memory_space<vmem>> -> memref<384x128xf32, #tpu.memory_space<vmem>>
      %dma_wait3A_329 = arith.constant 0 : i32
      %dma_wait3A_330 = tpu.memref_slice %arg2[%add3A_284, %dma_wait3A_329] : memref<100000x128xf32, #tpu.memory_space<hbm>> -> memref<384x128xf32, #tpu.memory_space<hbm>>
      tpu.wait_dma2 semaphore(%arg9 : memref<!tpu.dma_semaphore, #tpu.memory_space<semaphore_mem>>) src(%dma_wait3A_330 : memref<384x128xf32, #tpu.memory_space<hbm>>) dst(%dma_wait3A_328 : memref<384x128xf32, #tpu.memory_space<vmem>>)
      %dma_start3A_331 = arith.constant 0 : i32
      %dma_start3A_332 = arith.constant 0 : i32
      %dma_start3A_333 = tpu.memref_slice %arg7[%dma_start3A_331, %dma_start3A_332] : memref<384x128xf32, #tpu.memory_space<vmem>> -> memref<128x128xf32, #tpu.memory_space<vmem>>
      %dma_start3A_334 = arith.constant 1536 : i32
      %dma_start3A_335 = tpu.memref_slice %arg6[%dma_start3A_334] : memref<3456xi32, #tpu.memory_space<vmem>> -> memref<128xi32, #tpu.memory_space<vmem>>
      %dma_start3A_336 = arith.constant 0 : i32
      %dma_start3A_337 = arith.constant 0 : i32
      %dma_start3A_338 = tpu.memref_slice %arg4[%dma_start3A_336, %dma_start3A_337] : memref<16384x128xf32, #tpu.memory_space<hbm>> -> memref<16384x128xf32, #tpu.memory_space<hbm>>
      %dma_start3A_339 = arith.constant -1 : i32
      tpu.enqueue_indirect_dma source(%dma_start3A_338 : memref<16384x128xf32, #tpu.memory_space<hbm>>) target(%dma_start3A_333 : memref<128x128xf32, #tpu.memory_space<vmem>>) offsets(%dma_start3A_335 : memref<128xi32, #tpu.memory_space<vmem>>) offset_filter(%dma_start3A_339) semaphore(%arg11 : memref<!tpu.dma_semaphore, #tpu.memory_space<semaphore_mem>>)
      %dma_start3A_340 = arith.constant 128 : i32
      %dma_start3A_341 = arith.constant 0 : i32
      %dma_start3A_342 = tpu.memref_slice %arg7[%dma_start3A_340, %dma_start3A_341] : memref<384x128xf32, #tpu.memory_space<vmem>> -> memref<128x128xf32, #tpu.memory_space<vmem>>
      %dma_start3A_343 = arith.constant 1664 : i32
      %dma_start3A_344 = tpu.memref_slice %arg6[%dma_start3A_343] : memref<3456xi32, #tpu.memory_space<vmem>> -> memref<128xi32, #tpu.memory_space<vmem>>
      %dma_start3A_345 = arith.constant 0 : i32
      %dma_start3A_346 = arith.constant 0 : i32
      %dma_start3A_347 = tpu.memref_slice %arg4[%dma_start3A_345, %dma_start3A_346] : memref<16384x128xf32, #tpu.memory_space<hbm>> -> memref<16384x128xf32, #tpu.memory_space<hbm>>
      %dma_start3A_348 = arith.constant -1 : i32
      tpu.enqueue_indirect_dma source(%dma_start3A_347 : memref<16384x128xf32, #tpu.memory_space<hbm>>) target(%dma_start3A_342 : memref<128x128xf32, #tpu.memory_space<vmem>>) offsets(%dma_start3A_344 : memref<128xi32, #tpu.memory_space<vmem>>) offset_filter(%dma_start3A_348) semaphore(%arg11 : memref<!tpu.dma_semaphore, #tpu.memory_space<semaphore_mem>>)
      %dma_start3A_349 = arith.constant 256 : i32
      %dma_start3A_350 = arith.constant 0 : i32
      %dma_start3A_351 = tpu.memref_slice %arg7[%dma_start3A_349, %dma_start3A_350] : memref<384x128xf32, #tpu.memory_space<vmem>> -> memref<128x128xf32, #tpu.memory_space<vmem>>
      %dma_start3A_352 = arith.constant 1792 : i32
      %dma_start3A_353 = tpu.memref_slice %arg6[%dma_start3A_352] : memref<3456xi32, #tpu.memory_space<vmem>> -> memref<128xi32, #tpu.memory_space<vmem>>
      %dma_start3A_354 = arith.constant 0 : i32
      %dma_start3A_355 = arith.constant 0 : i32
      %dma_start3A_356 = tpu.memref_slice %arg4[%dma_start3A_354, %dma_start3A_355] : memref<16384x128xf32, #tpu.memory_space<hbm>> -> memref<16384x128xf32, #tpu.memory_space<hbm>>
      %dma_start3A_357 = arith.constant -1 : i32
      tpu.enqueue_indirect_dma source(%dma_start3A_356 : memref<16384x128xf32, #tpu.memory_space<hbm>>) target(%dma_start3A_351 : memref<128x128xf32, #tpu.memory_space<vmem>>) offsets(%dma_start3A_353 : memref<128xi32, #tpu.memory_space<vmem>>) offset_filter(%dma_start3A_357) semaphore(%arg11 : memref<!tpu.dma_semaphore, #tpu.memory_space<semaphore_mem>>)
      %add3A_358 = arith.constant 1920 : i32
      %add3A_359 = arith.addi %mul3A_2, %add3A_358 : i32
      %dma_start3A_360 = arith.constant 0 : i32
      %dma_start3A_361 = arith.constant 0 : i32
      %dma_start3A_362 = tpu.memref_slice %arg8[%dma_start3A_360, %dma_start3A_361] : memref<384x128xf32, #tpu.memory_space<vmem>> -> memref<384x128xf32, #tpu.memory_space<vmem>>
      %dma_start3A_363 = arith.constant 0 : i32
      %dma_start3A_364 = tpu.memref_slice %arg2[%add3A_359, %dma_start3A_363] : memref<100000x128xf32, #tpu.memory_space<hbm>> -> memref<384x128xf32, #tpu.memory_space<hbm>>
      %dma_start3A_365 = arith.constant 0 : i32
      %dma_start3A_366 = arith.constant 0 : i32
      %dma_start3A_367 = tpu.memref_slice %arg8[%dma_start3A_365, %dma_start3A_366] : memref<384x128xf32, #tpu.memory_space<vmem>> -> memref<384x128xf32, #tpu.memory_space<vmem>>
      %dma_start3A_368 = arith.constant 0 : i32
      %dma_start3A_369 = tpu.memref_slice %arg2[%add3A_359, %dma_start3A_368] : memref<100000x128xf32, #tpu.memory_space<hbm>> -> memref<384x128xf32, #tpu.memory_space<hbm>>
      tpu.enqueue_dma source(%dma_start3A_369 : memref<384x128xf32, #tpu.memory_space<hbm>>) target(%dma_start3A_367 : memref<384x128xf32, #tpu.memory_space<vmem>>) target_semaphore(%arg10 : memref<!tpu.dma_semaphore, #tpu.memory_space<semaphore_mem>>)
      %dma_wait3A_370 = arith.constant 0 : i32
      %dma_wait3A_371 = arith.constant 0 : i32
      %dma_wait3A_372 = tpu.memref_slice %arg7[%dma_wait3A_370, %dma_wait3A_371] : memref<384x128xf32, #tpu.memory_space<vmem>> -> memref<128x128xf32, #tpu.memory_space<vmem>>
      %dma_wait3A_373 = arith.constant 1536 : i32
      %dma_wait3A_374 = tpu.memref_slice %arg6[%dma_wait3A_373] : memref<3456xi32, #tpu.memory_space<vmem>> -> memref<128xi32, #tpu.memory_space<vmem>>
      %dma_wait3A_375 = arith.constant 0 : i32
      %dma_wait3A_376 = arith.constant 0 : i32
      %dma_wait3A_377 = tpu.memref_slice %arg4[%dma_wait3A_375, %dma_wait3A_376] : memref<16384x128xf32, #tpu.memory_space<hbm>> -> memref<16384x128xf32, #tpu.memory_space<hbm>>
      tpu.wait_indirect_dma semaphore(%arg11 : memref<!tpu.dma_semaphore, #tpu.memory_space<semaphore_mem>>) src(%dma_wait3A_377 : memref<16384x128xf32, #tpu.memory_space<hbm>>) dst(%dma_wait3A_372 : memref<128x128xf32, #tpu.memory_space<vmem>>)
      %dma_wait3A_378 = arith.constant 128 : i32
      %dma_wait3A_379 = arith.constant 0 : i32
      %dma_wait3A_380 = tpu.memref_slice %arg7[%dma_wait3A_378, %dma_wait3A_379] : memref<384x128xf32, #tpu.memory_space<vmem>> -> memref<128x128xf32, #tpu.memory_space<vmem>>
      %dma_wait3A_381 = arith.constant 1664 : i32
      %dma_wait3A_382 = tpu.memref_slice %arg6[%dma_wait3A_381] : memref<3456xi32, #tpu.memory_space<vmem>> -> memref<128xi32, #tpu.memory_space<vmem>>
      %dma_wait3A_383 = arith.constant 0 : i32
      %dma_wait3A_384 = arith.constant 0 : i32
      %dma_wait3A_385 = tpu.memref_slice %arg4[%dma_wait3A_383, %dma_wait3A_384] : memref<16384x128xf32, #tpu.memory_space<hbm>> -> memref<16384x128xf32, #tpu.memory_space<hbm>>
      tpu.wait_indirect_dma semaphore(%arg11 : memref<!tpu.dma_semaphore, #tpu.memory_space<semaphore_mem>>) src(%dma_wait3A_385 : memref<16384x128xf32, #tpu.memory_space<hbm>>) dst(%dma_wait3A_380 : memref<128x128xf32, #tpu.memory_space<vmem>>)
      %dma_wait3A_386 = arith.constant 256 : i32
      %dma_wait3A_387 = arith.constant 0 : i32
      %dma_wait3A_388 = tpu.memref_slice %arg7[%dma_wait3A_386, %dma_wait3A_387] : memref<384x128xf32, #tpu.memory_space<vmem>> -> memref<128x128xf32, #tpu.memory_space<vmem>>
      %dma_wait3A_389 = arith.constant 1792 : i32
      %dma_wait3A_390 = tpu.memref_slice %arg6[%dma_wait3A_389] : memref<3456xi32, #tpu.memory_space<vmem>> -> memref<128xi32, #tpu.memory_space<vmem>>
      %dma_wait3A_391 = arith.constant 0 : i32
      %dma_wait3A_392 = arith.constant 0 : i32
      %dma_wait3A_393 = tpu.memref_slice %arg4[%dma_wait3A_391, %dma_wait3A_392] : memref<16384x128xf32, #tpu.memory_space<hbm>> -> memref<16384x128xf32, #tpu.memory_space<hbm>>
      tpu.wait_indirect_dma semaphore(%arg11 : memref<!tpu.dma_semaphore, #tpu.memory_space<semaphore_mem>>) src(%dma_wait3A_393 : memref<16384x128xf32, #tpu.memory_space<hbm>>) dst(%dma_wait3A_388 : memref<128x128xf32, #tpu.memory_space<vmem>>)
      %add3A_394 = arith.constant 1536 : i32
      %add3A_395 = arith.addi %mul3A_2, %add3A_394 : i32
      "tpu.region"() ({
        %run_scoped3A = tpu.sem_alloc : memref<!tpu.dma_semaphore, #tpu.memory_space<semaphore_mem>>
        %dma_start3A_650 = arith.constant 0 : i32
        %dma_start3A_651 = arith.constant 0 : i32
        %dma_start3A_652 = tpu.memref_slice %arg7[%dma_start3A_650, %dma_start3A_651] : memref<384x128xf32, #tpu.memory_space<vmem>> -> memref<384x128xf32, #tpu.memory_space<vmem>>
        %dma_start3A_653 = arith.constant 0 : i32
        %dma_start3A_654 = tpu.memref_slice %arg5[%add3A_395, %dma_start3A_653] : memref<100000x128xf32, #tpu.memory_space<hbm>> -> memref<384x128xf32, #tpu.memory_space<hbm>>
        %dma_start3A_655 = arith.constant 0 : i32
        %dma_start3A_656 = tpu.memref_slice %arg5[%add3A_395, %dma_start3A_655] : memref<100000x128xf32, #tpu.memory_space<hbm>> -> memref<384x128xf32, #tpu.memory_space<hbm>>
        %dma_start3A_657 = arith.constant 0 : i32
        %dma_start3A_658 = arith.constant 0 : i32
        %dma_start3A_659 = tpu.memref_slice %arg7[%dma_start3A_657, %dma_start3A_658] : memref<384x128xf32, #tpu.memory_space<vmem>> -> memref<384x128xf32, #tpu.memory_space<vmem>>
        tpu.enqueue_dma source(%dma_start3A_659 : memref<384x128xf32, #tpu.memory_space<vmem>>) target(%dma_start3A_656 : memref<384x128xf32, #tpu.memory_space<hbm>>) target_semaphore(%run_scoped3A : memref<!tpu.dma_semaphore, #tpu.memory_space<semaphore_mem>>)
        %dma_wait3A_660 = arith.constant 0 : i32
        %dma_wait3A_661 = arith.constant 0 : i32
        %dma_wait3A_662 = tpu.memref_slice %arg7[%dma_wait3A_660, %dma_wait3A_661] : memref<384x128xf32, #tpu.memory_space<vmem>> -> memref<384x128xf32, #tpu.memory_space<vmem>>
        %dma_wait3A_663 = arith.constant 0 : i32
        %dma_wait3A_664 = tpu.memref_slice %arg5[%add3A_395, %dma_wait3A_663] : memref<100000x128xf32, #tpu.memory_space<hbm>> -> memref<384x128xf32, #tpu.memory_space<hbm>>
        %dma_wait3A_665 = arith.constant 0 : i32
        %dma_wait3A_666 = tpu.memref_slice %arg5[%add3A_395, %dma_wait3A_665] : memref<100000x128xf32, #tpu.memory_space<hbm>> -> memref<384x128xf32, #tpu.memory_space<hbm>>
        %dma_wait3A_667 = arith.constant 0 : i32
        %dma_wait3A_668 = arith.constant 0 : i32
        %dma_wait3A_669 = tpu.memref_slice %arg7[%dma_wait3A_667, %dma_wait3A_668] : memref<384x128xf32, #tpu.memory_space<vmem>> -> memref<384x128xf32, #tpu.memory_space<vmem>>
        tpu.wait_dma2 semaphore(%run_scoped3A : memref<!tpu.dma_semaphore, #tpu.memory_space<semaphore_mem>>) src(%dma_wait3A_669 : memref<384x128xf32, #tpu.memory_space<vmem>>) dst(%dma_wait3A_666 : memref<384x128xf32, #tpu.memory_space<hbm>>)
        tpu.yield
      }) : () -> ()
      %dma_wait3A_396 = arith.constant 0 : i32
      %dma_wait3A_397 = arith.constant 0 : i32
      %dma_wait3A_398 = tpu.memref_slice %arg8[%dma_wait3A_396, %dma_wait3A_397] : memref<384x128xf32, #tpu.memory_space<vmem>> -> memref<384x128xf32, #tpu.memory_space<vmem>>
      %dma_wait3A_399 = arith.constant 0 : i32
      %dma_wait3A_400 = tpu.memref_slice %arg2[%add3A_359, %dma_wait3A_399] : memref<100000x128xf32, #tpu.memory_space<hbm>> -> memref<384x128xf32, #tpu.memory_space<hbm>>
      %dma_wait3A_401 = arith.constant 0 : i32
      %dma_wait3A_402 = arith.constant 0 : i32
      %dma_wait3A_403 = tpu.memref_slice %arg8[%dma_wait3A_401, %dma_wait3A_402] : memref<384x128xf32, #tpu.memory_space<vmem>> -> memref<384x128xf32, #tpu.memory_space<vmem>>
      %dma_wait3A_404 = arith.constant 0 : i32
      %dma_wait3A_405 = tpu.memref_slice %arg2[%add3A_359, %dma_wait3A_404] : memref<100000x128xf32, #tpu.memory_space<hbm>> -> memref<384x128xf32, #tpu.memory_space<hbm>>
      tpu.wait_dma2 semaphore(%arg10 : memref<!tpu.dma_semaphore, #tpu.memory_space<semaphore_mem>>) src(%dma_wait3A_405 : memref<384x128xf32, #tpu.memory_space<hbm>>) dst(%dma_wait3A_403 : memref<384x128xf32, #tpu.memory_space<vmem>>)
      %dma_start3A_406 = arith.constant 0 : i32
      %dma_start3A_407 = arith.constant 0 : i32
      %dma_start3A_408 = tpu.memref_slice %arg8[%dma_start3A_406, %dma_start3A_407] : memref<384x128xf32, #tpu.memory_space<vmem>> -> memref<128x128xf32, #tpu.memory_space<vmem>>
      %dma_start3A_409 = arith.constant 1920 : i32
      %dma_start3A_410 = tpu.memref_slice %arg6[%dma_start3A_409] : memref<3456xi32, #tpu.memory_space<vmem>> -> memref<128xi32, #tpu.memory_space<vmem>>
      %dma_start3A_411 = arith.constant 0 : i32
      %dma_start3A_412 = arith.constant 0 : i32
      %dma_start3A_413 = tpu.memref_slice %arg4[%dma_start3A_411, %dma_start3A_412] : memref<16384x128xf32, #tpu.memory_space<hbm>> -> memref<16384x128xf32, #tpu.memory_space<hbm>>
      %dma_start3A_414 = arith.constant -1 : i32
      tpu.enqueue_indirect_dma source(%dma_start3A_413 : memref<16384x128xf32, #tpu.memory_space<hbm>>) target(%dma_start3A_408 : memref<128x128xf32, #tpu.memory_space<vmem>>) offsets(%dma_start3A_410 : memref<128xi32, #tpu.memory_space<vmem>>) offset_filter(%dma_start3A_414) semaphore(%arg12 : memref<!tpu.dma_semaphore, #tpu.memory_space<semaphore_mem>>)
      %dma_start3A_415 = arith.constant 128 : i32
      %dma_start3A_416 = arith.constant 0 : i32
      %dma_start3A_417 = tpu.memref_slice %arg8[%dma_start3A_415, %dma_start3A_416] : memref<384x128xf32, #tpu.memory_space<vmem>> -> memref<128x128xf32, #tpu.memory_space<vmem>>
      %dma_start3A_418 = arith.constant 2048 : i32
      %dma_start3A_419 = tpu.memref_slice %arg6[%dma_start3A_418] : memref<3456xi32, #tpu.memory_space<vmem>> -> memref<128xi32, #tpu.memory_space<vmem>>
      %dma_start3A_420 = arith.constant 0 : i32
      %dma_start3A_421 = arith.constant 0 : i32
      %dma_start3A_422 = tpu.memref_slice %arg4[%dma_start3A_420, %dma_start3A_421] : memref<16384x128xf32, #tpu.memory_space<hbm>> -> memref<16384x128xf32, #tpu.memory_space<hbm>>
      %dma_start3A_423 = arith.constant -1 : i32
      tpu.enqueue_indirect_dma source(%dma_start3A_422 : memref<16384x128xf32, #tpu.memory_space<hbm>>) target(%dma_start3A_417 : memref<128x128xf32, #tpu.memory_space<vmem>>) offsets(%dma_start3A_419 : memref<128xi32, #tpu.memory_space<vmem>>) offset_filter(%dma_start3A_423) semaphore(%arg12 : memref<!tpu.dma_semaphore, #tpu.memory_space<semaphore_mem>>)
      %dma_start3A_424 = arith.constant 256 : i32
      %dma_start3A_425 = arith.constant 0 : i32
      %dma_start3A_426 = tpu.memref_slice %arg8[%dma_start3A_424, %dma_start3A_425] : memref<384x128xf32, #tpu.memory_space<vmem>> -> memref<128x128xf32, #tpu.memory_space<vmem>>
      %dma_start3A_427 = arith.constant 2176 : i32
      %dma_start3A_428 = tpu.memref_slice %arg6[%dma_start3A_427] : memref<3456xi32, #tpu.memory_space<vmem>> -> memref<128xi32, #tpu.memory_space<vmem>>
      %dma_start3A_429 = arith.constant 0 : i32
      %dma_start3A_430 = arith.constant 0 : i32
      %dma_start3A_431 = tpu.memref_slice %arg4[%dma_start3A_429, %dma_start3A_430] : memref<16384x128xf32, #tpu.memory_space<hbm>> -> memref<16384x128xf32, #tpu.memory_space<hbm>>
      %dma_start3A_432 = arith.constant -1 : i32
      tpu.enqueue_indirect_dma source(%dma_start3A_431 : memref<16384x128xf32, #tpu.memory_space<hbm>>) target(%dma_start3A_426 : memref<128x128xf32, #tpu.memory_space<vmem>>) offsets(%dma_start3A_428 : memref<128xi32, #tpu.memory_space<vmem>>) offset_filter(%dma_start3A_432) semaphore(%arg12 : memref<!tpu.dma_semaphore, #tpu.memory_space<semaphore_mem>>)
      %add3A_433 = arith.constant 2304 : i32
      %add3A_434 = arith.addi %mul3A_2, %add3A_433 : i32
      %dma_start3A_435 = arith.constant 0 : i32
      %dma_start3A_436 = arith.constant 0 : i32
      %dma_start3A_437 = tpu.memref_slice %arg7[%dma_start3A_435, %dma_start3A_436] : memref<384x128xf32, #tpu.memory_space<vmem>> -> memref<384x128xf32, #tpu.memory_space<vmem>>
      %dma_start3A_438 = arith.constant 0 : i32
      %dma_start3A_439 = tpu.memref_slice %arg2[%add3A_434, %dma_start3A_438] : memref<100000x128xf32, #tpu.memory_space<hbm>> -> memref<384x128xf32, #tpu.memory_space<hbm>>
      %dma_start3A_440 = arith.constant 0 : i32
      %dma_start3A_441 = arith.constant 0 : i32
      %dma_start3A_442 = tpu.memref_slice %arg7[%dma_start3A_440, %dma_start3A_441] : memref<384x128xf32, #tpu.memory_space<vmem>> -> memref<384x128xf32, #tpu.memory_space<vmem>>
      %dma_start3A_443 = arith.constant 0 : i32
      %dma_start3A_444 = tpu.memref_slice %arg2[%add3A_434, %dma_start3A_443] : memref<100000x128xf32, #tpu.memory_space<hbm>> -> memref<384x128xf32, #tpu.memory_space<hbm>>
      tpu.enqueue_dma source(%dma_start3A_444 : memref<384x128xf32, #tpu.memory_space<hbm>>) target(%dma_start3A_442 : memref<384x128xf32, #tpu.memory_space<vmem>>) target_semaphore(%arg9 : memref<!tpu.dma_semaphore, #tpu.memory_space<semaphore_mem>>)
      %dma_wait3A_445 = arith.constant 0 : i32
      %dma_wait3A_446 = arith.constant 0 : i32
      %dma_wait3A_447 = tpu.memref_slice %arg8[%dma_wait3A_445, %dma_wait3A_446] : memref<384x128xf32, #tpu.memory_space<vmem>> -> memref<128x128xf32, #tpu.memory_space<vmem>>
      %dma_wait3A_448 = arith.constant 1920 : i32
      %dma_wait3A_449 = tpu.memref_slice %arg6[%dma_wait3A_448] : memref<3456xi32, #tpu.memory_space<vmem>> -> memref<128xi32, #tpu.memory_space<vmem>>
      %dma_wait3A_450 = arith.constant 0 : i32
      %dma_wait3A_451 = arith.constant 0 : i32
      %dma_wait3A_452 = tpu.memref_slice %arg4[%dma_wait3A_450, %dma_wait3A_451] : memref<16384x128xf32, #tpu.memory_space<hbm>> -> memref<16384x128xf32, #tpu.memory_space<hbm>>
      tpu.wait_indirect_dma semaphore(%arg12 : memref<!tpu.dma_semaphore, #tpu.memory_space<semaphore_mem>>) src(%dma_wait3A_452 : memref<16384x128xf32, #tpu.memory_space<hbm>>) dst(%dma_wait3A_447 : memref<128x128xf32, #tpu.memory_space<vmem>>)
      %dma_wait3A_453 = arith.constant 128 : i32
      %dma_wait3A_454 = arith.constant 0 : i32
      %dma_wait3A_455 = tpu.memref_slice %arg8[%dma_wait3A_453, %dma_wait3A_454] : memref<384x128xf32, #tpu.memory_space<vmem>> -> memref<128x128xf32, #tpu.memory_space<vmem>>
      %dma_wait3A_456 = arith.constant 2048 : i32
      %dma_wait3A_457 = tpu.memref_slice %arg6[%dma_wait3A_456] : memref<3456xi32, #tpu.memory_space<vmem>> -> memref<128xi32, #tpu.memory_space<vmem>>
      %dma_wait3A_458 = arith.constant 0 : i32
      %dma_wait3A_459 = arith.constant 0 : i32
      %dma_wait3A_460 = tpu.memref_slice %arg4[%dma_wait3A_458, %dma_wait3A_459] : memref<16384x128xf32, #tpu.memory_space<hbm>> -> memref<16384x128xf32, #tpu.memory_space<hbm>>
      tpu.wait_indirect_dma semaphore(%arg12 : memref<!tpu.dma_semaphore, #tpu.memory_space<semaphore_mem>>) src(%dma_wait3A_460 : memref<16384x128xf32, #tpu.memory_space<hbm>>) dst(%dma_wait3A_455 : memref<128x128xf32, #tpu.memory_space<vmem>>)
      %dma_wait3A_461 = arith.constant 256 : i32
      %dma_wait3A_462 = arith.constant 0 : i32
      %dma_wait3A_463 = tpu.memref_slice %arg8[%dma_wait3A_461, %dma_wait3A_462] : memref<384x128xf32, #tpu.memory_space<vmem>> -> memref<128x128xf32, #tpu.memory_space<vmem>>
      %dma_wait3A_464 = arith.constant 2176 : i32
      %dma_wait3A_465 = tpu.memref_slice %arg6[%dma_wait3A_464] : memref<3456xi32, #tpu.memory_space<vmem>> -> memref<128xi32, #tpu.memory_space<vmem>>
      %dma_wait3A_466 = arith.constant 0 : i32
      %dma_wait3A_467 = arith.constant 0 : i32
      %dma_wait3A_468 = tpu.memref_slice %arg4[%dma_wait3A_466, %dma_wait3A_467] : memref<16384x128xf32, #tpu.memory_space<hbm>> -> memref<16384x128xf32, #tpu.memory_space<hbm>>
      tpu.wait_indirect_dma semaphore(%arg12 : memref<!tpu.dma_semaphore, #tpu.memory_space<semaphore_mem>>) src(%dma_wait3A_468 : memref<16384x128xf32, #tpu.memory_space<hbm>>) dst(%dma_wait3A_463 : memref<128x128xf32, #tpu.memory_space<vmem>>)
      %add3A_469 = arith.constant 1920 : i32
      %add3A_470 = arith.addi %mul3A_2, %add3A_469 : i32
      "tpu.region"() ({
        %run_scoped3A = tpu.sem_alloc : memref<!tpu.dma_semaphore, #tpu.memory_space<semaphore_mem>>
        %dma_start3A_650 = arith.constant 0 : i32
        %dma_start3A_651 = arith.constant 0 : i32
        %dma_start3A_652 = tpu.memref_slice %arg8[%dma_start3A_650, %dma_start3A_651] : memref<384x128xf32, #tpu.memory_space<vmem>> -> memref<384x128xf32, #tpu.memory_space<vmem>>
        %dma_start3A_653 = arith.constant 0 : i32
        %dma_start3A_654 = tpu.memref_slice %arg5[%add3A_470, %dma_start3A_653] : memref<100000x128xf32, #tpu.memory_space<hbm>> -> memref<384x128xf32, #tpu.memory_space<hbm>>
        %dma_start3A_655 = arith.constant 0 : i32
        %dma_start3A_656 = tpu.memref_slice %arg5[%add3A_470, %dma_start3A_655] : memref<100000x128xf32, #tpu.memory_space<hbm>> -> memref<384x128xf32, #tpu.memory_space<hbm>>
        %dma_start3A_657 = arith.constant 0 : i32
        %dma_start3A_658 = arith.constant 0 : i32
        %dma_start3A_659 = tpu.memref_slice %arg8[%dma_start3A_657, %dma_start3A_658] : memref<384x128xf32, #tpu.memory_space<vmem>> -> memref<384x128xf32, #tpu.memory_space<vmem>>
        tpu.enqueue_dma source(%dma_start3A_659 : memref<384x128xf32, #tpu.memory_space<vmem>>) target(%dma_start3A_656 : memref<384x128xf32, #tpu.memory_space<hbm>>) target_semaphore(%run_scoped3A : memref<!tpu.dma_semaphore, #tpu.memory_space<semaphore_mem>>)
        %dma_wait3A_660 = arith.constant 0 : i32
        %dma_wait3A_661 = arith.constant 0 : i32
        %dma_wait3A_662 = tpu.memref_slice %arg8[%dma_wait3A_660, %dma_wait3A_661] : memref<384x128xf32, #tpu.memory_space<vmem>> -> memref<384x128xf32, #tpu.memory_space<vmem>>
        %dma_wait3A_663 = arith.constant 0 : i32
        %dma_wait3A_664 = tpu.memref_slice %arg5[%add3A_470, %dma_wait3A_663] : memref<100000x128xf32, #tpu.memory_space<hbm>> -> memref<384x128xf32, #tpu.memory_space<hbm>>
        %dma_wait3A_665 = arith.constant 0 : i32
        %dma_wait3A_666 = tpu.memref_slice %arg5[%add3A_470, %dma_wait3A_665] : memref<100000x128xf32, #tpu.memory_space<hbm>> -> memref<384x128xf32, #tpu.memory_space<hbm>>
        %dma_wait3A_667 = arith.constant 0 : i32
        %dma_wait3A_668 = arith.constant 0 : i32
        %dma_wait3A_669 = tpu.memref_slice %arg8[%dma_wait3A_667, %dma_wait3A_668] : memref<384x128xf32, #tpu.memory_space<vmem>> -> memref<384x128xf32, #tpu.memory_space<vmem>>
        tpu.wait_dma2 semaphore(%run_scoped3A : memref<!tpu.dma_semaphore, #tpu.memory_space<semaphore_mem>>) src(%dma_wait3A_669 : memref<384x128xf32, #tpu.memory_space<vmem>>) dst(%dma_wait3A_666 : memref<384x128xf32, #tpu.memory_space<hbm>>)
        tpu.yield
      }) : () -> ()
      %dma_wait3A_471 = arith.constant 0 : i32
      %dma_wait3A_472 = arith.constant 0 : i32
      %dma_wait3A_473 = tpu.memref_slice %arg7[%dma_wait3A_471, %dma_wait3A_472] : memref<384x128xf32, #tpu.memory_space<vmem>> -> memref<384x128xf32, #tpu.memory_space<vmem>>
      %dma_wait3A_474 = arith.constant 0 : i32
      %dma_wait3A_475 = tpu.memref_slice %arg2[%add3A_434, %dma_wait3A_474] : memref<100000x128xf32, #tpu.memory_space<hbm>> -> memref<384x128xf32, #tpu.memory_space<hbm>>
      %dma_wait3A_476 = arith.constant 0 : i32
      %dma_wait3A_477 = arith.constant 0 : i32
      %dma_wait3A_478 = tpu.memref_slice %arg7[%dma_wait3A_476, %dma_wait3A_477] : memref<384x128xf32, #tpu.memory_space<vmem>> -> memref<384x128xf32, #tpu.memory_space<vmem>>
      %dma_wait3A_479 = arith.constant 0 : i32
      %dma_wait3A_480 = tpu.memref_slice %arg2[%add3A_434, %dma_wait3A_479] : memref<100000x128xf32, #tpu.memory_space<hbm>> -> memref<384x128xf32, #tpu.memory_space<hbm>>
      tpu.wait_dma2 semaphore(%arg9 : memref<!tpu.dma_semaphore, #tpu.memory_space<semaphore_mem>>) src(%dma_wait3A_480 : memref<384x128xf32, #tpu.memory_space<hbm>>) dst(%dma_wait3A_478 : memref<384x128xf32, #tpu.memory_space<vmem>>)
      %dma_start3A_481 = arith.constant 0 : i32
      %dma_start3A_482 = arith.constant 0 : i32
      %dma_start3A_483 = tpu.memref_slice %arg7[%dma_start3A_481, %dma_start3A_482] : memref<384x128xf32, #tpu.memory_space<vmem>> -> memref<128x128xf32, #tpu.memory_space<vmem>>
      %dma_start3A_484 = arith.constant 2304 : i32
      %dma_start3A_485 = tpu.memref_slice %arg6[%dma_start3A_484] : memref<3456xi32, #tpu.memory_space<vmem>> -> memref<128xi32, #tpu.memory_space<vmem>>
      %dma_start3A_486 = arith.constant 0 : i32
      %dma_start3A_487 = arith.constant 0 : i32
      %dma_start3A_488 = tpu.memref_slice %arg4[%dma_start3A_486, %dma_start3A_487] : memref<16384x128xf32, #tpu.memory_space<hbm>> -> memref<16384x128xf32, #tpu.memory_space<hbm>>
      %dma_start3A_489 = arith.constant -1 : i32
      tpu.enqueue_indirect_dma source(%dma_start3A_488 : memref<16384x128xf32, #tpu.memory_space<hbm>>) target(%dma_start3A_483 : memref<128x128xf32, #tpu.memory_space<vmem>>) offsets(%dma_start3A_485 : memref<128xi32, #tpu.memory_space<vmem>>) offset_filter(%dma_start3A_489) semaphore(%arg11 : memref<!tpu.dma_semaphore, #tpu.memory_space<semaphore_mem>>)
      %dma_start3A_490 = arith.constant 128 : i32
      %dma_start3A_491 = arith.constant 0 : i32
      %dma_start3A_492 = tpu.memref_slice %arg7[%dma_start3A_490, %dma_start3A_491] : memref<384x128xf32, #tpu.memory_space<vmem>> -> memref<128x128xf32, #tpu.memory_space<vmem>>
      %dma_start3A_493 = arith.constant 2432 : i32
      %dma_start3A_494 = tpu.memref_slice %arg6[%dma_start3A_493] : memref<3456xi32, #tpu.memory_space<vmem>> -> memref<128xi32, #tpu.memory_space<vmem>>
      %dma_start3A_495 = arith.constant 0 : i32
      %dma_start3A_496 = arith.constant 0 : i32
      %dma_start3A_497 = tpu.memref_slice %arg4[%dma_start3A_495, %dma_start3A_496] : memref<16384x128xf32, #tpu.memory_space<hbm>> -> memref<16384x128xf32, #tpu.memory_space<hbm>>
      %dma_start3A_498 = arith.constant -1 : i32
      tpu.enqueue_indirect_dma source(%dma_start3A_497 : memref<16384x128xf32, #tpu.memory_space<hbm>>) target(%dma_start3A_492 : memref<128x128xf32, #tpu.memory_space<vmem>>) offsets(%dma_start3A_494 : memref<128xi32, #tpu.memory_space<vmem>>) offset_filter(%dma_start3A_498) semaphore(%arg11 : memref<!tpu.dma_semaphore, #tpu.memory_space<semaphore_mem>>)
      %dma_start3A_499 = arith.constant 256 : i32
      %dma_start3A_500 = arith.constant 0 : i32
      %dma_start3A_501 = tpu.memref_slice %arg7[%dma_start3A_499, %dma_start3A_500] : memref<384x128xf32, #tpu.memory_space<vmem>> -> memref<128x128xf32, #tpu.memory_space<vmem>>
      %dma_start3A_502 = arith.constant 2560 : i32
      %dma_start3A_503 = tpu.memref_slice %arg6[%dma_start3A_502] : memref<3456xi32, #tpu.memory_space<vmem>> -> memref<128xi32, #tpu.memory_space<vmem>>
      %dma_start3A_504 = arith.constant 0 : i32
      %dma_start3A_505 = arith.constant 0 : i32
      %dma_start3A_506 = tpu.memref_slice %arg4[%dma_start3A_504, %dma_start3A_505] : memref<16384x128xf32, #tpu.memory_space<hbm>> -> memref<16384x128xf32, #tpu.memory_space<hbm>>
      %dma_start3A_507 = arith.constant -1 : i32
      tpu.enqueue_indirect_dma source(%dma_start3A_506 : memref<16384x128xf32, #tpu.memory_space<hbm>>) target(%dma_start3A_501 : memref<128x128xf32, #tpu.memory_space<vmem>>) offsets(%dma_start3A_503 : memref<128xi32, #tpu.memory_space<vmem>>) offset_filter(%dma_start3A_507) semaphore(%arg11 : memref<!tpu.dma_semaphore, #tpu.memory_space<semaphore_mem>>)
      %add3A_508 = arith.constant 2688 : i32
      %add3A_509 = arith.addi %mul3A_2, %add3A_508 : i32
      %dma_start3A_510 = arith.constant 0 : i32
      %dma_start3A_511 = arith.constant 0 : i32
      %dma_start3A_512 = tpu.memref_slice %arg8[%dma_start3A_510, %dma_start3A_511] : memref<384x128xf32, #tpu.memory_space<vmem>> -> memref<384x128xf32, #tpu.memory_space<vmem>>
      %dma_start3A_513 = arith.constant 0 : i32
      %dma_start3A_514 = tpu.memref_slice %arg2[%add3A_509, %dma_start3A_513] : memref<100000x128xf32, #tpu.memory_space<hbm>> -> memref<384x128xf32, #tpu.memory_space<hbm>>
      %dma_start3A_515 = arith.constant 0 : i32
      %dma_start3A_516 = arith.constant 0 : i32
      %dma_start3A_517 = tpu.memref_slice %arg8[%dma_start3A_515, %dma_start3A_516] : memref<384x128xf32, #tpu.memory_space<vmem>> -> memref<384x128xf32, #tpu.memory_space<vmem>>
      %dma_start3A_518 = arith.constant 0 : i32
      %dma_start3A_519 = tpu.memref_slice %arg2[%add3A_509, %dma_start3A_518] : memref<100000x128xf32, #tpu.memory_space<hbm>> -> memref<384x128xf32, #tpu.memory_space<hbm>>
      tpu.enqueue_dma source(%dma_start3A_519 : memref<384x128xf32, #tpu.memory_space<hbm>>) target(%dma_start3A_517 : memref<384x128xf32, #tpu.memory_space<vmem>>) target_semaphore(%arg10 : memref<!tpu.dma_semaphore, #tpu.memory_space<semaphore_mem>>)
      %dma_wait3A_520 = arith.constant 0 : i32
      %dma_wait3A_521 = arith.constant 0 : i32
      %dma_wait3A_522 = tpu.memref_slice %arg7[%dma_wait3A_520, %dma_wait3A_521] : memref<384x128xf32, #tpu.memory_space<vmem>> -> memref<128x128xf32, #tpu.memory_space<vmem>>
      %dma_wait3A_523 = arith.constant 2304 : i32
      %dma_wait3A_524 = tpu.memref_slice %arg6[%dma_wait3A_523] : memref<3456xi32, #tpu.memory_space<vmem>> -> memref<128xi32, #tpu.memory_space<vmem>>
      %dma_wait3A_525 = arith.constant 0 : i32
      %dma_wait3A_526 = arith.constant 0 : i32
      %dma_wait3A_527 = tpu.memref_slice %arg4[%dma_wait3A_525, %dma_wait3A_526] : memref<16384x128xf32, #tpu.memory_space<hbm>> -> memref<16384x128xf32, #tpu.memory_space<hbm>>
      tpu.wait_indirect_dma semaphore(%arg11 : memref<!tpu.dma_semaphore, #tpu.memory_space<semaphore_mem>>) src(%dma_wait3A_527 : memref<16384x128xf32, #tpu.memory_space<hbm>>) dst(%dma_wait3A_522 : memref<128x128xf32, #tpu.memory_space<vmem>>)
      %dma_wait3A_528 = arith.constant 128 : i32
      %dma_wait3A_529 = arith.constant 0 : i32
      %dma_wait3A_530 = tpu.memref_slice %arg7[%dma_wait3A_528, %dma_wait3A_529] : memref<384x128xf32, #tpu.memory_space<vmem>> -> memref<128x128xf32, #tpu.memory_space<vmem>>
      %dma_wait3A_531 = arith.constant 2432 : i32
      %dma_wait3A_532 = tpu.memref_slice %arg6[%dma_wait3A_531] : memref<3456xi32, #tpu.memory_space<vmem>> -> memref<128xi32, #tpu.memory_space<vmem>>
      %dma_wait3A_533 = arith.constant 0 : i32
      %dma_wait3A_534 = arith.constant 0 : i32
      %dma_wait3A_535 = tpu.memref_slice %arg4[%dma_wait3A_533, %dma_wait3A_534] : memref<16384x128xf32, #tpu.memory_space<hbm>> -> memref<16384x128xf32, #tpu.memory_space<hbm>>
      tpu.wait_indirect_dma semaphore(%arg11 : memref<!tpu.dma_semaphore, #tpu.memory_space<semaphore_mem>>) src(%dma_wait3A_535 : memref<16384x128xf32, #tpu.memory_space<hbm>>) dst(%dma_wait3A_530 : memref<128x128xf32, #tpu.memory_space<vmem>>)
      %dma_wait3A_536 = arith.constant 256 : i32
      %dma_wait3A_537 = arith.constant 0 : i32
      %dma_wait3A_538 = tpu.memref_slice %arg7[%dma_wait3A_536, %dma_wait3A_537] : memref<384x128xf32, #tpu.memory_space<vmem>> -> memref<128x128xf32, #tpu.memory_space<vmem>>
      %dma_wait3A_539 = arith.constant 2560 : i32
      %dma_wait3A_540 = tpu.memref_slice %arg6[%dma_wait3A_539] : memref<3456xi32, #tpu.memory_space<vmem>> -> memref<128xi32, #tpu.memory_space<vmem>>
      %dma_wait3A_541 = arith.constant 0 : i32
      %dma_wait3A_542 = arith.constant 0 : i32
      %dma_wait3A_543 = tpu.memref_slice %arg4[%dma_wait3A_541, %dma_wait3A_542] : memref<16384x128xf32, #tpu.memory_space<hbm>> -> memref<16384x128xf32, #tpu.memory_space<hbm>>
      tpu.wait_indirect_dma semaphore(%arg11 : memref<!tpu.dma_semaphore, #tpu.memory_space<semaphore_mem>>) src(%dma_wait3A_543 : memref<16384x128xf32, #tpu.memory_space<hbm>>) dst(%dma_wait3A_538 : memref<128x128xf32, #tpu.memory_space<vmem>>)
      %add3A_544 = arith.constant 2304 : i32
      %add3A_545 = arith.addi %mul3A_2, %add3A_544 : i32
      "tpu.region"() ({
        %run_scoped3A = tpu.sem_alloc : memref<!tpu.dma_semaphore, #tpu.memory_space<semaphore_mem>>
        %dma_start3A_650 = arith.constant 0 : i32
        %dma_start3A_651 = arith.constant 0 : i32
        %dma_start3A_652 = tpu.memref_slice %arg7[%dma_start3A_650, %dma_start3A_651] : memref<384x128xf32, #tpu.memory_space<vmem>> -> memref<384x128xf32, #tpu.memory_space<vmem>>
        %dma_start3A_653 = arith.constant 0 : i32
        %dma_start3A_654 = tpu.memref_slice %arg5[%add3A_545, %dma_start3A_653] : memref<100000x128xf32, #tpu.memory_space<hbm>> -> memref<384x128xf32, #tpu.memory_space<hbm>>
        %dma_start3A_655 = arith.constant 0 : i32
        %dma_start3A_656 = tpu.memref_slice %arg5[%add3A_545, %dma_start3A_655] : memref<100000x128xf32, #tpu.memory_space<hbm>> -> memref<384x128xf32, #tpu.memory_space<hbm>>
        %dma_start3A_657 = arith.constant 0 : i32
        %dma_start3A_658 = arith.constant 0 : i32
        %dma_start3A_659 = tpu.memref_slice %arg7[%dma_start3A_657, %dma_start3A_658] : memref<384x128xf32, #tpu.memory_space<vmem>> -> memref<384x128xf32, #tpu.memory_space<vmem>>
        tpu.enqueue_dma source(%dma_start3A_659 : memref<384x128xf32, #tpu.memory_space<vmem>>) target(%dma_start3A_656 : memref<384x128xf32, #tpu.memory_space<hbm>>) target_semaphore(%run_scoped3A : memref<!tpu.dma_semaphore, #tpu.memory_space<semaphore_mem>>)
        %dma_wait3A_660 = arith.constant 0 : i32
        %dma_wait3A_661 = arith.constant 0 : i32
        %dma_wait3A_662 = tpu.memref_slice %arg7[%dma_wait3A_660, %dma_wait3A_661] : memref<384x128xf32, #tpu.memory_space<vmem>> -> memref<384x128xf32, #tpu.memory_space<vmem>>
        %dma_wait3A_663 = arith.constant 0 : i32
        %dma_wait3A_664 = tpu.memref_slice %arg5[%add3A_545, %dma_wait3A_663] : memref<100000x128xf32, #tpu.memory_space<hbm>> -> memref<384x128xf32, #tpu.memory_space<hbm>>
        %dma_wait3A_665 = arith.constant 0 : i32
        %dma_wait3A_666 = tpu.memref_slice %arg5[%add3A_545, %dma_wait3A_665] : memref<100000x128xf32, #tpu.memory_space<hbm>> -> memref<384x128xf32, #tpu.memory_space<hbm>>
        %dma_wait3A_667 = arith.constant 0 : i32
        %dma_wait3A_668 = arith.constant 0 : i32
        %dma_wait3A_669 = tpu.memref_slice %arg7[%dma_wait3A_667, %dma_wait3A_668] : memref<384x128xf32, #tpu.memory_space<vmem>> -> memref<384x128xf32, #tpu.memory_space<vmem>>
        tpu.wait_dma2 semaphore(%run_scoped3A : memref<!tpu.dma_semaphore, #tpu.memory_space<semaphore_mem>>) src(%dma_wait3A_669 : memref<384x128xf32, #tpu.memory_space<vmem>>) dst(%dma_wait3A_666 : memref<384x128xf32, #tpu.memory_space<hbm>>)
        tpu.yield
      }) : () -> ()
      %dma_wait3A_546 = arith.constant 0 : i32
      %dma_wait3A_547 = arith.constant 0 : i32
      %dma_wait3A_548 = tpu.memref_slice %arg8[%dma_wait3A_546, %dma_wait3A_547] : memref<384x128xf32, #tpu.memory_space<vmem>> -> memref<384x128xf32, #tpu.memory_space<vmem>>
      %dma_wait3A_549 = arith.constant 0 : i32
      %dma_wait3A_550 = tpu.memref_slice %arg2[%add3A_509, %dma_wait3A_549] : memref<100000x128xf32, #tpu.memory_space<hbm>> -> memref<384x128xf32, #tpu.memory_space<hbm>>
      %dma_wait3A_551 = arith.constant 0 : i32
      %dma_wait3A_552 = arith.constant 0 : i32
      %dma_wait3A_553 = tpu.memref_slice %arg8[%dma_wait3A_551, %dma_wait3A_552] : memref<384x128xf32, #tpu.memory_space<vmem>> -> memref<384x128xf32, #tpu.memory_space<vmem>>
      %dma_wait3A_554 = arith.constant 0 : i32
      %dma_wait3A_555 = tpu.memref_slice %arg2[%add3A_509, %dma_wait3A_554] : memref<100000x128xf32, #tpu.memory_space<hbm>> -> memref<384x128xf32, #tpu.memory_space<hbm>>
      tpu.wait_dma2 semaphore(%arg10 : memref<!tpu.dma_semaphore, #tpu.memory_space<semaphore_mem>>) src(%dma_wait3A_555 : memref<384x128xf32, #tpu.memory_space<hbm>>) dst(%dma_wait3A_553 : memref<384x128xf32, #tpu.memory_space<vmem>>)
      %dma_start3A_556 = arith.constant 0 : i32
      %dma_start3A_557 = arith.constant 0 : i32
      %dma_start3A_558 = tpu.memref_slice %arg8[%dma_start3A_556, %dma_start3A_557] : memref<384x128xf32, #tpu.memory_space<vmem>> -> memref<128x128xf32, #tpu.memory_space<vmem>>
      %dma_start3A_559 = arith.constant 2688 : i32
      %dma_start3A_560 = tpu.memref_slice %arg6[%dma_start3A_559] : memref<3456xi32, #tpu.memory_space<vmem>> -> memref<128xi32, #tpu.memory_space<vmem>>
      %dma_start3A_561 = arith.constant 0 : i32
      %dma_start3A_562 = arith.constant 0 : i32
      %dma_start3A_563 = tpu.memref_slice %arg4[%dma_start3A_561, %dma_start3A_562] : memref<16384x128xf32, #tpu.memory_space<hbm>> -> memref<16384x128xf32, #tpu.memory_space<hbm>>
      %dma_start3A_564 = arith.constant -1 : i32
      tpu.enqueue_indirect_dma source(%dma_start3A_563 : memref<16384x128xf32, #tpu.memory_space<hbm>>) target(%dma_start3A_558 : memref<128x128xf32, #tpu.memory_space<vmem>>) offsets(%dma_start3A_560 : memref<128xi32, #tpu.memory_space<vmem>>) offset_filter(%dma_start3A_564) semaphore(%arg12 : memref<!tpu.dma_semaphore, #tpu.memory_space<semaphore_mem>>)
      %dma_start3A_565 = arith.constant 128 : i32
      %dma_start3A_566 = arith.constant 0 : i32
      %dma_start3A_567 = tpu.memref_slice %arg8[%dma_start3A_565, %dma_start3A_566] : memref<384x128xf32, #tpu.memory_space<vmem>> -> memref<128x128xf32, #tpu.memory_space<vmem>>
      %dma_start3A_568 = arith.constant 2816 : i32
      %dma_start3A_569 = tpu.memref_slice %arg6[%dma_start3A_568] : memref<3456xi32, #tpu.memory_space<vmem>> -> memref<128xi32, #tpu.memory_space<vmem>>
      %dma_start3A_570 = arith.constant 0 : i32
      %dma_start3A_571 = arith.constant 0 : i32
      %dma_start3A_572 = tpu.memref_slice %arg4[%dma_start3A_570, %dma_start3A_571] : memref<16384x128xf32, #tpu.memory_space<hbm>> -> memref<16384x128xf32, #tpu.memory_space<hbm>>
      %dma_start3A_573 = arith.constant -1 : i32
      tpu.enqueue_indirect_dma source(%dma_start3A_572 : memref<16384x128xf32, #tpu.memory_space<hbm>>) target(%dma_start3A_567 : memref<128x128xf32, #tpu.memory_space<vmem>>) offsets(%dma_start3A_569 : memref<128xi32, #tpu.memory_space<vmem>>) offset_filter(%dma_start3A_573) semaphore(%arg12 : memref<!tpu.dma_semaphore, #tpu.memory_space<semaphore_mem>>)
      %dma_start3A_574 = arith.constant 256 : i32
      %dma_start3A_575 = arith.constant 0 : i32
      %dma_start3A_576 = tpu.memref_slice %arg8[%dma_start3A_574, %dma_start3A_575] : memref<384x128xf32, #tpu.memory_space<vmem>> -> memref<128x128xf32, #tpu.memory_space<vmem>>
      %dma_start3A_577 = arith.constant 2944 : i32
      %dma_start3A_578 = tpu.memref_slice %arg6[%dma_start3A_577] : memref<3456xi32, #tpu.memory_space<vmem>> -> memref<128xi32, #tpu.memory_space<vmem>>
      %dma_start3A_579 = arith.constant 0 : i32
      %dma_start3A_580 = arith.constant 0 : i32
      %dma_start3A_581 = tpu.memref_slice %arg4[%dma_start3A_579, %dma_start3A_580] : memref<16384x128xf32, #tpu.memory_space<hbm>> -> memref<16384x128xf32, #tpu.memory_space<hbm>>
      %dma_start3A_582 = arith.constant -1 : i32
      tpu.enqueue_indirect_dma source(%dma_start3A_581 : memref<16384x128xf32, #tpu.memory_space<hbm>>) target(%dma_start3A_576 : memref<128x128xf32, #tpu.memory_space<vmem>>) offsets(%dma_start3A_578 : memref<128xi32, #tpu.memory_space<vmem>>) offset_filter(%dma_start3A_582) semaphore(%arg12 : memref<!tpu.dma_semaphore, #tpu.memory_space<semaphore_mem>>)
      %add3A_583 = arith.constant 3072 : i32
      %add3A_584 = arith.addi %mul3A_2, %add3A_583 : i32
      %dma_start3A_585 = arith.constant 0 : i32
      %dma_start3A_586 = arith.constant 0 : i32
      %dma_start3A_587 = tpu.memref_slice %arg7[%dma_start3A_585, %dma_start3A_586] : memref<384x128xf32, #tpu.memory_space<vmem>> -> memref<56x128xf32, #tpu.memory_space<vmem>>
      %dma_start3A_588 = arith.constant 0 : i32
      %dma_start3A_589 = tpu.memref_slice %arg2[%add3A_584, %dma_start3A_588] : memref<100000x128xf32, #tpu.memory_space<hbm>> -> memref<56x128xf32, #tpu.memory_space<hbm>>
      %dma_start3A_590 = arith.constant 0 : i32
      %dma_start3A_591 = arith.constant 0 : i32
      %dma_start3A_592 = tpu.memref_slice %arg7[%dma_start3A_590, %dma_start3A_591] : memref<384x128xf32, #tpu.memory_space<vmem>> -> memref<56x128xf32, #tpu.memory_space<vmem>>
      %dma_start3A_593 = arith.constant 0 : i32
      %dma_start3A_594 = tpu.memref_slice %arg2[%add3A_584, %dma_start3A_593] : memref<100000x128xf32, #tpu.memory_space<hbm>> -> memref<56x128xf32, #tpu.memory_space<hbm>>
      tpu.enqueue_dma source(%dma_start3A_594 : memref<56x128xf32, #tpu.memory_space<hbm>>) target(%dma_start3A_592 : memref<56x128xf32, #tpu.memory_space<vmem>>) target_semaphore(%arg9 : memref<!tpu.dma_semaphore, #tpu.memory_space<semaphore_mem>>)
      %dma_wait3A_595 = arith.constant 0 : i32
      %dma_wait3A_596 = arith.constant 0 : i32
      %dma_wait3A_597 = tpu.memref_slice %arg8[%dma_wait3A_595, %dma_wait3A_596] : memref<384x128xf32, #tpu.memory_space<vmem>> -> memref<128x128xf32, #tpu.memory_space<vmem>>
      %dma_wait3A_598 = arith.constant 2688 : i32
      %dma_wait3A_599 = tpu.memref_slice %arg6[%dma_wait3A_598] : memref<3456xi32, #tpu.memory_space<vmem>> -> memref<128xi32, #tpu.memory_space<vmem>>
      %dma_wait3A_600 = arith.constant 0 : i32
      %dma_wait3A_601 = arith.constant 0 : i32
      %dma_wait3A_602 = tpu.memref_slice %arg4[%dma_wait3A_600, %dma_wait3A_601] : memref<16384x128xf32, #tpu.memory_space<hbm>> -> memref<16384x128xf32, #tpu.memory_space<hbm>>
      tpu.wait_indirect_dma semaphore(%arg12 : memref<!tpu.dma_semaphore, #tpu.memory_space<semaphore_mem>>) src(%dma_wait3A_602 : memref<16384x128xf32, #tpu.memory_space<hbm>>) dst(%dma_wait3A_597 : memref<128x128xf32, #tpu.memory_space<vmem>>)
      %dma_wait3A_603 = arith.constant 128 : i32
      %dma_wait3A_604 = arith.constant 0 : i32
      %dma_wait3A_605 = tpu.memref_slice %arg8[%dma_wait3A_603, %dma_wait3A_604] : memref<384x128xf32, #tpu.memory_space<vmem>> -> memref<128x128xf32, #tpu.memory_space<vmem>>
      %dma_wait3A_606 = arith.constant 2816 : i32
      %dma_wait3A_607 = tpu.memref_slice %arg6[%dma_wait3A_606] : memref<3456xi32, #tpu.memory_space<vmem>> -> memref<128xi32, #tpu.memory_space<vmem>>
      %dma_wait3A_608 = arith.constant 0 : i32
      %dma_wait3A_609 = arith.constant 0 : i32
      %dma_wait3A_610 = tpu.memref_slice %arg4[%dma_wait3A_608, %dma_wait3A_609] : memref<16384x128xf32, #tpu.memory_space<hbm>> -> memref<16384x128xf32, #tpu.memory_space<hbm>>
      tpu.wait_indirect_dma semaphore(%arg12 : memref<!tpu.dma_semaphore, #tpu.memory_space<semaphore_mem>>) src(%dma_wait3A_610 : memref<16384x128xf32, #tpu.memory_space<hbm>>) dst(%dma_wait3A_605 : memref<128x128xf32, #tpu.memory_space<vmem>>)
      %dma_wait3A_611 = arith.constant 256 : i32
      %dma_wait3A_612 = arith.constant 0 : i32
      %dma_wait3A_613 = tpu.memref_slice %arg8[%dma_wait3A_611, %dma_wait3A_612] : memref<384x128xf32, #tpu.memory_space<vmem>> -> memref<128x128xf32, #tpu.memory_space<vmem>>
      %dma_wait3A_614 = arith.constant 2944 : i32
      %dma_wait3A_615 = tpu.memref_slice %arg6[%dma_wait3A_614] : memref<3456xi32, #tpu.memory_space<vmem>> -> memref<128xi32, #tpu.memory_space<vmem>>
      %dma_wait3A_616 = arith.constant 0 : i32
      %dma_wait3A_617 = arith.constant 0 : i32
      %dma_wait3A_618 = tpu.memref_slice %arg4[%dma_wait3A_616, %dma_wait3A_617] : memref<16384x128xf32, #tpu.memory_space<hbm>> -> memref<16384x128xf32, #tpu.memory_space<hbm>>
      tpu.wait_indirect_dma semaphore(%arg12 : memref<!tpu.dma_semaphore, #tpu.memory_space<semaphore_mem>>) src(%dma_wait3A_618 : memref<16384x128xf32, #tpu.memory_space<hbm>>) dst(%dma_wait3A_613 : memref<128x128xf32, #tpu.memory_space<vmem>>)
      %add3A_619 = arith.constant 2688 : i32
      %add3A_620 = arith.addi %mul3A_2, %add3A_619 : i32
      "tpu.region"() ({
        %run_scoped3A = tpu.sem_alloc : memref<!tpu.dma_semaphore, #tpu.memory_space<semaphore_mem>>
        %dma_start3A_650 = arith.constant 0 : i32
        %dma_start3A_651 = arith.constant 0 : i32
        %dma_start3A_652 = tpu.memref_slice %arg8[%dma_start3A_650, %dma_start3A_651] : memref<384x128xf32, #tpu.memory_space<vmem>> -> memref<384x128xf32, #tpu.memory_space<vmem>>
        %dma_start3A_653 = arith.constant 0 : i32
        %dma_start3A_654 = tpu.memref_slice %arg5[%add3A_620, %dma_start3A_653] : memref<100000x128xf32, #tpu.memory_space<hbm>> -> memref<384x128xf32, #tpu.memory_space<hbm>>
        %dma_start3A_655 = arith.constant 0 : i32
        %dma_start3A_656 = tpu.memref_slice %arg5[%add3A_620, %dma_start3A_655] : memref<100000x128xf32, #tpu.memory_space<hbm>> -> memref<384x128xf32, #tpu.memory_space<hbm>>
        %dma_start3A_657 = arith.constant 0 : i32
        %dma_start3A_658 = arith.constant 0 : i32
        %dma_start3A_659 = tpu.memref_slice %arg8[%dma_start3A_657, %dma_start3A_658] : memref<384x128xf32, #tpu.memory_space<vmem>> -> memref<384x128xf32, #tpu.memory_space<vmem>>
        tpu.enqueue_dma source(%dma_start3A_659 : memref<384x128xf32, #tpu.memory_space<vmem>>) target(%dma_start3A_656 : memref<384x128xf32, #tpu.memory_space<hbm>>) target_semaphore(%run_scoped3A : memref<!tpu.dma_semaphore, #tpu.memory_space<semaphore_mem>>)
        %dma_wait3A_660 = arith.constant 0 : i32
        %dma_wait3A_661 = arith.constant 0 : i32
        %dma_wait3A_662 = tpu.memref_slice %arg8[%dma_wait3A_660, %dma_wait3A_661] : memref<384x128xf32, #tpu.memory_space<vmem>> -> memref<384x128xf32, #tpu.memory_space<vmem>>
        %dma_wait3A_663 = arith.constant 0 : i32
        %dma_wait3A_664 = tpu.memref_slice %arg5[%add3A_620, %dma_wait3A_663] : memref<100000x128xf32, #tpu.memory_space<hbm>> -> memref<384x128xf32, #tpu.memory_space<hbm>>
        %dma_wait3A_665 = arith.constant 0 : i32
        %dma_wait3A_666 = tpu.memref_slice %arg5[%add3A_620, %dma_wait3A_665] : memref<100000x128xf32, #tpu.memory_space<hbm>> -> memref<384x128xf32, #tpu.memory_space<hbm>>
        %dma_wait3A_667 = arith.constant 0 : i32
        %dma_wait3A_668 = arith.constant 0 : i32
        %dma_wait3A_669 = tpu.memref_slice %arg8[%dma_wait3A_667, %dma_wait3A_668] : memref<384x128xf32, #tpu.memory_space<vmem>> -> memref<384x128xf32, #tpu.memory_space<vmem>>
        tpu.wait_dma2 semaphore(%run_scoped3A : memref<!tpu.dma_semaphore, #tpu.memory_space<semaphore_mem>>) src(%dma_wait3A_669 : memref<384x128xf32, #tpu.memory_space<vmem>>) dst(%dma_wait3A_666 : memref<384x128xf32, #tpu.memory_space<hbm>>)
        tpu.yield
      }) : () -> ()
      %dma_wait3A_621 = arith.constant 0 : i32
      %dma_wait3A_622 = arith.constant 0 : i32
      %dma_wait3A_623 = tpu.memref_slice %arg7[%dma_wait3A_621, %dma_wait3A_622] : memref<384x128xf32, #tpu.memory_space<vmem>> -> memref<56x128xf32, #tpu.memory_space<vmem>>
      %dma_wait3A_624 = arith.constant 0 : i32
      %dma_wait3A_625 = tpu.memref_slice %arg2[%add3A_584, %dma_wait3A_624] : memref<100000x128xf32, #tpu.memory_space<hbm>> -> memref<56x128xf32, #tpu.memory_space<hbm>>
      %dma_wait3A_626 = arith.constant 0 : i32
      %dma_wait3A_627 = arith.constant 0 : i32
      %dma_wait3A_628 = tpu.memref_slice %arg7[%dma_wait3A_626, %dma_wait3A_627] : memref<384x128xf32, #tpu.memory_space<vmem>> -> memref<56x128xf32, #tpu.memory_space<vmem>>
      %dma_wait3A_629 = arith.constant 0 : i32
      %dma_wait3A_630 = tpu.memref_slice %arg2[%add3A_584, %dma_wait3A_629] : memref<100000x128xf32, #tpu.memory_space<hbm>> -> memref<56x128xf32, #tpu.memory_space<hbm>>
      tpu.wait_dma2 semaphore(%arg9 : memref<!tpu.dma_semaphore, #tpu.memory_space<semaphore_mem>>) src(%dma_wait3A_630 : memref<56x128xf32, #tpu.memory_space<hbm>>) dst(%dma_wait3A_628 : memref<56x128xf32, #tpu.memory_space<vmem>>)
      %dma_start3A_631 = arith.constant 0 : i32
      %dma_start3A_632 = arith.constant 0 : i32
      %dma_start3A_633 = tpu.memref_slice %arg7[%dma_start3A_631, %dma_start3A_632] : memref<384x128xf32, #tpu.memory_space<vmem>> -> memref<56x128xf32, #tpu.memory_space<vmem>>
      %dma_start3A_634 = arith.constant 3072 : i32
      %dma_start3A_635 = tpu.memref_slice %arg6[%dma_start3A_634] : memref<3456xi32, #tpu.memory_space<vmem>> -> memref<56xi32, #tpu.memory_space<vmem>>
      %dma_start3A_636 = arith.constant 0 : i32
      %dma_start3A_637 = arith.constant 0 : i32
      %dma_start3A_638 = tpu.memref_slice %arg4[%dma_start3A_636, %dma_start3A_637] : memref<16384x128xf32, #tpu.memory_space<hbm>> -> memref<16384x128xf32, #tpu.memory_space<hbm>>
      %dma_start3A_639 = arith.constant -1 : i32
      tpu.enqueue_indirect_dma source(%dma_start3A_638 : memref<16384x128xf32, #tpu.memory_space<hbm>>) target(%dma_start3A_633 : memref<56x128xf32, #tpu.memory_space<vmem>>) offsets(%dma_start3A_635 : memref<56xi32, #tpu.memory_space<vmem>>) offset_filter(%dma_start3A_639) semaphore(%arg11 : memref<!tpu.dma_semaphore, #tpu.memory_space<semaphore_mem>>)
      %dma_wait3A_640 = arith.constant 0 : i32
      %dma_wait3A_641 = arith.constant 0 : i32
      %dma_wait3A_642 = tpu.memref_slice %arg7[%dma_wait3A_640, %dma_wait3A_641] : memref<384x128xf32, #tpu.memory_space<vmem>> -> memref<56x128xf32, #tpu.memory_space<vmem>>
      %dma_wait3A_643 = arith.constant 3072 : i32
      %dma_wait3A_644 = tpu.memref_slice %arg6[%dma_wait3A_643] : memref<3456xi32, #tpu.memory_space<vmem>> -> memref<56xi32, #tpu.memory_space<vmem>>
      %dma_wait3A_645 = arith.constant 0 : i32
      %dma_wait3A_646 = arith.constant 0 : i32
      %dma_wait3A_647 = tpu.memref_slice %arg4[%dma_wait3A_645, %dma_wait3A_646] : memref<16384x128xf32, #tpu.memory_space<hbm>> -> memref<16384x128xf32, #tpu.memory_space<hbm>>
      tpu.wait_indirect_dma semaphore(%arg11 : memref<!tpu.dma_semaphore, #tpu.memory_space<semaphore_mem>>) src(%dma_wait3A_647 : memref<16384x128xf32, #tpu.memory_space<hbm>>) dst(%dma_wait3A_642 : memref<56x128xf32, #tpu.memory_space<vmem>>)
      %add3A_648 = arith.constant 3072 : i32
      %add3A_649 = arith.addi %mul3A_2, %add3A_648 : i32
      "tpu.region"() ({
        %run_scoped3A = tpu.sem_alloc : memref<!tpu.dma_semaphore, #tpu.memory_space<semaphore_mem>>
        %dma_start3A_650 = arith.constant 0 : i32
        %dma_start3A_651 = arith.constant 0 : i32
        %dma_start3A_652 = tpu.memref_slice %arg7[%dma_start3A_650, %dma_start3A_651] : memref<384x128xf32, #tpu.memory_space<vmem>> -> memref<56x128xf32, #tpu.memory_space<vmem>>
        %dma_start3A_653 = arith.constant 0 : i32
        %dma_start3A_654 = tpu.memref_slice %arg5[%add3A_649, %dma_start3A_653] : memref<100000x128xf32, #tpu.memory_space<hbm>> -> memref<56x128xf32, #tpu.memory_space<hbm>>
        %dma_start3A_655 = arith.constant 0 : i32
        %dma_start3A_656 = tpu.memref_slice %arg5[%add3A_649, %dma_start3A_655] : memref<100000x128xf32, #tpu.memory_space<hbm>> -> memref<56x128xf32, #tpu.memory_space<hbm>>
        %dma_start3A_657 = arith.constant 0 : i32
        %dma_start3A_658 = arith.constant 0 : i32
        %dma_start3A_659 = tpu.memref_slice %arg7[%dma_start3A_657, %dma_start3A_658] : memref<384x128xf32, #tpu.memory_space<vmem>> -> memref<56x128xf32, #tpu.memory_space<vmem>>
        tpu.enqueue_dma source(%dma_start3A_659 : memref<56x128xf32, #tpu.memory_space<vmem>>) target(%dma_start3A_656 : memref<56x128xf32, #tpu.memory_space<hbm>>) target_semaphore(%run_scoped3A : memref<!tpu.dma_semaphore, #tpu.memory_space<semaphore_mem>>)
        %dma_wait3A_660 = arith.constant 0 : i32
        %dma_wait3A_661 = arith.constant 0 : i32
        %dma_wait3A_662 = tpu.memref_slice %arg7[%dma_wait3A_660, %dma_wait3A_661] : memref<384x128xf32, #tpu.memory_space<vmem>> -> memref<56x128xf32, #tpu.memory_space<vmem>>
        %dma_wait3A_663 = arith.constant 0 : i32
        %dma_wait3A_664 = tpu.memref_slice %arg5[%add3A_649, %dma_wait3A_663] : memref<100000x128xf32, #tpu.memory_space<hbm>> -> memref<56x128xf32, #tpu.memory_space<hbm>>
        %dma_wait3A_665 = arith.constant 0 : i32
        %dma_wait3A_666 = tpu.memref_slice %arg5[%add3A_649, %dma_wait3A_665] : memref<100000x128xf32, #tpu.memory_space<hbm>> -> memref<56x128xf32, #tpu.memory_space<hbm>>
        %dma_wait3A_667 = arith.constant 0 : i32
        %dma_wait3A_668 = arith.constant 0 : i32
        %dma_wait3A_669 = tpu.memref_slice %arg7[%dma_wait3A_667, %dma_wait3A_668] : memref<384x128xf32, #tpu.memory_space<vmem>> -> memref<56x128xf32, #tpu.memory_space<vmem>>
        tpu.wait_dma2 semaphore(%run_scoped3A : memref<!tpu.dma_semaphore, #tpu.memory_space<semaphore_mem>>) src(%dma_wait3A_669 : memref<56x128xf32, #tpu.memory_space<vmem>>) dst(%dma_wait3A_666 : memref<56x128xf32, #tpu.memory_space<hbm>>)
        tpu.yield
      }) : () -> ()
    } else {
    }
    %convert_element_type3A_8 = arith.extui %eq3A_3 : i1 to i32
    %cond3A_9 = arith.constant 0 : i32
    %cond3A_10 = arith.cmpi ne, %convert_element_type3A_8, %cond3A_9 : i32
    scf.if %cond3A_10 {
      %add3A_11 = arith.constant 0 : i32
      %add3A_12 = arith.addi %mul3A_2, %add3A_11 : i32
      %dma_start3A = arith.constant 0 : i32
      %dma_start3A_13 = arith.constant 0 : i32
      %dma_start3A_14 = tpu.memref_slice %arg7[%dma_start3A, %dma_start3A_13] : memref<384x128xf32, #tpu.memory_space<vmem>> -> memref<384x128xf32, #tpu.memory_space<vmem>>
      %dma_start3A_15 = arith.constant 0 : i32
      %dma_start3A_16 = tpu.memref_slice %arg2[%add3A_12, %dma_start3A_15] : memref<100000x128xf32, #tpu.memory_space<hbm>> -> memref<384x128xf32, #tpu.memory_space<hbm>>
      %dma_start3A_17 = arith.constant 0 : i32
      %dma_start3A_18 = arith.constant 0 : i32
      %dma_start3A_19 = tpu.memref_slice %arg7[%dma_start3A_17, %dma_start3A_18] : memref<384x128xf32, #tpu.memory_space<vmem>> -> memref<384x128xf32, #tpu.memory_space<vmem>>
      %dma_start3A_20 = arith.constant 0 : i32
      %dma_start3A_21 = tpu.memref_slice %arg2[%add3A_12, %dma_start3A_20] : memref<100000x128xf32, #tpu.memory_space<hbm>> -> memref<384x128xf32, #tpu.memory_space<hbm>>
      tpu.enqueue_dma source(%dma_start3A_21 : memref<384x128xf32, #tpu.memory_space<hbm>>) target(%dma_start3A_19 : memref<384x128xf32, #tpu.memory_space<vmem>>) target_semaphore(%arg9 : memref<!tpu.dma_semaphore, #tpu.memory_space<semaphore_mem>>)
      %dma_wait3A = arith.constant 0 : i32
      %dma_wait3A_22 = arith.constant 0 : i32
      %dma_wait3A_23 = tpu.memref_slice %arg7[%dma_wait3A, %dma_wait3A_22] : memref<384x128xf32, #tpu.memory_space<vmem>> -> memref<384x128xf32, #tpu.memory_space<vmem>>
      %dma_wait3A_24 = arith.constant 0 : i32
      %dma_wait3A_25 = tpu.memref_slice %arg2[%add3A_12, %dma_wait3A_24] : memref<100000x128xf32, #tpu.memory_space<hbm>> -> memref<384x128xf32, #tpu.memory_space<hbm>>
      %dma_wait3A_26 = arith.constant 0 : i32
      %dma_wait3A_27 = arith.constant 0 : i32
      %dma_wait3A_28 = tpu.memref_slice %arg7[%dma_wait3A_26, %dma_wait3A_27] : memref<384x128xf32, #tpu.memory_space<vmem>> -> memref<384x128xf32, #tpu.memory_space<vmem>>
      %dma_wait3A_29 = arith.constant 0 : i32
      %dma_wait3A_30 = tpu.memref_slice %arg2[%add3A_12, %dma_wait3A_29] : memref<100000x128xf32, #tpu.memory_space<hbm>> -> memref<384x128xf32, #tpu.memory_space<hbm>>
      tpu.wait_dma2 semaphore(%arg9 : memref<!tpu.dma_semaphore, #tpu.memory_space<semaphore_mem>>) src(%dma_wait3A_30 : memref<384x128xf32, #tpu.memory_space<hbm>>) dst(%dma_wait3A_28 : memref<384x128xf32, #tpu.memory_space<vmem>>)
      %dma_start3A_31 = arith.constant 0 : i32
      %dma_start3A_32 = arith.constant 0 : i32
      %dma_start3A_33 = tpu.memref_slice %arg7[%dma_start3A_31, %dma_start3A_32] : memref<384x128xf32, #tpu.memory_space<vmem>> -> memref<128x128xf32, #tpu.memory_space<vmem>>
      %dma_start3A_34 = arith.constant 0 : i32
      %dma_start3A_35 = tpu.memref_slice %arg6[%dma_start3A_34] : memref<3456xi32, #tpu.memory_space<vmem>> -> memref<128xi32, #tpu.memory_space<vmem>>
      %dma_start3A_36 = arith.constant 0 : i32
      %dma_start3A_37 = arith.constant 0 : i32
      %dma_start3A_38 = tpu.memref_slice %arg4[%dma_start3A_36, %dma_start3A_37] : memref<16384x128xf32, #tpu.memory_space<hbm>> -> memref<16384x128xf32, #tpu.memory_space<hbm>>
      %dma_start3A_39 = arith.constant -1 : i32
      tpu.enqueue_indirect_dma source(%dma_start3A_38 : memref<16384x128xf32, #tpu.memory_space<hbm>>) target(%dma_start3A_33 : memref<128x128xf32, #tpu.memory_space<vmem>>) offsets(%dma_start3A_35 : memref<128xi32, #tpu.memory_space<vmem>>) offset_filter(%dma_start3A_39) semaphore(%arg11 : memref<!tpu.dma_semaphore, #tpu.memory_space<semaphore_mem>>)
      %dma_start3A_40 = arith.constant 128 : i32
      %dma_start3A_41 = arith.constant 0 : i32
      %dma_start3A_42 = tpu.memref_slice %arg7[%dma_start3A_40, %dma_start3A_41] : memref<384x128xf32, #tpu.memory_space<vmem>> -> memref<128x128xf32, #tpu.memory_space<vmem>>
      %dma_start3A_43 = arith.constant 128 : i32
      %dma_start3A_44 = tpu.memref_slice %arg6[%dma_start3A_43] : memref<3456xi32, #tpu.memory_space<vmem>> -> memref<128xi32, #tpu.memory_space<vmem>>
      %dma_start3A_45 = arith.constant 0 : i32
      %dma_start3A_46 = arith.constant 0 : i32
      %dma_start3A_47 = tpu.memref_slice %arg4[%dma_start3A_45, %dma_start3A_46] : memref<16384x128xf32, #tpu.memory_space<hbm>> -> memref<16384x128xf32, #tpu.memory_space<hbm>>
      %dma_start3A_48 = arith.constant -1 : i32
      tpu.enqueue_indirect_dma source(%dma_start3A_47 : memref<16384x128xf32, #tpu.memory_space<hbm>>) target(%dma_start3A_42 : memref<128x128xf32, #tpu.memory_space<vmem>>) offsets(%dma_start3A_44 : memref<128xi32, #tpu.memory_space<vmem>>) offset_filter(%dma_start3A_48) semaphore(%arg11 : memref<!tpu.dma_semaphore, #tpu.memory_space<semaphore_mem>>)
      %dma_start3A_49 = arith.constant 256 : i32
      %dma_start3A_50 = arith.constant 0 : i32
      %dma_start3A_51 = tpu.memref_slice %arg7[%dma_start3A_49, %dma_start3A_50] : memref<384x128xf32, #tpu.memory_space<vmem>> -> memref<128x128xf32, #tpu.memory_space<vmem>>
      %dma_start3A_52 = arith.constant 256 : i32
      %dma_start3A_53 = tpu.memref_slice %arg6[%dma_start3A_52] : memref<3456xi32, #tpu.memory_space<vmem>> -> memref<128xi32, #tpu.memory_space<vmem>>
      %dma_start3A_54 = arith.constant 0 : i32
      %dma_start3A_55 = arith.constant 0 : i32
      %dma_start3A_56 = tpu.memref_slice %arg4[%dma_start3A_54, %dma_start3A_55] : memref<16384x128xf32, #tpu.memory_space<hbm>> -> memref<16384x128xf32, #tpu.memory_space<hbm>>
      %dma_start3A_57 = arith.constant -1 : i32
      tpu.enqueue_indirect_dma source(%dma_start3A_56 : memref<16384x128xf32, #tpu.memory_space<hbm>>) target(%dma_start3A_51 : memref<128x128xf32, #tpu.memory_space<vmem>>) offsets(%dma_start3A_53 : memref<128xi32, #tpu.memory_space<vmem>>) offset_filter(%dma_start3A_57) semaphore(%arg11 : memref<!tpu.dma_semaphore, #tpu.memory_space<semaphore_mem>>)
      %add3A_58 = arith.constant 384 : i32
      %add3A_59 = arith.addi %mul3A_2, %add3A_58 : i32
      %dma_start3A_60 = arith.constant 0 : i32
      %dma_start3A_61 = arith.constant 0 : i32
      %dma_start3A_62 = tpu.memref_slice %arg8[%dma_start3A_60, %dma_start3A_61] : memref<384x128xf32, #tpu.memory_space<vmem>> -> memref<384x128xf32, #tpu.memory_space<vmem>>
      %dma_start3A_63 = arith.constant 0 : i32
      %dma_start3A_64 = tpu.memref_slice %arg2[%add3A_59, %dma_start3A_63] : memref<100000x128xf32, #tpu.memory_space<hbm>> -> memref<384x128xf32, #tpu.memory_space<hbm>>
      %dma_start3A_65 = arith.constant 0 : i32
      %dma_start3A_66 = arith.constant 0 : i32
      %dma_start3A_67 = tpu.memref_slice %arg8[%dma_start3A_65, %dma_start3A_66] : memref<384x128xf32, #tpu.memory_space<vmem>> -> memref<384x128xf32, #tpu.memory_space<vmem>>
      %dma_start3A_68 = arith.constant 0 : i32
      %dma_start3A_69 = tpu.memref_slice %arg2[%add3A_59, %dma_start3A_68] : memref<100000x128xf32, #tpu.memory_space<hbm>> -> memref<384x128xf32, #tpu.memory_space<hbm>>
      tpu.enqueue_dma source(%dma_start3A_69 : memref<384x128xf32, #tpu.memory_space<hbm>>) target(%dma_start3A_67 : memref<384x128xf32, #tpu.memory_space<vmem>>) target_semaphore(%arg10 : memref<!tpu.dma_semaphore, #tpu.memory_space<semaphore_mem>>)
      %dma_wait3A_70 = arith.constant 0 : i32
      %dma_wait3A_71 = arith.constant 0 : i32
      %dma_wait3A_72 = tpu.memref_slice %arg7[%dma_wait3A_70, %dma_wait3A_71] : memref<384x128xf32, #tpu.memory_space<vmem>> -> memref<128x128xf32, #tpu.memory_space<vmem>>
      %dma_wait3A_73 = arith.constant 0 : i32
      %dma_wait3A_74 = tpu.memref_slice %arg6[%dma_wait3A_73] : memref<3456xi32, #tpu.memory_space<vmem>> -> memref<128xi32, #tpu.memory_space<vmem>>
      %dma_wait3A_75 = arith.constant 0 : i32
      %dma_wait3A_76 = arith.constant 0 : i32
      %dma_wait3A_77 = tpu.memref_slice %arg4[%dma_wait3A_75, %dma_wait3A_76] : memref<16384x128xf32, #tpu.memory_space<hbm>> -> memref<16384x128xf32, #tpu.memory_space<hbm>>
      tpu.wait_indirect_dma semaphore(%arg11 : memref<!tpu.dma_semaphore, #tpu.memory_space<semaphore_mem>>) src(%dma_wait3A_77 : memref<16384x128xf32, #tpu.memory_space<hbm>>) dst(%dma_wait3A_72 : memref<128x128xf32, #tpu.memory_space<vmem>>)
      %dma_wait3A_78 = arith.constant 128 : i32
      %dma_wait3A_79 = arith.constant 0 : i32
      %dma_wait3A_80 = tpu.memref_slice %arg7[%dma_wait3A_78, %dma_wait3A_79] : memref<384x128xf32, #tpu.memory_space<vmem>> -> memref<128x128xf32, #tpu.memory_space<vmem>>
      %dma_wait3A_81 = arith.constant 128 : i32
      %dma_wait3A_82 = tpu.memref_slice %arg6[%dma_wait3A_81] : memref<3456xi32, #tpu.memory_space<vmem>> -> memref<128xi32, #tpu.memory_space<vmem>>
      %dma_wait3A_83 = arith.constant 0 : i32
      %dma_wait3A_84 = arith.constant 0 : i32
      %dma_wait3A_85 = tpu.memref_slice %arg4[%dma_wait3A_83, %dma_wait3A_84] : memref<16384x128xf32, #tpu.memory_space<hbm>> -> memref<16384x128xf32, #tpu.memory_space<hbm>>
      tpu.wait_indirect_dma semaphore(%arg11 : memref<!tpu.dma_semaphore, #tpu.memory_space<semaphore_mem>>) src(%dma_wait3A_85 : memref<16384x128xf32, #tpu.memory_space<hbm>>) dst(%dma_wait3A_80 : memref<128x128xf32, #tpu.memory_space<vmem>>)
      %dma_wait3A_86 = arith.constant 256 : i32
      %dma_wait3A_87 = arith.constant 0 : i32
      %dma_wait3A_88 = tpu.memref_slice %arg7[%dma_wait3A_86, %dma_wait3A_87] : memref<384x128xf32, #tpu.memory_space<vmem>> -> memref<128x128xf32, #tpu.memory_space<vmem>>
      %dma_wait3A_89 = arith.constant 256 : i32
      %dma_wait3A_90 = tpu.memref_slice %arg6[%dma_wait3A_89] : memref<3456xi32, #tpu.memory_space<vmem>> -> memref<128xi32, #tpu.memory_space<vmem>>
      %dma_wait3A_91 = arith.constant 0 : i32
      %dma_wait3A_92 = arith.constant 0 : i32
      %dma_wait3A_93 = tpu.memref_slice %arg4[%dma_wait3A_91, %dma_wait3A_92] : memref<16384x128xf32, #tpu.memory_space<hbm>> -> memref<16384x128xf32, #tpu.memory_space<hbm>>
      tpu.wait_indirect_dma semaphore(%arg11 : memref<!tpu.dma_semaphore, #tpu.memory_space<semaphore_mem>>) src(%dma_wait3A_93 : memref<16384x128xf32, #tpu.memory_space<hbm>>) dst(%dma_wait3A_88 : memref<128x128xf32, #tpu.memory_space<vmem>>)
      %add3A_94 = arith.constant 0 : i32
      %add3A_95 = arith.addi %mul3A_2, %add3A_94 : i32
      "tpu.region"() ({
        %run_scoped3A = tpu.sem_alloc : memref<!tpu.dma_semaphore, #tpu.memory_space<semaphore_mem>>
        %dma_start3A_609 = arith.constant 0 : i32
        %dma_start3A_610 = arith.constant 0 : i32
        %dma_start3A_611 = tpu.memref_slice %arg7[%dma_start3A_609, %dma_start3A_610] : memref<384x128xf32, #tpu.memory_space<vmem>> -> memref<384x128xf32, #tpu.memory_space<vmem>>
        %dma_start3A_612 = arith.constant 0 : i32
        %dma_start3A_613 = tpu.memref_slice %arg5[%add3A_95, %dma_start3A_612] : memref<100000x128xf32, #tpu.memory_space<hbm>> -> memref<384x128xf32, #tpu.memory_space<hbm>>
        %dma_start3A_614 = arith.constant 0 : i32
        %dma_start3A_615 = tpu.memref_slice %arg5[%add3A_95, %dma_start3A_614] : memref<100000x128xf32, #tpu.memory_space<hbm>> -> memref<384x128xf32, #tpu.memory_space<hbm>>
        %dma_start3A_616 = arith.constant 0 : i32
        %dma_start3A_617 = arith.constant 0 : i32
        %dma_start3A_618 = tpu.memref_slice %arg7[%dma_start3A_616, %dma_start3A_617] : memref<384x128xf32, #tpu.memory_space<vmem>> -> memref<384x128xf32, #tpu.memory_space<vmem>>
        tpu.enqueue_dma source(%dma_start3A_618 : memref<384x128xf32, #tpu.memory_space<vmem>>) target(%dma_start3A_615 : memref<384x128xf32, #tpu.memory_space<hbm>>) target_semaphore(%run_scoped3A : memref<!tpu.dma_semaphore, #tpu.memory_space<semaphore_mem>>)
        %dma_wait3A_619 = arith.constant 0 : i32
        %dma_wait3A_620 = arith.constant 0 : i32
        %dma_wait3A_621 = tpu.memref_slice %arg7[%dma_wait3A_619, %dma_wait3A_620] : memref<384x128xf32, #tpu.memory_space<vmem>> -> memref<384x128xf32, #tpu.memory_space<vmem>>
        %dma_wait3A_622 = arith.constant 0 : i32
        %dma_wait3A_623 = tpu.memref_slice %arg5[%add3A_95, %dma_wait3A_622] : memref<100000x128xf32, #tpu.memory_space<hbm>> -> memref<384x128xf32, #tpu.memory_space<hbm>>
        %dma_wait3A_624 = arith.constant 0 : i32
        %dma_wait3A_625 = tpu.memref_slice %arg5[%add3A_95, %dma_wait3A_624] : memref<100000x128xf32, #tpu.memory_space<hbm>> -> memref<384x128xf32, #tpu.memory_space<hbm>>
        %dma_wait3A_626 = arith.constant 0 : i32
        %dma_wait3A_627 = arith.constant 0 : i32
        %dma_wait3A_628 = tpu.memref_slice %arg7[%dma_wait3A_626, %dma_wait3A_627] : memref<384x128xf32, #tpu.memory_space<vmem>> -> memref<384x128xf32, #tpu.memory_space<vmem>>
        tpu.wait_dma2 semaphore(%run_scoped3A : memref<!tpu.dma_semaphore, #tpu.memory_space<semaphore_mem>>) src(%dma_wait3A_628 : memref<384x128xf32, #tpu.memory_space<vmem>>) dst(%dma_wait3A_625 : memref<384x128xf32, #tpu.memory_space<hbm>>)
        tpu.yield
      }) : () -> ()
      %dma_wait3A_96 = arith.constant 0 : i32
      %dma_wait3A_97 = arith.constant 0 : i32
      %dma_wait3A_98 = tpu.memref_slice %arg8[%dma_wait3A_96, %dma_wait3A_97] : memref<384x128xf32, #tpu.memory_space<vmem>> -> memref<384x128xf32, #tpu.memory_space<vmem>>
      %dma_wait3A_99 = arith.constant 0 : i32
      %dma_wait3A_100 = tpu.memref_slice %arg2[%add3A_59, %dma_wait3A_99] : memref<100000x128xf32, #tpu.memory_space<hbm>> -> memref<384x128xf32, #tpu.memory_space<hbm>>
      %dma_wait3A_101 = arith.constant 0 : i32
      %dma_wait3A_102 = arith.constant 0 : i32
      %dma_wait3A_103 = tpu.memref_slice %arg8[%dma_wait3A_101, %dma_wait3A_102] : memref<384x128xf32, #tpu.memory_space<vmem>> -> memref<384x128xf32, #tpu.memory_space<vmem>>
      %dma_wait3A_104 = arith.constant 0 : i32
      %dma_wait3A_105 = tpu.memref_slice %arg2[%add3A_59, %dma_wait3A_104] : memref<100000x128xf32, #tpu.memory_space<hbm>> -> memref<384x128xf32, #tpu.memory_space<hbm>>
      tpu.wait_dma2 semaphore(%arg10 : memref<!tpu.dma_semaphore, #tpu.memory_space<semaphore_mem>>) src(%dma_wait3A_105 : memref<384x128xf32, #tpu.memory_space<hbm>>) dst(%dma_wait3A_103 : memref<384x128xf32, #tpu.memory_space<vmem>>)
      %dma_start3A_106 = arith.constant 0 : i32
      %dma_start3A_107 = arith.constant 0 : i32
      %dma_start3A_108 = tpu.memref_slice %arg8[%dma_start3A_106, %dma_start3A_107] : memref<384x128xf32, #tpu.memory_space<vmem>> -> memref<128x128xf32, #tpu.memory_space<vmem>>
      %dma_start3A_109 = arith.constant 384 : i32
      %dma_start3A_110 = tpu.memref_slice %arg6[%dma_start3A_109] : memref<3456xi32, #tpu.memory_space<vmem>> -> memref<128xi32, #tpu.memory_space<vmem>>
      %dma_start3A_111 = arith.constant 0 : i32
      %dma_start3A_112 = arith.constant 0 : i32
      %dma_start3A_113 = tpu.memref_slice %arg4[%dma_start3A_111, %dma_start3A_112] : memref<16384x128xf32, #tpu.memory_space<hbm>> -> memref<16384x128xf32, #tpu.memory_space<hbm>>
      %dma_start3A_114 = arith.constant -1 : i32
      tpu.enqueue_indirect_dma source(%dma_start3A_113 : memref<16384x128xf32, #tpu.memory_space<hbm>>) target(%dma_start3A_108 : memref<128x128xf32, #tpu.memory_space<vmem>>) offsets(%dma_start3A_110 : memref<128xi32, #tpu.memory_space<vmem>>) offset_filter(%dma_start3A_114) semaphore(%arg12 : memref<!tpu.dma_semaphore, #tpu.memory_space<semaphore_mem>>)
      %dma_start3A_115 = arith.constant 128 : i32
      %dma_start3A_116 = arith.constant 0 : i32
      %dma_start3A_117 = tpu.memref_slice %arg8[%dma_start3A_115, %dma_start3A_116] : memref<384x128xf32, #tpu.memory_space<vmem>> -> memref<128x128xf32, #tpu.memory_space<vmem>>
      %dma_start3A_118 = arith.constant 512 : i32
      %dma_start3A_119 = tpu.memref_slice %arg6[%dma_start3A_118] : memref<3456xi32, #tpu.memory_space<vmem>> -> memref<128xi32, #tpu.memory_space<vmem>>
      %dma_start3A_120 = arith.constant 0 : i32
      %dma_start3A_121 = arith.constant 0 : i32
      %dma_start3A_122 = tpu.memref_slice %arg4[%dma_start3A_120, %dma_start3A_121] : memref<16384x128xf32, #tpu.memory_space<hbm>> -> memref<16384x128xf32, #tpu.memory_space<hbm>>
      %dma_start3A_123 = arith.constant -1 : i32
      tpu.enqueue_indirect_dma source(%dma_start3A_122 : memref<16384x128xf32, #tpu.memory_space<hbm>>) target(%dma_start3A_117 : memref<128x128xf32, #tpu.memory_space<vmem>>) offsets(%dma_start3A_119 : memref<128xi32, #tpu.memory_space<vmem>>) offset_filter(%dma_start3A_123) semaphore(%arg12 : memref<!tpu.dma_semaphore, #tpu.memory_space<semaphore_mem>>)
      %dma_start3A_124 = arith.constant 256 : i32
      %dma_start3A_125 = arith.constant 0 : i32
      %dma_start3A_126 = tpu.memref_slice %arg8[%dma_start3A_124, %dma_start3A_125] : memref<384x128xf32, #tpu.memory_space<vmem>> -> memref<128x128xf32, #tpu.memory_space<vmem>>
      %dma_start3A_127 = arith.constant 640 : i32
      %dma_start3A_128 = tpu.memref_slice %arg6[%dma_start3A_127] : memref<3456xi32, #tpu.memory_space<vmem>> -> memref<128xi32, #tpu.memory_space<vmem>>
      %dma_start3A_129 = arith.constant 0 : i32
      %dma_start3A_130 = arith.constant 0 : i32
      %dma_start3A_131 = tpu.memref_slice %arg4[%dma_start3A_129, %dma_start3A_130] : memref<16384x128xf32, #tpu.memory_space<hbm>> -> memref<16384x128xf32, #tpu.memory_space<hbm>>
      %dma_start3A_132 = arith.constant -1 : i32
      tpu.enqueue_indirect_dma source(%dma_start3A_131 : memref<16384x128xf32, #tpu.memory_space<hbm>>) target(%dma_start3A_126 : memref<128x128xf32, #tpu.memory_space<vmem>>) offsets(%dma_start3A_128 : memref<128xi32, #tpu.memory_space<vmem>>) offset_filter(%dma_start3A_132) semaphore(%arg12 : memref<!tpu.dma_semaphore, #tpu.memory_space<semaphore_mem>>)
      %add3A_133 = arith.constant 768 : i32
      %add3A_134 = arith.addi %mul3A_2, %add3A_133 : i32
      %dma_start3A_135 = arith.constant 0 : i32
      %dma_start3A_136 = arith.constant 0 : i32
      %dma_start3A_137 = tpu.memref_slice %arg7[%dma_start3A_135, %dma_start3A_136] : memref<384x128xf32, #tpu.memory_space<vmem>> -> memref<384x128xf32, #tpu.memory_space<vmem>>
      %dma_start3A_138 = arith.constant 0 : i32
      %dma_start3A_139 = tpu.memref_slice %arg2[%add3A_134, %dma_start3A_138] : memref<100000x128xf32, #tpu.memory_space<hbm>> -> memref<384x128xf32, #tpu.memory_space<hbm>>
      %dma_start3A_140 = arith.constant 0 : i32
      %dma_start3A_141 = arith.constant 0 : i32
      %dma_start3A_142 = tpu.memref_slice %arg7[%dma_start3A_140, %dma_start3A_141] : memref<384x128xf32, #tpu.memory_space<vmem>> -> memref<384x128xf32, #tpu.memory_space<vmem>>
      %dma_start3A_143 = arith.constant 0 : i32
      %dma_start3A_144 = tpu.memref_slice %arg2[%add3A_134, %dma_start3A_143] : memref<100000x128xf32, #tpu.memory_space<hbm>> -> memref<384x128xf32, #tpu.memory_space<hbm>>
      tpu.enqueue_dma source(%dma_start3A_144 : memref<384x128xf32, #tpu.memory_space<hbm>>) target(%dma_start3A_142 : memref<384x128xf32, #tpu.memory_space<vmem>>) target_semaphore(%arg9 : memref<!tpu.dma_semaphore, #tpu.memory_space<semaphore_mem>>)
      %dma_wait3A_145 = arith.constant 0 : i32
      %dma_wait3A_146 = arith.constant 0 : i32
      %dma_wait3A_147 = tpu.memref_slice %arg8[%dma_wait3A_145, %dma_wait3A_146] : memref<384x128xf32, #tpu.memory_space<vmem>> -> memref<128x128xf32, #tpu.memory_space<vmem>>
      %dma_wait3A_148 = arith.constant 384 : i32
      %dma_wait3A_149 = tpu.memref_slice %arg6[%dma_wait3A_148] : memref<3456xi32, #tpu.memory_space<vmem>> -> memref<128xi32, #tpu.memory_space<vmem>>
      %dma_wait3A_150 = arith.constant 0 : i32
      %dma_wait3A_151 = arith.constant 0 : i32
      %dma_wait3A_152 = tpu.memref_slice %arg4[%dma_wait3A_150, %dma_wait3A_151] : memref<16384x128xf32, #tpu.memory_space<hbm>> -> memref<16384x128xf32, #tpu.memory_space<hbm>>
      tpu.wait_indirect_dma semaphore(%arg12 : memref<!tpu.dma_semaphore, #tpu.memory_space<semaphore_mem>>) src(%dma_wait3A_152 : memref<16384x128xf32, #tpu.memory_space<hbm>>) dst(%dma_wait3A_147 : memref<128x128xf32, #tpu.memory_space<vmem>>)
      %dma_wait3A_153 = arith.constant 128 : i32
      %dma_wait3A_154 = arith.constant 0 : i32
      %dma_wait3A_155 = tpu.memref_slice %arg8[%dma_wait3A_153, %dma_wait3A_154] : memref<384x128xf32, #tpu.memory_space<vmem>> -> memref<128x128xf32, #tpu.memory_space<vmem>>
      %dma_wait3A_156 = arith.constant 512 : i32
      %dma_wait3A_157 = tpu.memref_slice %arg6[%dma_wait3A_156] : memref<3456xi32, #tpu.memory_space<vmem>> -> memref<128xi32, #tpu.memory_space<vmem>>
      %dma_wait3A_158 = arith.constant 0 : i32
      %dma_wait3A_159 = arith.constant 0 : i32
      %dma_wait3A_160 = tpu.memref_slice %arg4[%dma_wait3A_158, %dma_wait3A_159] : memref<16384x128xf32, #tpu.memory_space<hbm>> -> memref<16384x128xf32, #tpu.memory_space<hbm>>
      tpu.wait_indirect_dma semaphore(%arg12 : memref<!tpu.dma_semaphore, #tpu.memory_space<semaphore_mem>>) src(%dma_wait3A_160 : memref<16384x128xf32, #tpu.memory_space<hbm>>) dst(%dma_wait3A_155 : memref<128x128xf32, #tpu.memory_space<vmem>>)
      %dma_wait3A_161 = arith.constant 256 : i32
      %dma_wait3A_162 = arith.constant 0 : i32
      %dma_wait3A_163 = tpu.memref_slice %arg8[%dma_wait3A_161, %dma_wait3A_162] : memref<384x128xf32, #tpu.memory_space<vmem>> -> memref<128x128xf32, #tpu.memory_space<vmem>>
      %dma_wait3A_164 = arith.constant 640 : i32
      %dma_wait3A_165 = tpu.memref_slice %arg6[%dma_wait3A_164] : memref<3456xi32, #tpu.memory_space<vmem>> -> memref<128xi32, #tpu.memory_space<vmem>>
      %dma_wait3A_166 = arith.constant 0 : i32
      %dma_wait3A_167 = arith.constant 0 : i32
      %dma_wait3A_168 = tpu.memref_slice %arg4[%dma_wait3A_166, %dma_wait3A_167] : memref<16384x128xf32, #tpu.memory_space<hbm>> -> memref<16384x128xf32, #tpu.memory_space<hbm>>
      tpu.wait_indirect_dma semaphore(%arg12 : memref<!tpu.dma_semaphore, #tpu.memory_space<semaphore_mem>>) src(%dma_wait3A_168 : memref<16384x128xf32, #tpu.memory_space<hbm>>) dst(%dma_wait3A_163 : memref<128x128xf32, #tpu.memory_space<vmem>>)
      %add3A_169 = arith.constant 384 : i32
      %add3A_170 = arith.addi %mul3A_2, %add3A_169 : i32
      "tpu.region"() ({
        %run_scoped3A = tpu.sem_alloc : memref<!tpu.dma_semaphore, #tpu.memory_space<semaphore_mem>>
        %dma_start3A_609 = arith.constant 0 : i32
        %dma_start3A_610 = arith.constant 0 : i32
        %dma_start3A_611 = tpu.memref_slice %arg8[%dma_start3A_609, %dma_start3A_610] : memref<384x128xf32, #tpu.memory_space<vmem>> -> memref<384x128xf32, #tpu.memory_space<vmem>>
        %dma_start3A_612 = arith.constant 0 : i32
        %dma_start3A_613 = tpu.memref_slice %arg5[%add3A_170, %dma_start3A_612] : memref<100000x128xf32, #tpu.memory_space<hbm>> -> memref<384x128xf32, #tpu.memory_space<hbm>>
        %dma_start3A_614 = arith.constant 0 : i32
        %dma_start3A_615 = tpu.memref_slice %arg5[%add3A_170, %dma_start3A_614] : memref<100000x128xf32, #tpu.memory_space<hbm>> -> memref<384x128xf32, #tpu.memory_space<hbm>>
        %dma_start3A_616 = arith.constant 0 : i32
        %dma_start3A_617 = arith.constant 0 : i32
        %dma_start3A_618 = tpu.memref_slice %arg8[%dma_start3A_616, %dma_start3A_617] : memref<384x128xf32, #tpu.memory_space<vmem>> -> memref<384x128xf32, #tpu.memory_space<vmem>>
        tpu.enqueue_dma source(%dma_start3A_618 : memref<384x128xf32, #tpu.memory_space<vmem>>) target(%dma_start3A_615 : memref<384x128xf32, #tpu.memory_space<hbm>>) target_semaphore(%run_scoped3A : memref<!tpu.dma_semaphore, #tpu.memory_space<semaphore_mem>>)
        %dma_wait3A_619 = arith.constant 0 : i32
        %dma_wait3A_620 = arith.constant 0 : i32
        %dma_wait3A_621 = tpu.memref_slice %arg8[%dma_wait3A_619, %dma_wait3A_620] : memref<384x128xf32, #tpu.memory_space<vmem>> -> memref<384x128xf32, #tpu.memory_space<vmem>>
        %dma_wait3A_622 = arith.constant 0 : i32
        %dma_wait3A_623 = tpu.memref_slice %arg5[%add3A_170, %dma_wait3A_622] : memref<100000x128xf32, #tpu.memory_space<hbm>> -> memref<384x128xf32, #tpu.memory_space<hbm>>
        %dma_wait3A_624 = arith.constant 0 : i32
        %dma_wait3A_625 = tpu.memref_slice %arg5[%add3A_170, %dma_wait3A_624] : memref<100000x128xf32, #tpu.memory_space<hbm>> -> memref<384x128xf32, #tpu.memory_space<hbm>>
        %dma_wait3A_626 = arith.constant 0 : i32
        %dma_wait3A_627 = arith.constant 0 : i32
        %dma_wait3A_628 = tpu.memref_slice %arg8[%dma_wait3A_626, %dma_wait3A_627] : memref<384x128xf32, #tpu.memory_space<vmem>> -> memref<384x128xf32, #tpu.memory_space<vmem>>
        tpu.wait_dma2 semaphore(%run_scoped3A : memref<!tpu.dma_semaphore, #tpu.memory_space<semaphore_mem>>) src(%dma_wait3A_628 : memref<384x128xf32, #tpu.memory_space<vmem>>) dst(%dma_wait3A_625 : memref<384x128xf32, #tpu.memory_space<hbm>>)
        tpu.yield
      }) : () -> ()
      %dma_wait3A_171 = arith.constant 0 : i32
      %dma_wait3A_172 = arith.constant 0 : i32
      %dma_wait3A_173 = tpu.memref_slice %arg7[%dma_wait3A_171, %dma_wait3A_172] : memref<384x128xf32, #tpu.memory_space<vmem>> -> memref<384x128xf32, #tpu.memory_space<vmem>>
      %dma_wait3A_174 = arith.constant 0 : i32
      %dma_wait3A_175 = tpu.memref_slice %arg2[%add3A_134, %dma_wait3A_174] : memref<100000x128xf32, #tpu.memory_space<hbm>> -> memref<384x128xf32, #tpu.memory_space<hbm>>
      %dma_wait3A_176 = arith.constant 0 : i32
      %dma_wait3A_177 = arith.constant 0 : i32
      %dma_wait3A_178 = tpu.memref_slice %arg7[%dma_wait3A_176, %dma_wait3A_177] : memref<384x128xf32, #tpu.memory_space<vmem>> -> memref<384x128xf32, #tpu.memory_space<vmem>>
      %dma_wait3A_179 = arith.constant 0 : i32
      %dma_wait3A_180 = tpu.memref_slice %arg2[%add3A_134, %dma_wait3A_179] : memref<100000x128xf32, #tpu.memory_space<hbm>> -> memref<384x128xf32, #tpu.memory_space<hbm>>
      tpu.wait_dma2 semaphore(%arg9 : memref<!tpu.dma_semaphore, #tpu.memory_space<semaphore_mem>>) src(%dma_wait3A_180 : memref<384x128xf32, #tpu.memory_space<hbm>>) dst(%dma_wait3A_178 : memref<384x128xf32, #tpu.memory_space<vmem>>)
      %dma_start3A_181 = arith.constant 0 : i32
      %dma_start3A_182 = arith.constant 0 : i32
      %dma_start3A_183 = tpu.memref_slice %arg7[%dma_start3A_181, %dma_start3A_182] : memref<384x128xf32, #tpu.memory_space<vmem>> -> memref<128x128xf32, #tpu.memory_space<vmem>>
      %dma_start3A_184 = arith.constant 768 : i32
      %dma_start3A_185 = tpu.memref_slice %arg6[%dma_start3A_184] : memref<3456xi32, #tpu.memory_space<vmem>> -> memref<128xi32, #tpu.memory_space<vmem>>
      %dma_start3A_186 = arith.constant 0 : i32
      %dma_start3A_187 = arith.constant 0 : i32
      %dma_start3A_188 = tpu.memref_slice %arg4[%dma_start3A_186, %dma_start3A_187] : memref<16384x128xf32, #tpu.memory_space<hbm>> -> memref<16384x128xf32, #tpu.memory_space<hbm>>
      %dma_start3A_189 = arith.constant -1 : i32
      tpu.enqueue_indirect_dma source(%dma_start3A_188 : memref<16384x128xf32, #tpu.memory_space<hbm>>) target(%dma_start3A_183 : memref<128x128xf32, #tpu.memory_space<vmem>>) offsets(%dma_start3A_185 : memref<128xi32, #tpu.memory_space<vmem>>) offset_filter(%dma_start3A_189) semaphore(%arg11 : memref<!tpu.dma_semaphore, #tpu.memory_space<semaphore_mem>>)
      %dma_start3A_190 = arith.constant 128 : i32
      %dma_start3A_191 = arith.constant 0 : i32
      %dma_start3A_192 = tpu.memref_slice %arg7[%dma_start3A_190, %dma_start3A_191] : memref<384x128xf32, #tpu.memory_space<vmem>> -> memref<128x128xf32, #tpu.memory_space<vmem>>
      %dma_start3A_193 = arith.constant 896 : i32
      %dma_start3A_194 = tpu.memref_slice %arg6[%dma_start3A_193] : memref<3456xi32, #tpu.memory_space<vmem>> -> memref<128xi32, #tpu.memory_space<vmem>>
      %dma_start3A_195 = arith.constant 0 : i32
      %dma_start3A_196 = arith.constant 0 : i32
      %dma_start3A_197 = tpu.memref_slice %arg4[%dma_start3A_195, %dma_start3A_196] : memref<16384x128xf32, #tpu.memory_space<hbm>> -> memref<16384x128xf32, #tpu.memory_space<hbm>>
      %dma_start3A_198 = arith.constant -1 : i32
      tpu.enqueue_indirect_dma source(%dma_start3A_197 : memref<16384x128xf32, #tpu.memory_space<hbm>>) target(%dma_start3A_192 : memref<128x128xf32, #tpu.memory_space<vmem>>) offsets(%dma_start3A_194 : memref<128xi32, #tpu.memory_space<vmem>>) offset_filter(%dma_start3A_198) semaphore(%arg11 : memref<!tpu.dma_semaphore, #tpu.memory_space<semaphore_mem>>)
      %dma_start3A_199 = arith.constant 256 : i32
      %dma_start3A_200 = arith.constant 0 : i32
      %dma_start3A_201 = tpu.memref_slice %arg7[%dma_start3A_199, %dma_start3A_200] : memref<384x128xf32, #tpu.memory_space<vmem>> -> memref<128x128xf32, #tpu.memory_space<vmem>>
      %dma_start3A_202 = arith.constant 1024 : i32
      %dma_start3A_203 = tpu.memref_slice %arg6[%dma_start3A_202] : memref<3456xi32, #tpu.memory_space<vmem>> -> memref<128xi32, #tpu.memory_space<vmem>>
      %dma_start3A_204 = arith.constant 0 : i32
      %dma_start3A_205 = arith.constant 0 : i32
      %dma_start3A_206 = tpu.memref_slice %arg4[%dma_start3A_204, %dma_start3A_205] : memref<16384x128xf32, #tpu.memory_space<hbm>> -> memref<16384x128xf32, #tpu.memory_space<hbm>>
      %dma_start3A_207 = arith.constant -1 : i32
      tpu.enqueue_indirect_dma source(%dma_start3A_206 : memref<16384x128xf32, #tpu.memory_space<hbm>>) target(%dma_start3A_201 : memref<128x128xf32, #tpu.memory_space<vmem>>) offsets(%dma_start3A_203 : memref<128xi32, #tpu.memory_space<vmem>>) offset_filter(%dma_start3A_207) semaphore(%arg11 : memref<!tpu.dma_semaphore, #tpu.memory_space<semaphore_mem>>)
      %add3A_208 = arith.constant 1152 : i32
      %add3A_209 = arith.addi %mul3A_2, %add3A_208 : i32
      %dma_start3A_210 = arith.constant 0 : i32
      %dma_start3A_211 = arith.constant 0 : i32
      %dma_start3A_212 = tpu.memref_slice %arg8[%dma_start3A_210, %dma_start3A_211] : memref<384x128xf32, #tpu.memory_space<vmem>> -> memref<384x128xf32, #tpu.memory_space<vmem>>
      %dma_start3A_213 = arith.constant 0 : i32
      %dma_start3A_214 = tpu.memref_slice %arg2[%add3A_209, %dma_start3A_213] : memref<100000x128xf32, #tpu.memory_space<hbm>> -> memref<384x128xf32, #tpu.memory_space<hbm>>
      %dma_start3A_215 = arith.constant 0 : i32
      %dma_start3A_216 = arith.constant 0 : i32
      %dma_start3A_217 = tpu.memref_slice %arg8[%dma_start3A_215, %dma_start3A_216] : memref<384x128xf32, #tpu.memory_space<vmem>> -> memref<384x128xf32, #tpu.memory_space<vmem>>
      %dma_start3A_218 = arith.constant 0 : i32
      %dma_start3A_219 = tpu.memref_slice %arg2[%add3A_209, %dma_start3A_218] : memref<100000x128xf32, #tpu.memory_space<hbm>> -> memref<384x128xf32, #tpu.memory_space<hbm>>
      tpu.enqueue_dma source(%dma_start3A_219 : memref<384x128xf32, #tpu.memory_space<hbm>>) target(%dma_start3A_217 : memref<384x128xf32, #tpu.memory_space<vmem>>) target_semaphore(%arg10 : memref<!tpu.dma_semaphore, #tpu.memory_space<semaphore_mem>>)
      %dma_wait3A_220 = arith.constant 0 : i32
      %dma_wait3A_221 = arith.constant 0 : i32
      %dma_wait3A_222 = tpu.memref_slice %arg7[%dma_wait3A_220, %dma_wait3A_221] : memref<384x128xf32, #tpu.memory_space<vmem>> -> memref<128x128xf32, #tpu.memory_space<vmem>>
      %dma_wait3A_223 = arith.constant 768 : i32
      %dma_wait3A_224 = tpu.memref_slice %arg6[%dma_wait3A_223] : memref<3456xi32, #tpu.memory_space<vmem>> -> memref<128xi32, #tpu.memory_space<vmem>>
      %dma_wait3A_225 = arith.constant 0 : i32
      %dma_wait3A_226 = arith.constant 0 : i32
      %dma_wait3A_227 = tpu.memref_slice %arg4[%dma_wait3A_225, %dma_wait3A_226] : memref<16384x128xf32, #tpu.memory_space<hbm>> -> memref<16384x128xf32, #tpu.memory_space<hbm>>
      tpu.wait_indirect_dma semaphore(%arg11 : memref<!tpu.dma_semaphore, #tpu.memory_space<semaphore_mem>>) src(%dma_wait3A_227 : memref<16384x128xf32, #tpu.memory_space<hbm>>) dst(%dma_wait3A_222 : memref<128x128xf32, #tpu.memory_space<vmem>>)
      %dma_wait3A_228 = arith.constant 128 : i32
      %dma_wait3A_229 = arith.constant 0 : i32
      %dma_wait3A_230 = tpu.memref_slice %arg7[%dma_wait3A_228, %dma_wait3A_229] : memref<384x128xf32, #tpu.memory_space<vmem>> -> memref<128x128xf32, #tpu.memory_space<vmem>>
      %dma_wait3A_231 = arith.constant 896 : i32
      %dma_wait3A_232 = tpu.memref_slice %arg6[%dma_wait3A_231] : memref<3456xi32, #tpu.memory_space<vmem>> -> memref<128xi32, #tpu.memory_space<vmem>>
      %dma_wait3A_233 = arith.constant 0 : i32
      %dma_wait3A_234 = arith.constant 0 : i32
      %dma_wait3A_235 = tpu.memref_slice %arg4[%dma_wait3A_233, %dma_wait3A_234] : memref<16384x128xf32, #tpu.memory_space<hbm>> -> memref<16384x128xf32, #tpu.memory_space<hbm>>
      tpu.wait_indirect_dma semaphore(%arg11 : memref<!tpu.dma_semaphore, #tpu.memory_space<semaphore_mem>>) src(%dma_wait3A_235 : memref<16384x128xf32, #tpu.memory_space<hbm>>) dst(%dma_wait3A_230 : memref<128x128xf32, #tpu.memory_space<vmem>>)
      %dma_wait3A_236 = arith.constant 256 : i32
      %dma_wait3A_237 = arith.constant 0 : i32
      %dma_wait3A_238 = tpu.memref_slice %arg7[%dma_wait3A_236, %dma_wait3A_237] : memref<384x128xf32, #tpu.memory_space<vmem>> -> memref<128x128xf32, #tpu.memory_space<vmem>>
      %dma_wait3A_239 = arith.constant 1024 : i32
      %dma_wait3A_240 = tpu.memref_slice %arg6[%dma_wait3A_239] : memref<3456xi32, #tpu.memory_space<vmem>> -> memref<128xi32, #tpu.memory_space<vmem>>
      %dma_wait3A_241 = arith.constant 0 : i32
      %dma_wait3A_242 = arith.constant 0 : i32
      %dma_wait3A_243 = tpu.memref_slice %arg4[%dma_wait3A_241, %dma_wait3A_242] : memref<16384x128xf32, #tpu.memory_space<hbm>> -> memref<16384x128xf32, #tpu.memory_space<hbm>>
      tpu.wait_indirect_dma semaphore(%arg11 : memref<!tpu.dma_semaphore, #tpu.memory_space<semaphore_mem>>) src(%dma_wait3A_243 : memref<16384x128xf32, #tpu.memory_space<hbm>>) dst(%dma_wait3A_238 : memref<128x128xf32, #tpu.memory_space<vmem>>)
      %add3A_244 = arith.constant 768 : i32
      %add3A_245 = arith.addi %mul3A_2, %add3A_244 : i32
      "tpu.region"() ({
        %run_scoped3A = tpu.sem_alloc : memref<!tpu.dma_semaphore, #tpu.memory_space<semaphore_mem>>
        %dma_start3A_609 = arith.constant 0 : i32
        %dma_start3A_610 = arith.constant 0 : i32
        %dma_start3A_611 = tpu.memref_slice %arg7[%dma_start3A_609, %dma_start3A_610] : memref<384x128xf32, #tpu.memory_space<vmem>> -> memref<384x128xf32, #tpu.memory_space<vmem>>
        %dma_start3A_612 = arith.constant 0 : i32
        %dma_start3A_613 = tpu.memref_slice %arg5[%add3A_245, %dma_start3A_612] : memref<100000x128xf32, #tpu.memory_space<hbm>> -> memref<384x128xf32, #tpu.memory_space<hbm>>
        %dma_start3A_614 = arith.constant 0 : i32
        %dma_start3A_615 = tpu.memref_slice %arg5[%add3A_245, %dma_start3A_614] : memref<100000x128xf32, #tpu.memory_space<hbm>> -> memref<384x128xf32, #tpu.memory_space<hbm>>
        %dma_start3A_616 = arith.constant 0 : i32
        %dma_start3A_617 = arith.constant 0 : i32
        %dma_start3A_618 = tpu.memref_slice %arg7[%dma_start3A_616, %dma_start3A_617] : memref<384x128xf32, #tpu.memory_space<vmem>> -> memref<384x128xf32, #tpu.memory_space<vmem>>
        tpu.enqueue_dma source(%dma_start3A_618 : memref<384x128xf32, #tpu.memory_space<vmem>>) target(%dma_start3A_615 : memref<384x128xf32, #tpu.memory_space<hbm>>) target_semaphore(%run_scoped3A : memref<!tpu.dma_semaphore, #tpu.memory_space<semaphore_mem>>)
        %dma_wait3A_619 = arith.constant 0 : i32
        %dma_wait3A_620 = arith.constant 0 : i32
        %dma_wait3A_621 = tpu.memref_slice %arg7[%dma_wait3A_619, %dma_wait3A_620] : memref<384x128xf32, #tpu.memory_space<vmem>> -> memref<384x128xf32, #tpu.memory_space<vmem>>
        %dma_wait3A_622 = arith.constant 0 : i32
        %dma_wait3A_623 = tpu.memref_slice %arg5[%add3A_245, %dma_wait3A_622] : memref<100000x128xf32, #tpu.memory_space<hbm>> -> memref<384x128xf32, #tpu.memory_space<hbm>>
        %dma_wait3A_624 = arith.constant 0 : i32
        %dma_wait3A_625 = tpu.memref_slice %arg5[%add3A_245, %dma_wait3A_624] : memref<100000x128xf32, #tpu.memory_space<hbm>> -> memref<384x128xf32, #tpu.memory_space<hbm>>
        %dma_wait3A_626 = arith.constant 0 : i32
        %dma_wait3A_627 = arith.constant 0 : i32
        %dma_wait3A_628 = tpu.memref_slice %arg7[%dma_wait3A_626, %dma_wait3A_627] : memref<384x128xf32, #tpu.memory_space<vmem>> -> memref<384x128xf32, #tpu.memory_space<vmem>>
        tpu.wait_dma2 semaphore(%run_scoped3A : memref<!tpu.dma_semaphore, #tpu.memory_space<semaphore_mem>>) src(%dma_wait3A_628 : memref<384x128xf32, #tpu.memory_space<vmem>>) dst(%dma_wait3A_625 : memref<384x128xf32, #tpu.memory_space<hbm>>)
        tpu.yield
      }) : () -> ()
      %dma_wait3A_246 = arith.constant 0 : i32
      %dma_wait3A_247 = arith.constant 0 : i32
      %dma_wait3A_248 = tpu.memref_slice %arg8[%dma_wait3A_246, %dma_wait3A_247] : memref<384x128xf32, #tpu.memory_space<vmem>> -> memref<384x128xf32, #tpu.memory_space<vmem>>
      %dma_wait3A_249 = arith.constant 0 : i32
      %dma_wait3A_250 = tpu.memref_slice %arg2[%add3A_209, %dma_wait3A_249] : memref<100000x128xf32, #tpu.memory_space<hbm>> -> memref<384x128xf32, #tpu.memory_space<hbm>>
      %dma_wait3A_251 = arith.constant 0 : i32
      %dma_wait3A_252 = arith.constant 0 : i32
      %dma_wait3A_253 = tpu.memref_slice %arg8[%dma_wait3A_251, %dma_wait3A_252] : memref<384x128xf32, #tpu.memory_space<vmem>> -> memref<384x128xf32, #tpu.memory_space<vmem>>
      %dma_wait3A_254 = arith.constant 0 : i32
      %dma_wait3A_255 = tpu.memref_slice %arg2[%add3A_209, %dma_wait3A_254] : memref<100000x128xf32, #tpu.memory_space<hbm>> -> memref<384x128xf32, #tpu.memory_space<hbm>>
      tpu.wait_dma2 semaphore(%arg10 : memref<!tpu.dma_semaphore, #tpu.memory_space<semaphore_mem>>) src(%dma_wait3A_255 : memref<384x128xf32, #tpu.memory_space<hbm>>) dst(%dma_wait3A_253 : memref<384x128xf32, #tpu.memory_space<vmem>>)
      %dma_start3A_256 = arith.constant 0 : i32
      %dma_start3A_257 = arith.constant 0 : i32
      %dma_start3A_258 = tpu.memref_slice %arg8[%dma_start3A_256, %dma_start3A_257] : memref<384x128xf32, #tpu.memory_space<vmem>> -> memref<128x128xf32, #tpu.memory_space<vmem>>
      %dma_start3A_259 = arith.constant 1152 : i32
      %dma_start3A_260 = tpu.memref_slice %arg6[%dma_start3A_259] : memref<3456xi32, #tpu.memory_space<vmem>> -> memref<128xi32, #tpu.memory_space<vmem>>
      %dma_start3A_261 = arith.constant 0 : i32
      %dma_start3A_262 = arith.constant 0 : i32
      %dma_start3A_263 = tpu.memref_slice %arg4[%dma_start3A_261, %dma_start3A_262] : memref<16384x128xf32, #tpu.memory_space<hbm>> -> memref<16384x128xf32, #tpu.memory_space<hbm>>
      %dma_start3A_264 = arith.constant -1 : i32
      tpu.enqueue_indirect_dma source(%dma_start3A_263 : memref<16384x128xf32, #tpu.memory_space<hbm>>) target(%dma_start3A_258 : memref<128x128xf32, #tpu.memory_space<vmem>>) offsets(%dma_start3A_260 : memref<128xi32, #tpu.memory_space<vmem>>) offset_filter(%dma_start3A_264) semaphore(%arg12 : memref<!tpu.dma_semaphore, #tpu.memory_space<semaphore_mem>>)
      %dma_start3A_265 = arith.constant 128 : i32
      %dma_start3A_266 = arith.constant 0 : i32
      %dma_start3A_267 = tpu.memref_slice %arg8[%dma_start3A_265, %dma_start3A_266] : memref<384x128xf32, #tpu.memory_space<vmem>> -> memref<128x128xf32, #tpu.memory_space<vmem>>
      %dma_start3A_268 = arith.constant 1280 : i32
      %dma_start3A_269 = tpu.memref_slice %arg6[%dma_start3A_268] : memref<3456xi32, #tpu.memory_space<vmem>> -> memref<128xi32, #tpu.memory_space<vmem>>
      %dma_start3A_270 = arith.constant 0 : i32
      %dma_start3A_271 = arith.constant 0 : i32
      %dma_start3A_272 = tpu.memref_slice %arg4[%dma_start3A_270, %dma_start3A_271] : memref<16384x128xf32, #tpu.memory_space<hbm>> -> memref<16384x128xf32, #tpu.memory_space<hbm>>
      %dma_start3A_273 = arith.constant -1 : i32
      tpu.enqueue_indirect_dma source(%dma_start3A_272 : memref<16384x128xf32, #tpu.memory_space<hbm>>) target(%dma_start3A_267 : memref<128x128xf32, #tpu.memory_space<vmem>>) offsets(%dma_start3A_269 : memref<128xi32, #tpu.memory_space<vmem>>) offset_filter(%dma_start3A_273) semaphore(%arg12 : memref<!tpu.dma_semaphore, #tpu.memory_space<semaphore_mem>>)
      %dma_start3A_274 = arith.constant 256 : i32
      %dma_start3A_275 = arith.constant 0 : i32
      %dma_start3A_276 = tpu.memref_slice %arg8[%dma_start3A_274, %dma_start3A_275] : memref<384x128xf32, #tpu.memory_space<vmem>> -> memref<128x128xf32, #tpu.memory_space<vmem>>
      %dma_start3A_277 = arith.constant 1408 : i32
      %dma_start3A_278 = tpu.memref_slice %arg6[%dma_start3A_277] : memref<3456xi32, #tpu.memory_space<vmem>> -> memref<128xi32, #tpu.memory_space<vmem>>
      %dma_start3A_279 = arith.constant 0 : i32
      %dma_start3A_280 = arith.constant 0 : i32
      %dma_start3A_281 = tpu.memref_slice %arg4[%dma_start3A_279, %dma_start3A_280] : memref<16384x128xf32, #tpu.memory_space<hbm>> -> memref<16384x128xf32, #tpu.memory_space<hbm>>
      %dma_start3A_282 = arith.constant -1 : i32
      tpu.enqueue_indirect_dma source(%dma_start3A_281 : memref<16384x128xf32, #tpu.memory_space<hbm>>) target(%dma_start3A_276 : memref<128x128xf32, #tpu.memory_space<vmem>>) offsets(%dma_start3A_278 : memref<128xi32, #tpu.memory_space<vmem>>) offset_filter(%dma_start3A_282) semaphore(%arg12 : memref<!tpu.dma_semaphore, #tpu.memory_space<semaphore_mem>>)
      %add3A_283 = arith.constant 1536 : i32
      %add3A_284 = arith.addi %mul3A_2, %add3A_283 : i32
      %dma_start3A_285 = arith.constant 0 : i32
      %dma_start3A_286 = arith.constant 0 : i32
      %dma_start3A_287 = tpu.memref_slice %arg7[%dma_start3A_285, %dma_start3A_286] : memref<384x128xf32, #tpu.memory_space<vmem>> -> memref<384x128xf32, #tpu.memory_space<vmem>>
      %dma_start3A_288 = arith.constant 0 : i32
      %dma_start3A_289 = tpu.memref_slice %arg2[%add3A_284, %dma_start3A_288] : memref<100000x128xf32, #tpu.memory_space<hbm>> -> memref<384x128xf32, #tpu.memory_space<hbm>>
      %dma_start3A_290 = arith.constant 0 : i32
      %dma_start3A_291 = arith.constant 0 : i32
      %dma_start3A_292 = tpu.memref_slice %arg7[%dma_start3A_290, %dma_start3A_291] : memref<384x128xf32, #tpu.memory_space<vmem>> -> memref<384x128xf32, #tpu.memory_space<vmem>>
      %dma_start3A_293 = arith.constant 0 : i32
      %dma_start3A_294 = tpu.memref_slice %arg2[%add3A_284, %dma_start3A_293] : memref<100000x128xf32, #tpu.memory_space<hbm>> -> memref<384x128xf32, #tpu.memory_space<hbm>>
      tpu.enqueue_dma source(%dma_start3A_294 : memref<384x128xf32, #tpu.memory_space<hbm>>) target(%dma_start3A_292 : memref<384x128xf32, #tpu.memory_space<vmem>>) target_semaphore(%arg9 : memref<!tpu.dma_semaphore, #tpu.memory_space<semaphore_mem>>)
      %dma_wait3A_295 = arith.constant 0 : i32
      %dma_wait3A_296 = arith.constant 0 : i32
      %dma_wait3A_297 = tpu.memref_slice %arg8[%dma_wait3A_295, %dma_wait3A_296] : memref<384x128xf32, #tpu.memory_space<vmem>> -> memref<128x128xf32, #tpu.memory_space<vmem>>
      %dma_wait3A_298 = arith.constant 1152 : i32
      %dma_wait3A_299 = tpu.memref_slice %arg6[%dma_wait3A_298] : memref<3456xi32, #tpu.memory_space<vmem>> -> memref<128xi32, #tpu.memory_space<vmem>>
      %dma_wait3A_300 = arith.constant 0 : i32
      %dma_wait3A_301 = arith.constant 0 : i32
      %dma_wait3A_302 = tpu.memref_slice %arg4[%dma_wait3A_300, %dma_wait3A_301] : memref<16384x128xf32, #tpu.memory_space<hbm>> -> memref<16384x128xf32, #tpu.memory_space<hbm>>
      tpu.wait_indirect_dma semaphore(%arg12 : memref<!tpu.dma_semaphore, #tpu.memory_space<semaphore_mem>>) src(%dma_wait3A_302 : memref<16384x128xf32, #tpu.memory_space<hbm>>) dst(%dma_wait3A_297 : memref<128x128xf32, #tpu.memory_space<vmem>>)
      %dma_wait3A_303 = arith.constant 128 : i32
      %dma_wait3A_304 = arith.constant 0 : i32
      %dma_wait3A_305 = tpu.memref_slice %arg8[%dma_wait3A_303, %dma_wait3A_304] : memref<384x128xf32, #tpu.memory_space<vmem>> -> memref<128x128xf32, #tpu.memory_space<vmem>>
      %dma_wait3A_306 = arith.constant 1280 : i32
      %dma_wait3A_307 = tpu.memref_slice %arg6[%dma_wait3A_306] : memref<3456xi32, #tpu.memory_space<vmem>> -> memref<128xi32, #tpu.memory_space<vmem>>
      %dma_wait3A_308 = arith.constant 0 : i32
      %dma_wait3A_309 = arith.constant 0 : i32
      %dma_wait3A_310 = tpu.memref_slice %arg4[%dma_wait3A_308, %dma_wait3A_309] : memref<16384x128xf32, #tpu.memory_space<hbm>> -> memref<16384x128xf32, #tpu.memory_space<hbm>>
      tpu.wait_indirect_dma semaphore(%arg12 : memref<!tpu.dma_semaphore, #tpu.memory_space<semaphore_mem>>) src(%dma_wait3A_310 : memref<16384x128xf32, #tpu.memory_space<hbm>>) dst(%dma_wait3A_305 : memref<128x128xf32, #tpu.memory_space<vmem>>)
      %dma_wait3A_311 = arith.constant 256 : i32
      %dma_wait3A_312 = arith.constant 0 : i32
      %dma_wait3A_313 = tpu.memref_slice %arg8[%dma_wait3A_311, %dma_wait3A_312] : memref<384x128xf32, #tpu.memory_space<vmem>> -> memref<128x128xf32, #tpu.memory_space<vmem>>
      %dma_wait3A_314 = arith.constant 1408 : i32
      %dma_wait3A_315 = tpu.memref_slice %arg6[%dma_wait3A_314] : memref<3456xi32, #tpu.memory_space<vmem>> -> memref<128xi32, #tpu.memory_space<vmem>>
      %dma_wait3A_316 = arith.constant 0 : i32
      %dma_wait3A_317 = arith.constant 0 : i32
      %dma_wait3A_318 = tpu.memref_slice %arg4[%dma_wait3A_316, %dma_wait3A_317] : memref<16384x128xf32, #tpu.memory_space<hbm>> -> memref<16384x128xf32, #tpu.memory_space<hbm>>
      tpu.wait_indirect_dma semaphore(%arg12 : memref<!tpu.dma_semaphore, #tpu.memory_space<semaphore_mem>>) src(%dma_wait3A_318 : memref<16384x128xf32, #tpu.memory_space<hbm>>) dst(%dma_wait3A_313 : memref<128x128xf32, #tpu.memory_space<vmem>>)
      %add3A_319 = arith.constant 1152 : i32
      %add3A_320 = arith.addi %mul3A_2, %add3A_319 : i32
      "tpu.region"() ({
        %run_scoped3A = tpu.sem_alloc : memref<!tpu.dma_semaphore, #tpu.memory_space<semaphore_mem>>
        %dma_start3A_609 = arith.constant 0 : i32
        %dma_start3A_610 = arith.constant 0 : i32
        %dma_start3A_611 = tpu.memref_slice %arg8[%dma_start3A_609, %dma_start3A_610] : memref<384x128xf32, #tpu.memory_space<vmem>> -> memref<384x128xf32, #tpu.memory_space<vmem>>
        %dma_start3A_612 = arith.constant 0 : i32
        %dma_start3A_613 = tpu.memref_slice %arg5[%add3A_320, %dma_start3A_612] : memref<100000x128xf32, #tpu.memory_space<hbm>> -> memref<384x128xf32, #tpu.memory_space<hbm>>
        %dma_start3A_614 = arith.constant 0 : i32
        %dma_start3A_615 = tpu.memref_slice %arg5[%add3A_320, %dma_start3A_614] : memref<100000x128xf32, #tpu.memory_space<hbm>> -> memref<384x128xf32, #tpu.memory_space<hbm>>
        %dma_start3A_616 = arith.constant 0 : i32
        %dma_start3A_617 = arith.constant 0 : i32
        %dma_start3A_618 = tpu.memref_slice %arg8[%dma_start3A_616, %dma_start3A_617] : memref<384x128xf32, #tpu.memory_space<vmem>> -> memref<384x128xf32, #tpu.memory_space<vmem>>
        tpu.enqueue_dma source(%dma_start3A_618 : memref<384x128xf32, #tpu.memory_space<vmem>>) target(%dma_start3A_615 : memref<384x128xf32, #tpu.memory_space<hbm>>) target_semaphore(%run_scoped3A : memref<!tpu.dma_semaphore, #tpu.memory_space<semaphore_mem>>)
        %dma_wait3A_619 = arith.constant 0 : i32
        %dma_wait3A_620 = arith.constant 0 : i32
        %dma_wait3A_621 = tpu.memref_slice %arg8[%dma_wait3A_619, %dma_wait3A_620] : memref<384x128xf32, #tpu.memory_space<vmem>> -> memref<384x128xf32, #tpu.memory_space<vmem>>
        %dma_wait3A_622 = arith.constant 0 : i32
        %dma_wait3A_623 = tpu.memref_slice %arg5[%add3A_320, %dma_wait3A_622] : memref<100000x128xf32, #tpu.memory_space<hbm>> -> memref<384x128xf32, #tpu.memory_space<hbm>>
        %dma_wait3A_624 = arith.constant 0 : i32
        %dma_wait3A_625 = tpu.memref_slice %arg5[%add3A_320, %dma_wait3A_624] : memref<100000x128xf32, #tpu.memory_space<hbm>> -> memref<384x128xf32, #tpu.memory_space<hbm>>
        %dma_wait3A_626 = arith.constant 0 : i32
        %dma_wait3A_627 = arith.constant 0 : i32
        %dma_wait3A_628 = tpu.memref_slice %arg8[%dma_wait3A_626, %dma_wait3A_627] : memref<384x128xf32, #tpu.memory_space<vmem>> -> memref<384x128xf32, #tpu.memory_space<vmem>>
        tpu.wait_dma2 semaphore(%run_scoped3A : memref<!tpu.dma_semaphore, #tpu.memory_space<semaphore_mem>>) src(%dma_wait3A_628 : memref<384x128xf32, #tpu.memory_space<vmem>>) dst(%dma_wait3A_625 : memref<384x128xf32, #tpu.memory_space<hbm>>)
        tpu.yield
      }) : () -> ()
      %dma_wait3A_321 = arith.constant 0 : i32
      %dma_wait3A_322 = arith.constant 0 : i32
      %dma_wait3A_323 = tpu.memref_slice %arg7[%dma_wait3A_321, %dma_wait3A_322] : memref<384x128xf32, #tpu.memory_space<vmem>> -> memref<384x128xf32, #tpu.memory_space<vmem>>
      %dma_wait3A_324 = arith.constant 0 : i32
      %dma_wait3A_325 = tpu.memref_slice %arg2[%add3A_284, %dma_wait3A_324] : memref<100000x128xf32, #tpu.memory_space<hbm>> -> memref<384x128xf32, #tpu.memory_space<hbm>>
      %dma_wait3A_326 = arith.constant 0 : i32
      %dma_wait3A_327 = arith.constant 0 : i32
      %dma_wait3A_328 = tpu.memref_slice %arg7[%dma_wait3A_326, %dma_wait3A_327] : memref<384x128xf32, #tpu.memory_space<vmem>> -> memref<384x128xf32, #tpu.memory_space<vmem>>
      %dma_wait3A_329 = arith.constant 0 : i32
      %dma_wait3A_330 = tpu.memref_slice %arg2[%add3A_284, %dma_wait3A_329] : memref<100000x128xf32, #tpu.memory_space<hbm>> -> memref<384x128xf32, #tpu.memory_space<hbm>>
      tpu.wait_dma2 semaphore(%arg9 : memref<!tpu.dma_semaphore, #tpu.memory_space<semaphore_mem>>) src(%dma_wait3A_330 : memref<384x128xf32, #tpu.memory_space<hbm>>) dst(%dma_wait3A_328 : memref<384x128xf32, #tpu.memory_space<vmem>>)
      %dma_start3A_331 = arith.constant 0 : i32
      %dma_start3A_332 = arith.constant 0 : i32
      %dma_start3A_333 = tpu.memref_slice %arg7[%dma_start3A_331, %dma_start3A_332] : memref<384x128xf32, #tpu.memory_space<vmem>> -> memref<128x128xf32, #tpu.memory_space<vmem>>
      %dma_start3A_334 = arith.constant 1536 : i32
      %dma_start3A_335 = tpu.memref_slice %arg6[%dma_start3A_334] : memref<3456xi32, #tpu.memory_space<vmem>> -> memref<128xi32, #tpu.memory_space<vmem>>
      %dma_start3A_336 = arith.constant 0 : i32
      %dma_start3A_337 = arith.constant 0 : i32
      %dma_start3A_338 = tpu.memref_slice %arg4[%dma_start3A_336, %dma_start3A_337] : memref<16384x128xf32, #tpu.memory_space<hbm>> -> memref<16384x128xf32, #tpu.memory_space<hbm>>
      %dma_start3A_339 = arith.constant -1 : i32
      tpu.enqueue_indirect_dma source(%dma_start3A_338 : memref<16384x128xf32, #tpu.memory_space<hbm>>) target(%dma_start3A_333 : memref<128x128xf32, #tpu.memory_space<vmem>>) offsets(%dma_start3A_335 : memref<128xi32, #tpu.memory_space<vmem>>) offset_filter(%dma_start3A_339) semaphore(%arg11 : memref<!tpu.dma_semaphore, #tpu.memory_space<semaphore_mem>>)
      %dma_start3A_340 = arith.constant 128 : i32
      %dma_start3A_341 = arith.constant 0 : i32
      %dma_start3A_342 = tpu.memref_slice %arg7[%dma_start3A_340, %dma_start3A_341] : memref<384x128xf32, #tpu.memory_space<vmem>> -> memref<128x128xf32, #tpu.memory_space<vmem>>
      %dma_start3A_343 = arith.constant 1664 : i32
      %dma_start3A_344 = tpu.memref_slice %arg6[%dma_start3A_343] : memref<3456xi32, #tpu.memory_space<vmem>> -> memref<128xi32, #tpu.memory_space<vmem>>
      %dma_start3A_345 = arith.constant 0 : i32
      %dma_start3A_346 = arith.constant 0 : i32
      %dma_start3A_347 = tpu.memref_slice %arg4[%dma_start3A_345, %dma_start3A_346] : memref<16384x128xf32, #tpu.memory_space<hbm>> -> memref<16384x128xf32, #tpu.memory_space<hbm>>
      %dma_start3A_348 = arith.constant -1 : i32
      tpu.enqueue_indirect_dma source(%dma_start3A_347 : memref<16384x128xf32, #tpu.memory_space<hbm>>) target(%dma_start3A_342 : memref<128x128xf32, #tpu.memory_space<vmem>>) offsets(%dma_start3A_344 : memref<128xi32, #tpu.memory_space<vmem>>) offset_filter(%dma_start3A_348) semaphore(%arg11 : memref<!tpu.dma_semaphore, #tpu.memory_space<semaphore_mem>>)
      %dma_start3A_349 = arith.constant 256 : i32
      %dma_start3A_350 = arith.constant 0 : i32
      %dma_start3A_351 = tpu.memref_slice %arg7[%dma_start3A_349, %dma_start3A_350] : memref<384x128xf32, #tpu.memory_space<vmem>> -> memref<128x128xf32, #tpu.memory_space<vmem>>
      %dma_start3A_352 = arith.constant 1792 : i32
      %dma_start3A_353 = tpu.memref_slice %arg6[%dma_start3A_352] : memref<3456xi32, #tpu.memory_space<vmem>> -> memref<128xi32, #tpu.memory_space<vmem>>
      %dma_start3A_354 = arith.constant 0 : i32
      %dma_start3A_355 = arith.constant 0 : i32
      %dma_start3A_356 = tpu.memref_slice %arg4[%dma_start3A_354, %dma_start3A_355] : memref<16384x128xf32, #tpu.memory_space<hbm>> -> memref<16384x128xf32, #tpu.memory_space<hbm>>
      %dma_start3A_357 = arith.constant -1 : i32
      tpu.enqueue_indirect_dma source(%dma_start3A_356 : memref<16384x128xf32, #tpu.memory_space<hbm>>) target(%dma_start3A_351 : memref<128x128xf32, #tpu.memory_space<vmem>>) offsets(%dma_start3A_353 : memref<128xi32, #tpu.memory_space<vmem>>) offset_filter(%dma_start3A_357) semaphore(%arg11 : memref<!tpu.dma_semaphore, #tpu.memory_space<semaphore_mem>>)
      %add3A_358 = arith.constant 1920 : i32
      %add3A_359 = arith.addi %mul3A_2, %add3A_358 : i32
      %dma_start3A_360 = arith.constant 0 : i32
      %dma_start3A_361 = arith.constant 0 : i32
      %dma_start3A_362 = tpu.memref_slice %arg8[%dma_start3A_360, %dma_start3A_361] : memref<384x128xf32, #tpu.memory_space<vmem>> -> memref<384x128xf32, #tpu.memory_space<vmem>>
      %dma_start3A_363 = arith.constant 0 : i32
      %dma_start3A_364 = tpu.memref_slice %arg2[%add3A_359, %dma_start3A_363] : memref<100000x128xf32, #tpu.memory_space<hbm>> -> memref<384x128xf32, #tpu.memory_space<hbm>>
      %dma_start3A_365 = arith.constant 0 : i32
      %dma_start3A_366 = arith.constant 0 : i32
      %dma_start3A_367 = tpu.memref_slice %arg8[%dma_start3A_365, %dma_start3A_366] : memref<384x128xf32, #tpu.memory_space<vmem>> -> memref<384x128xf32, #tpu.memory_space<vmem>>
      %dma_start3A_368 = arith.constant 0 : i32
      %dma_start3A_369 = tpu.memref_slice %arg2[%add3A_359, %dma_start3A_368] : memref<100000x128xf32, #tpu.memory_space<hbm>> -> memref<384x128xf32, #tpu.memory_space<hbm>>
      tpu.enqueue_dma source(%dma_start3A_369 : memref<384x128xf32, #tpu.memory_space<hbm>>) target(%dma_start3A_367 : memref<384x128xf32, #tpu.memory_space<vmem>>) target_semaphore(%arg10 : memref<!tpu.dma_semaphore, #tpu.memory_space<semaphore_mem>>)
      %dma_wait3A_370 = arith.constant 0 : i32
      %dma_wait3A_371 = arith.constant 0 : i32
      %dma_wait3A_372 = tpu.memref_slice %arg7[%dma_wait3A_370, %dma_wait3A_371] : memref<384x128xf32, #tpu.memory_space<vmem>> -> memref<128x128xf32, #tpu.memory_space<vmem>>
      %dma_wait3A_373 = arith.constant 1536 : i32
      %dma_wait3A_374 = tpu.memref_slice %arg6[%dma_wait3A_373] : memref<3456xi32, #tpu.memory_space<vmem>> -> memref<128xi32, #tpu.memory_space<vmem>>
      %dma_wait3A_375 = arith.constant 0 : i32
      %dma_wait3A_376 = arith.constant 0 : i32
      %dma_wait3A_377 = tpu.memref_slice %arg4[%dma_wait3A_375, %dma_wait3A_376] : memref<16384x128xf32, #tpu.memory_space<hbm>> -> memref<16384x128xf32, #tpu.memory_space<hbm>>
      tpu.wait_indirect_dma semaphore(%arg11 : memref<!tpu.dma_semaphore, #tpu.memory_space<semaphore_mem>>) src(%dma_wait3A_377 : memref<16384x128xf32, #tpu.memory_space<hbm>>) dst(%dma_wait3A_372 : memref<128x128xf32, #tpu.memory_space<vmem>>)
      %dma_wait3A_378 = arith.constant 128 : i32
      %dma_wait3A_379 = arith.constant 0 : i32
      %dma_wait3A_380 = tpu.memref_slice %arg7[%dma_wait3A_378, %dma_wait3A_379] : memref<384x128xf32, #tpu.memory_space<vmem>> -> memref<128x128xf32, #tpu.memory_space<vmem>>
      %dma_wait3A_381 = arith.constant 1664 : i32
      %dma_wait3A_382 = tpu.memref_slice %arg6[%dma_wait3A_381] : memref<3456xi32, #tpu.memory_space<vmem>> -> memref<128xi32, #tpu.memory_space<vmem>>
      %dma_wait3A_383 = arith.constant 0 : i32
      %dma_wait3A_384 = arith.constant 0 : i32
      %dma_wait3A_385 = tpu.memref_slice %arg4[%dma_wait3A_383, %dma_wait3A_384] : memref<16384x128xf32, #tpu.memory_space<hbm>> -> memref<16384x128xf32, #tpu.memory_space<hbm>>
      tpu.wait_indirect_dma semaphore(%arg11 : memref<!tpu.dma_semaphore, #tpu.memory_space<semaphore_mem>>) src(%dma_wait3A_385 : memref<16384x128xf32, #tpu.memory_space<hbm>>) dst(%dma_wait3A_380 : memref<128x128xf32, #tpu.memory_space<vmem>>)
      %dma_wait3A_386 = arith.constant 256 : i32
      %dma_wait3A_387 = arith.constant 0 : i32
      %dma_wait3A_388 = tpu.memref_slice %arg7[%dma_wait3A_386, %dma_wait3A_387] : memref<384x128xf32, #tpu.memory_space<vmem>> -> memref<128x128xf32, #tpu.memory_space<vmem>>
      %dma_wait3A_389 = arith.constant 1792 : i32
      %dma_wait3A_390 = tpu.memref_slice %arg6[%dma_wait3A_389] : memref<3456xi32, #tpu.memory_space<vmem>> -> memref<128xi32, #tpu.memory_space<vmem>>
      %dma_wait3A_391 = arith.constant 0 : i32
      %dma_wait3A_392 = arith.constant 0 : i32
      %dma_wait3A_393 = tpu.memref_slice %arg4[%dma_wait3A_391, %dma_wait3A_392] : memref<16384x128xf32, #tpu.memory_space<hbm>> -> memref<16384x128xf32, #tpu.memory_space<hbm>>
      tpu.wait_indirect_dma semaphore(%arg11 : memref<!tpu.dma_semaphore, #tpu.memory_space<semaphore_mem>>) src(%dma_wait3A_393 : memref<16384x128xf32, #tpu.memory_space<hbm>>) dst(%dma_wait3A_388 : memref<128x128xf32, #tpu.memory_space<vmem>>)
      %add3A_394 = arith.constant 1536 : i32
      %add3A_395 = arith.addi %mul3A_2, %add3A_394 : i32
      "tpu.region"() ({
        %run_scoped3A = tpu.sem_alloc : memref<!tpu.dma_semaphore, #tpu.memory_space<semaphore_mem>>
        %dma_start3A_609 = arith.constant 0 : i32
        %dma_start3A_610 = arith.constant 0 : i32
        %dma_start3A_611 = tpu.memref_slice %arg7[%dma_start3A_609, %dma_start3A_610] : memref<384x128xf32, #tpu.memory_space<vmem>> -> memref<384x128xf32, #tpu.memory_space<vmem>>
        %dma_start3A_612 = arith.constant 0 : i32
        %dma_start3A_613 = tpu.memref_slice %arg5[%add3A_395, %dma_start3A_612] : memref<100000x128xf32, #tpu.memory_space<hbm>> -> memref<384x128xf32, #tpu.memory_space<hbm>>
        %dma_start3A_614 = arith.constant 0 : i32
        %dma_start3A_615 = tpu.memref_slice %arg5[%add3A_395, %dma_start3A_614] : memref<100000x128xf32, #tpu.memory_space<hbm>> -> memref<384x128xf32, #tpu.memory_space<hbm>>
        %dma_start3A_616 = arith.constant 0 : i32
        %dma_start3A_617 = arith.constant 0 : i32
        %dma_start3A_618 = tpu.memref_slice %arg7[%dma_start3A_616, %dma_start3A_617] : memref<384x128xf32, #tpu.memory_space<vmem>> -> memref<384x128xf32, #tpu.memory_space<vmem>>
        tpu.enqueue_dma source(%dma_start3A_618 : memref<384x128xf32, #tpu.memory_space<vmem>>) target(%dma_start3A_615 : memref<384x128xf32, #tpu.memory_space<hbm>>) target_semaphore(%run_scoped3A : memref<!tpu.dma_semaphore, #tpu.memory_space<semaphore_mem>>)
        %dma_wait3A_619 = arith.constant 0 : i32
        %dma_wait3A_620 = arith.constant 0 : i32
        %dma_wait3A_621 = tpu.memref_slice %arg7[%dma_wait3A_619, %dma_wait3A_620] : memref<384x128xf32, #tpu.memory_space<vmem>> -> memref<384x128xf32, #tpu.memory_space<vmem>>
        %dma_wait3A_622 = arith.constant 0 : i32
        %dma_wait3A_623 = tpu.memref_slice %arg5[%add3A_395, %dma_wait3A_622] : memref<100000x128xf32, #tpu.memory_space<hbm>> -> memref<384x128xf32, #tpu.memory_space<hbm>>
        %dma_wait3A_624 = arith.constant 0 : i32
        %dma_wait3A_625 = tpu.memref_slice %arg5[%add3A_395, %dma_wait3A_624] : memref<100000x128xf32, #tpu.memory_space<hbm>> -> memref<384x128xf32, #tpu.memory_space<hbm>>
        %dma_wait3A_626 = arith.constant 0 : i32
        %dma_wait3A_627 = arith.constant 0 : i32
        %dma_wait3A_628 = tpu.memref_slice %arg7[%dma_wait3A_626, %dma_wait3A_627] : memref<384x128xf32, #tpu.memory_space<vmem>> -> memref<384x128xf32, #tpu.memory_space<vmem>>
        tpu.wait_dma2 semaphore(%run_scoped3A : memref<!tpu.dma_semaphore, #tpu.memory_space<semaphore_mem>>) src(%dma_wait3A_628 : memref<384x128xf32, #tpu.memory_space<vmem>>) dst(%dma_wait3A_625 : memref<384x128xf32, #tpu.memory_space<hbm>>)
        tpu.yield
      }) : () -> ()
      %dma_wait3A_396 = arith.constant 0 : i32
      %dma_wait3A_397 = arith.constant 0 : i32
      %dma_wait3A_398 = tpu.memref_slice %arg8[%dma_wait3A_396, %dma_wait3A_397] : memref<384x128xf32, #tpu.memory_space<vmem>> -> memref<384x128xf32, #tpu.memory_space<vmem>>
      %dma_wait3A_399 = arith.constant 0 : i32
      %dma_wait3A_400 = tpu.memref_slice %arg2[%add3A_359, %dma_wait3A_399] : memref<100000x128xf32, #tpu.memory_space<hbm>> -> memref<384x128xf32, #tpu.memory_space<hbm>>
      %dma_wait3A_401 = arith.constant 0 : i32
      %dma_wait3A_402 = arith.constant 0 : i32
      %dma_wait3A_403 = tpu.memref_slice %arg8[%dma_wait3A_401, %dma_wait3A_402] : memref<384x128xf32, #tpu.memory_space<vmem>> -> memref<384x128xf32, #tpu.memory_space<vmem>>
      %dma_wait3A_404 = arith.constant 0 : i32
      %dma_wait3A_405 = tpu.memref_slice %arg2[%add3A_359, %dma_wait3A_404] : memref<100000x128xf32, #tpu.memory_space<hbm>> -> memref<384x128xf32, #tpu.memory_space<hbm>>
      tpu.wait_dma2 semaphore(%arg10 : memref<!tpu.dma_semaphore, #tpu.memory_space<semaphore_mem>>) src(%dma_wait3A_405 : memref<384x128xf32, #tpu.memory_space<hbm>>) dst(%dma_wait3A_403 : memref<384x128xf32, #tpu.memory_space<vmem>>)
      %dma_start3A_406 = arith.constant 0 : i32
      %dma_start3A_407 = arith.constant 0 : i32
      %dma_start3A_408 = tpu.memref_slice %arg8[%dma_start3A_406, %dma_start3A_407] : memref<384x128xf32, #tpu.memory_space<vmem>> -> memref<128x128xf32, #tpu.memory_space<vmem>>
      %dma_start3A_409 = arith.constant 1920 : i32
      %dma_start3A_410 = tpu.memref_slice %arg6[%dma_start3A_409] : memref<3456xi32, #tpu.memory_space<vmem>> -> memref<128xi32, #tpu.memory_space<vmem>>
      %dma_start3A_411 = arith.constant 0 : i32
      %dma_start3A_412 = arith.constant 0 : i32
      %dma_start3A_413 = tpu.memref_slice %arg4[%dma_start3A_411, %dma_start3A_412] : memref<16384x128xf32, #tpu.memory_space<hbm>> -> memref<16384x128xf32, #tpu.memory_space<hbm>>
      %dma_start3A_414 = arith.constant -1 : i32
      tpu.enqueue_indirect_dma source(%dma_start3A_413 : memref<16384x128xf32, #tpu.memory_space<hbm>>) target(%dma_start3A_408 : memref<128x128xf32, #tpu.memory_space<vmem>>) offsets(%dma_start3A_410 : memref<128xi32, #tpu.memory_space<vmem>>) offset_filter(%dma_start3A_414) semaphore(%arg12 : memref<!tpu.dma_semaphore, #tpu.memory_space<semaphore_mem>>)
      %dma_start3A_415 = arith.constant 128 : i32
      %dma_start3A_416 = arith.constant 0 : i32
      %dma_start3A_417 = tpu.memref_slice %arg8[%dma_start3A_415, %dma_start3A_416] : memref<384x128xf32, #tpu.memory_space<vmem>> -> memref<128x128xf32, #tpu.memory_space<vmem>>
      %dma_start3A_418 = arith.constant 2048 : i32
      %dma_start3A_419 = tpu.memref_slice %arg6[%dma_start3A_418] : memref<3456xi32, #tpu.memory_space<vmem>> -> memref<128xi32, #tpu.memory_space<vmem>>
      %dma_start3A_420 = arith.constant 0 : i32
      %dma_start3A_421 = arith.constant 0 : i32
      %dma_start3A_422 = tpu.memref_slice %arg4[%dma_start3A_420, %dma_start3A_421] : memref<16384x128xf32, #tpu.memory_space<hbm>> -> memref<16384x128xf32, #tpu.memory_space<hbm>>
      %dma_start3A_423 = arith.constant -1 : i32
      tpu.enqueue_indirect_dma source(%dma_start3A_422 : memref<16384x128xf32, #tpu.memory_space<hbm>>) target(%dma_start3A_417 : memref<128x128xf32, #tpu.memory_space<vmem>>) offsets(%dma_start3A_419 : memref<128xi32, #tpu.memory_space<vmem>>) offset_filter(%dma_start3A_423) semaphore(%arg12 : memref<!tpu.dma_semaphore, #tpu.memory_space<semaphore_mem>>)
      %dma_start3A_424 = arith.constant 256 : i32
      %dma_start3A_425 = arith.constant 0 : i32
      %dma_start3A_426 = tpu.memref_slice %arg8[%dma_start3A_424, %dma_start3A_425] : memref<384x128xf32, #tpu.memory_space<vmem>> -> memref<128x128xf32, #tpu.memory_space<vmem>>
      %dma_start3A_427 = arith.constant 2176 : i32
      %dma_start3A_428 = tpu.memref_slice %arg6[%dma_start3A_427] : memref<3456xi32, #tpu.memory_space<vmem>> -> memref<128xi32, #tpu.memory_space<vmem>>
      %dma_start3A_429 = arith.constant 0 : i32
      %dma_start3A_430 = arith.constant 0 : i32
      %dma_start3A_431 = tpu.memref_slice %arg4[%dma_start3A_429, %dma_start3A_430] : memref<16384x128xf32, #tpu.memory_space<hbm>> -> memref<16384x128xf32, #tpu.memory_space<hbm>>
      %dma_start3A_432 = arith.constant -1 : i32
      tpu.enqueue_indirect_dma source(%dma_start3A_431 : memref<16384x128xf32, #tpu.memory_space<hbm>>) target(%dma_start3A_426 : memref<128x128xf32, #tpu.memory_space<vmem>>) offsets(%dma_start3A_428 : memref<128xi32, #tpu.memory_space<vmem>>) offset_filter(%dma_start3A_432) semaphore(%arg12 : memref<!tpu.dma_semaphore, #tpu.memory_space<semaphore_mem>>)
      %add3A_433 = arith.constant 2304 : i32
      %add3A_434 = arith.addi %mul3A_2, %add3A_433 : i32
      %dma_start3A_435 = arith.constant 0 : i32
      %dma_start3A_436 = arith.constant 0 : i32
      %dma_start3A_437 = tpu.memref_slice %arg7[%dma_start3A_435, %dma_start3A_436] : memref<384x128xf32, #tpu.memory_space<vmem>> -> memref<384x128xf32, #tpu.memory_space<vmem>>
      %dma_start3A_438 = arith.constant 0 : i32
      %dma_start3A_439 = tpu.memref_slice %arg2[%add3A_434, %dma_start3A_438] : memref<100000x128xf32, #tpu.memory_space<hbm>> -> memref<384x128xf32, #tpu.memory_space<hbm>>
      %dma_start3A_440 = arith.constant 0 : i32
      %dma_start3A_441 = arith.constant 0 : i32
      %dma_start3A_442 = tpu.memref_slice %arg7[%dma_start3A_440, %dma_start3A_441] : memref<384x128xf32, #tpu.memory_space<vmem>> -> memref<384x128xf32, #tpu.memory_space<vmem>>
      %dma_start3A_443 = arith.constant 0 : i32
      %dma_start3A_444 = tpu.memref_slice %arg2[%add3A_434, %dma_start3A_443] : memref<100000x128xf32, #tpu.memory_space<hbm>> -> memref<384x128xf32, #tpu.memory_space<hbm>>
      tpu.enqueue_dma source(%dma_start3A_444 : memref<384x128xf32, #tpu.memory_space<hbm>>) target(%dma_start3A_442 : memref<384x128xf32, #tpu.memory_space<vmem>>) target_semaphore(%arg9 : memref<!tpu.dma_semaphore, #tpu.memory_space<semaphore_mem>>)
      %dma_wait3A_445 = arith.constant 0 : i32
      %dma_wait3A_446 = arith.constant 0 : i32
      %dma_wait3A_447 = tpu.memref_slice %arg8[%dma_wait3A_445, %dma_wait3A_446] : memref<384x128xf32, #tpu.memory_space<vmem>> -> memref<128x128xf32, #tpu.memory_space<vmem>>
      %dma_wait3A_448 = arith.constant 1920 : i32
      %dma_wait3A_449 = tpu.memref_slice %arg6[%dma_wait3A_448] : memref<3456xi32, #tpu.memory_space<vmem>> -> memref<128xi32, #tpu.memory_space<vmem>>
      %dma_wait3A_450 = arith.constant 0 : i32
      %dma_wait3A_451 = arith.constant 0 : i32
      %dma_wait3A_452 = tpu.memref_slice %arg4[%dma_wait3A_450, %dma_wait3A_451] : memref<16384x128xf32, #tpu.memory_space<hbm>> -> memref<16384x128xf32, #tpu.memory_space<hbm>>
      tpu.wait_indirect_dma semaphore(%arg12 : memref<!tpu.dma_semaphore, #tpu.memory_space<semaphore_mem>>) src(%dma_wait3A_452 : memref<16384x128xf32, #tpu.memory_space<hbm>>) dst(%dma_wait3A_447 : memref<128x128xf32, #tpu.memory_space<vmem>>)
      %dma_wait3A_453 = arith.constant 128 : i32
      %dma_wait3A_454 = arith.constant 0 : i32
      %dma_wait3A_455 = tpu.memref_slice %arg8[%dma_wait3A_453, %dma_wait3A_454] : memref<384x128xf32, #tpu.memory_space<vmem>> -> memref<128x128xf32, #tpu.memory_space<vmem>>
      %dma_wait3A_456 = arith.constant 2048 : i32
      %dma_wait3A_457 = tpu.memref_slice %arg6[%dma_wait3A_456] : memref<3456xi32, #tpu.memory_space<vmem>> -> memref<128xi32, #tpu.memory_space<vmem>>
      %dma_wait3A_458 = arith.constant 0 : i32
      %dma_wait3A_459 = arith.constant 0 : i32
      %dma_wait3A_460 = tpu.memref_slice %arg4[%dma_wait3A_458, %dma_wait3A_459] : memref<16384x128xf32, #tpu.memory_space<hbm>> -> memref<16384x128xf32, #tpu.memory_space<hbm>>
      tpu.wait_indirect_dma semaphore(%arg12 : memref<!tpu.dma_semaphore, #tpu.memory_space<semaphore_mem>>) src(%dma_wait3A_460 : memref<16384x128xf32, #tpu.memory_space<hbm>>) dst(%dma_wait3A_455 : memref<128x128xf32, #tpu.memory_space<vmem>>)
      %dma_wait3A_461 = arith.constant 256 : i32
      %dma_wait3A_462 = arith.constant 0 : i32
      %dma_wait3A_463 = tpu.memref_slice %arg8[%dma_wait3A_461, %dma_wait3A_462] : memref<384x128xf32, #tpu.memory_space<vmem>> -> memref<128x128xf32, #tpu.memory_space<vmem>>
      %dma_wait3A_464 = arith.constant 2176 : i32
      %dma_wait3A_465 = tpu.memref_slice %arg6[%dma_wait3A_464] : memref<3456xi32, #tpu.memory_space<vmem>> -> memref<128xi32, #tpu.memory_space<vmem>>
      %dma_wait3A_466 = arith.constant 0 : i32
      %dma_wait3A_467 = arith.constant 0 : i32
      %dma_wait3A_468 = tpu.memref_slice %arg4[%dma_wait3A_466, %dma_wait3A_467] : memref<16384x128xf32, #tpu.memory_space<hbm>> -> memref<16384x128xf32, #tpu.memory_space<hbm>>
      tpu.wait_indirect_dma semaphore(%arg12 : memref<!tpu.dma_semaphore, #tpu.memory_space<semaphore_mem>>) src(%dma_wait3A_468 : memref<16384x128xf32, #tpu.memory_space<hbm>>) dst(%dma_wait3A_463 : memref<128x128xf32, #tpu.memory_space<vmem>>)
      %add3A_469 = arith.constant 1920 : i32
      %add3A_470 = arith.addi %mul3A_2, %add3A_469 : i32
      "tpu.region"() ({
        %run_scoped3A = tpu.sem_alloc : memref<!tpu.dma_semaphore, #tpu.memory_space<semaphore_mem>>
        %dma_start3A_609 = arith.constant 0 : i32
        %dma_start3A_610 = arith.constant 0 : i32
        %dma_start3A_611 = tpu.memref_slice %arg8[%dma_start3A_609, %dma_start3A_610] : memref<384x128xf32, #tpu.memory_space<vmem>> -> memref<384x128xf32, #tpu.memory_space<vmem>>
        %dma_start3A_612 = arith.constant 0 : i32
        %dma_start3A_613 = tpu.memref_slice %arg5[%add3A_470, %dma_start3A_612] : memref<100000x128xf32, #tpu.memory_space<hbm>> -> memref<384x128xf32, #tpu.memory_space<hbm>>
        %dma_start3A_614 = arith.constant 0 : i32
        %dma_start3A_615 = tpu.memref_slice %arg5[%add3A_470, %dma_start3A_614] : memref<100000x128xf32, #tpu.memory_space<hbm>> -> memref<384x128xf32, #tpu.memory_space<hbm>>
        %dma_start3A_616 = arith.constant 0 : i32
        %dma_start3A_617 = arith.constant 0 : i32
        %dma_start3A_618 = tpu.memref_slice %arg8[%dma_start3A_616, %dma_start3A_617] : memref<384x128xf32, #tpu.memory_space<vmem>> -> memref<384x128xf32, #tpu.memory_space<vmem>>
        tpu.enqueue_dma source(%dma_start3A_618 : memref<384x128xf32, #tpu.memory_space<vmem>>) target(%dma_start3A_615 : memref<384x128xf32, #tpu.memory_space<hbm>>) target_semaphore(%run_scoped3A : memref<!tpu.dma_semaphore, #tpu.memory_space<semaphore_mem>>)
        %dma_wait3A_619 = arith.constant 0 : i32
        %dma_wait3A_620 = arith.constant 0 : i32
        %dma_wait3A_621 = tpu.memref_slice %arg8[%dma_wait3A_619, %dma_wait3A_620] : memref<384x128xf32, #tpu.memory_space<vmem>> -> memref<384x128xf32, #tpu.memory_space<vmem>>
        %dma_wait3A_622 = arith.constant 0 : i32
        %dma_wait3A_623 = tpu.memref_slice %arg5[%add3A_470, %dma_wait3A_622] : memref<100000x128xf32, #tpu.memory_space<hbm>> -> memref<384x128xf32, #tpu.memory_space<hbm>>
        %dma_wait3A_624 = arith.constant 0 : i32
        %dma_wait3A_625 = tpu.memref_slice %arg5[%add3A_470, %dma_wait3A_624] : memref<100000x128xf32, #tpu.memory_space<hbm>> -> memref<384x128xf32, #tpu.memory_space<hbm>>
        %dma_wait3A_626 = arith.constant 0 : i32
        %dma_wait3A_627 = arith.constant 0 : i32
        %dma_wait3A_628 = tpu.memref_slice %arg8[%dma_wait3A_626, %dma_wait3A_627] : memref<384x128xf32, #tpu.memory_space<vmem>> -> memref<384x128xf32, #tpu.memory_space<vmem>>
        tpu.wait_dma2 semaphore(%run_scoped3A : memref<!tpu.dma_semaphore, #tpu.memory_space<semaphore_mem>>) src(%dma_wait3A_628 : memref<384x128xf32, #tpu.memory_space<vmem>>) dst(%dma_wait3A_625 : memref<384x128xf32, #tpu.memory_space<hbm>>)
        tpu.yield
      }) : () -> ()
      %dma_wait3A_471 = arith.constant 0 : i32
      %dma_wait3A_472 = arith.constant 0 : i32
      %dma_wait3A_473 = tpu.memref_slice %arg7[%dma_wait3A_471, %dma_wait3A_472] : memref<384x128xf32, #tpu.memory_space<vmem>> -> memref<384x128xf32, #tpu.memory_space<vmem>>
      %dma_wait3A_474 = arith.constant 0 : i32
      %dma_wait3A_475 = tpu.memref_slice %arg2[%add3A_434, %dma_wait3A_474] : memref<100000x128xf32, #tpu.memory_space<hbm>> -> memref<384x128xf32, #tpu.memory_space<hbm>>
      %dma_wait3A_476 = arith.constant 0 : i32
      %dma_wait3A_477 = arith.constant 0 : i32
      %dma_wait3A_478 = tpu.memref_slice %arg7[%dma_wait3A_476, %dma_wait3A_477] : memref<384x128xf32, #tpu.memory_space<vmem>> -> memref<384x128xf32, #tpu.memory_space<vmem>>
      %dma_wait3A_479 = arith.constant 0 : i32
      %dma_wait3A_480 = tpu.memref_slice %arg2[%add3A_434, %dma_wait3A_479] : memref<100000x128xf32, #tpu.memory_space<hbm>> -> memref<384x128xf32, #tpu.memory_space<hbm>>
      tpu.wait_dma2 semaphore(%arg9 : memref<!tpu.dma_semaphore, #tpu.memory_space<semaphore_mem>>) src(%dma_wait3A_480 : memref<384x128xf32, #tpu.memory_space<hbm>>) dst(%dma_wait3A_478 : memref<384x128xf32, #tpu.memory_space<vmem>>)
      %dma_start3A_481 = arith.constant 0 : i32
      %dma_start3A_482 = arith.constant 0 : i32
      %dma_start3A_483 = tpu.memref_slice %arg7[%dma_start3A_481, %dma_start3A_482] : memref<384x128xf32, #tpu.memory_space<vmem>> -> memref<128x128xf32, #tpu.memory_space<vmem>>
      %dma_start3A_484 = arith.constant 2304 : i32
      %dma_start3A_485 = tpu.memref_slice %arg6[%dma_start3A_484] : memref<3456xi32, #tpu.memory_space<vmem>> -> memref<128xi32, #tpu.memory_space<vmem>>
      %dma_start3A_486 = arith.constant 0 : i32
      %dma_start3A_487 = arith.constant 0 : i32
      %dma_start3A_488 = tpu.memref_slice %arg4[%dma_start3A_486, %dma_start3A_487] : memref<16384x128xf32, #tpu.memory_space<hbm>> -> memref<16384x128xf32, #tpu.memory_space<hbm>>
      %dma_start3A_489 = arith.constant -1 : i32
      tpu.enqueue_indirect_dma source(%dma_start3A_488 : memref<16384x128xf32, #tpu.memory_space<hbm>>) target(%dma_start3A_483 : memref<128x128xf32, #tpu.memory_space<vmem>>) offsets(%dma_start3A_485 : memref<128xi32, #tpu.memory_space<vmem>>) offset_filter(%dma_start3A_489) semaphore(%arg11 : memref<!tpu.dma_semaphore, #tpu.memory_space<semaphore_mem>>)
      %dma_start3A_490 = arith.constant 128 : i32
      %dma_start3A_491 = arith.constant 0 : i32
      %dma_start3A_492 = tpu.memref_slice %arg7[%dma_start3A_490, %dma_start3A_491] : memref<384x128xf32, #tpu.memory_space<vmem>> -> memref<128x128xf32, #tpu.memory_space<vmem>>
      %dma_start3A_493 = arith.constant 2432 : i32
      %dma_start3A_494 = tpu.memref_slice %arg6[%dma_start3A_493] : memref<3456xi32, #tpu.memory_space<vmem>> -> memref<128xi32, #tpu.memory_space<vmem>>
      %dma_start3A_495 = arith.constant 0 : i32
      %dma_start3A_496 = arith.constant 0 : i32
      %dma_start3A_497 = tpu.memref_slice %arg4[%dma_start3A_495, %dma_start3A_496] : memref<16384x128xf32, #tpu.memory_space<hbm>> -> memref<16384x128xf32, #tpu.memory_space<hbm>>
      %dma_start3A_498 = arith.constant -1 : i32
      tpu.enqueue_indirect_dma source(%dma_start3A_497 : memref<16384x128xf32, #tpu.memory_space<hbm>>) target(%dma_start3A_492 : memref<128x128xf32, #tpu.memory_space<vmem>>) offsets(%dma_start3A_494 : memref<128xi32, #tpu.memory_space<vmem>>) offset_filter(%dma_start3A_498) semaphore(%arg11 : memref<!tpu.dma_semaphore, #tpu.memory_space<semaphore_mem>>)
      %dma_start3A_499 = arith.constant 256 : i32
      %dma_start3A_500 = arith.constant 0 : i32
      %dma_start3A_501 = tpu.memref_slice %arg7[%dma_start3A_499, %dma_start3A_500] : memref<384x128xf32, #tpu.memory_space<vmem>> -> memref<128x128xf32, #tpu.memory_space<vmem>>
      %dma_start3A_502 = arith.constant 2560 : i32
      %dma_start3A_503 = tpu.memref_slice %arg6[%dma_start3A_502] : memref<3456xi32, #tpu.memory_space<vmem>> -> memref<128xi32, #tpu.memory_space<vmem>>
      %dma_start3A_504 = arith.constant 0 : i32
      %dma_start3A_505 = arith.constant 0 : i32
      %dma_start3A_506 = tpu.memref_slice %arg4[%dma_start3A_504, %dma_start3A_505] : memref<16384x128xf32, #tpu.memory_space<hbm>> -> memref<16384x128xf32, #tpu.memory_space<hbm>>
      %dma_start3A_507 = arith.constant -1 : i32
      tpu.enqueue_indirect_dma source(%dma_start3A_506 : memref<16384x128xf32, #tpu.memory_space<hbm>>) target(%dma_start3A_501 : memref<128x128xf32, #tpu.memory_space<vmem>>) offsets(%dma_start3A_503 : memref<128xi32, #tpu.memory_space<vmem>>) offset_filter(%dma_start3A_507) semaphore(%arg11 : memref<!tpu.dma_semaphore, #tpu.memory_space<semaphore_mem>>)
      %add3A_508 = arith.constant 2688 : i32
      %add3A_509 = arith.addi %mul3A_2, %add3A_508 : i32
      %dma_start3A_510 = arith.constant 0 : i32
      %dma_start3A_511 = arith.constant 0 : i32
      %dma_start3A_512 = tpu.memref_slice %arg8[%dma_start3A_510, %dma_start3A_511] : memref<384x128xf32, #tpu.memory_space<vmem>> -> memref<344x128xf32, #tpu.memory_space<vmem>>
      %dma_start3A_513 = arith.constant 0 : i32
      %dma_start3A_514 = tpu.memref_slice %arg2[%add3A_509, %dma_start3A_513] : memref<100000x128xf32, #tpu.memory_space<hbm>> -> memref<344x128xf32, #tpu.memory_space<hbm>>
      %dma_start3A_515 = arith.constant 0 : i32
      %dma_start3A_516 = arith.constant 0 : i32
      %dma_start3A_517 = tpu.memref_slice %arg8[%dma_start3A_515, %dma_start3A_516] : memref<384x128xf32, #tpu.memory_space<vmem>> -> memref<344x128xf32, #tpu.memory_space<vmem>>
      %dma_start3A_518 = arith.constant 0 : i32
      %dma_start3A_519 = tpu.memref_slice %arg2[%add3A_509, %dma_start3A_518] : memref<100000x128xf32, #tpu.memory_space<hbm>> -> memref<344x128xf32, #tpu.memory_space<hbm>>
      tpu.enqueue_dma source(%dma_start3A_519 : memref<344x128xf32, #tpu.memory_space<hbm>>) target(%dma_start3A_517 : memref<344x128xf32, #tpu.memory_space<vmem>>) target_semaphore(%arg10 : memref<!tpu.dma_semaphore, #tpu.memory_space<semaphore_mem>>)
      %dma_wait3A_520 = arith.constant 0 : i32
      %dma_wait3A_521 = arith.constant 0 : i32
      %dma_wait3A_522 = tpu.memref_slice %arg7[%dma_wait3A_520, %dma_wait3A_521] : memref<384x128xf32, #tpu.memory_space<vmem>> -> memref<128x128xf32, #tpu.memory_space<vmem>>
      %dma_wait3A_523 = arith.constant 2304 : i32
      %dma_wait3A_524 = tpu.memref_slice %arg6[%dma_wait3A_523] : memref<3456xi32, #tpu.memory_space<vmem>> -> memref<128xi32, #tpu.memory_space<vmem>>
      %dma_wait3A_525 = arith.constant 0 : i32
      %dma_wait3A_526 = arith.constant 0 : i32
      %dma_wait3A_527 = tpu.memref_slice %arg4[%dma_wait3A_525, %dma_wait3A_526] : memref<16384x128xf32, #tpu.memory_space<hbm>> -> memref<16384x128xf32, #tpu.memory_space<hbm>>
      tpu.wait_indirect_dma semaphore(%arg11 : memref<!tpu.dma_semaphore, #tpu.memory_space<semaphore_mem>>) src(%dma_wait3A_527 : memref<16384x128xf32, #tpu.memory_space<hbm>>) dst(%dma_wait3A_522 : memref<128x128xf32, #tpu.memory_space<vmem>>)
      %dma_wait3A_528 = arith.constant 128 : i32
      %dma_wait3A_529 = arith.constant 0 : i32
      %dma_wait3A_530 = tpu.memref_slice %arg7[%dma_wait3A_528, %dma_wait3A_529] : memref<384x128xf32, #tpu.memory_space<vmem>> -> memref<128x128xf32, #tpu.memory_space<vmem>>
      %dma_wait3A_531 = arith.constant 2432 : i32
      %dma_wait3A_532 = tpu.memref_slice %arg6[%dma_wait3A_531] : memref<3456xi32, #tpu.memory_space<vmem>> -> memref<128xi32, #tpu.memory_space<vmem>>
      %dma_wait3A_533 = arith.constant 0 : i32
      %dma_wait3A_534 = arith.constant 0 : i32
      %dma_wait3A_535 = tpu.memref_slice %arg4[%dma_wait3A_533, %dma_wait3A_534] : memref<16384x128xf32, #tpu.memory_space<hbm>> -> memref<16384x128xf32, #tpu.memory_space<hbm>>
      tpu.wait_indirect_dma semaphore(%arg11 : memref<!tpu.dma_semaphore, #tpu.memory_space<semaphore_mem>>) src(%dma_wait3A_535 : memref<16384x128xf32, #tpu.memory_space<hbm>>) dst(%dma_wait3A_530 : memref<128x128xf32, #tpu.memory_space<vmem>>)
      %dma_wait3A_536 = arith.constant 256 : i32
      %dma_wait3A_537 = arith.constant 0 : i32
      %dma_wait3A_538 = tpu.memref_slice %arg7[%dma_wait3A_536, %dma_wait3A_537] : memref<384x128xf32, #tpu.memory_space<vmem>> -> memref<128x128xf32, #tpu.memory_space<vmem>>
      %dma_wait3A_539 = arith.constant 2560 : i32
      %dma_wait3A_540 = tpu.memref_slice %arg6[%dma_wait3A_539] : memref<3456xi32, #tpu.memory_space<vmem>> -> memref<128xi32, #tpu.memory_space<vmem>>
      %dma_wait3A_541 = arith.constant 0 : i32
      %dma_wait3A_542 = arith.constant 0 : i32
      %dma_wait3A_543 = tpu.memref_slice %arg4[%dma_wait3A_541, %dma_wait3A_542] : memref<16384x128xf32, #tpu.memory_space<hbm>> -> memref<16384x128xf32, #tpu.memory_space<hbm>>
      tpu.wait_indirect_dma semaphore(%arg11 : memref<!tpu.dma_semaphore, #tpu.memory_space<semaphore_mem>>) src(%dma_wait3A_543 : memref<16384x128xf32, #tpu.memory_space<hbm>>) dst(%dma_wait3A_538 : memref<128x128xf32, #tpu.memory_space<vmem>>)
      %add3A_544 = arith.constant 2304 : i32
      %add3A_545 = arith.addi %mul3A_2, %add3A_544 : i32
      "tpu.region"() ({
        %run_scoped3A = tpu.sem_alloc : memref<!tpu.dma_semaphore, #tpu.memory_space<semaphore_mem>>
        %dma_start3A_609 = arith.constant 0 : i32
        %dma_start3A_610 = arith.constant 0 : i32
        %dma_start3A_611 = tpu.memref_slice %arg7[%dma_start3A_609, %dma_start3A_610] : memref<384x128xf32, #tpu.memory_space<vmem>> -> memref<384x128xf32, #tpu.memory_space<vmem>>
        %dma_start3A_612 = arith.constant 0 : i32
        %dma_start3A_613 = tpu.memref_slice %arg5[%add3A_545, %dma_start3A_612] : memref<100000x128xf32, #tpu.memory_space<hbm>> -> memref<384x128xf32, #tpu.memory_space<hbm>>
        %dma_start3A_614 = arith.constant 0 : i32
        %dma_start3A_615 = tpu.memref_slice %arg5[%add3A_545, %dma_start3A_614] : memref<100000x128xf32, #tpu.memory_space<hbm>> -> memref<384x128xf32, #tpu.memory_space<hbm>>
        %dma_start3A_616 = arith.constant 0 : i32
        %dma_start3A_617 = arith.constant 0 : i32
        %dma_start3A_618 = tpu.memref_slice %arg7[%dma_start3A_616, %dma_start3A_617] : memref<384x128xf32, #tpu.memory_space<vmem>> -> memref<384x128xf32, #tpu.memory_space<vmem>>
        tpu.enqueue_dma source(%dma_start3A_618 : memref<384x128xf32, #tpu.memory_space<vmem>>) target(%dma_start3A_615 : memref<384x128xf32, #tpu.memory_space<hbm>>) target_semaphore(%run_scoped3A : memref<!tpu.dma_semaphore, #tpu.memory_space<semaphore_mem>>)
        %dma_wait3A_619 = arith.constant 0 : i32
        %dma_wait3A_620 = arith.constant 0 : i32
        %dma_wait3A_621 = tpu.memref_slice %arg7[%dma_wait3A_619, %dma_wait3A_620] : memref<384x128xf32, #tpu.memory_space<vmem>> -> memref<384x128xf32, #tpu.memory_space<vmem>>
        %dma_wait3A_622 = arith.constant 0 : i32
        %dma_wait3A_623 = tpu.memref_slice %arg5[%add3A_545, %dma_wait3A_622] : memref<100000x128xf32, #tpu.memory_space<hbm>> -> memref<384x128xf32, #tpu.memory_space<hbm>>
        %dma_wait3A_624 = arith.constant 0 : i32
        %dma_wait3A_625 = tpu.memref_slice %arg5[%add3A_545, %dma_wait3A_624] : memref<100000x128xf32, #tpu.memory_space<hbm>> -> memref<384x128xf32, #tpu.memory_space<hbm>>
        %dma_wait3A_626 = arith.constant 0 : i32
        %dma_wait3A_627 = arith.constant 0 : i32
        %dma_wait3A_628 = tpu.memref_slice %arg7[%dma_wait3A_626, %dma_wait3A_627] : memref<384x128xf32, #tpu.memory_space<vmem>> -> memref<384x128xf32, #tpu.memory_space<vmem>>
        tpu.wait_dma2 semaphore(%run_scoped3A : memref<!tpu.dma_semaphore, #tpu.memory_space<semaphore_mem>>) src(%dma_wait3A_628 : memref<384x128xf32, #tpu.memory_space<vmem>>) dst(%dma_wait3A_625 : memref<384x128xf32, #tpu.memory_space<hbm>>)
        tpu.yield
      }) : () -> ()
      %dma_wait3A_546 = arith.constant 0 : i32
      %dma_wait3A_547 = arith.constant 0 : i32
      %dma_wait3A_548 = tpu.memref_slice %arg8[%dma_wait3A_546, %dma_wait3A_547] : memref<384x128xf32, #tpu.memory_space<vmem>> -> memref<344x128xf32, #tpu.memory_space<vmem>>
      %dma_wait3A_549 = arith.constant 0 : i32
      %dma_wait3A_550 = tpu.memref_slice %arg2[%add3A_509, %dma_wait3A_549] : memref<100000x128xf32, #tpu.memory_space<hbm>> -> memref<344x128xf32, #tpu.memory_space<hbm>>
      %dma_wait3A_551 = arith.constant 0 : i32
      %dma_wait3A_552 = arith.constant 0 : i32
      %dma_wait3A_553 = tpu.memref_slice %arg8[%dma_wait3A_551, %dma_wait3A_552] : memref<384x128xf32, #tpu.memory_space<vmem>> -> memref<344x128xf32, #tpu.memory_space<vmem>>
      %dma_wait3A_554 = arith.constant 0 : i32
      %dma_wait3A_555 = tpu.memref_slice %arg2[%add3A_509, %dma_wait3A_554] : memref<100000x128xf32, #tpu.memory_space<hbm>> -> memref<344x128xf32, #tpu.memory_space<hbm>>
      tpu.wait_dma2 semaphore(%arg10 : memref<!tpu.dma_semaphore, #tpu.memory_space<semaphore_mem>>) src(%dma_wait3A_555 : memref<344x128xf32, #tpu.memory_space<hbm>>) dst(%dma_wait3A_553 : memref<344x128xf32, #tpu.memory_space<vmem>>)
      %dma_start3A_556 = arith.constant 0 : i32
      %dma_start3A_557 = arith.constant 0 : i32
      %dma_start3A_558 = tpu.memref_slice %arg8[%dma_start3A_556, %dma_start3A_557] : memref<384x128xf32, #tpu.memory_space<vmem>> -> memref<128x128xf32, #tpu.memory_space<vmem>>
      %dma_start3A_559 = arith.constant 2688 : i32
      %dma_start3A_560 = tpu.memref_slice %arg6[%dma_start3A_559] : memref<3456xi32, #tpu.memory_space<vmem>> -> memref<128xi32, #tpu.memory_space<vmem>>
      %dma_start3A_561 = arith.constant 0 : i32
      %dma_start3A_562 = arith.constant 0 : i32
      %dma_start3A_563 = tpu.memref_slice %arg4[%dma_start3A_561, %dma_start3A_562] : memref<16384x128xf32, #tpu.memory_space<hbm>> -> memref<16384x128xf32, #tpu.memory_space<hbm>>
      %dma_start3A_564 = arith.constant -1 : i32
      tpu.enqueue_indirect_dma source(%dma_start3A_563 : memref<16384x128xf32, #tpu.memory_space<hbm>>) target(%dma_start3A_558 : memref<128x128xf32, #tpu.memory_space<vmem>>) offsets(%dma_start3A_560 : memref<128xi32, #tpu.memory_space<vmem>>) offset_filter(%dma_start3A_564) semaphore(%arg12 : memref<!tpu.dma_semaphore, #tpu.memory_space<semaphore_mem>>)
      %dma_start3A_565 = arith.constant 128 : i32
      %dma_start3A_566 = arith.constant 0 : i32
      %dma_start3A_567 = tpu.memref_slice %arg8[%dma_start3A_565, %dma_start3A_566] : memref<384x128xf32, #tpu.memory_space<vmem>> -> memref<128x128xf32, #tpu.memory_space<vmem>>
      %dma_start3A_568 = arith.constant 2816 : i32
      %dma_start3A_569 = tpu.memref_slice %arg6[%dma_start3A_568] : memref<3456xi32, #tpu.memory_space<vmem>> -> memref<128xi32, #tpu.memory_space<vmem>>
      %dma_start3A_570 = arith.constant 0 : i32
      %dma_start3A_571 = arith.constant 0 : i32
      %dma_start3A_572 = tpu.memref_slice %arg4[%dma_start3A_570, %dma_start3A_571] : memref<16384x128xf32, #tpu.memory_space<hbm>> -> memref<16384x128xf32, #tpu.memory_space<hbm>>
      %dma_start3A_573 = arith.constant -1 : i32
      tpu.enqueue_indirect_dma source(%dma_start3A_572 : memref<16384x128xf32, #tpu.memory_space<hbm>>) target(%dma_start3A_567 : memref<128x128xf32, #tpu.memory_space<vmem>>) offsets(%dma_start3A_569 : memref<128xi32, #tpu.memory_space<vmem>>) offset_filter(%dma_start3A_573) semaphore(%arg12 : memref<!tpu.dma_semaphore, #tpu.memory_space<semaphore_mem>>)
      %dma_start3A_574 = arith.constant 256 : i32
      %dma_start3A_575 = arith.constant 0 : i32
      %dma_start3A_576 = tpu.memref_slice %arg8[%dma_start3A_574, %dma_start3A_575] : memref<384x128xf32, #tpu.memory_space<vmem>> -> memref<88x128xf32, #tpu.memory_space<vmem>>
      %dma_start3A_577 = arith.constant 2944 : i32
      %dma_start3A_578 = tpu.memref_slice %arg6[%dma_start3A_577] : memref<3456xi32, #tpu.memory_space<vmem>> -> memref<88xi32, #tpu.memory_space<vmem>>
      %dma_start3A_579 = arith.constant 0 : i32
      %dma_start3A_580 = arith.constant 0 : i32
      %dma_start3A_581 = tpu.memref_slice %arg4[%dma_start3A_579, %dma_start3A_580] : memref<16384x128xf32, #tpu.memory_space<hbm>> -> memref<16384x128xf32, #tpu.memory_space<hbm>>
      %dma_start3A_582 = arith.constant -1 : i32
      tpu.enqueue_indirect_dma source(%dma_start3A_581 : memref<16384x128xf32, #tpu.memory_space<hbm>>) target(%dma_start3A_576 : memref<88x128xf32, #tpu.memory_space<vmem>>) offsets(%dma_start3A_578 : memref<88xi32, #tpu.memory_space<vmem>>) offset_filter(%dma_start3A_582) semaphore(%arg12 : memref<!tpu.dma_semaphore, #tpu.memory_space<semaphore_mem>>)
      %dma_wait3A_583 = arith.constant 0 : i32
      %dma_wait3A_584 = arith.constant 0 : i32
      %dma_wait3A_585 = tpu.memref_slice %arg8[%dma_wait3A_583, %dma_wait3A_584] : memref<384x128xf32, #tpu.memory_space<vmem>> -> memref<128x128xf32, #tpu.memory_space<vmem>>
      %dma_wait3A_586 = arith.constant 2688 : i32
      %dma_wait3A_587 = tpu.memref_slice %arg6[%dma_wait3A_586] : memref<3456xi32, #tpu.memory_space<vmem>> -> memref<128xi32, #tpu.memory_space<vmem>>
      %dma_wait3A_588 = arith.constant 0 : i32
      %dma_wait3A_589 = arith.constant 0 : i32
      %dma_wait3A_590 = tpu.memref_slice %arg4[%dma_wait3A_588, %dma_wait3A_589] : memref<16384x128xf32, #tpu.memory_space<hbm>> -> memref<16384x128xf32, #tpu.memory_space<hbm>>
      tpu.wait_indirect_dma semaphore(%arg12 : memref<!tpu.dma_semaphore, #tpu.memory_space<semaphore_mem>>) src(%dma_wait3A_590 : memref<16384x128xf32, #tpu.memory_space<hbm>>) dst(%dma_wait3A_585 : memref<128x128xf32, #tpu.memory_space<vmem>>)
      %dma_wait3A_591 = arith.constant 128 : i32
      %dma_wait3A_592 = arith.constant 0 : i32
      %dma_wait3A_593 = tpu.memref_slice %arg8[%dma_wait3A_591, %dma_wait3A_592] : memref<384x128xf32, #tpu.memory_space<vmem>> -> memref<128x128xf32, #tpu.memory_space<vmem>>
      %dma_wait3A_594 = arith.constant 2816 : i32
      %dma_wait3A_595 = tpu.memref_slice %arg6[%dma_wait3A_594] : memref<3456xi32, #tpu.memory_space<vmem>> -> memref<128xi32, #tpu.memory_space<vmem>>
      %dma_wait3A_596 = arith.constant 0 : i32
      %dma_wait3A_597 = arith.constant 0 : i32
      %dma_wait3A_598 = tpu.memref_slice %arg4[%dma_wait3A_596, %dma_wait3A_597] : memref<16384x128xf32, #tpu.memory_space<hbm>> -> memref<16384x128xf32, #tpu.memory_space<hbm>>
      tpu.wait_indirect_dma semaphore(%arg12 : memref<!tpu.dma_semaphore, #tpu.memory_space<semaphore_mem>>) src(%dma_wait3A_598 : memref<16384x128xf32, #tpu.memory_space<hbm>>) dst(%dma_wait3A_593 : memref<128x128xf32, #tpu.memory_space<vmem>>)
      %dma_wait3A_599 = arith.constant 256 : i32
      %dma_wait3A_600 = arith.constant 0 : i32
      %dma_wait3A_601 = tpu.memref_slice %arg8[%dma_wait3A_599, %dma_wait3A_600] : memref<384x128xf32, #tpu.memory_space<vmem>> -> memref<88x128xf32, #tpu.memory_space<vmem>>
      %dma_wait3A_602 = arith.constant 2944 : i32
      %dma_wait3A_603 = tpu.memref_slice %arg6[%dma_wait3A_602] : memref<3456xi32, #tpu.memory_space<vmem>> -> memref<88xi32, #tpu.memory_space<vmem>>
      %dma_wait3A_604 = arith.constant 0 : i32
      %dma_wait3A_605 = arith.constant 0 : i32
      %dma_wait3A_606 = tpu.memref_slice %arg4[%dma_wait3A_604, %dma_wait3A_605] : memref<16384x128xf32, #tpu.memory_space<hbm>> -> memref<16384x128xf32, #tpu.memory_space<hbm>>
      tpu.wait_indirect_dma semaphore(%arg12 : memref<!tpu.dma_semaphore, #tpu.memory_space<semaphore_mem>>) src(%dma_wait3A_606 : memref<16384x128xf32, #tpu.memory_space<hbm>>) dst(%dma_wait3A_601 : memref<88x128xf32, #tpu.memory_space<vmem>>)
      %add3A_607 = arith.constant 2688 : i32
      %add3A_608 = arith.addi %mul3A_2, %add3A_607 : i32
      "tpu.region"() ({
        %run_scoped3A = tpu.sem_alloc : memref<!tpu.dma_semaphore, #tpu.memory_space<semaphore_mem>>
        %dma_start3A_609 = arith.constant 0 : i32
        %dma_start3A_610 = arith.constant 0 : i32
        %dma_start3A_611 = tpu.memref_slice %arg8[%dma_start3A_609, %dma_start3A_610] : memref<384x128xf32, #tpu.memory_space<vmem>> -> memref<344x128xf32, #tpu.memory_space<vmem>>
        %dma_start3A_612 = arith.constant 0 : i32
        %dma_start3A_613 = tpu.memref_slice %arg5[%add3A_608, %dma_start3A_612] : memref<100000x128xf32, #tpu.memory_space<hbm>> -> memref<344x128xf32, #tpu.memory_space<hbm>>
        %dma_start3A_614 = arith.constant 0 : i32
        %dma_start3A_615 = tpu.memref_slice %arg5[%add3A_608, %dma_start3A_614] : memref<100000x128xf32, #tpu.memory_space<hbm>> -> memref<344x128xf32, #tpu.memory_space<hbm>>
        %dma_start3A_616 = arith.constant 0 : i32
        %dma_start3A_617 = arith.constant 0 : i32
        %dma_start3A_618 = tpu.memref_slice %arg8[%dma_start3A_616, %dma_start3A_617] : memref<384x128xf32, #tpu.memory_space<vmem>> -> memref<344x128xf32, #tpu.memory_space<vmem>>
        tpu.enqueue_dma source(%dma_start3A_618 : memref<344x128xf32, #tpu.memory_space<vmem>>) target(%dma_start3A_615 : memref<344x128xf32, #tpu.memory_space<hbm>>) target_semaphore(%run_scoped3A : memref<!tpu.dma_semaphore, #tpu.memory_space<semaphore_mem>>)
        %dma_wait3A_619 = arith.constant 0 : i32
        %dma_wait3A_620 = arith.constant 0 : i32
        %dma_wait3A_621 = tpu.memref_slice %arg8[%dma_wait3A_619, %dma_wait3A_620] : memref<384x128xf32, #tpu.memory_space<vmem>> -> memref<344x128xf32, #tpu.memory_space<vmem>>
        %dma_wait3A_622 = arith.constant 0 : i32
        %dma_wait3A_623 = tpu.memref_slice %arg5[%add3A_608, %dma_wait3A_622] : memref<100000x128xf32, #tpu.memory_space<hbm>> -> memref<344x128xf32, #tpu.memory_space<hbm>>
        %dma_wait3A_624 = arith.constant 0 : i32
        %dma_wait3A_625 = tpu.memref_slice %arg5[%add3A_608, %dma_wait3A_624] : memref<100000x128xf32, #tpu.memory_space<hbm>> -> memref<344x128xf32, #tpu.memory_space<hbm>>
        %dma_wait3A_626 = arith.constant 0 : i32
        %dma_wait3A_627 = arith.constant 0 : i32
        %dma_wait3A_628 = tpu.memref_slice %arg8[%dma_wait3A_626, %dma_wait3A_627] : memref<384x128xf32, #tpu.memory_space<vmem>> -> memref<344x128xf32, #tpu.memory_space<vmem>>
        tpu.wait_dma2 semaphore(%run_scoped3A : memref<!tpu.dma_semaphore, #tpu.memory_space<semaphore_mem>>) src(%dma_wait3A_628 : memref<344x128xf32, #tpu.memory_space<vmem>>) dst(%dma_wait3A_625 : memref<344x128xf32, #tpu.memory_space<hbm>>)
        tpu.yield
      }) : () -> ()
    } else {
    }
    return
  }
}

#map = affine_map<(d0, d1) -> (0)>
#map1 = affine_map<(d0, d1) -> (0, 0)>
module attributes {stable_mosaic.version = 14 : i64} {
  func.func @_gather_scan_body(%arg0: i32, %arg1: i32, %arg2: memref<16384xi32, #tpu.memory_space<hbm>>, %arg3: memref<100000x128xf32, #tpu.memory_space<hbm>>, %arg4: memref<16384x128xf32, #tpu.memory_space<hbm>>, %arg5: memref<110592xi32, #tpu.memory_space<hbm>>, %arg6: memref<4x128xi32, #tpu.memory_space<vmem>>, %arg7: memref<16384xi32, #tpu.memory_space<vmem>>, %arg8: memref<3456xi32, #tpu.memory_space<vmem>>, %arg9: memref<512x128xf32, #tpu.memory_space<vmem>>, %arg10: memref<!tpu.dma_semaphore, #tpu.memory_space<semaphore_mem>>) attributes {dimension_semantics = [#tpu.dimension_semantics<core_parallel>, #tpu.dimension_semantics<subcore_parallel>], iteration_bounds = array<i64: 2, 16>, scalar_prefetch = 0 : i64, scratch_operands = 5 : i64, tpu.core_type = #tpu.core_type<sc_vector_subcore>, window_params = [{transform_indices = #map}, {transform_indices = #map1}, {transform_indices = #map1}, {transform_indices = #map}]} {
    %mul3A = arith.constant 2 : i32
    %mul3A_0 = arith.muli %arg1, %mul3A : i32
    %add3A = arith.addi %mul3A_0, %arg0 : i32
    %mul3A_1 = arith.constant 512 : i32
    %mul3A_2 = arith.muli %add3A, %mul3A_1 : i32
    %add3A_3 = arith.constant 0 : i32
    %add3A_4 = arith.addi %mul3A_2, %add3A_3 : i32
    %run_scoped3A = arith.constant 0 : i32
    "tpu.region"() ({
      %run_scoped3A_110 = tpu.sem_alloc : memref<!tpu.dma_semaphore, #tpu.memory_space<semaphore_mem>>
      %dma_start3A_111 = arith.constant 0 : i32
      %dma_start3A_112 = tpu.memref_slice %arg6[%run_scoped3A, %dma_start3A_111] : memref<4x128xi32, #tpu.memory_space<vmem>> -> memref<1x128xi32, #tpu.memory_space<vmem>>
      %dma_start3A_113 = tpu.memref_squeeze %dma_start3A_112 : memref<1x128xi32, #tpu.memory_space<vmem>> -> memref<128xi32, #tpu.memory_space<vmem>>
      %dma_start3A_114 = tpu.memref_slice %arg2[%add3A_4] : memref<16384xi32, #tpu.memory_space<hbm>> -> memref<128xi32, #tpu.memory_space<hbm>>
      %dma_start3A_115 = arith.constant 0 : i32
      %dma_start3A_116 = tpu.memref_slice %arg6[%run_scoped3A, %dma_start3A_115] : memref<4x128xi32, #tpu.memory_space<vmem>> -> memref<1x128xi32, #tpu.memory_space<vmem>>
      %dma_start3A_117 = tpu.memref_squeeze %dma_start3A_116 : memref<1x128xi32, #tpu.memory_space<vmem>> -> memref<128xi32, #tpu.memory_space<vmem>>
      %dma_start3A_118 = tpu.memref_slice %arg2[%add3A_4] : memref<16384xi32, #tpu.memory_space<hbm>> -> memref<128xi32, #tpu.memory_space<hbm>>
      tpu.enqueue_dma source(%dma_start3A_118 : memref<128xi32, #tpu.memory_space<hbm>>) target(%dma_start3A_117 : memref<128xi32, #tpu.memory_space<vmem>>) target_semaphore(%run_scoped3A_110 : memref<!tpu.dma_semaphore, #tpu.memory_space<semaphore_mem>>)
      %dma_wait3A_119 = arith.constant 0 : i32
      %dma_wait3A_120 = tpu.memref_slice %arg6[%run_scoped3A, %dma_wait3A_119] : memref<4x128xi32, #tpu.memory_space<vmem>> -> memref<1x128xi32, #tpu.memory_space<vmem>>
      %dma_wait3A_121 = tpu.memref_squeeze %dma_wait3A_120 : memref<1x128xi32, #tpu.memory_space<vmem>> -> memref<128xi32, #tpu.memory_space<vmem>>
      %dma_wait3A_122 = tpu.memref_slice %arg2[%add3A_4] : memref<16384xi32, #tpu.memory_space<hbm>> -> memref<128xi32, #tpu.memory_space<hbm>>
      %dma_wait3A_123 = arith.constant 0 : i32
      %dma_wait3A_124 = tpu.memref_slice %arg6[%run_scoped3A, %dma_wait3A_123] : memref<4x128xi32, #tpu.memory_space<vmem>> -> memref<1x128xi32, #tpu.memory_space<vmem>>
      %dma_wait3A_125 = tpu.memref_squeeze %dma_wait3A_124 : memref<1x128xi32, #tpu.memory_space<vmem>> -> memref<128xi32, #tpu.memory_space<vmem>>
      %dma_wait3A_126 = tpu.memref_slice %arg2[%add3A_4] : memref<16384xi32, #tpu.memory_space<hbm>> -> memref<128xi32, #tpu.memory_space<hbm>>
      tpu.wait_dma2 semaphore(%run_scoped3A_110 : memref<!tpu.dma_semaphore, #tpu.memory_space<semaphore_mem>>) src(%dma_wait3A_126 : memref<128xi32, #tpu.memory_space<hbm>>) dst(%dma_wait3A_125 : memref<128xi32, #tpu.memory_space<vmem>>)
      tpu.yield
    }) : () -> ()
    %add3A_5 = arith.constant 128 : i32
    %add3A_6 = arith.addi %mul3A_2, %add3A_5 : i32
    %run_scoped3A_7 = arith.constant 1 : i32
    "tpu.region"() ({
      %run_scoped3A_110 = tpu.sem_alloc : memref<!tpu.dma_semaphore, #tpu.memory_space<semaphore_mem>>
      %dma_start3A_111 = arith.constant 0 : i32
      %dma_start3A_112 = tpu.memref_slice %arg6[%run_scoped3A_7, %dma_start3A_111] : memref<4x128xi32, #tpu.memory_space<vmem>> -> memref<1x128xi32, #tpu.memory_space<vmem>>
      %dma_start3A_113 = tpu.memref_squeeze %dma_start3A_112 : memref<1x128xi32, #tpu.memory_space<vmem>> -> memref<128xi32, #tpu.memory_space<vmem>>
      %dma_start3A_114 = tpu.memref_slice %arg2[%add3A_6] : memref<16384xi32, #tpu.memory_space<hbm>> -> memref<128xi32, #tpu.memory_space<hbm>>
      %dma_start3A_115 = arith.constant 0 : i32
      %dma_start3A_116 = tpu.memref_slice %arg6[%run_scoped3A_7, %dma_start3A_115] : memref<4x128xi32, #tpu.memory_space<vmem>> -> memref<1x128xi32, #tpu.memory_space<vmem>>
      %dma_start3A_117 = tpu.memref_squeeze %dma_start3A_116 : memref<1x128xi32, #tpu.memory_space<vmem>> -> memref<128xi32, #tpu.memory_space<vmem>>
      %dma_start3A_118 = tpu.memref_slice %arg2[%add3A_6] : memref<16384xi32, #tpu.memory_space<hbm>> -> memref<128xi32, #tpu.memory_space<hbm>>
      tpu.enqueue_dma source(%dma_start3A_118 : memref<128xi32, #tpu.memory_space<hbm>>) target(%dma_start3A_117 : memref<128xi32, #tpu.memory_space<vmem>>) target_semaphore(%run_scoped3A_110 : memref<!tpu.dma_semaphore, #tpu.memory_space<semaphore_mem>>)
      %dma_wait3A_119 = arith.constant 0 : i32
      %dma_wait3A_120 = tpu.memref_slice %arg6[%run_scoped3A_7, %dma_wait3A_119] : memref<4x128xi32, #tpu.memory_space<vmem>> -> memref<1x128xi32, #tpu.memory_space<vmem>>
      %dma_wait3A_121 = tpu.memref_squeeze %dma_wait3A_120 : memref<1x128xi32, #tpu.memory_space<vmem>> -> memref<128xi32, #tpu.memory_space<vmem>>
      %dma_wait3A_122 = tpu.memref_slice %arg2[%add3A_6] : memref<16384xi32, #tpu.memory_space<hbm>> -> memref<128xi32, #tpu.memory_space<hbm>>
      %dma_wait3A_123 = arith.constant 0 : i32
      %dma_wait3A_124 = tpu.memref_slice %arg6[%run_scoped3A_7, %dma_wait3A_123] : memref<4x128xi32, #tpu.memory_space<vmem>> -> memref<1x128xi32, #tpu.memory_space<vmem>>
      %dma_wait3A_125 = tpu.memref_squeeze %dma_wait3A_124 : memref<1x128xi32, #tpu.memory_space<vmem>> -> memref<128xi32, #tpu.memory_space<vmem>>
      %dma_wait3A_126 = tpu.memref_slice %arg2[%add3A_6] : memref<16384xi32, #tpu.memory_space<hbm>> -> memref<128xi32, #tpu.memory_space<hbm>>
      tpu.wait_dma2 semaphore(%run_scoped3A_110 : memref<!tpu.dma_semaphore, #tpu.memory_space<semaphore_mem>>) src(%dma_wait3A_126 : memref<128xi32, #tpu.memory_space<hbm>>) dst(%dma_wait3A_125 : memref<128xi32, #tpu.memory_space<vmem>>)
      tpu.yield
    }) : () -> ()
    %add3A_8 = arith.constant 256 : i32
    %add3A_9 = arith.addi %mul3A_2, %add3A_8 : i32
    %run_scoped3A_10 = arith.constant 2 : i32
    "tpu.region"() ({
      %run_scoped3A_110 = tpu.sem_alloc : memref<!tpu.dma_semaphore, #tpu.memory_space<semaphore_mem>>
      %dma_start3A_111 = arith.constant 0 : i32
      %dma_start3A_112 = tpu.memref_slice %arg6[%run_scoped3A_10, %dma_start3A_111] : memref<4x128xi32, #tpu.memory_space<vmem>> -> memref<1x128xi32, #tpu.memory_space<vmem>>
      %dma_start3A_113 = tpu.memref_squeeze %dma_start3A_112 : memref<1x128xi32, #tpu.memory_space<vmem>> -> memref<128xi32, #tpu.memory_space<vmem>>
      %dma_start3A_114 = tpu.memref_slice %arg2[%add3A_9] : memref<16384xi32, #tpu.memory_space<hbm>> -> memref<128xi32, #tpu.memory_space<hbm>>
      %dma_start3A_115 = arith.constant 0 : i32
      %dma_start3A_116 = tpu.memref_slice %arg6[%run_scoped3A_10, %dma_start3A_115] : memref<4x128xi32, #tpu.memory_space<vmem>> -> memref<1x128xi32, #tpu.memory_space<vmem>>
      %dma_start3A_117 = tpu.memref_squeeze %dma_start3A_116 : memref<1x128xi32, #tpu.memory_space<vmem>> -> memref<128xi32, #tpu.memory_space<vmem>>
      %dma_start3A_118 = tpu.memref_slice %arg2[%add3A_9] : memref<16384xi32, #tpu.memory_space<hbm>> -> memref<128xi32, #tpu.memory_space<hbm>>
      tpu.enqueue_dma source(%dma_start3A_118 : memref<128xi32, #tpu.memory_space<hbm>>) target(%dma_start3A_117 : memref<128xi32, #tpu.memory_space<vmem>>) target_semaphore(%run_scoped3A_110 : memref<!tpu.dma_semaphore, #tpu.memory_space<semaphore_mem>>)
      %dma_wait3A_119 = arith.constant 0 : i32
      %dma_wait3A_120 = tpu.memref_slice %arg6[%run_scoped3A_10, %dma_wait3A_119] : memref<4x128xi32, #tpu.memory_space<vmem>> -> memref<1x128xi32, #tpu.memory_space<vmem>>
      %dma_wait3A_121 = tpu.memref_squeeze %dma_wait3A_120 : memref<1x128xi32, #tpu.memory_space<vmem>> -> memref<128xi32, #tpu.memory_space<vmem>>
      %dma_wait3A_122 = tpu.memref_slice %arg2[%add3A_9] : memref<16384xi32, #tpu.memory_space<hbm>> -> memref<128xi32, #tpu.memory_space<hbm>>
      %dma_wait3A_123 = arith.constant 0 : i32
      %dma_wait3A_124 = tpu.memref_slice %arg6[%run_scoped3A_10, %dma_wait3A_123] : memref<4x128xi32, #tpu.memory_space<vmem>> -> memref<1x128xi32, #tpu.memory_space<vmem>>
      %dma_wait3A_125 = tpu.memref_squeeze %dma_wait3A_124 : memref<1x128xi32, #tpu.memory_space<vmem>> -> memref<128xi32, #tpu.memory_space<vmem>>
      %dma_wait3A_126 = tpu.memref_slice %arg2[%add3A_9] : memref<16384xi32, #tpu.memory_space<hbm>> -> memref<128xi32, #tpu.memory_space<hbm>>
      tpu.wait_dma2 semaphore(%run_scoped3A_110 : memref<!tpu.dma_semaphore, #tpu.memory_space<semaphore_mem>>) src(%dma_wait3A_126 : memref<128xi32, #tpu.memory_space<hbm>>) dst(%dma_wait3A_125 : memref<128xi32, #tpu.memory_space<vmem>>)
      tpu.yield
    }) : () -> ()
    %add3A_11 = arith.constant 384 : i32
    %add3A_12 = arith.addi %mul3A_2, %add3A_11 : i32
    %run_scoped3A_13 = arith.constant 3 : i32
    "tpu.region"() ({
      %run_scoped3A_110 = tpu.sem_alloc : memref<!tpu.dma_semaphore, #tpu.memory_space<semaphore_mem>>
      %dma_start3A_111 = arith.constant 0 : i32
      %dma_start3A_112 = tpu.memref_slice %arg6[%run_scoped3A_13, %dma_start3A_111] : memref<4x128xi32, #tpu.memory_space<vmem>> -> memref<1x128xi32, #tpu.memory_space<vmem>>
      %dma_start3A_113 = tpu.memref_squeeze %dma_start3A_112 : memref<1x128xi32, #tpu.memory_space<vmem>> -> memref<128xi32, #tpu.memory_space<vmem>>
      %dma_start3A_114 = tpu.memref_slice %arg2[%add3A_12] : memref<16384xi32, #tpu.memory_space<hbm>> -> memref<128xi32, #tpu.memory_space<hbm>>
      %dma_start3A_115 = arith.constant 0 : i32
      %dma_start3A_116 = tpu.memref_slice %arg6[%run_scoped3A_13, %dma_start3A_115] : memref<4x128xi32, #tpu.memory_space<vmem>> -> memref<1x128xi32, #tpu.memory_space<vmem>>
      %dma_start3A_117 = tpu.memref_squeeze %dma_start3A_116 : memref<1x128xi32, #tpu.memory_space<vmem>> -> memref<128xi32, #tpu.memory_space<vmem>>
      %dma_start3A_118 = tpu.memref_slice %arg2[%add3A_12] : memref<16384xi32, #tpu.memory_space<hbm>> -> memref<128xi32, #tpu.memory_space<hbm>>
      tpu.enqueue_dma source(%dma_start3A_118 : memref<128xi32, #tpu.memory_space<hbm>>) target(%dma_start3A_117 : memref<128xi32, #tpu.memory_space<vmem>>) target_semaphore(%run_scoped3A_110 : memref<!tpu.dma_semaphore, #tpu.memory_space<semaphore_mem>>)
      %dma_wait3A_119 = arith.constant 0 : i32
      %dma_wait3A_120 = tpu.memref_slice %arg6[%run_scoped3A_13, %dma_wait3A_119] : memref<4x128xi32, #tpu.memory_space<vmem>> -> memref<1x128xi32, #tpu.memory_space<vmem>>
      %dma_wait3A_121 = tpu.memref_squeeze %dma_wait3A_120 : memref<1x128xi32, #tpu.memory_space<vmem>> -> memref<128xi32, #tpu.memory_space<vmem>>
      %dma_wait3A_122 = tpu.memref_slice %arg2[%add3A_12] : memref<16384xi32, #tpu.memory_space<hbm>> -> memref<128xi32, #tpu.memory_space<hbm>>
      %dma_wait3A_123 = arith.constant 0 : i32
      %dma_wait3A_124 = tpu.memref_slice %arg6[%run_scoped3A_13, %dma_wait3A_123] : memref<4x128xi32, #tpu.memory_space<vmem>> -> memref<1x128xi32, #tpu.memory_space<vmem>>
      %dma_wait3A_125 = tpu.memref_squeeze %dma_wait3A_124 : memref<1x128xi32, #tpu.memory_space<vmem>> -> memref<128xi32, #tpu.memory_space<vmem>>
      %dma_wait3A_126 = tpu.memref_slice %arg2[%add3A_12] : memref<16384xi32, #tpu.memory_space<hbm>> -> memref<128xi32, #tpu.memory_space<hbm>>
      tpu.wait_dma2 semaphore(%run_scoped3A_110 : memref<!tpu.dma_semaphore, #tpu.memory_space<semaphore_mem>>) src(%dma_wait3A_126 : memref<128xi32, #tpu.memory_space<hbm>>) dst(%dma_wait3A_125 : memref<128xi32, #tpu.memory_space<vmem>>)
      tpu.yield
    }) : () -> ()
    %dma_start3A = arith.constant 0 : i32
    %dma_start3A_14 = arith.constant 0 : i32
    %dma_start3A_15 = arith.constant 0 : i32
    %dma_start3A_16 = tpu.memref_slice %arg9[%dma_start3A_14, %dma_start3A_15] : memref<512x128xf32, #tpu.memory_space<vmem>> -> memref<128x128xf32, #tpu.memory_space<vmem>>
    %dma_start3A_17 = arith.constant 0 : i32
    %dma_start3A_18 = tpu.memref_slice %arg6[%dma_start3A, %dma_start3A_17] : memref<4x128xi32, #tpu.memory_space<vmem>> -> memref<1x128xi32, #tpu.memory_space<vmem>>
    %dma_start3A_19 = tpu.memref_squeeze %dma_start3A_18 : memref<1x128xi32, #tpu.memory_space<vmem>> -> memref<128xi32, #tpu.memory_space<vmem>>
    %dma_start3A_20 = arith.constant 0 : i32
    %dma_start3A_21 = arith.constant 0 : i32
    %dma_start3A_22 = tpu.memref_slice %arg3[%dma_start3A_20, %dma_start3A_21] : memref<100000x128xf32, #tpu.memory_space<hbm>> -> memref<100000x128xf32, #tpu.memory_space<hbm>>
    tpu.enqueue_indirect_dma source(%dma_start3A_22 : memref<100000x128xf32, #tpu.memory_space<hbm>>) target(%dma_start3A_16 : memref<128x128xf32, #tpu.memory_space<vmem>>) offsets(%dma_start3A_19 : memref<128xi32, #tpu.memory_space<vmem>>) semaphore(%arg10 : memref<!tpu.dma_semaphore, #tpu.memory_space<semaphore_mem>>)
    %dma_start3A_23 = arith.constant 1 : i32
    %dma_start3A_24 = arith.constant 128 : i32
    %dma_start3A_25 = arith.constant 0 : i32
    %dma_start3A_26 = tpu.memref_slice %arg9[%dma_start3A_24, %dma_start3A_25] : memref<512x128xf32, #tpu.memory_space<vmem>> -> memref<128x128xf32, #tpu.memory_space<vmem>>
    %dma_start3A_27 = arith.constant 0 : i32
    %dma_start3A_28 = tpu.memref_slice %arg6[%dma_start3A_23, %dma_start3A_27] : memref<4x128xi32, #tpu.memory_space<vmem>> -> memref<1x128xi32, #tpu.memory_space<vmem>>
    %dma_start3A_29 = tpu.memref_squeeze %dma_start3A_28 : memref<1x128xi32, #tpu.memory_space<vmem>> -> memref<128xi32, #tpu.memory_space<vmem>>
    %dma_start3A_30 = arith.constant 0 : i32
    %dma_start3A_31 = arith.constant 0 : i32
    %dma_start3A_32 = tpu.memref_slice %arg3[%dma_start3A_30, %dma_start3A_31] : memref<100000x128xf32, #tpu.memory_space<hbm>> -> memref<100000x128xf32, #tpu.memory_space<hbm>>
    tpu.enqueue_indirect_dma source(%dma_start3A_32 : memref<100000x128xf32, #tpu.memory_space<hbm>>) target(%dma_start3A_26 : memref<128x128xf32, #tpu.memory_space<vmem>>) offsets(%dma_start3A_29 : memref<128xi32, #tpu.memory_space<vmem>>) semaphore(%arg10 : memref<!tpu.dma_semaphore, #tpu.memory_space<semaphore_mem>>)
    %dma_start3A_33 = arith.constant 2 : i32
    %dma_start3A_34 = arith.constant 256 : i32
    %dma_start3A_35 = arith.constant 0 : i32
    %dma_start3A_36 = tpu.memref_slice %arg9[%dma_start3A_34, %dma_start3A_35] : memref<512x128xf32, #tpu.memory_space<vmem>> -> memref<128x128xf32, #tpu.memory_space<vmem>>
    %dma_start3A_37 = arith.constant 0 : i32
    %dma_start3A_38 = tpu.memref_slice %arg6[%dma_start3A_33, %dma_start3A_37] : memref<4x128xi32, #tpu.memory_space<vmem>> -> memref<1x128xi32, #tpu.memory_space<vmem>>
    %dma_start3A_39 = tpu.memref_squeeze %dma_start3A_38 : memref<1x128xi32, #tpu.memory_space<vmem>> -> memref<128xi32, #tpu.memory_space<vmem>>
    %dma_start3A_40 = arith.constant 0 : i32
    %dma_start3A_41 = arith.constant 0 : i32
    %dma_start3A_42 = tpu.memref_slice %arg3[%dma_start3A_40, %dma_start3A_41] : memref<100000x128xf32, #tpu.memory_space<hbm>> -> memref<100000x128xf32, #tpu.memory_space<hbm>>
    tpu.enqueue_indirect_dma source(%dma_start3A_42 : memref<100000x128xf32, #tpu.memory_space<hbm>>) target(%dma_start3A_36 : memref<128x128xf32, #tpu.memory_space<vmem>>) offsets(%dma_start3A_39 : memref<128xi32, #tpu.memory_space<vmem>>) semaphore(%arg10 : memref<!tpu.dma_semaphore, #tpu.memory_space<semaphore_mem>>)
    %dma_start3A_43 = arith.constant 3 : i32
    %dma_start3A_44 = arith.constant 384 : i32
    %dma_start3A_45 = arith.constant 0 : i32
    %dma_start3A_46 = tpu.memref_slice %arg9[%dma_start3A_44, %dma_start3A_45] : memref<512x128xf32, #tpu.memory_space<vmem>> -> memref<128x128xf32, #tpu.memory_space<vmem>>
    %dma_start3A_47 = arith.constant 0 : i32
    %dma_start3A_48 = tpu.memref_slice %arg6[%dma_start3A_43, %dma_start3A_47] : memref<4x128xi32, #tpu.memory_space<vmem>> -> memref<1x128xi32, #tpu.memory_space<vmem>>
    %dma_start3A_49 = tpu.memref_squeeze %dma_start3A_48 : memref<1x128xi32, #tpu.memory_space<vmem>> -> memref<128xi32, #tpu.memory_space<vmem>>
    %dma_start3A_50 = arith.constant 0 : i32
    %dma_start3A_51 = arith.constant 0 : i32
    %dma_start3A_52 = tpu.memref_slice %arg3[%dma_start3A_50, %dma_start3A_51] : memref<100000x128xf32, #tpu.memory_space<hbm>> -> memref<100000x128xf32, #tpu.memory_space<hbm>>
    tpu.enqueue_indirect_dma source(%dma_start3A_52 : memref<100000x128xf32, #tpu.memory_space<hbm>>) target(%dma_start3A_46 : memref<128x128xf32, #tpu.memory_space<vmem>>) offsets(%dma_start3A_49 : memref<128xi32, #tpu.memory_space<vmem>>) semaphore(%arg10 : memref<!tpu.dma_semaphore, #tpu.memory_space<semaphore_mem>>)
    %mul3A_53 = arith.constant 3128 : i32
    %mul3A_54 = arith.muli %add3A, %mul3A_53 : i32
    "tpu.region"() ({
      %run_scoped3A_110 = tpu.sem_alloc : memref<!tpu.dma_semaphore, #tpu.memory_space<semaphore_mem>>
      tpu.enqueue_dma source(%arg2 : memref<16384xi32, #tpu.memory_space<hbm>>) target(%arg7 : memref<16384xi32, #tpu.memory_space<vmem>>) target_semaphore(%run_scoped3A_110 : memref<!tpu.dma_semaphore, #tpu.memory_space<semaphore_mem>>)
      tpu.wait_dma2 semaphore(%run_scoped3A_110 : memref<!tpu.dma_semaphore, #tpu.memory_space<semaphore_mem>>) src(%arg2 : memref<16384xi32, #tpu.memory_space<hbm>>) dst(%arg7 : memref<16384xi32, #tpu.memory_space<vmem>>)
      tpu.yield
    }) : () -> ()
    %broadcast_in_dim3A = arith.constant -1 : i32
    %broadcast_in_dim3A_55 = vector.broadcast %broadcast_in_dim3A : i32 to vector<16xi32>
    %scan3A = arith.constant 0 : i32
    %scan3A_56 = arith.constant 0 : i32
    %scan3A_57 = arith.constant 216 : i32
    %scan3A_58 = arith.addi %scan3A_56, %scan3A_57 : i32
    %scan3A_59 = arith.constant 8 : i32
    %scan3A_60 = scf.for %scan3A_110 = %scan3A_56 to %scan3A_58 step %scan3A_59 iter_args(%scan3A_111 = %scan3A) -> (i32)  : i32 {
      %mul3A_112 = arith.constant 16 : i32
      %mul3A_113 = arith.muli %scan3A_110, %mul3A_112 : i32
      %swap3A = arith.index_cast %mul3A_113 : i32 to index
      %swap3A_114 = tpu.vector_load %arg8[%swap3A] {strides = array<i32>} : memref<3456xi32, #tpu.memory_space<vmem>>, vector<16xi32>,
      tpu.vector_store %arg8[%swap3A], %broadcast_in_dim3A_55 {strides = array<i32>} : memref<3456xi32, #tpu.memory_space<vmem>>, vector<16xi32>,
      %scan3A_115 = arith.constant 0 : i32
      %scan3A_116 = arith.constant 1 : i32
      %scan3A_117 = arith.addi %scan3A_110, %scan3A_116 : i32
      %mul3A_118 = arith.constant 16 : i32
      %mul3A_119 = arith.muli %scan3A_117, %mul3A_118 : i32
      %swap3A_120 = arith.index_cast %mul3A_119 : i32 to index
      %swap3A_121 = tpu.vector_load %arg8[%swap3A_120] {strides = array<i32>} : memref<3456xi32, #tpu.memory_space<vmem>>, vector<16xi32>,
      tpu.vector_store %arg8[%swap3A_120], %broadcast_in_dim3A_55 {strides = array<i32>} : memref<3456xi32, #tpu.memory_space<vmem>>, vector<16xi32>,
      %scan3A_122 = arith.constant 0 : i32
      %scan3A_123 = arith.constant 2 : i32
      %scan3A_124 = arith.addi %scan3A_110, %scan3A_123 : i32
      %mul3A_125 = arith.constant 16 : i32
      %mul3A_126 = arith.muli %scan3A_124, %mul3A_125 : i32
      %swap3A_127 = arith.index_cast %mul3A_126 : i32 to index
      %swap3A_128 = tpu.vector_load %arg8[%swap3A_127] {strides = array<i32>} : memref<3456xi32, #tpu.memory_space<vmem>>, vector<16xi32>,
      tpu.vector_store %arg8[%swap3A_127], %broadcast_in_dim3A_55 {strides = array<i32>} : memref<3456xi32, #tpu.memory_space<vmem>>, vector<16xi32>,
      %scan3A_129 = arith.constant 0 : i32
      %scan3A_130 = arith.constant 3 : i32
      %scan3A_131 = arith.addi %scan3A_110, %scan3A_130 : i32
      %mul3A_132 = arith.constant 16 : i32
      %mul3A_133 = arith.muli %scan3A_131, %mul3A_132 : i32
      %swap3A_134 = arith.index_cast %mul3A_133 : i32 to index
      %swap3A_135 = tpu.vector_load %arg8[%swap3A_134] {strides = array<i32>} : memref<3456xi32, #tpu.memory_space<vmem>>, vector<16xi32>,
      tpu.vector_store %arg8[%swap3A_134], %broadcast_in_dim3A_55 {strides = array<i32>} : memref<3456xi32, #tpu.memory_space<vmem>>, vector<16xi32>,
      %scan3A_136 = arith.constant 0 : i32
      %scan3A_137 = arith.constant 4 : i32
      %scan3A_138 = arith.addi %scan3A_110, %scan3A_137 : i32
      %mul3A_139 = arith.constant 16 : i32
      %mul3A_140 = arith.muli %scan3A_138, %mul3A_139 : i32
      %swap3A_141 = arith.index_cast %mul3A_140 : i32 to index
      %swap3A_142 = tpu.vector_load %arg8[%swap3A_141] {strides = array<i32>} : memref<3456xi32, #tpu.memory_space<vmem>>, vector<16xi32>,
      tpu.vector_store %arg8[%swap3A_141], %broadcast_in_dim3A_55 {strides = array<i32>} : memref<3456xi32, #tpu.memory_space<vmem>>, vector<16xi32>,
      %scan3A_143 = arith.constant 0 : i32
      %scan3A_144 = arith.constant 5 : i32
      %scan3A_145 = arith.addi %scan3A_110, %scan3A_144 : i32
      %mul3A_146 = arith.constant 16 : i32
      %mul3A_147 = arith.muli %scan3A_145, %mul3A_146 : i32
      %swap3A_148 = arith.index_cast %mul3A_147 : i32 to index
      %swap3A_149 = tpu.vector_load %arg8[%swap3A_148] {strides = array<i32>} : memref<3456xi32, #tpu.memory_space<vmem>>, vector<16xi32>,
      tpu.vector_store %arg8[%swap3A_148], %broadcast_in_dim3A_55 {strides = array<i32>} : memref<3456xi32, #tpu.memory_space<vmem>>, vector<16xi32>,
      %scan3A_150 = arith.constant 0 : i32
      %scan3A_151 = arith.constant 6 : i32
      %scan3A_152 = arith.addi %scan3A_110, %scan3A_151 : i32
      %mul3A_153 = arith.constant 16 : i32
      %mul3A_154 = arith.muli %scan3A_152, %mul3A_153 : i32
      %swap3A_155 = arith.index_cast %mul3A_154 : i32 to index
      %swap3A_156 = tpu.vector_load %arg8[%swap3A_155] {strides = array<i32>} : memref<3456xi32, #tpu.memory_space<vmem>>, vector<16xi32>,
      tpu.vector_store %arg8[%swap3A_155], %broadcast_in_dim3A_55 {strides = array<i32>} : memref<3456xi32, #tpu.memory_space<vmem>>, vector<16xi32>,
      %scan3A_157 = arith.constant 0 : i32
      %scan3A_158 = arith.constant 7 : i32
      %scan3A_159 = arith.addi %scan3A_110, %scan3A_158 : i32
      %mul3A_160 = arith.constant 16 : i32
      %mul3A_161 = arith.muli %scan3A_159, %mul3A_160 : i32
      %swap3A_162 = arith.index_cast %mul3A_161 : i32 to index
      %swap3A_163 = tpu.vector_load %arg8[%swap3A_162] {strides = array<i32>} : memref<3456xi32, #tpu.memory_space<vmem>>, vector<16xi32>,
      tpu.vector_store %arg8[%swap3A_162], %broadcast_in_dim3A_55 {strides = array<i32>} : memref<3456xi32, #tpu.memory_space<vmem>>, vector<16xi32>,
      %scan3A_164 = arith.constant 0 : i32
      scf.yield %scan3A_164 : i32
    }
    %scan3A_61 = arith.constant 216 : i32
    %iota3A = tpu.iota {dimensions = array<i32: 0>} : vector<16xi32>
    %scan3A_62 = arith.constant 0 : i32
    %scan3A_63 = arith.constant 0 : i32
    %scan3A_64 = arith.constant 1024 : i32
    %scan3A_65 = arith.addi %scan3A_63, %scan3A_64 : i32
    %scan3A_66 = arith.constant 8 : i32
    %scan3A_67 = scf.for %scan3A_110 = %scan3A_63 to %scan3A_65 step %scan3A_66 iter_args(%scan3A_111 = %scan3A_62) -> (i32)  : i32 {
      %mul3A_112 = arith.constant 16 : i32
      %mul3A_113 = arith.muli %scan3A_110, %mul3A_112 : i32
      %get3A = arith.index_cast %mul3A_113 : i32 to index
      %get3A_114 = tpu.vector_load %arg7[%get3A] {strides = array<i32>} : memref<16384xi32, #tpu.memory_space<vmem>>, vector<16xi32>,
      %mul3A_115 = arith.constant 16 : i32
      %mul3A_116 = arith.muli %scan3A_110, %mul3A_115 : i32
      %add3A_117 = vector.broadcast %mul3A_116 : i32 to vector<16xi32>
      %add3A_118 = arith.addi %iota3A, %add3A_117 : vector<16xi32>
      %broadcast_in_dim3A_119 = arith.constant true
      %broadcast_in_dim3A_120 = vector.broadcast %broadcast_in_dim3A_119 : i1 to vector<16xi1>
      %unique3A, %unique3A_121 = tpu.scan_count mask(%broadcast_in_dim3A_120 : vector<16xi1>) value(%get3A_114 : vector<16xi32>) : vector<16xi1>, vector<16xi32>
      %ge3A = vector.broadcast %mul3A_54 : i32 to vector<16xi32>
      %ge3A_122 = arith.cmpi sge, %get3A_114, %ge3A : vector<16xi32>
      %add3A_123 = arith.constant 3128 : i32
      %add3A_124 = arith.addi %mul3A_54, %add3A_123 : i32
      %lt3A = vector.broadcast %add3A_124 : i32 to vector<16xi32>
      %lt3A_125 = arith.cmpi slt, %get3A_114, %lt3A : vector<16xi32>
      %and3A = arith.andi %ge3A_122, %lt3A_125 : vector<16xi1>
      %sub3A = vector.broadcast %mul3A_54 : i32 to vector<16xi32>
      %sub3A_126 = arith.subi %get3A_114, %sub3A : vector<16xi32>
      %and3A_127 = arith.andi %unique3A, %and3A : vector<16xi1>
      tpu.vector_store_idx %arg8[%sub3A_126], %add3A_118 masked %and3A_127 : memref<3456xi32, #tpu.memory_space<vmem>>[vector<16xi32>], vector<16xi32>, vector<16xi1>
      %scan3A_128 = arith.constant 0 : i32
      %scan3A_129 = arith.constant 1 : i32
      %scan3A_130 = arith.addi %scan3A_110, %scan3A_129 : i32
      %mul3A_131 = arith.constant 16 : i32
      %mul3A_132 = arith.muli %scan3A_130, %mul3A_131 : i32
      %get3A_133 = arith.index_cast %mul3A_132 : i32 to index
      %get3A_134 = tpu.vector_load %arg7[%get3A_133] {strides = array<i32>} : memref<16384xi32, #tpu.memory_space<vmem>>, vector<16xi32>,
      %mul3A_135 = arith.constant 16 : i32
      %mul3A_136 = arith.muli %scan3A_130, %mul3A_135 : i32
      %add3A_137 = vector.broadcast %mul3A_136 : i32 to vector<16xi32>
      %add3A_138 = arith.addi %iota3A, %add3A_137 : vector<16xi32>
      %broadcast_in_dim3A_139 = arith.constant true
      %broadcast_in_dim3A_140 = vector.broadcast %broadcast_in_dim3A_139 : i1 to vector<16xi1>
      %unique3A_141, %unique3A_142 = tpu.scan_count mask(%broadcast_in_dim3A_140 : vector<16xi1>) value(%get3A_134 : vector<16xi32>) : vector<16xi1>, vector<16xi32>
      %ge3A_143 = vector.broadcast %mul3A_54 : i32 to vector<16xi32>
      %ge3A_144 = arith.cmpi sge, %get3A_134, %ge3A_143 : vector<16xi32>
      %add3A_145 = arith.constant 3128 : i32
      %add3A_146 = arith.addi %mul3A_54, %add3A_145 : i32
      %lt3A_147 = vector.broadcast %add3A_146 : i32 to vector<16xi32>
      %lt3A_148 = arith.cmpi slt, %get3A_134, %lt3A_147 : vector<16xi32>
      %and3A_149 = arith.andi %ge3A_144, %lt3A_148 : vector<16xi1>
      %sub3A_150 = vector.broadcast %mul3A_54 : i32 to vector<16xi32>
      %sub3A_151 = arith.subi %get3A_134, %sub3A_150 : vector<16xi32>
      %and3A_152 = arith.andi %unique3A_141, %and3A_149 : vector<16xi1>
      tpu.vector_store_idx %arg8[%sub3A_151], %add3A_138 masked %and3A_152 : memref<3456xi32, #tpu.memory_space<vmem>>[vector<16xi32>], vector<16xi32>, vector<16xi1>
      %scan3A_153 = arith.constant 0 : i32
      %scan3A_154 = arith.constant 2 : i32
      %scan3A_155 = arith.addi %scan3A_110, %scan3A_154 : i32
      %mul3A_156 = arith.constant 16 : i32
      %mul3A_157 = arith.muli %scan3A_155, %mul3A_156 : i32
      %get3A_158 = arith.index_cast %mul3A_157 : i32 to index
      %get3A_159 = tpu.vector_load %arg7[%get3A_158] {strides = array<i32>} : memref<16384xi32, #tpu.memory_space<vmem>>, vector<16xi32>,
      %mul3A_160 = arith.constant 16 : i32
      %mul3A_161 = arith.muli %scan3A_155, %mul3A_160 : i32
      %add3A_162 = vector.broadcast %mul3A_161 : i32 to vector<16xi32>
      %add3A_163 = arith.addi %iota3A, %add3A_162 : vector<16xi32>
      %broadcast_in_dim3A_164 = arith.constant true
      %broadcast_in_dim3A_165 = vector.broadcast %broadcast_in_dim3A_164 : i1 to vector<16xi1>
      %unique3A_166, %unique3A_167 = tpu.scan_count mask(%broadcast_in_dim3A_165 : vector<16xi1>) value(%get3A_159 : vector<16xi32>) : vector<16xi1>, vector<16xi32>
      %ge3A_168 = vector.broadcast %mul3A_54 : i32 to vector<16xi32>
      %ge3A_169 = arith.cmpi sge, %get3A_159, %ge3A_168 : vector<16xi32>
      %add3A_170 = arith.constant 3128 : i32
      %add3A_171 = arith.addi %mul3A_54, %add3A_170 : i32
      %lt3A_172 = vector.broadcast %add3A_171 : i32 to vector<16xi32>
      %lt3A_173 = arith.cmpi slt, %get3A_159, %lt3A_172 : vector<16xi32>
      %and3A_174 = arith.andi %ge3A_169, %lt3A_173 : vector<16xi1>
      %sub3A_175 = vector.broadcast %mul3A_54 : i32 to vector<16xi32>
      %sub3A_176 = arith.subi %get3A_159, %sub3A_175 : vector<16xi32>
      %and3A_177 = arith.andi %unique3A_166, %and3A_174 : vector<16xi1>
      tpu.vector_store_idx %arg8[%sub3A_176], %add3A_163 masked %and3A_177 : memref<3456xi32, #tpu.memory_space<vmem>>[vector<16xi32>], vector<16xi32>, vector<16xi1>
      %scan3A_178 = arith.constant 0 : i32
      %scan3A_179 = arith.constant 3 : i32
      %scan3A_180 = arith.addi %scan3A_110, %scan3A_179 : i32
      %mul3A_181 = arith.constant 16 : i32
      %mul3A_182 = arith.muli %scan3A_180, %mul3A_181 : i32
      %get3A_183 = arith.index_cast %mul3A_182 : i32 to index
      %get3A_184 = tpu.vector_load %arg7[%get3A_183] {strides = array<i32>} : memref<16384xi32, #tpu.memory_space<vmem>>, vector<16xi32>,
      %mul3A_185 = arith.constant 16 : i32
      %mul3A_186 = arith.muli %scan3A_180, %mul3A_185 : i32
      %add3A_187 = vector.broadcast %mul3A_186 : i32 to vector<16xi32>
      %add3A_188 = arith.addi %iota3A, %add3A_187 : vector<16xi32>
      %broadcast_in_dim3A_189 = arith.constant true
      %broadcast_in_dim3A_190 = vector.broadcast %broadcast_in_dim3A_189 : i1 to vector<16xi1>
      %unique3A_191, %unique3A_192 = tpu.scan_count mask(%broadcast_in_dim3A_190 : vector<16xi1>) value(%get3A_184 : vector<16xi32>) : vector<16xi1>, vector<16xi32>
      %ge3A_193 = vector.broadcast %mul3A_54 : i32 to vector<16xi32>
      %ge3A_194 = arith.cmpi sge, %get3A_184, %ge3A_193 : vector<16xi32>
      %add3A_195 = arith.constant 3128 : i32
      %add3A_196 = arith.addi %mul3A_54, %add3A_195 : i32
      %lt3A_197 = vector.broadcast %add3A_196 : i32 to vector<16xi32>
      %lt3A_198 = arith.cmpi slt, %get3A_184, %lt3A_197 : vector<16xi32>
      %and3A_199 = arith.andi %ge3A_194, %lt3A_198 : vector<16xi1>
      %sub3A_200 = vector.broadcast %mul3A_54 : i32 to vector<16xi32>
      %sub3A_201 = arith.subi %get3A_184, %sub3A_200 : vector<16xi32>
      %and3A_202 = arith.andi %unique3A_191, %and3A_199 : vector<16xi1>
      tpu.vector_store_idx %arg8[%sub3A_201], %add3A_188 masked %and3A_202 : memref<3456xi32, #tpu.memory_space<vmem>>[vector<16xi32>], vector<16xi32>, vector<16xi1>
      %scan3A_203 = arith.constant 0 : i32
      %scan3A_204 = arith.constant 4 : i32
      %scan3A_205 = arith.addi %scan3A_110, %scan3A_204 : i32
      %mul3A_206 = arith.constant 16 : i32
      %mul3A_207 = arith.muli %scan3A_205, %mul3A_206 : i32
      %get3A_208 = arith.index_cast %mul3A_207 : i32 to index
      %get3A_209 = tpu.vector_load %arg7[%get3A_208] {strides = array<i32>} : memref<16384xi32, #tpu.memory_space<vmem>>, vector<16xi32>,
      %mul3A_210 = arith.constant 16 : i32
      %mul3A_211 = arith.muli %scan3A_205, %mul3A_210 : i32
      %add3A_212 = vector.broadcast %mul3A_211 : i32 to vector<16xi32>
      %add3A_213 = arith.addi %iota3A, %add3A_212 : vector<16xi32>
      %broadcast_in_dim3A_214 = arith.constant true
      %broadcast_in_dim3A_215 = vector.broadcast %broadcast_in_dim3A_214 : i1 to vector<16xi1>
      %unique3A_216, %unique3A_217 = tpu.scan_count mask(%broadcast_in_dim3A_215 : vector<16xi1>) value(%get3A_209 : vector<16xi32>) : vector<16xi1>, vector<16xi32>
      %ge3A_218 = vector.broadcast %mul3A_54 : i32 to vector<16xi32>
      %ge3A_219 = arith.cmpi sge, %get3A_209, %ge3A_218 : vector<16xi32>
      %add3A_220 = arith.constant 3128 : i32
      %add3A_221 = arith.addi %mul3A_54, %add3A_220 : i32
      %lt3A_222 = vector.broadcast %add3A_221 : i32 to vector<16xi32>
      %lt3A_223 = arith.cmpi slt, %get3A_209, %lt3A_222 : vector<16xi32>
      %and3A_224 = arith.andi %ge3A_219, %lt3A_223 : vector<16xi1>
      %sub3A_225 = vector.broadcast %mul3A_54 : i32 to vector<16xi32>
      %sub3A_226 = arith.subi %get3A_209, %sub3A_225 : vector<16xi32>
      %and3A_227 = arith.andi %unique3A_216, %and3A_224 : vector<16xi1>
      tpu.vector_store_idx %arg8[%sub3A_226], %add3A_213 masked %and3A_227 : memref<3456xi32, #tpu.memory_space<vmem>>[vector<16xi32>], vector<16xi32>, vector<16xi1>
      %scan3A_228 = arith.constant 0 : i32
      %scan3A_229 = arith.constant 5 : i32
      %scan3A_230 = arith.addi %scan3A_110, %scan3A_229 : i32
      %mul3A_231 = arith.constant 16 : i32
      %mul3A_232 = arith.muli %scan3A_230, %mul3A_231 : i32
      %get3A_233 = arith.index_cast %mul3A_232 : i32 to index
      %get3A_234 = tpu.vector_load %arg7[%get3A_233] {strides = array<i32>} : memref<16384xi32, #tpu.memory_space<vmem>>, vector<16xi32>,
      %mul3A_235 = arith.constant 16 : i32
      %mul3A_236 = arith.muli %scan3A_230, %mul3A_235 : i32
      %add3A_237 = vector.broadcast %mul3A_236 : i32 to vector<16xi32>
      %add3A_238 = arith.addi %iota3A, %add3A_237 : vector<16xi32>
      %broadcast_in_dim3A_239 = arith.constant true
      %broadcast_in_dim3A_240 = vector.broadcast %broadcast_in_dim3A_239 : i1 to vector<16xi1>
      %unique3A_241, %unique3A_242 = tpu.scan_count mask(%broadcast_in_dim3A_240 : vector<16xi1>) value(%get3A_234 : vector<16xi32>) : vector<16xi1>, vector<16xi32>
      %ge3A_243 = vector.broadcast %mul3A_54 : i32 to vector<16xi32>
      %ge3A_244 = arith.cmpi sge, %get3A_234, %ge3A_243 : vector<16xi32>
      %add3A_245 = arith.constant 3128 : i32
      %add3A_246 = arith.addi %mul3A_54, %add3A_245 : i32
      %lt3A_247 = vector.broadcast %add3A_246 : i32 to vector<16xi32>
      %lt3A_248 = arith.cmpi slt, %get3A_234, %lt3A_247 : vector<16xi32>
      %and3A_249 = arith.andi %ge3A_244, %lt3A_248 : vector<16xi1>
      %sub3A_250 = vector.broadcast %mul3A_54 : i32 to vector<16xi32>
      %sub3A_251 = arith.subi %get3A_234, %sub3A_250 : vector<16xi32>
      %and3A_252 = arith.andi %unique3A_241, %and3A_249 : vector<16xi1>
      tpu.vector_store_idx %arg8[%sub3A_251], %add3A_238 masked %and3A_252 : memref<3456xi32, #tpu.memory_space<vmem>>[vector<16xi32>], vector<16xi32>, vector<16xi1>
      %scan3A_253 = arith.constant 0 : i32
      %scan3A_254 = arith.constant 6 : i32
      %scan3A_255 = arith.addi %scan3A_110, %scan3A_254 : i32
      %mul3A_256 = arith.constant 16 : i32
      %mul3A_257 = arith.muli %scan3A_255, %mul3A_256 : i32
      %get3A_258 = arith.index_cast %mul3A_257 : i32 to index
      %get3A_259 = tpu.vector_load %arg7[%get3A_258] {strides = array<i32>} : memref<16384xi32, #tpu.memory_space<vmem>>, vector<16xi32>,
      %mul3A_260 = arith.constant 16 : i32
      %mul3A_261 = arith.muli %scan3A_255, %mul3A_260 : i32
      %add3A_262 = vector.broadcast %mul3A_261 : i32 to vector<16xi32>
      %add3A_263 = arith.addi %iota3A, %add3A_262 : vector<16xi32>
      %broadcast_in_dim3A_264 = arith.constant true
      %broadcast_in_dim3A_265 = vector.broadcast %broadcast_in_dim3A_264 : i1 to vector<16xi1>
      %unique3A_266, %unique3A_267 = tpu.scan_count mask(%broadcast_in_dim3A_265 : vector<16xi1>) value(%get3A_259 : vector<16xi32>) : vector<16xi1>, vector<16xi32>
      %ge3A_268 = vector.broadcast %mul3A_54 : i32 to vector<16xi32>
      %ge3A_269 = arith.cmpi sge, %get3A_259, %ge3A_268 : vector<16xi32>
      %add3A_270 = arith.constant 3128 : i32
      %add3A_271 = arith.addi %mul3A_54, %add3A_270 : i32
      %lt3A_272 = vector.broadcast %add3A_271 : i32 to vector<16xi32>
      %lt3A_273 = arith.cmpi slt, %get3A_259, %lt3A_272 : vector<16xi32>
      %and3A_274 = arith.andi %ge3A_269, %lt3A_273 : vector<16xi1>
      %sub3A_275 = vector.broadcast %mul3A_54 : i32 to vector<16xi32>
      %sub3A_276 = arith.subi %get3A_259, %sub3A_275 : vector<16xi32>
      %and3A_277 = arith.andi %unique3A_266, %and3A_274 : vector<16xi1>
      tpu.vector_store_idx %arg8[%sub3A_276], %add3A_263 masked %and3A_277 : memref<3456xi32, #tpu.memory_space<vmem>>[vector<16xi32>], vector<16xi32>, vector<16xi1>
      %scan3A_278 = arith.constant 0 : i32
      %scan3A_279 = arith.constant 7 : i32
      %scan3A_280 = arith.addi %scan3A_110, %scan3A_279 : i32
      %mul3A_281 = arith.constant 16 : i32
      %mul3A_282 = arith.muli %scan3A_280, %mul3A_281 : i32
      %get3A_283 = arith.index_cast %mul3A_282 : i32 to index
      %get3A_284 = tpu.vector_load %arg7[%get3A_283] {strides = array<i32>} : memref<16384xi32, #tpu.memory_space<vmem>>, vector<16xi32>,
      %mul3A_285 = arith.constant 16 : i32
      %mul3A_286 = arith.muli %scan3A_280, %mul3A_285 : i32
      %add3A_287 = vector.broadcast %mul3A_286 : i32 to vector<16xi32>
      %add3A_288 = arith.addi %iota3A, %add3A_287 : vector<16xi32>
      %broadcast_in_dim3A_289 = arith.constant true
      %broadcast_in_dim3A_290 = vector.broadcast %broadcast_in_dim3A_289 : i1 to vector<16xi1>
      %unique3A_291, %unique3A_292 = tpu.scan_count mask(%broadcast_in_dim3A_290 : vector<16xi1>) value(%get3A_284 : vector<16xi32>) : vector<16xi1>, vector<16xi32>
      %ge3A_293 = vector.broadcast %mul3A_54 : i32 to vector<16xi32>
      %ge3A_294 = arith.cmpi sge, %get3A_284, %ge3A_293 : vector<16xi32>
      %add3A_295 = arith.constant 3128 : i32
      %add3A_296 = arith.addi %mul3A_54, %add3A_295 : i32
      %lt3A_297 = vector.broadcast %add3A_296 : i32 to vector<16xi32>
      %lt3A_298 = arith.cmpi slt, %get3A_284, %lt3A_297 : vector<16xi32>
      %and3A_299 = arith.andi %ge3A_294, %lt3A_298 : vector<16xi1>
      %sub3A_300 = vector.broadcast %mul3A_54 : i32 to vector<16xi32>
      %sub3A_301 = arith.subi %get3A_284, %sub3A_300 : vector<16xi32>
      %and3A_302 = arith.andi %unique3A_291, %and3A_299 : vector<16xi1>
      tpu.vector_store_idx %arg8[%sub3A_301], %add3A_288 masked %and3A_302 : memref<3456xi32, #tpu.memory_space<vmem>>[vector<16xi32>], vector<16xi32>, vector<16xi1>
      %scan3A_303 = arith.constant 0 : i32
      scf.yield %scan3A_303 : i32
    }
    %scan3A_68 = arith.constant 1024 : i32
    %mul3A_69 = arith.constant 3456 : i32
    %mul3A_70 = arith.muli %add3A, %mul3A_69 : i32
    "tpu.region"() ({
      %run_scoped3A_110 = tpu.sem_alloc : memref<!tpu.dma_semaphore, #tpu.memory_space<semaphore_mem>>
      %dma_start3A_111 = tpu.memref_slice %arg5[%mul3A_70] : memref<110592xi32, #tpu.memory_space<hbm>> -> memref<3456xi32, #tpu.memory_space<hbm>>
      %dma_start3A_112 = tpu.memref_slice %arg5[%mul3A_70] : memref<110592xi32, #tpu.memory_space<hbm>> -> memref<3456xi32, #tpu.memory_space<hbm>>
      tpu.enqueue_dma source(%arg8 : memref<3456xi32, #tpu.memory_space<vmem>>) target(%dma_start3A_112 : memref<3456xi32, #tpu.memory_space<hbm>>) target_semaphore(%run_scoped3A_110 : memref<!tpu.dma_semaphore, #tpu.memory_space<semaphore_mem>>)
      %dma_wait3A_113 = tpu.memref_slice %arg5[%mul3A_70] : memref<110592xi32, #tpu.memory_space<hbm>> -> memref<3456xi32, #tpu.memory_space<hbm>>
      %dma_wait3A_114 = tpu.memref_slice %arg5[%mul3A_70] : memref<110592xi32, #tpu.memory_space<hbm>> -> memref<3456xi32, #tpu.memory_space<hbm>>
      tpu.wait_dma2 semaphore(%run_scoped3A_110 : memref<!tpu.dma_semaphore, #tpu.memory_space<semaphore_mem>>) src(%arg8 : memref<3456xi32, #tpu.memory_space<vmem>>) dst(%dma_wait3A_114 : memref<3456xi32, #tpu.memory_space<hbm>>)
      tpu.yield
    }) : () -> ()
    %dma_wait3A = arith.constant 0 : i32
    %dma_wait3A_71 = arith.constant 0 : i32
    %dma_wait3A_72 = arith.constant 0 : i32
    %dma_wait3A_73 = tpu.memref_slice %arg9[%dma_wait3A_71, %dma_wait3A_72] : memref<512x128xf32, #tpu.memory_space<vmem>> -> memref<128x128xf32, #tpu.memory_space<vmem>>
    %dma_wait3A_74 = arith.constant 0 : i32
    %dma_wait3A_75 = tpu.memref_slice %arg6[%dma_wait3A, %dma_wait3A_74] : memref<4x128xi32, #tpu.memory_space<vmem>> -> memref<1x128xi32, #tpu.memory_space<vmem>>
    %dma_wait3A_76 = tpu.memref_squeeze %dma_wait3A_75 : memref<1x128xi32, #tpu.memory_space<vmem>> -> memref<128xi32, #tpu.memory_space<vmem>>
    %dma_wait3A_77 = arith.constant 0 : i32
    %dma_wait3A_78 = arith.constant 0 : i32
    %dma_wait3A_79 = tpu.memref_slice %arg3[%dma_wait3A_77, %dma_wait3A_78] : memref<100000x128xf32, #tpu.memory_space<hbm>> -> memref<100000x128xf32, #tpu.memory_space<hbm>>
    tpu.wait_indirect_dma semaphore(%arg10 : memref<!tpu.dma_semaphore, #tpu.memory_space<semaphore_mem>>) src(%dma_wait3A_79 : memref<100000x128xf32, #tpu.memory_space<hbm>>) dst(%dma_wait3A_73 : memref<128x128xf32, #tpu.memory_space<vmem>>)
    %dma_wait3A_80 = arith.constant 1 : i32
    %dma_wait3A_81 = arith.constant 128 : i32
    %dma_wait3A_82 = arith.constant 0 : i32
    %dma_wait3A_83 = tpu.memref_slice %arg9[%dma_wait3A_81, %dma_wait3A_82] : memref<512x128xf32, #tpu.memory_space<vmem>> -> memref<128x128xf32, #tpu.memory_space<vmem>>
    %dma_wait3A_84 = arith.constant 0 : i32
    %dma_wait3A_85 = tpu.memref_slice %arg6[%dma_wait3A_80, %dma_wait3A_84] : memref<4x128xi32, #tpu.memory_space<vmem>> -> memref<1x128xi32, #tpu.memory_space<vmem>>
    %dma_wait3A_86 = tpu.memref_squeeze %dma_wait3A_85 : memref<1x128xi32, #tpu.memory_space<vmem>> -> memref<128xi32, #tpu.memory_space<vmem>>
    %dma_wait3A_87 = arith.constant 0 : i32
    %dma_wait3A_88 = arith.constant 0 : i32
    %dma_wait3A_89 = tpu.memref_slice %arg3[%dma_wait3A_87, %dma_wait3A_88] : memref<100000x128xf32, #tpu.memory_space<hbm>> -> memref<100000x128xf32, #tpu.memory_space<hbm>>
    tpu.wait_indirect_dma semaphore(%arg10 : memref<!tpu.dma_semaphore, #tpu.memory_space<semaphore_mem>>) src(%dma_wait3A_89 : memref<100000x128xf32, #tpu.memory_space<hbm>>) dst(%dma_wait3A_83 : memref<128x128xf32, #tpu.memory_space<vmem>>)
    %dma_wait3A_90 = arith.constant 2 : i32
    %dma_wait3A_91 = arith.constant 256 : i32
    %dma_wait3A_92 = arith.constant 0 : i32
    %dma_wait3A_93 = tpu.memref_slice %arg9[%dma_wait3A_91, %dma_wait3A_92] : memref<512x128xf32, #tpu.memory_space<vmem>> -> memref<128x128xf32, #tpu.memory_space<vmem>>
    %dma_wait3A_94 = arith.constant 0 : i32
    %dma_wait3A_95 = tpu.memref_slice %arg6[%dma_wait3A_90, %dma_wait3A_94] : memref<4x128xi32, #tpu.memory_space<vmem>> -> memref<1x128xi32, #tpu.memory_space<vmem>>
    %dma_wait3A_96 = tpu.memref_squeeze %dma_wait3A_95 : memref<1x128xi32, #tpu.memory_space<vmem>> -> memref<128xi32, #tpu.memory_space<vmem>>
    %dma_wait3A_97 = arith.constant 0 : i32
    %dma_wait3A_98 = arith.constant 0 : i32
    %dma_wait3A_99 = tpu.memref_slice %arg3[%dma_wait3A_97, %dma_wait3A_98] : memref<100000x128xf32, #tpu.memory_space<hbm>> -> memref<100000x128xf32, #tpu.memory_space<hbm>>
    tpu.wait_indirect_dma semaphore(%arg10 : memref<!tpu.dma_semaphore, #tpu.memory_space<semaphore_mem>>) src(%dma_wait3A_99 : memref<100000x128xf32, #tpu.memory_space<hbm>>) dst(%dma_wait3A_93 : memref<128x128xf32, #tpu.memory_space<vmem>>)
    %dma_wait3A_100 = arith.constant 3 : i32
    %dma_wait3A_101 = arith.constant 384 : i32
    %dma_wait3A_102 = arith.constant 0 : i32
    %dma_wait3A_103 = tpu.memref_slice %arg9[%dma_wait3A_101, %dma_wait3A_102] : memref<512x128xf32, #tpu.memory_space<vmem>> -> memref<128x128xf32, #tpu.memory_space<vmem>>
    %dma_wait3A_104 = arith.constant 0 : i32
    %dma_wait3A_105 = tpu.memref_slice %arg6[%dma_wait3A_100, %dma_wait3A_104] : memref<4x128xi32, #tpu.memory_space<vmem>> -> memref<1x128xi32, #tpu.memory_space<vmem>>
    %dma_wait3A_106 = tpu.memref_squeeze %dma_wait3A_105 : memref<1x128xi32, #tpu.memory_space<vmem>> -> memref<128xi32, #tpu.memory_space<vmem>>
    %dma_wait3A_107 = arith.constant 0 : i32
    %dma_wait3A_108 = arith.constant 0 : i32
    %dma_wait3A_109 = tpu.memref_slice %arg3[%dma_wait3A_107, %dma_wait3A_108] : memref<100000x128xf32, #tpu.memory_space<hbm>> -> memref<100000x128xf32, #tpu.memory_space<hbm>>
    tpu.wait_indirect_dma semaphore(%arg10 : memref<!tpu.dma_semaphore, #tpu.memory_space<semaphore_mem>>) src(%dma_wait3A_109 : memref<100000x128xf32, #tpu.memory_space<hbm>>) dst(%dma_wait3A_103 : memref<128x128xf32, #tpu.memory_space<vmem>>)
    "tpu.region"() ({
      %run_scoped3A_110 = tpu.sem_alloc : memref<!tpu.dma_semaphore, #tpu.memory_space<semaphore_mem>>
      %dma_start3A_111 = arith.constant 0 : i32
      %dma_start3A_112 = tpu.memref_slice %arg4[%mul3A_2, %dma_start3A_111] : memref<16384x128xf32, #tpu.memory_space<hbm>> -> memref<512x128xf32, #tpu.memory_space<hbm>>
      %dma_start3A_113 = arith.constant 0 : i32
      %dma_start3A_114 = tpu.memref_slice %arg4[%mul3A_2, %dma_start3A_113] : memref<16384x128xf32, #tpu.memory_space<hbm>> -> memref<512x128xf32, #tpu.memory_space<hbm>>
      tpu.enqueue_dma source(%arg9 : memref<512x128xf32, #tpu.memory_space<vmem>>) target(%dma_start3A_114 : memref<512x128xf32, #tpu.memory_space<hbm>>) target_semaphore(%run_scoped3A_110 : memref<!tpu.dma_semaphore, #tpu.memory_space<semaphore_mem>>)
      %dma_wait3A_115 = arith.constant 0 : i32
      %dma_wait3A_116 = tpu.memref_slice %arg4[%mul3A_2, %dma_wait3A_115] : memref<16384x128xf32, #tpu.memory_space<hbm>> -> memref<512x128xf32, #tpu.memory_space<hbm>>
      %dma_wait3A_117 = arith.constant 0 : i32
      %dma_wait3A_118 = tpu.memref_slice %arg4[%mul3A_2, %dma_wait3A_117] : memref<16384x128xf32, #tpu.memory_space<hbm>> -> memref<512x128xf32, #tpu.memory_space<hbm>>
      tpu.wait_dma2 semaphore(%run_scoped3A_110 : memref<!tpu.dma_semaphore, #tpu.memory_space<semaphore_mem>>) src(%arg9 : memref<512x128xf32, #tpu.memory_space<vmem>>) dst(%dma_wait3A_118 : memref<512x128xf32, #tpu.memory_space<hbm>>)
      tpu.yield
    }) : () -> ()
    return
  }
}

module attributes {stable_mosaic.version = 14 : i64} {
  func.func @_gru_body(%arg0: i32, %arg1: memref<2048x128xf32, #tpu.memory_space<vmem>>, %arg2: memref<2048x128xf32, #tpu.memory_space<vmem>>, %arg3: memref<384x128xf32, #tpu.memory_space<vmem>>, %arg4: memref<384x128xf32, #tpu.memory_space<vmem>>, %arg5: memref<8x384xf32, #tpu.memory_space<vmem>>, %arg6: memref<8x384xf32, #tpu.memory_space<vmem>>, %arg7: memref<2048x128xf32, #tpu.memory_space<vmem>>) attributes {dimension_semantics = [#tpu.dimension_semantics<arbitrary>], iteration_bounds = array<i64: 8>, scalar_prefetch = 0 : i64, scratch_operands = 0 : i64, tpu.core_type = #tpu.core_type<tc>, window_params = [{transform_indices = @transform_0, window_bounds = array<i64: 2048, 128>}, {transform_indices = @transform_1, window_bounds = array<i64: 2048, 128>}, {pipeline_mode = #tpu.pipeline_mode<synchronous>, transform_indices = @transform_2, window_bounds = array<i64: 384, 128>}, {pipeline_mode = #tpu.pipeline_mode<synchronous>, transform_indices = @transform_3, window_bounds = array<i64: 384, 128>}, {pipeline_mode = #tpu.pipeline_mode<synchronous>, transform_indices = @transform_4, window_bounds = array<i64: 8, 384>}, {pipeline_mode = #tpu.pipeline_mode<synchronous>, transform_indices = @transform_5, window_bounds = array<i64: 8, 384>}, {transform_indices = @transform_6, window_bounds = array<i64: 2048, 128>}]} {
    %get3A = arith.constant 0 : index
    %get3A_0 = arith.constant 0 : index
    %get3A_1 = vector.load %arg1[%get3A, %get3A_0] : memref<2048x128xf32, #tpu.memory_space<vmem>>, vector<2048x128xf32>
    %get3A_2 = arith.constant 0 : index
    %get3A_3 = arith.constant 0 : index
    %get3A_4 = vector.load %arg2[%get3A_2, %get3A_3] : memref<2048x128xf32, #tpu.memory_space<vmem>>, vector<2048x128xf32>
    %get3A_5 = arith.constant 0 : index
    %get3A_6 = arith.constant 0 : index
    %get3A_7 = vector.load %arg3[%get3A_5, %get3A_6] : memref<384x128xf32, #tpu.memory_space<vmem>>, vector<384x128xf32>
    %dot_general3A = arith.constant dense<0.000000e+00> : vector<2048x384xf32>
    %dot_general3A_8 = tpu.matmul %get3A_1, %get3A_7, %dot_general3A {dimension_numbers = #tpu.dot_dimension_numbers<[1], [1], [0], [0], [0, 0, 1, 0], [], []>, transpose_lhs_hint = false} : vector<2048x128xf32>, vector<384x128xf32>, vector<2048x384xf32> -> vector<2048x384xf32>
    %get3A_9 = arith.constant 0 : index
    %get3A_10 = arith.constant 0 : index
    %get3A_11 = vector.load %arg4[%get3A_9, %get3A_10] : memref<384x128xf32, #tpu.memory_space<vmem>>, vector<384x128xf32>
    %dot_general3A_12 = arith.constant dense<0.000000e+00> : vector<2048x384xf32>
    %dot_general3A_13 = tpu.matmul %get3A_4, %get3A_11, %dot_general3A_12 {dimension_numbers = #tpu.dot_dimension_numbers<[1], [1], [0], [0], [0, 0, 1, 0], [], []>, transpose_lhs_hint = false} : vector<2048x128xf32>, vector<384x128xf32>, vector<2048x384xf32> -> vector<2048x384xf32>
    %get3A_14 = arith.constant 0 : index
    %get3A_15 = arith.constant 0 : index
    %get3A_16 = vector.load %arg5[%get3A_14, %get3A_15] : memref<8x384xf32, #tpu.memory_space<vmem>>, vector<1x384xf32>
    %add3A = vector.broadcast %get3A_16 : vector<1x384xf32> to vector<2048x384xf32>
    %add3A_17 = arith.addf %dot_general3A_8, %add3A : vector<2048x384xf32>
    %get3A_18 = arith.constant 0 : index
    %get3A_19 = arith.constant 0 : index
    %get3A_20 = vector.load %arg6[%get3A_18, %get3A_19] : memref<8x384xf32, #tpu.memory_space<vmem>>, vector<1x384xf32>
    %add3A_21 = vector.broadcast %get3A_20 : vector<1x384xf32> to vector<2048x384xf32>
    %add3A_22 = arith.addf %dot_general3A_13, %add3A_21 : vector<2048x384xf32>
    %slice3A = vector.extract_strided_slice %add3A_17 {offsets = [0, 0], sizes = [2048, 128], strides = [1, 1]} : vector<2048x384xf32> to vector<2048x128xf32>
    %slice3A_23 = vector.extract_strided_slice %add3A_17 {offsets = [0, 128], sizes = [2048, 128], strides = [1, 1]} : vector<2048x384xf32> to vector<2048x128xf32>
    %slice3A_24 = vector.extract_strided_slice %add3A_17 {offsets = [0, 256], sizes = [2048, 128], strides = [1, 1]} : vector<2048x384xf32> to vector<2048x128xf32>
    %slice3A_25 = vector.extract_strided_slice %add3A_22 {offsets = [0, 0], sizes = [2048, 128], strides = [1, 1]} : vector<2048x384xf32> to vector<2048x128xf32>
    %slice3A_26 = vector.extract_strided_slice %add3A_22 {offsets = [0, 128], sizes = [2048, 128], strides = [1, 1]} : vector<2048x384xf32> to vector<2048x128xf32>
    %slice3A_27 = vector.extract_strided_slice %add3A_22 {offsets = [0, 256], sizes = [2048, 128], strides = [1, 1]} : vector<2048x384xf32> to vector<2048x128xf32>
    %add3A_28 = arith.addf %slice3A, %slice3A_25 : vector<2048x128xf32>
    %logistic3A = arith.negf %add3A_28 : vector<2048x128xf32>
    %logistic3A_29 = math.exp %logistic3A : vector<2048x128xf32>
    %logistic3A_30 = arith.constant 1.000000e+00 : f32
    %logistic3A_31 = vector.broadcast %logistic3A_30 : f32 to vector<2048x128xf32>
    %logistic3A_32 = arith.addf %logistic3A_31, %logistic3A_29 : vector<2048x128xf32>
    %logistic3A_33 = arith.divf %logistic3A_31, %logistic3A_32 : vector<2048x128xf32>
    %add3A_34 = arith.addf %slice3A_23, %slice3A_26 : vector<2048x128xf32>
    %logistic3A_35 = arith.negf %add3A_34 : vector<2048x128xf32>
    %logistic3A_36 = math.exp %logistic3A_35 : vector<2048x128xf32>
    %logistic3A_37 = arith.constant 1.000000e+00 : f32
    %logistic3A_38 = vector.broadcast %logistic3A_37 : f32 to vector<2048x128xf32>
    %logistic3A_39 = arith.addf %logistic3A_38, %logistic3A_36 : vector<2048x128xf32>
    %logistic3A_40 = arith.divf %logistic3A_38, %logistic3A_39 : vector<2048x128xf32>
    %mul3A = arith.mulf %logistic3A_33, %slice3A_27 : vector<2048x128xf32>
    %add3A_41 = arith.addf %slice3A_24, %mul3A : vector<2048x128xf32>
    %tanh3A = math.tanh %add3A_41 : vector<2048x128xf32>
    %sub3A = arith.constant 1.000000e+00 : f32
    %sub3A_42 = vector.broadcast %sub3A : f32 to vector<2048x128xf32>
    %sub3A_43 = arith.subf %sub3A_42, %logistic3A_40 : vector<2048x128xf32>
    %mul3A_44 = arith.mulf %sub3A_43, %tanh3A : vector<2048x128xf32>
    %mul3A_45 = arith.mulf %logistic3A_40, %get3A_4 : vector<2048x128xf32>
    %add3A_46 = arith.addf %mul3A_44, %mul3A_45 : vector<2048x128xf32>
    %swap3A = arith.constant 0 : index
    %swap3A_47 = arith.constant 0 : index
    %swap3A_48 = vector.load %arg7[%swap3A, %swap3A_47] : memref<2048x128xf32, #tpu.memory_space<vmem>>, vector<2048x128xf32>
    tpu.vector_store %arg7[%swap3A, %swap3A_47], %add3A_46 {strides = array<i32>} : memref<2048x128xf32, #tpu.memory_space<vmem>>, vector<2048x128xf32>,
    return
  }
  func.func @transform_0(%arg0: i32) -> (i32, i32) {
    %c0_i32 = arith.constant 0 : i32
    %c0_i32_0 = arith.constant 0 : i32
    return %arg0, %c0_i32 : i32, i32
  }
  func.func @transform_1(%arg0: i32) -> (i32, i32) {
    %c0_i32 = arith.constant 0 : i32
    %c0_i32_0 = arith.constant 0 : i32
    return %arg0, %c0_i32 : i32, i32
  }
  func.func @transform_2(%arg0: i32) -> (i32, i32) {
    %c0_i32 = arith.constant 0 : i32
    %c0_i32_0 = arith.constant 0 : i32
    %c0_i32_1 = arith.constant 0 : i32
    return %c0_i32, %c0_i32_0 : i32, i32
  }
  func.func @transform_3(%arg0: i32) -> (i32, i32) {
    %c0_i32 = arith.constant 0 : i32
    %c0_i32_0 = arith.constant 0 : i32
    %c0_i32_1 = arith.constant 0 : i32
    return %c0_i32, %c0_i32_0 : i32, i32
  }
  func.func @transform_4(%arg0: i32) -> (i32, i32) {
    %c0_i32 = arith.constant 0 : i32
    %c0_i32_0 = arith.constant 0 : i32
    %c0_i32_1 = arith.constant 0 : i32
    return %c0_i32, %c0_i32_0 : i32, i32
  }
  func.func @transform_5(%arg0: i32) -> (i32, i32) {
    %c0_i32 = arith.constant 0 : i32
    %c0_i32_0 = arith.constant 0 : i32
    %c0_i32_1 = arith.constant 0 : i32
    return %c0_i32, %c0_i32_0 : i32, i32
  }
  func.func @transform_6(%arg0: i32) -> (i32, i32) {
    %c0_i32 = arith.constant 0 : i32
    %c0_i32_0 = arith.constant 0 : i32
    return %arg0, %c0_i32 : i32, i32
  }
}

</mosaic_0001>

<sc_bundles>
// kernel: kernel.5.cloned.1.call-start
scs
__scs_entry_jumppad:
0x0: {  	(pc) =	sbr.rel $0x88, $3  }
0x1: {  	(tag) =	ssettag $0x0;
	lr =	simm.s32 $0x1  }
0x2: {  	[smem:$0x3F9A] =	sst lr;
	_ =	strace $0xD0000000  }
0x3: {  	_ = 	snop  }
0x4: {  	_ = 	snop  }
0x5: {  	_ = 	snop  }
0x6: {  	_ = 	snop  }
0x7: {  	_ = 	snop  }
__scs_overlays_trampoline_lowered:
0x8: {  	[smem:$0x3FA9] =	sst s0  }
0x9: {  	[smem:$0x3FAA] =	sst s1  }
0xa: {  	[smem:$0x3FAB] =	sst s2  }
0xb: {  	[smem:$0x3FAC] =	sst s3  }
0xc: {  	[smem:$0x3FAD] =	sst s4  }
0xd: {  	[smem:$0x3FAE] =	sst s5  }
0xe: {  	[smem:$0x3FAF] =	sst s6  }
0xf: {  	[smem:$0x3FB0] =	sst s7  }
0x10: {  	[smem:$0x3FB1] =	sst s8  }
0x11: {  	[smem:$0x3FB2] =	sst s9;
	s0 =	simm.s32 @!p0 $0x0  }
0x12: {  	s1 =	sld [smem:$0x3F98];
	s0 =	simm.s32 @p0 $0x1  }
0x13: {  	[smem:$0x3FB3] =	sst s0;
	s0 =	simm.s32 @!p1 $0x0  }
0x14: {  	s2 =	sld [smem:$0x3F97];
	s0 =	simm.s32 @p1 $0x1  }
0x15: {  	[smem:$0x3FB4] =	sst s0;
	s0 =	simm.s32 @!p2 $0x0  }
0x16: {  	s3 =	sld [smem:$0x3FDB];
	s0 =	simm.s32 @p2 $0x1  }
0x17: {  	s4 =	simm.s32 $0x1BF5;
	[smem:$0x3FB6] =	sst s0  }
0x18: {  	s0 =	sld [smem:$0x3F99];
	_ =	swait.ge [sflag:s4], $0x0  }
0x19: {  	s7 =	sld [smem:$0x3F9A]  }
0x1a: {  	s8 =	sadd.s32 $0xFFFFE003, lr  }
0x1b: {  	s9 =	sadd.s32 $0xFFFFFEF7, lr;
	s5 =	simm.s32 $0xFFFFFFFF;
	p2 =	slt.u32 s8, $0xFFFFF086  }
0x1c: {  	p1 =	slt.u32 s9, $0xF7A;
	s5 =	simm.s32 @!p2 $0x0  }
0x1d: {  	s5 =	simm.s32 @p1 $0x1;
	p0 =	seq.s32 s7, s2  }
0x1e: {  	s7 =	smul.u32 @!p0 $0xF7A, s2;
	p2 =	seq.s32 @!p0 s5, $0x0  }
0x1f: {  	s9 =	smul.u32 $0xF7A, s1;
	s8 =	simm.s32 @!p0 $0x1BF5;
	p2 =	por !p2, p0  }
0x20: {  	[sflag:s8] =	ssyncset.s32 @!p0 $0xFFFFF086;
	s6 =	sadd.s32 @!p0 s3, s7;
	s7 =	simm.s32 @!p0 $0x108  }
0x21: {  	s3 =	sadd.s32 s3, s9;
	s6 =	sadd.s32 @!p0 $0x88, s6;
	s7 =	simm.s32 @p2 $0x1082  }
0x22: {  	[simem:s7], [sflag:s8] =	dma.local @!p0 [hbm:s6], $0xF7A  }
0x23: {  	s9 =	sor.u32 $0xD0000000, s2;
	s6 =	simm.s32 $0x108;
	_ =	swait.ge @!p0 [sflag:s8], $0x0  }
0x24: {  	s3 =	sadd.s32 $0x88, s3;
	s6 =	simm.s32 @!p1 $0x1082;
	[sflag:s4] =	ssyncset.s32 $0xFFFFF086  }
0x25: {  	[simem:s6], [sflag:s4] =	dma.local [hbm:s3], $0xF7A  }
0x26: {  	[smem:$0x3F9A] =	sst s1;
	(tag) =	ssettag s2;
	_ =	strace s9  }
0x27: {  	s1 =	sld [smem:$0x3FAA]  }
0x28: {  	s2 =	sld [smem:$0x3FAB]  }
0x29: {  	s4 =	sld [smem:$0x3FAD]  }
0x2a: {  	p0 =	seq.s32 s5, $0x0;
	s5 =	sld [smem:$0x3FAE]  }
0x2b: {  	s6 =	sld [smem:$0x3FAF]  }
0x2c: {  	s7 =	sld [smem:$0x3FB0]  }
0x2d: {  	s3 =	simm.s32 $0x108;
	s8 =	sld [smem:$0x3FB1]  }
0x2e: {  	s3 =	simm.s32 @!p0 $0x1082;
	s9 =	sld [smem:$0x3FB2]  }
0x2f: {  	lr =	sadd.s32 s0, s3;
	s0 =	sld [smem:$0x3FA9]  }
0x30: {  	s3 =	sld [smem:$0x3FAC]  }
0x31: {  	[smem:$0x3FB5] =	sst s10  }
0x32: {  	s10 =	sld [smem:$0x3FB3];
	_ =	sdelay $0x3  }
0x33: {  	p0 =	seq.s32 s10, $0x1;
	s10 =	sld [smem:$0x3FB5];
	_ =	sdelay $0x3  }
0x34: {  	[smem:$0x3FB5] =	sst s10  }
0x35: {  	s10 =	sld [smem:$0x3FB4];
	_ =	sdelay $0x3  }
0x36: {  	p1 =	seq.s32 s10, $0x1;
	s10 =	sld [smem:$0x3FB5];
	_ =	sdelay $0x3  }
0x37: {  	[smem:$0x3FB5] =	sst s10  }
0x38: {  	s10 =	sld [smem:$0x3FB6]  }
0x39: {  	_ = 	snop;
	(pc) =	sbr.ind lr, $3  }
0x3a: {  	_ = 	snop  }
0x3b: {  	_ = 	snop  }
0x3c: {  	p2 =	seq.s32 s10, $0x1;
	s10 =	sld [smem:$0x3FB5]  }
0x3d: {  	_ =	shalt  }
0x3e: {  	_ =	shalt  }
0x3f: {  	_ =	shalt  }
0x40: {  	_ =	shalt  }
0x41: {  	_ =	shalt  }
0x42: {  	_ =	shalt  }
0x43: {  	_ =	shalt  }
0x44: {  	_ =	shalt  }
0x45: {  	_ =	shalt  }
0x46: {  	_ =	shalt  }
0x47: {  	_ =	shalt  }
0x48: {  	_ =	shalt  }
0x49: {  	_ =	shalt  }
0x4a: {  	_ =	shalt  }
0x4b: {  	_ =	shalt  }
0x4c: {  	_ =	shalt  }
0x4d: {  	_ =	shalt  }
0x4e: {  	_ =	shalt  }
0x4f: {  	_ =	shalt  }
0x50: {  	_ =	shalt  }
0x51: {  	_ =	shalt  }
0x52: {  	_ =	shalt  }
0x53: {  	_ =	shalt  }
0x54: {  	_ =	shalt  }
0x55: {  	_ =	shalt  }
0x56: {  	_ =	shalt  }
0x57: {  	_ =	shalt  }
0x58: {  	_ =	shalt  }
0x59: {  	_ =	shalt  }
0x5a: {  	_ =	shalt  }
0x5b: {  	_ =	shalt  }
0x5c: {  	_ =	shalt  }
0x5d: {  	_ =	shalt  }
0x5e: {  	_ =	shalt  }
0x5f: {  	_ =	shalt  }
0x60: {  	_ =	shalt  }
0x61: {  	_ =	shalt  }
0x62: {  	_ =	shalt  }
0x63: {  	_ =	shalt  }
0x64: {  	_ =	shalt  }
0x65: {  	_ =	shalt  }
0x66: {  	_ =	shalt  }
0x67: {  	_ =	shalt  }
0x68: {  	_ =	shalt  }
0x69: {  	_ =	shalt  }
0x6a: {  	_ =	shalt  }
0x6b: {  	_ =	shalt  }
0x6c: {  	_ =	shalt  }
0x6d: {  	_ =	shalt  }
0x6e: {  	_ =	shalt  }
0x6f: {  	_ =	shalt  }
0x70: {  	_ =	shalt  }
0x71: {  	_ =	shalt  }
0x72: {  	_ =	shalt  }
0x73: {  	_ =	shalt  }
0x74: {  	_ =	shalt  }
0x75: {  	_ =	shalt  }
0x76: {  	_ =	shalt  }
0x77: {  	_ =	shalt  }
0x78: {  	_ =	shalt  }
0x79: {  	_ =	shalt  }
0x7a: {  	_ =	shalt  }
0x7b: {  	_ =	shalt  }
0x7c: {  	_ =	shalt  }
0x7d: {  	_ =	shalt  }
0x7e: {  	_ =	shalt  }
0x7f: {  	_ =	shalt  }
0x80: {  	_ =	shalt  }
0x81: {  	_ =	shalt  }
0x82: {  	_ =	shalt  }
0x83: {  	_ =	shalt  }
0x84: {  	_ =	shalt  }
0x85: {  	_ =	shalt  }
0x86: {  	_ =	shalt  }
0x87: {  	_ =	shalt  }
.Lfunc_end0:
.L_simem_size_0:
called_computation_lowered:
.L_overlay_start_0:
0x88: {  	s2 =	sld [smem:$0x3FD9]  }
0x89: {  	s3 =	sld [smem:$0x3FFE];
	_ =	sdelay $0x1  }
0x8a: {  	s1 =	srdreg.scid  }
0x8b: {  	s0 =	sand.u32 $0x1, s1  }
0x8c: {  	s17 =	sshll.u32 s0, $0xA;
	s2 =	sadd.s32 s3, s2  }
0x8d: {  	s2 =	sadd.s32 s2, s17  }
0x8e: {  	[smem:$0x3FC1] =	sst s2  }
0x8f: {  	_ = 	snop  }
0x90: {  	s2 =	sld [smem:$0x3FC9]  }
0x91: {  	s18 =	sld [smem:$0x3FC7]  }
0x92: {  	s4 =	sld [smem:$0x3FD0];
	(tm) =	ssettm $0x1  }
0x93: {  	s5 =	sld [smem:$0x3FFB];
	_ =	sdelay $0x3  }
0x94: {  	_ =	strace s5  }
0x95: {  	s5 =	sld [smem:$0x3FFC];
	_ =	sdelay $0x3  }
0x96: {  	_ =	strace s5  }
0x97: {  	s5 =	sld [smem:$0x3FFD];
	_ =	sdelay $0x3  }
0x98: {  	_ =	strace s5  }
0x99: {  	_ =	strace $0x8FFFFFFF  }
0x9a: {  	s19 =	sld [smem:$0x3FDB];
	_ =	sdelay $0x1  }
0x9b: {  	s6 =	simm.s32 $_scs_section_size  }
0x9c: {  	s7 =	simm.s32 $_size__tile_overlayer_lowered;
	s8 =	simm.s32 $_tile_overlayer_lowered  }
0x9d: {  	s22 =	simm.s32 $0x1BFF;
	s21 =	sshll.u32 s8, $0x1;
	s5 =	sadd.s32 s6, s19  }
0x9e: {  	s9 =	simm.s32 $0x0;
	s20 =	sshll.u32 s7, $0x1;
	s7 =	sadd.s32 s21, s5  }
0x9f: {  	[timem:s9], [sflag:s22] =	dma.local [hbm:s7], s20  }
0xa0: {  	_ =	swait.ge [sflag:s22], s20  }
0xa1: {  	s6 =	ssub.s32 $0x0, s20;
	[sflag:s22] =	ssyncset.done $0x0  }
0xa2: {  	[sflag:s22] =	ssyncadd.s32 s6;
	_ =	sdelay $0x1  }
0xa3: {  	s23 =	simm.s32 $0x1B8B  }
0xa4: {  	_ =	swait.ge [sflag:s23], $0x1  }
0xa5: {  	[sflag:s23] =	ssyncset.done $0x0  }
0xa6: {  	s25 =	simm.s32 $0x1B8E;
	s24 =	sld [smem:$0x3FFE];
	[sflag:s23] =	ssyncadd.s32 $0xFFFFFFFF  }
0xa7: {  	s26 =	simm.s32 $execute0_lowered;
	[smem:$0x3FD2] =	sst s25  }
0xa8: {  	s7 =	sshll.u32 s26, $0x1;
	_ =	strace $0x80000046;
	[dreg:$0x1] =	wrdreg $0xFFFFFFFF  }
0xa9: {  	s28 =	simm.s32 $_size_execute0_lowered;
	s5 =	sadd.s32 s5, s7;
	[dreg:$0x0] =	wrdreg $0x0  }
0xaa: {  	s7 =	sshll.u32 s28, $0x1;
	[dreg:$0x2] =	wrdreg s5  }
0xab: {  	[dreg:$0x3] =	wrdreg s7  }
0xac: {  	[dreg:$0x4] =	wrdreg $0xC0  }
0xad: {  	_ =	task [dreg:s9], $0x5FFFF  }
0xae: {  	[dreg:$0x1] =	wrdreg $0xFFFFFFFF  }
0xaf: {  	[dreg:$0x0] =	wrdreg $0x60  }
0xb0: {  	[dreg:$0x2] =	wrdreg s2  }
0xb1: {  	[dreg:$0x3] =	wrdreg s18  }
0xb2: {  	[dreg:$0x4] =	wrdreg s4  }
0xb3: {  	[dreg:$0x5] =	wrdreg s24  }
0xb4: {  	[dreg:$0x6] =	wrdreg $0x9  }
0xb5: {  	_ =	task.clear_ibuf [dreg:s9], $0x7FFFF;
	_ =	strace $0x90000046  }
0xb6: {  	s29 =	simm.s32 $0x9;
	_ =	strace $0x80000048  }
0xb7: {  	_ =	swait.ge [sflag:s29], $0x1  }
0xb8: {  	[sflag:s29] =	ssyncadd.s32 $0xFFFFFFFF  }
0xb9: {  	_ =	strace $0x90000048  }
0xba: {  	_ =	sfence  }
0xbb: {  	s30 =	sld [smem:$0x0];
	_ =	sdelay $0x2  }
0xbc: {  	s31 =	sshll.u32 s1, $0xD;
	s1 =	sshrl.u32 s1, $0x2  }
0xbd: {  	s3 =	sand.u32 $0x4000, s31;
	s1 =	sadd.s32 s1, s30  }
0xbe: {  	s0 =	sor.u32 s3, s0;
	s1 =	sshll.u32 s1, $0x11  }
0xbf: {  	s0 =	sor.u32 s1, s0  }
0xc0: {  	s0 =	sadd.s32 $0x8F2B, s0  }
0xc1: {  	[sflag:s0] =	ssyncadd.remote.s32 $0x1  }
0xc2: {  	_ =	sfence.sel $0xFFFF  }
0xc3: {  	[dreg:$0x0] =	wrdreg $0xFFFFFFFF;
	(pc) =	sbr.abs _section_cstart, $3  }
0xc4: {  	[dreg:$0x1] =	wrdreg $0xFFFFFFFF  }
0xc5: {  	_ =	task.clear_ibuf [dreg:s9], $0x2FFFF;
	_ =	strace $0x9FFFFFFF  }
0xc6: {  	(tm) =	ssettm $0x7FFFFFFF  }
0xc7: {  	_ =	shalt  }
tec
execute0_lowered:
.L_overlay_start_1:
0x0: {  	(tag) =	ssettag $0x1  }
0x1: {  	s1 =	rddreg [dreg:$0x0]  }
0x2: {  	s2 =	rddreg [dreg:$0x1]  }
0x3: {  	s10 =	rddreg [dreg:$0x2]  }
0x4: {  	s3 =	srdreg.scid;
	s0 =	stileid.u32  }
0x5: {  	s5 =	rddreg [dreg:$0x3];
	s4 =	simm.s32 $0x0;
	s14 =	simm.s32 $0x100  }
0x6: {  	s15 =	simm.s32 $0x180;
	s16 =	simm.s32 $0x4F80;
	s17 =	simm.s32 $0x8F80  }
0x7: {  	s19 =	simm.s32 $0x10F80;
	s20 =	simm.s32 $0x200;
	s22 =	simm.s32 $0x1  }
0x8: {  	s6 =	sand.u32 $0x1, s3;
	s7 =	sshll.u32 s0, $0x1;
	s3 =	rddreg [dreg:$0x4]  }
0x9: {  	s23 =	simm.s32 $0x0;
	[smem:$0x7FF] =	sst s4;
	s9 =	sor.u32 s6, s7  }
0xa: {  	_ =	strace $0x80000047;
	s6 =	ssub.s32 $0x2, s6;
	s7 =	smul.u32 $0x1B0, s9  }
0xb: {  	s30 =	sshll.u32 s9, $0x6;
	s31 =	sshrl.u32 s6, $0x1;
	s13 =	sshll.u32 s9, $0xD  }
0xc: {  	s18 =	smul.u32 $0xC38, s9;
	s12 =	ssub.s32 s6, s31;
	s10 =	sadd.s32 s10, s13  }
0xd: {  	s13 =	simm.s32 $0x80;
	s11 =	sadd.s32 s7, s5;
	s5 =	sadd.s32 s1, s30  }
0xe: {  	s21 =	sadd.s32 $0xC38, s18;
	v0 =	vmov s18;
	s18 =	simm.s32 $0xCF80;
	s6 =	sadd.s32 $0x10, s5  }
0xf: {  	s7 =	sadd.s32 $0x20, s5;
	s8 =	sadd.s32 $0x30, s5;
	s9 =	sadd.s32 $0x1800, s11  }
0x10: {  	v2 =	vimm.s32 $0xFFFFFFFF;
	v3 =	vlaneseq.u32;
	s11 =	smax.u32 s12, $0x1;
	s12 =	simm.s32 $0x2;
	v1 =	vmov s21;
	s21 =	simm.s32 $0x4200  }
.LBB2_1:
0x11: {  	[tilespmem:s4], [sflag:$0x2] =	stream.linear.gather [hbm4b:s5+s4], $0x80, $0x38;
	[tilespmem:$0x14F80] =	vst v63  }
0x12: {  	_ =	swait.ge [sflag:s12], $0x80  }
0x13: {  	[sflag:s12] =	ssyncset.done $0x0  }
0x14: {  	[sflag:s12] =	ssyncadd.s32 $0xFFFFFF80  }
0x15: {  	[tilespmem:s13], [sflag:$0x2] =	stream.linear.gather [hbm4b:s6+s4], $0x80, $0x38;
	[tilespmem:$0x14F80] =	vst v63  }
0x16: {  	_ =	swait.ge [sflag:s12], $0x80  }
0x17: {  	[sflag:s12] =	ssyncset.done $0x0  }
0x18: {  	[sflag:s12] =	ssyncadd.s32 $0xFFFFFF80  }
0x19: {  	[tilespmem:s14], [sflag:$0x2] =	stream.linear.gather [hbm4b:s7+s4], $0x80, $0x38;
	[tilespmem:$0x14F80] =	vst v63  }
0x1a: {  	_ =	swait.ge [sflag:s12], $0x80  }
0x1b: {  	[sflag:s12] =	ssyncset.done $0x0  }
0x1c: {  	[sflag:s12] =	ssyncadd.s32 $0xFFFFFF80  }
0x1d: {  	[tilespmem:s15], [sflag:$0x2] =	stream.linear.gather [hbm4b:s8+s4], $0x80, $0x38;
	[tilespmem:$0x14F80] =	vst v63  }
0x1e: {  	_ =	swait.ge [sflag:s12], $0x80  }
0x1f: {  	[sflag:s12] =	ssyncset.done $0x0  }
0x20: {  	[sflag:s12] =	ssyncadd.s32 $0xFFFFFF80  }
0x21: {  	[tilespmem:s16], [sflag:$0x1] =	stream.indirect.gather [hbm4b:s2+s13], $0x80, s4, s13, $0xb8;
	[tilespmem:$0x14F80] =	vst v63  }
0x22: {  	_ = 	snop  }
0x23: {  	[tilespmem:s17], [sflag:$0x1] =	stream.indirect.gather [hbm4b:s2+s13], $0x80, s13, s13, $0xb8;
	[tilespmem:$0x14F80] =	vst v63  }
0x24: {  	_ = 	snop  }
0x25: {  	[tilespmem:s18], [sflag:$0x1] =	stream.indirect.gather [hbm4b:s2+s13], $0x80, s14, s13, $0xb8;
	[tilespmem:$0x14F80] =	vst v63  }
0x26: {  	_ = 	snop  }
0x27: {  	[tilespmem:s19], [sflag:$0x1] =	stream.indirect.gather [hbm4b:s2+s13], $0x80, s15, s13, $0xb8;
	[tilespmem:$0x14F80] =	vst v63  }
0x28: {  	_ = 	snop  }
0x29: {  	[tilespmem:s20], [sflag:$0x2] =	stream.linear.gather [hbm4b:s1+s4], $0x4000, $0x38;
	[tilespmem:$0x14F80] =	vst v63  }
0x2a: {  	_ =	swait.ge [sflag:s12], $0x4000  }
0x2b: {  	[sflag:s12] =	ssyncset.done $0x0  }
0x2c: {  	s28 =	simm.s32 $0x4240;
	[sflag:s12] =	ssyncadd.s32 $0xFFFFC000  }
0x2d: {  	[tilespmem:s28+$0xFFFFFFC0] =	vst v2  }
0x2e: {  	[tilespmem:s28+$0x30] =	vst v2  }
0x2f: {  	[tilespmem:s28+$0x20] =	vst v2  }
0x30: {  	[tilespmem:s28+$0x10] =	vst v2  }
0x31: {  	[tilespmem:s28+$0x0] =	vst v2  }
0x32: {  	[tilespmem:s28+$0xFFFFFFF0] =	vst v2  }
0x33: {  	s24 =	simm.s32 $0xFFFFFFF8;
	s29 =	simm.s32 $0x0;
	s25 =	simm.s32 $0x240;
	[tilespmem:s28+$0xFFFFFFE0] =	vst v2  }
.LBB2_2:
0x34: {  	s29 =	sadd.s32 $0x8, s29;
	[tilespmem:s28+$0xFFFFFFD0] =	vst v2;
	s28 =	sadd.s32 $0x80, s28;
	s26 =	simm.s32 $0x70  }
0x35: {  	[tilespmem:s28+$0xFFFFFFC0] =	vst v2;
	p0 =	slt.u32 s29, $0xD0  }
0x36: {  	[tilespmem:s28+$0x30] =	vst v2  }
.Ltmp0:
0x37: {  	[tilespmem:s28+$0x20] =	vst v2;
	(pc) =	sbr.rel @p0 .LBB2_2-.Ltmp0, $4  }
0x38: {  	[tilespmem:s28+$0x10] =	vst v2  }
0x39: {  	[tilespmem:s28+$0x0] =	vst v2  }
0x3a: {  	[tilespmem:s28+$0xFFFFFFF0] =	vst v2  }
0x3b: {  	[tilespmem:s28+$0xFFFFFFE0] =	vst v2  }
0x3c: {  	[tilespmem:s28+$0xFFFFFFD0] =	vst v2  }
.LBB2_4:
0x3d: {  	v4 =	vld [tilespmem:s25+$0xFFFFFFC0];
	_ =	sdelay $0x4  }
0x3e: {  	(xrf1) =	vunique.msk.u32 $0xffff, v4;
	_ =	sdelay $0xc  }
0x3f: {  	vm0 =	vge.s32 v4, v0;
	vm1 =	vlt.s32 v4, v1  }
0x40: {  	vm0 =	vmand vm0, vm1;
	_, v5, vm2 =	vpop (xrf1)  }
0x41: {  	vm0 =	vmand vm2, vm0  }
0x42: {  	v4 =	vsub.s32 v4, v0;
	_ =	sdelay $0x2  }
0x43: {  	s28 =	sadd.s32 $0xFFFFFF90, s26  }
0x44: {  	v5 =	vor.u32 s28, v3  }
0x45: {  	[tilespmem:v4+s21+$0x0] =	vst.idx.msk vm0, v5  }
0x46: {  	v4 =	vld [tilespmem:s25+$0xFFFFFFD0];
	_ =	sdelay $0x4  }
0x47: {  	(xrf1) =	vunique.msk.u32 $0xffff, v4;
	_ =	sdelay $0xc  }
0x48: {  	vm7 =	vge.s32 v4, v0;
	vm8 =	vlt.s32 v4, v1  }
0x49: {  	vm0 =	vmand vm7, vm8;
	_, v5, vm9 =	vpop (xrf1)  }
0x4a: {  	vm0 =	vmand vm9, vm0  }
0x4b: {  	v4 =	vsub.s32 v4, v0;
	_ =	sdelay $0x2  }
0x4c: {  	s29 =	sadd.s32 $0xFFFFFFA0, s26  }
0x4d: {  	v5 =	vor.u32 s29, v3  }
0x4e: {  	[tilespmem:v4+s21+$0x0] =	vst.idx.msk vm0, v5  }
0x4f: {  	v4 =	vld [tilespmem:s25+$0xFFFFFFE0];
	_ =	sdelay $0x4  }
0x50: {  	(xrf1) =	vunique.msk.u32 $0xffff, v4;
	_ =	sdelay $0xc  }
0x51: {  	vm10 =	vge.s32 v4, v0;
	vm11 =	vlt.s32 v4, v1  }
0x52: {  	vm0 =	vmand vm10, vm11;
	_, v5, vm12 =	vpop (xrf1)  }
0x53: {  	vm0 =	vmand vm12, vm0  }
0x54: {  	v4 =	vsub.s32 v4, v0;
	_ =	sdelay $0x2  }
0x55: {  	s30 =	sadd.s32 $0xFFFFFFB0, s26  }
0x56: {  	v5 =	vor.u32 s30, v3  }
0x57: {  	[tilespmem:v4+s21+$0x0] =	vst.idx.msk vm0, v5  }
0x58: {  	v4 =	vld [tilespmem:s25+$0xFFFFFFF0];
	_ =	sdelay $0x4  }
0x59: {  	(xrf1) =	vunique.msk.u32 $0xffff, v4;
	_ =	sdelay $0xc  }
0x5a: {  	vm13 =	vge.s32 v4, v0;
	vm14 =	vlt.s32 v4, v1  }
0x5b: {  	vm0 =	vmand vm13, vm14;
	_, v5, vm15 =	vpop (xrf1)  }
0x5c: {  	vm0 =	vmand vm15, vm0  }
0x5d: {  	v4 =	vsub.s32 v4, v0;
	_ =	sdelay $0x2  }
0x5e: {  	s31 =	sadd.s32 $0xFFFFFFC0, s26  }
0x5f: {  	v5 =	vor.u32 s31, v3  }
0x60: {  	[tilespmem:v4+s21+$0x0] =	vst.idx.msk vm0, v5  }
0x61: {  	v4 =	vld [tilespmem:s25+$0x0];
	_ =	sdelay $0x4  }
0x62: {  	(xrf1) =	vunique.msk.u32 $0xffff, v4;
	_ =	sdelay $0xc  }
0x63: {  	vm4 =	vge.s32 v4, v0;
	vm5 =	vlt.s32 v4, v1  }
0x64: {  	vm0 =	vmand vm4, vm5;
	_, v5, vm6 =	vpop (xrf1)  }
0x65: {  	vm0 =	vmand vm6, vm0  }
0x66: {  	v4 =	vsub.s32 v4, v0;
	_ =	sdelay $0x2  }
0x67: {  	s29 =	sadd.s32 $0xFFFFFFD0, s26  }
0x68: {  	v5 =	vor.u32 s29, v3  }
0x69: {  	[tilespmem:v4+s21+$0x0] =	vst.idx.msk vm0, v5  }
0x6a: {  	v4 =	vld [tilespmem:s25+$0x10];
	_ =	sdelay $0x4  }
0x6b: {  	(xrf1) =	vunique.msk.u32 $0xffff, v4;
	_ =	sdelay $0xc  }
0x6c: {  	vm7 =	vge.s32 v4, v0;
	vm8 =	vlt.s32 v4, v1  }
0x6d: {  	vm0 =	vmand vm7, vm8;
	_, v5, vm9 =	vpop (xrf1)  }
0x6e: {  	vm0 =	vmand vm9, vm0  }
0x6f: {  	v4 =	vsub.s32 v4, v0;
	_ =	sdelay $0x2  }
0x70: {  	s30 =	sadd.s32 $0xFFFFFFE0, s26  }
0x71: {  	v5 =	vor.u32 s30, v3  }
0x72: {  	[tilespmem:v4+s21+$0x0] =	vst.idx.msk vm0, v5  }
0x73: {  	v4 =	vld [tilespmem:s25+$0x20];
	_ =	sdelay $0x4  }
0x74: {  	(xrf1) =	vunique.msk.u32 $0xffff, v4;
	_ =	sdelay $0xc  }
0x75: {  	vm10 =	vge.s32 v4, v0;
	vm11 =	vlt.s32 v4, v1  }
0x76: {  	vm0 =	vmand vm10, vm11;
	_, v5, vm12 =	vpop (xrf1)  }
0x77: {  	vm0 =	vmand vm12, vm0  }
0x78: {  	v4 =	vsub.s32 v4, v0;
	_ =	sdelay $0x2  }
0x79: {  	s31 =	sadd.s32 $0xFFFFFFF0, s26  }
0x7a: {  	v5 =	vor.u32 s31, v3  }
0x7b: {  	[tilespmem:v4+s21+$0x0] =	vst.idx.msk vm0, v5  }
0x7c: {  	v4 =	vld [tilespmem:s25+$0x30];
	_ =	sdelay $0x4  }
0x7d: {  	(xrf1) =	vunique.msk.u32 $0xffff, v4;
	_ =	sdelay $0xc  }
0x7e: {  	vm13 =	vge.s32 v4, v0;
	vm14 =	vlt.s32 v4, v1  }
0x7f: {  	vm0 =	vmand vm13, vm14;
	_, v5, vm15 =	vpop (xrf1)  }
0x80: {  	s24 =	sadd.s32 $0x8, s24;
	vm0 =	vmand vm15, vm0  }
0x81: {  	p0 =	slt.u32 s24, $0x3F8;
	v4 =	vsub.s32 v4, v0  }
.Ltmp1:
0x82: {  	_ = 	snop;
	(pc) =	sbr.rel @p0 .LBB2_4-.Ltmp1, $3  }
0x83: {  	_ =	sdelay $0x1  }
0x84: {  	v5 =	vor.u32 s26, v3  }
0x85: {  	s25 =	sadd.s32 $0x80, s25;
	s26 =	sadd.s32 $0x80, s26;
	[tilespmem:v4+s21+$0x0] =	vst.idx.msk vm0, v5  }
0x86: {  	[hbm4b:s9+s4] =	stream.linear.scatter [tilespmem:s21], [sflag:$0x2], $0xD80, $0x38;
	[tilespmem:$0x14F80] =	vst v63  }
0x87: {  	_ =	swait.ge [sflag:s12], $0xD80  }
0x88: {  	[sflag:s12] =	ssyncset.done $0x0  }
0x89: {  	[sflag:s12] =	ssyncadd.s32 $0xFFFFF280  }
0x8a: {  	_ =	swait.ge [sflag:s22], $0x4000  }
0x8b: {  	[sflag:s22] =	ssyncset.done $0x0  }
0x8c: {  	[sflag:s22] =	ssyncadd.s32 $0xFFFFC000  }
0x8d: {  	_ =	swait.ge [sflag:s22], $0x4000  }
0x8e: {  	[sflag:s22] =	ssyncset.done $0x0  }
0x8f: {  	[sflag:s22] =	ssyncadd.s32 $0xFFFFC000  }
0x90: {  	_ =	swait.ge [sflag:s22], $0x4000  }
0x91: {  	[sflag:s22] =	ssyncset.done $0x0  }
0x92: {  	[sflag:s22] =	ssyncadd.s32 $0xFFFFC000  }
0x93: {  	s23 =	sadd.s32 $0x1, s23;
	_ =	swait.ge [sflag:s22], $0x4000  }
0x94: {  	p0 =	sne.s32 s23, s11;
	[sflag:s22] =	ssyncset.done $0x0  }
.Ltmp2:
0x95: {  	[sflag:s22] =	ssyncadd.s32 $0xFFFFC000;
	(pc) =	sbr.rel @p0 .LBB2_1-.Ltmp2, $4  }
0x96: {  	[hbm4b:s10+s4] =	stream.linear.scatter [tilespmem:s16], [sflag:$0x2], $0x10000, $0x38;
	[tilespmem:$0x14F80] =	vst v63  }
0x97: {  	_ =	swait.ge [sflag:s12], $0x10000  }
0x98: {  	[sflag:s12] =	ssyncset.done $0x0  }
0x99: {  	[sflag:s12] =	ssyncadd.s32 $0xFFFF0000  }
0x9a: {  	_ =	sfence.sel $0x180000  }
0x9b: {  	[bflag:$0x0] =	sbarrier.arrive $0xFFFF  }
0x9c: {  	p0 =	sne.s32 s0, $0x0;
	_ =	strace $0x90000047  }
0x9d: {  	s0 =	sadd.s32 @!p0 $0x100000, s3;
	[bflag:$0x2] =	sbarrier.arrive $0xFFFF  }
0x9e: {  	[sflag:s0] =	ssyncadd.tile.s32 @!p0 $0x1;
	_ =	shalt  }
.Lfunc_end2:
_tile_overlayer_lowered:
.L_overlay_start_2:
0x9f: {  	(tag) =	ssettag $0x2  }
0xa0: {  	s0 =	rddreg [dreg:$0x0];
	s2 =	stileid.u32  }
0xa1: {  	s1 =	rddreg [dreg:$0x1];
	p0 =	sne.s32 s2, $0x0  }
0xa2: {  	s3 =	rddreg [dreg:$0x2];
	[bflag:$0x3] =	sbarrier.arrive $0xFFFF;
	s2 =	simm.s32 @!p0 $0x1C02  }
0xa3: {  	[timem:s3], [sflag:s2] =	dma.local @!p0 [hbm:s0], s1  }
0xa4: {  	s0 =	simm.s32 @!p0 $0x2  }
0xa5: {  	_ =	swait.ge @!p0 [sflag:s0], s1  }
0xa6: {  	s1 =	ssub.s32 @!p0 $0x0, s1;
	[sflag:s0] =	ssyncset.done @!p0 $0x0  }
0xa7: {  	[sflag:s0] =	ssyncadd.s32 @!p0 s1  }
0xa8: {  	[bflag:$0x3] =	sbarrier.arrive $0xFFFF  }
0xa9: {  	_ =	shalt  }

// kernel: kernel.8.cloned.1.call-start
scs
__scs_entry_jumppad:
0x0: {  	(pc) =	sbr.rel $0x88, $3  }
0x1: {  	(tag) =	ssettag $0x0;
	lr =	simm.s32 $0x1  }
0x2: {  	[smem:$0x3F9A] =	sst lr;
	_ =	strace $0xD0000000  }
0x3: {  	_ = 	snop  }
0x4: {  	_ = 	snop  }
0x5: {  	_ = 	snop  }
0x6: {  	_ = 	snop  }
0x7: {  	_ = 	snop  }
__scs_overlays_trampoline_lowered:
0x8: {  	[smem:$0x3FA9] =	sst s0  }
0x9: {  	[smem:$0x3FAA] =	sst s1  }
0xa: {  	[smem:$0x3FAB] =	sst s2  }
0xb: {  	[smem:$0x3FAC] =	sst s3  }
0xc: {  	[smem:$0x3FAD] =	sst s4  }
0xd: {  	[smem:$0x3FAE] =	sst s5  }
0xe: {  	[smem:$0x3FAF] =	sst s6  }
0xf: {  	[smem:$0x3FB0] =	sst s7  }
0x10: {  	[smem:$0x3FB1] =	sst s8  }
0x11: {  	[smem:$0x3FB2] =	sst s9;
	s0 =	simm.s32 @!p0 $0x0  }
0x12: {  	s1 =	sld [smem:$0x3F98];
	s0 =	simm.s32 @p0 $0x1  }
0x13: {  	[smem:$0x3FB3] =	sst s0;
	s0 =	simm.s32 @!p1 $0x0  }
0x14: {  	s2 =	sld [smem:$0x3F97];
	s0 =	simm.s32 @p1 $0x1  }
0x15: {  	[smem:$0x3FB4] =	sst s0;
	s0 =	simm.s32 @!p2 $0x0  }
0x16: {  	s3 =	sld [smem:$0x3FDB];
	s0 =	simm.s32 @p2 $0x1  }
0x17: {  	s4 =	simm.s32 $0x1BF5;
	[smem:$0x3FB6] =	sst s0  }
0x18: {  	s0 =	sld [smem:$0x3F99];
	_ =	swait.ge [sflag:s4], $0x0  }
0x19: {  	s7 =	sld [smem:$0x3F9A]  }
0x1a: {  	s8 =	sadd.s32 $0xFFFFE003, lr  }
0x1b: {  	s9 =	sadd.s32 $0xFFFFFEF7, lr;
	s5 =	simm.s32 $0xFFFFFFFF;
	p2 =	slt.u32 s8, $0xFFFFF086  }
0x1c: {  	p1 =	slt.u32 s9, $0xF7A;
	s5 =	simm.s32 @!p2 $0x0  }
0x1d: {  	s5 =	simm.s32 @p1 $0x1;
	p0 =	seq.s32 s7, s2  }
0x1e: {  	s7 =	smul.u32 @!p0 $0xF7A, s2;
	p2 =	seq.s32 @!p0 s5, $0x0  }
0x1f: {  	s9 =	smul.u32 $0xF7A, s1;
	s8 =	simm.s32 @!p0 $0x1BF5;
	p2 =	por !p2, p0  }
0x20: {  	[sflag:s8] =	ssyncset.s32 @!p0 $0xFFFFF086;
	s6 =	sadd.s32 @!p0 s3, s7;
	s7 =	simm.s32 @!p0 $0x108  }
0x21: {  	s3 =	sadd.s32 s3, s9;
	s6 =	sadd.s32 @!p0 $0x88, s6;
	s7 =	simm.s32 @p2 $0x1082  }
0x22: {  	[simem:s7], [sflag:s8] =	dma.local @!p0 [hbm:s6], $0xF7A  }
0x23: {  	s9 =	sor.u32 $0xD0000000, s2;
	s6 =	simm.s32 $0x108;
	_ =	swait.ge @!p0 [sflag:s8], $0x0  }
0x24: {  	s3 =	sadd.s32 $0x88, s3;
	s6 =	simm.s32 @!p1 $0x1082;
	[sflag:s4] =	ssyncset.s32 $0xFFFFF086  }
0x25: {  	[simem:s6], [sflag:s4] =	dma.local [hbm:s3], $0xF7A  }
0x26: {  	[smem:$0x3F9A] =	sst s1;
	(tag) =	ssettag s2;
	_ =	strace s9  }
0x27: {  	s1 =	sld [smem:$0x3FAA]  }
0x28: {  	s2 =	sld [smem:$0x3FAB]  }
0x29: {  	s4 =	sld [smem:$0x3FAD]  }
0x2a: {  	p0 =	seq.s32 s5, $0x0;
	s5 =	sld [smem:$0x3FAE]  }
0x2b: {  	s6 =	sld [smem:$0x3FAF]  }
0x2c: {  	s7 =	sld [smem:$0x3FB0]  }
0x2d: {  	s3 =	simm.s32 $0x108;
	s8 =	sld [smem:$0x3FB1]  }
0x2e: {  	s3 =	simm.s32 @!p0 $0x1082;
	s9 =	sld [smem:$0x3FB2]  }
0x2f: {  	lr =	sadd.s32 s0, s3;
	s0 =	sld [smem:$0x3FA9]  }
0x30: {  	s3 =	sld [smem:$0x3FAC]  }
0x31: {  	[smem:$0x3FB5] =	sst s10  }
0x32: {  	s10 =	sld [smem:$0x3FB3];
	_ =	sdelay $0x3  }
0x33: {  	p0 =	seq.s32 s10, $0x1;
	s10 =	sld [smem:$0x3FB5];
	_ =	sdelay $0x3  }
0x34: {  	[smem:$0x3FB5] =	sst s10  }
0x35: {  	s10 =	sld [smem:$0x3FB4];
	_ =	sdelay $0x3  }
0x36: {  	p1 =	seq.s32 s10, $0x1;
	s10 =	sld [smem:$0x3FB5];
	_ =	sdelay $0x3  }
0x37: {  	[smem:$0x3FB5] =	sst s10  }
0x38: {  	s10 =	sld [smem:$0x3FB6]  }
0x39: {  	_ = 	snop;
	(pc) =	sbr.ind lr, $3  }
0x3a: {  	_ = 	snop  }
0x3b: {  	_ = 	snop  }
0x3c: {  	p2 =	seq.s32 s10, $0x1;
	s10 =	sld [smem:$0x3FB5]  }
0x3d: {  	_ =	shalt  }
0x3e: {  	_ =	shalt  }
0x3f: {  	_ =	shalt  }
0x40: {  	_ =	shalt  }
0x41: {  	_ =	shalt  }
0x42: {  	_ =	shalt  }
0x43: {  	_ =	shalt  }
0x44: {  	_ =	shalt  }
0x45: {  	_ =	shalt  }
0x46: {  	_ =	shalt  }
0x47: {  	_ =	shalt  }
0x48: {  	_ =	shalt  }
0x49: {  	_ =	shalt  }
0x4a: {  	_ =	shalt  }
0x4b: {  	_ =	shalt  }
0x4c: {  	_ =	shalt  }
0x4d: {  	_ =	shalt  }
0x4e: {  	_ =	shalt  }
0x4f: {  	_ =	shalt  }
0x50: {  	_ =	shalt  }
0x51: {  	_ =	shalt  }
0x52: {  	_ =	shalt  }
0x53: {  	_ =	shalt  }
0x54: {  	_ =	shalt  }
0x55: {  	_ =	shalt  }
0x56: {  	_ =	shalt  }
0x57: {  	_ =	shalt  }
0x58: {  	_ =	shalt  }
0x59: {  	_ =	shalt  }
0x5a: {  	_ =	shalt  }
0x5b: {  	_ =	shalt  }
0x5c: {  	_ =	shalt  }
0x5d: {  	_ =	shalt  }
0x5e: {  	_ =	shalt  }
0x5f: {  	_ =	shalt  }
0x60: {  	_ =	shalt  }
0x61: {  	_ =	shalt  }
0x62: {  	_ =	shalt  }
0x63: {  	_ =	shalt  }
0x64: {  	_ =	shalt  }
0x65: {  	_ =	shalt  }
0x66: {  	_ =	shalt  }
0x67: {  	_ =	shalt  }
0x68: {  	_ =	shalt  }
0x69: {  	_ =	shalt  }
0x6a: {  	_ =	shalt  }
0x6b: {  	_ =	shalt  }
0x6c: {  	_ =	shalt  }
0x6d: {  	_ =	shalt  }
0x6e: {  	_ =	shalt  }
0x6f: {  	_ =	shalt  }
0x70: {  	_ =	shalt  }
0x71: {  	_ =	shalt  }
0x72: {  	_ =	shalt  }
0x73: {  	_ =	shalt  }
0x74: {  	_ =	shalt  }
0x75: {  	_ =	shalt  }
0x76: {  	_ =	shalt  }
0x77: {  	_ =	shalt  }
0x78: {  	_ =	shalt  }
0x79: {  	_ =	shalt  }
0x7a: {  	_ =	shalt  }
0x7b: {  	_ =	shalt  }
0x7c: {  	_ =	shalt  }
0x7d: {  	_ =	shalt  }
0x7e: {  	_ =	shalt  }
0x7f: {  	_ =	shalt  }
0x80: {  	_ =	shalt  }
0x81: {  	_ =	shalt  }
0x82: {  	_ =	shalt  }
0x83: {  	_ =	shalt  }
0x84: {  	_ =	shalt  }
0x85: {  	_ =	shalt  }
0x86: {  	_ =	shalt  }
0x87: {  	_ =	shalt  }
.Lfunc_end0:
.L_simem_size_0:
called_computation.1_lowered:
.L_overlay_start_0:
0x88: {  	s2 =	sld [smem:$0x3FD9]  }
0x89: {  	s3 =	sld [smem:$0x3FFE];
	_ =	sdelay $0x1  }
0x8a: {  	s1 =	srdreg.scid  }
0x8b: {  	s0 =	sand.u32 $0x1, s1  }
0x8c: {  	s17 =	sshll.u32 s0, $0xA;
	s2 =	sadd.s32 s3, s2  }
0x8d: {  	s2 =	sadd.s32 s2, s17  }
0x8e: {  	[smem:$0x3FC1] =	sst s2  }
0x8f: {  	_ = 	snop  }
0x90: {  	s2 =	sld [smem:$0x3FC7]  }
0x91: {  	s18 =	sld [smem:$0x3FD0];
	(tm) =	ssettm $0x1  }
0x92: {  	s4 =	sld [smem:$0x3FFB];
	_ =	sdelay $0x3  }
0x93: {  	_ =	strace s4  }
0x94: {  	s4 =	sld [smem:$0x3FFC];
	_ =	sdelay $0x3  }
0x95: {  	_ =	strace s4  }
0x96: {  	s4 =	sld [smem:$0x3FFD];
	_ =	sdelay $0x3  }
0x97: {  	_ =	strace s4  }
0x98: {  	_ =	strace $0x8FFFFFFF  }
0x99: {  	s19 =	sld [smem:$0x3FDB];
	_ =	sdelay $0x1  }
0x9a: {  	s5 =	simm.s32 $_scs_section_size  }
0x9b: {  	s6 =	simm.s32 $_size__tile_overlayer_lowered;
	s7 =	simm.s32 $_tile_overlayer_lowered  }
0x9c: {  	s22 =	simm.s32 $0x1BFF;
	s21 =	sshll.u32 s7, $0x1;
	s4 =	sadd.s32 s5, s19  }
0x9d: {  	s8 =	simm.s32 $0x0;
	s20 =	sshll.u32 s6, $0x1;
	s6 =	sadd.s32 s21, s4  }
0x9e: {  	[timem:s8], [sflag:s22] =	dma.local [hbm:s6], s20  }
0x9f: {  	_ =	swait.ge [sflag:s22], s20  }
0xa0: {  	s5 =	ssub.s32 $0x0, s20;
	[sflag:s22] =	ssyncset.done $0x0  }
0xa1: {  	[sflag:s22] =	ssyncadd.s32 s5;
	_ =	sdelay $0x1  }
0xa2: {  	s23 =	simm.s32 $0x1B8B  }
0xa3: {  	_ =	swait.ge [sflag:s23], $0x1  }
0xa4: {  	[sflag:s23] =	ssyncset.done $0x0  }
0xa5: {  	s25 =	simm.s32 $0x1B8E;
	s24 =	sld [smem:$0x3FFE];
	[sflag:s23] =	ssyncadd.s32 $0xFFFFFFFF  }
0xa6: {  	s26 =	simm.s32 $execute0_lowered;
	[smem:$0x3FD2] =	sst s25  }
0xa7: {  	s6 =	sshll.u32 s26, $0x1;
	_ =	strace $0x80000049;
	[dreg:$0x1] =	wrdreg $0xFFFFFFFF  }
0xa8: {  	s28 =	simm.s32 $_size_execute0_lowered;
	s4 =	sadd.s32 s4, s6;
	[dreg:$0x0] =	wrdreg $0x0  }
0xa9: {  	s6 =	sshll.u32 s28, $0x1;
	[dreg:$0x2] =	wrdreg s4  }
0xaa: {  	[dreg:$0x3] =	wrdreg s6  }
0xab: {  	[dreg:$0x4] =	wrdreg $0xC0  }
0xac: {  	_ =	task [dreg:s8], $0x5FFFF  }
0xad: {  	[dreg:$0x1] =	wrdreg $0xFFFFFFFF  }
0xae: {  	[dreg:$0x0] =	wrdreg $0x60  }
0xaf: {  	[dreg:$0x2] =	wrdreg s2  }
0xb0: {  	[dreg:$0x3] =	wrdreg s24  }
0xb1: {  	[dreg:$0x4] =	wrdreg s18  }
0xb2: {  	[dreg:$0x5] =	wrdreg $0x9  }
0xb3: {  	_ =	task.clear_ibuf [dreg:s8], $0x6FFFF;
	_ =	strace $0x90000049  }
0xb4: {  	s29 =	simm.s32 $0x9;
	_ =	strace $0x8000004B  }
0xb5: {  	_ =	swait.ge [sflag:s29], $0x1  }
0xb6: {  	[sflag:s29] =	ssyncadd.s32 $0xFFFFFFFF  }
0xb7: {  	_ =	strace $0x9000004B  }
0xb8: {  	_ =	sfence  }
0xb9: {  	s30 =	sld [smem:$0x0];
	_ =	sdelay $0x2  }
0xba: {  	s31 =	sshll.u32 s1, $0xD;
	s1 =	sshrl.u32 s1, $0x2  }
0xbb: {  	s3 =	sand.u32 $0x4000, s31;
	s1 =	sadd.s32 s1, s30  }
0xbc: {  	s0 =	sor.u32 s3, s0;
	s1 =	sshll.u32 s1, $0x11  }
0xbd: {  	s0 =	sor.u32 s1, s0  }
0xbe: {  	s0 =	sadd.s32 $0x8F2B, s0  }
0xbf: {  	[sflag:s0] =	ssyncadd.remote.s32 $0x1  }
0xc0: {  	_ =	sfence.sel $0xFFFF  }
0xc1: {  	[dreg:$0x0] =	wrdreg $0xFFFFFFFF;
	(pc) =	sbr.abs _section_cstart, $3  }
0xc2: {  	[dreg:$0x1] =	wrdreg $0xFFFFFFFF  }
0xc3: {  	_ =	task.clear_ibuf [dreg:s8], $0x2FFFF;
	_ =	strace $0x9FFFFFFF  }
0xc4: {  	(tm) =	ssettm $0x7FFFFFFF  }
0xc5: {  	_ =	shalt  }
tec
execute0_lowered:
.L_overlay_start_1:
0x0: {  	(tag) =	ssettag $0x1  }
0x1: {  	s1 =	srdreg.scid;
	s2 =	stileid.u32  }
0x2: {  	s0 =	rddreg [dreg:$0x0];
	s1 =	sand.u32 $0x1, s1;
	s2 =	sshll.u32 s2, $0x1  }
0x3: {  	s3 =	rddreg [dreg:$0x1];
	s6 =	sor.u32 s1, s2  }
0x4: {  	s5 =	rddreg [dreg:$0x2];
	s2 =	simm.s32 $0x0;
	s7 =	smul.u32 $0x61C00, s6  }
0x5: {  	s1 =	ssub.s32 $0x2, s1;
	[smem:$0x7FF] =	sst s2;
	s9 =	smul.u32 $0xC380, s6  }
0x6: {  	s13 =	sadd.s32 $0x17AC80, s0;
	s8 =	sshrl.u32 s1, $0x1;
	_ =	strace $0x8000004A  }
0x7: {  	[dreg:$0x16] =	wrdreg s13;
	s7 =	sshrl.u32 s7, $0x3;
	s10 =	sadd.s32 s0, s9  }
0x8: {  	s9 =	sadd.s32 s5, s9;
	s14 =	sadd.s32 $0x1800, s7;
	[dreg:$0x4] =	wrdreg s10  }
0x9: {  	[dreg:$0x6] =	wrdreg s9;
	s16 =	sadd.s32 $0x3000, s7;
	s15 =	sadd.s32 s0, s14  }
0xa: {  	s1 =	ssub.s32 s1, s8;
	s11 =	sadd.s32 s0, s16;
	[dreg:$0x5] =	wrdreg s15  }
0xb: {  	s17 =	sadd.s32 $0x4800, s7;
	s8 =	sadd.s32 s5, s14;
	[dreg:$0x7] =	wrdreg s11  }
0xc: {  	s18 =	sadd.s32 s0, s17;
	[dreg:$0x8] =	wrdreg s8  }
0xd: {  	s20 =	sadd.s32 $0x6000, s7;
	s19 =	sadd.s32 s5, s16;
	[dreg:$0x9] =	wrdreg s18  }
0xe: {  	s28 =	simm.s32 $0x4;
	s22 =	sadd.s32 s0, s20;
	[dreg:$0xa] =	wrdreg s19  }
0xf: {  	s21 =	sadd.s32 $0x7800, s7;
	s10 =	sadd.s32 s5, s17;
	[dreg:$0xb] =	wrdreg s22  }
0x10: {  	s24 =	sadd.s32 $0x9000, s7;
	s23 =	sadd.s32 s0, s21;
	[dreg:$0xc] =	wrdreg s10  }
0x11: {  	s29 =	simm.s32 $0xA80;
	s26 =	sadd.s32 s0, s24;
	[dreg:$0xd] =	wrdreg s23  }
0x12: {  	s25 =	sadd.s32 $0xA800, s7;
	s9 =	sadd.s32 s5, s21;
	[dreg:$0xf] =	wrdreg s26  }
0x13: {  	s7 =	sadd.s32 $0xC000, s7;
	s31 =	sadd.s32 s0, s25;
	[dreg:$0x10] =	wrdreg s9  }
0x14: {  	s30 =	simm.s32 $0xB00;
	s12 =	sadd.s32 s5, s7;
	[dreg:$0x11] =	wrdreg s31  }
0x15: {  	s4 =	smul.u32 $0x1B0, s6;
	s14 =	sadd.s32 $0x17C480, s0;
	[dreg:$0x15] =	wrdreg s12  }
0x16: {  	p0 =	seq.s32 s6, $0x1F;
	s16 =	sadd.s32 $0x17DC80, s0;
	[dreg:$0x17] =	wrdreg s14  }
0x17: {  	s6 =	simm.s32 $0x680;
	s17 =	sadd.s32 $0x17C480, s5;
	[dreg:$0x19] =	wrdreg s16  }
0x18: {  	s13 =	simm.s32 $0xD80;
	s21 =	sadd.s32 $0x182480, s0;
	[dreg:$0x1a] =	wrdreg s17  }
0x19: {  	s4 =	sadd.s32 s4, s3;
	s8 =	sadd.s32 s5, s20;
	[dreg:$0x1e] =	wrdreg s21  }
0x1a: {  	s3 =	sadd.s32 $0x4E00, s3;
	s9 =	sadd.s32 s0, s7;
	[dreg:$0xe] =	wrdreg s8  }
0x1b: {  	s4 =	sadd.s32 $0x1800, s4;
	s11 =	sadd.s32 s5, s25;
	[dreg:$0x13] =	wrdreg s9  }
0x1c: {  	s15 =	sadd.s32 $0x17AC80, s5;
	s18 =	sadd.s32 $0x17DC80, s5;
	[dreg:$0x14] =	wrdreg s11  }
0x1d: {  	s19 =	sadd.s32 $0x17F480, s0;
	s20 =	sadd.s32 $0x17F480, s5;
	[dreg:$0x18] =	wrdreg s15  }
0x1e: {  	s22 =	sadd.s32 $0x180C80, s0;
	s23 =	sadd.s32 $0x180C80, s5;
	[dreg:$0x1b] =	wrdreg s18  }
0x1f: {  	s25 =	sadd.s32 $0x182480, s5;
	s26 =	sadd.s32 $0x183C80, s5;
	[dreg:$0x1c] =	wrdreg s19  }
0x20: {  	s31 =	sadd.s32 $0x185480, s5;
	s12 =	simm.s32 $0x5;
	[dreg:$0x1d] =	wrdreg s20  }
0x21: {  	s14 =	simm.s32 $0x1;
	s16 =	simm.s32 $0x4D80;
	[dreg:$0x1f] =	wrdreg s22  }
0x22: {  	s21 =	simm.s32 $0x2;
	s7 =	simm.s32 $0x780;
	[smem:$0x7F8] =	sst s23  }
0x23: {  	s10 =	simm.s32 $0x980;
	s17 =	simm.s32 $0xB80;
	[smem:$0x7FB] =	sst s25  }
0x24: {  	s8 =	sadd.s32 s5, s24;
	s24 =	sadd.s32 $0x185480, s0;
	[smem:$0x7FC] =	sst s26  }
0x25: {  	s0 =	sadd.s32 $0x183C80, s0;
	[smem:$0x7FD] =	sst s31;
	s11 =	smax.u32 s1, $0x1  }
0x26: {  	s15 =	simm.s32 $0x80;
	s18 =	simm.s32 $0x8D80;
	s19 =	simm.s32 $0xCD80  }
.Ltmp0:
0x27: {  	s20 =	simm.s32 $0x3;
	s26 =	simm.s32 $0x14D80;
	(pc) =	sbr.rel .LBB2_1-.Ltmp0, $4  }
0x28: {  	s1 =	simm.s32 $0x500;
	s5 =	simm.s32 $0x600;
	[dreg:$0x12] =	wrdreg s8  }
0x29: {  	s22 =	simm.s32 $0x700;
	s23 =	simm.s32 $0x800;
	[smem:$0x7F9] =	sst s24  }
0x2a: {  	s9 =	simm.s32 $0x900;
	s25 =	simm.s32 $0xA00;
	[smem:$0x7FA] =	sst s0  }
0x2b: {  	s24 =	simm.s32 $0x10D80;
	s0 =	simm.s32 $0x580;
	s8 =	simm.s32 $0x880  }
.LBB2_3:
0x2c: {  	s31 =	rddreg [dreg:$0x16]  }
0x2d: {  	[tilespmem:s13], [sflag:$0x1] =	stream.linear.gather [hbm4b:s31+s2], $0xC000, $0x38;
	[tilespmem:$0x18D80] =	vst v63  }
0x2e: {  	_ =	swait.ge [sflag:s14], $0xC000  }
0x2f: {  	[sflag:s14] =	ssyncset.done $0x0  }
0x30: {  	[sflag:s14] =	ssyncadd.s32 $0xFFFF4000;
	(ifvalue) =	ssetifvalue $0xFFFFFFFF  }
0x31: {  	(ifvalue) =	ssetifvalue $0xFFFFFFFF  }
0x32: {  	[tilespmem:s13], [sflag:$0x3] =	stream.indirect.gather [hbm4b:s3+s15], $0x80, s2, s15, $0x40b8;
	[tilespmem:$0x18D80] =	vst v63  }
0x33: {  	(ifvalue) =	ssetifvalue $0xFFFFFFFF  }
0x34: {  	(ifvalue) =	ssetifvalue $0xFFFFFFFF  }
0x35: {  	[tilespmem:s16], [sflag:$0x3] =	stream.indirect.gather [hbm4b:s3+s15], $0x80, s15, s15, $0x40b8;
	[tilespmem:$0x18D80] =	vst v63  }
0x36: {  	(ifvalue) =	ssetifvalue $0xFFFFFFFF  }
0x37: {  	s31 =	simm.s32 $0x100;
	(ifvalue) =	ssetifvalue $0xFFFFFFFF  }
0x38: {  	[tilespmem:s18], [sflag:$0x3] =	stream.indirect.gather [hbm4b:s3+s15], $0x80, s31, s15, $0x40b8;
	[tilespmem:$0x18D80] =	vst v63  }
0x39: {  	s31 =	rddreg [dreg:$0x17]  }
0x3a: {  	[tilespmem:s19], [sflag:$0x2] =	stream.linear.gather [hbm4b:s31+s2], $0xC000, $0x38;
	[tilespmem:$0x18D80] =	vst v63  }
0x3b: {  	_ =	swait.ge [sflag:s20], $0x4000  }
0x3c: {  	[sflag:s20] =	ssyncset.done $0x0  }
0x3d: {  	[sflag:s20] =	ssyncadd.s32 $0xFFFFC000  }
0x3e: {  	_ =	swait.ge [sflag:s20], $0x4000  }
0x3f: {  	[sflag:s20] =	ssyncset.done $0x0  }
0x40: {  	[sflag:s20] =	ssyncadd.s32 $0xFFFFC000  }
0x41: {  	_ =	swait.ge [sflag:s20], $0x4000  }
0x42: {  	[sflag:s20] =	ssyncset.done $0x0  }
0x43: {  	s31 =	rddreg [dreg:$0x18];
	[sflag:s20] =	ssyncadd.s32 $0xFFFFC000  }
0x44: {  	[hbm4b:s31+s2] =	stream.linear.scatter [tilespmem:s13], [sflag:$0x5], $0xC000, $0x38;
	[tilespmem:$0x18D80] =	vst v63  }
0x45: {  	_ =	swait.ge [sflag:s12], $0xC000  }
0x46: {  	[sflag:s12] =	ssyncset.done $0x0  }
0x47: {  	[sflag:s12] =	ssyncadd.s32 $0xFFFF4000  }
0x48: {  	_ =	swait.ge [sflag:s21], $0xC000  }
0x49: {  	[sflag:s21] =	ssyncset.done $0x0  }
0x4a: {  	[sflag:s21] =	ssyncadd.s32 $0xFFFF4000;
	(ifvalue) =	ssetifvalue $0xFFFFFFFF  }
0x4b: {  	s31 =	simm.s32 $0x180;
	(ifvalue) =	ssetifvalue $0xFFFFFFFF  }
0x4c: {  	[tilespmem:s19], [sflag:$0x4] =	stream.indirect.gather [hbm4b:s3+s15], $0x80, s31, s15, $0x40b8;
	[tilespmem:$0x18D80] =	vst v63  }
0x4d: {  	(ifvalue) =	ssetifvalue $0xFFFFFFFF  }
0x4e: {  	s31 =	simm.s32 $0x200;
	(ifvalue) =	ssetifvalue $0xFFFFFFFF  }
0x4f: {  	[tilespmem:s24], [sflag:$0x4] =	stream.indirect.gather [hbm4b:s3+s15], $0x80, s31, s15, $0x40b8;
	[tilespmem:$0x18D80] =	vst v63  }
0x50: {  	(ifvalue) =	ssetifvalue $0xFFFFFFFF  }
0x51: {  	s31 =	simm.s32 $0x280;
	(ifvalue) =	ssetifvalue $0xFFFFFFFF  }
0x52: {  	[tilespmem:s26], [sflag:$0x4] =	stream.indirect.gather [hbm4b:s3+s15], $0x80, s31, s15, $0x40b8;
	[tilespmem:$0x18D80] =	vst v63  }
0x53: {  	s31 =	rddreg [dreg:$0x19]  }
0x54: {  	[tilespmem:s13], [sflag:$0x1] =	stream.linear.gather [hbm4b:s31+s2], $0xC000, $0x38;
	[tilespmem:$0x18D80] =	vst v63  }
0x55: {  	_ =	swait.ge [sflag:s28], $0x4000  }
0x56: {  	[sflag:s28] =	ssyncset.done $0x0  }
0x57: {  	[sflag:s28] =	ssyncadd.s32 $0xFFFFC000  }
0x58: {  	_ =	swait.ge [sflag:s28], $0x4000  }
0x59: {  	[sflag:s28] =	ssyncset.done $0x0  }
0x5a: {  	[sflag:s28] =	ssyncadd.s32 $0xFFFFC000  }
0x5b: {  	_ =	swait.ge [sflag:s28], $0x4000  }
0x5c: {  	[sflag:s28] =	ssyncset.done $0x0  }
0x5d: {  	s31 =	rddreg [dreg:$0x1a];
	[sflag:s28] =	ssyncadd.s32 $0xFFFFC000  }
0x5e: {  	[hbm4b:s31+s2] =	stream.linear.scatter [tilespmem:s19], [sflag:$0x5], $0xC000, $0x38;
	[tilespmem:$0x18D80] =	vst v63  }
0x5f: {  	_ =	swait.ge [sflag:s12], $0xC000  }
0x60: {  	[sflag:s12] =	ssyncset.done $0x0  }
0x61: {  	[sflag:s12] =	ssyncadd.s32 $0xFFFF4000  }
0x62: {  	_ =	swait.ge [sflag:s14], $0xC000  }
0x63: {  	[sflag:s14] =	ssyncset.done $0x0  }
0x64: {  	[sflag:s14] =	ssyncadd.s32 $0xFFFF4000;
	(ifvalue) =	ssetifvalue $0xFFFFFFFF  }
0x65: {  	s31 =	simm.s32 $0x300;
	(ifvalue) =	ssetifvalue $0xFFFFFFFF  }
0x66: {  	[tilespmem:s13], [sflag:$0x3] =	stream.indirect.gather [hbm4b:s3+s15], $0x80, s31, s15, $0x40b8;
	[tilespmem:$0x18D80] =	vst v63  }
0x67: {  	(ifvalue) =	ssetifvalue $0xFFFFFFFF  }
0x68: {  	s31 =	simm.s32 $0x380;
	(ifvalue) =	ssetifvalue $0xFFFFFFFF  }
0x69: {  	[tilespmem:s16], [sflag:$0x3] =	stream.indirect.gather [hbm4b:s3+s15], $0x80, s31, s15, $0x40b8;
	[tilespmem:$0x18D80] =	vst v63  }
0x6a: {  	(ifvalue) =	ssetifvalue $0xFFFFFFFF  }
0x6b: {  	s31 =	simm.s32 $0x400;
	(ifvalue) =	ssetifvalue $0xFFFFFFFF  }
0x6c: {  	[tilespmem:s18], [sflag:$0x3] =	stream.indirect.gather [hbm4b:s3+s15], $0x80, s31, s15, $0x40b8;
	[tilespmem:$0x18D80] =	vst v63  }
0x6d: {  	s31 =	rddreg [dreg:$0x1c]  }
0x6e: {  	[tilespmem:s19], [sflag:$0x2] =	stream.linear.gather [hbm4b:s31+s2], $0xC000, $0x38;
	[tilespmem:$0x18D80] =	vst v63  }
0x6f: {  	_ =	swait.ge [sflag:s20], $0x4000  }
0x70: {  	[sflag:s20] =	ssyncset.done $0x0  }
0x71: {  	[sflag:s20] =	ssyncadd.s32 $0xFFFFC000  }
0x72: {  	_ =	swait.ge [sflag:s20], $0x4000  }
0x73: {  	[sflag:s20] =	ssyncset.done $0x0  }
0x74: {  	[sflag:s20] =	ssyncadd.s32 $0xFFFFC000  }
0x75: {  	_ =	swait.ge [sflag:s20], $0x4000  }
0x76: {  	[sflag:s20] =	ssyncset.done $0x0  }
0x77: {  	s31 =	rddreg [dreg:$0x1b];
	[sflag:s20] =	ssyncadd.s32 $0xFFFFC000  }
0x78: {  	[hbm4b:s31+s2] =	stream.linear.scatter [tilespmem:s13], [sflag:$0x5], $0xC000, $0x38;
	[tilespmem:$0x18D80] =	vst v63  }
0x79: {  	_ =	swait.ge [sflag:s12], $0xC000  }
0x7a: {  	[sflag:s12] =	ssyncset.done $0x0  }
0x7b: {  	[sflag:s12] =	ssyncadd.s32 $0xFFFF4000  }
0x7c: {  	_ =	swait.ge [sflag:s21], $0xC000  }
0x7d: {  	[sflag:s21] =	ssyncset.done $0x0  }
0x7e: {  	[sflag:s21] =	ssyncadd.s32 $0xFFFF4000;
	(ifvalue) =	ssetifvalue $0xFFFFFFFF  }
0x7f: {  	s31 =	simm.s32 $0x480;
	(ifvalue) =	ssetifvalue $0xFFFFFFFF  }
0x80: {  	[tilespmem:s19], [sflag:$0x4] =	stream.indirect.gather [hbm4b:s3+s15], $0x80, s31, s15, $0x40b8;
	[tilespmem:$0x18D80] =	vst v63  }
0x81: {  	(ifvalue) =	ssetifvalue $0xFFFFFFFF  }
0x82: {  	(ifvalue) =	ssetifvalue $0xFFFFFFFF  }
0x83: {  	[tilespmem:s24], [sflag:$0x4] =	stream.indirect.gather [hbm4b:s3+s15], $0x80, s1, s15, $0x40b8;
	[tilespmem:$0x18D80] =	vst v63  }
0x84: {  	(ifvalue) =	ssetifvalue $0xFFFFFFFF  }
0x85: {  	(ifvalue) =	ssetifvalue $0xFFFFFFFF  }
0x86: {  	[tilespmem:s26], [sflag:$0x4] =	stream.indirect.gather [hbm4b:s3+s15], $0x80, s0, s15, $0x40b8;
	[tilespmem:$0x18D80] =	vst v63  }
0x87: {  	s31 =	rddreg [dreg:$0x1f]  }
0x88: {  	[tilespmem:s13], [sflag:$0x1] =	stream.linear.gather [hbm4b:s31+s2], $0xC000, $0x38;
	[tilespmem:$0x18D80] =	vst v63  }
0x89: {  	_ =	swait.ge [sflag:s28], $0x4000  }
0x8a: {  	[sflag:s28] =	ssyncset.done $0x0  }
0x8b: {  	[sflag:s28] =	ssyncadd.s32 $0xFFFFC000  }
0x8c: {  	_ =	swait.ge [sflag:s28], $0x4000  }
0x8d: {  	[sflag:s28] =	ssyncset.done $0x0  }
0x8e: {  	[sflag:s28] =	ssyncadd.s32 $0xFFFFC000  }
0x8f: {  	_ =	swait.ge [sflag:s28], $0x4000  }
0x90: {  	[sflag:s28] =	ssyncset.done $0x0  }
0x91: {  	s31 =	rddreg [dreg:$0x1d];
	[sflag:s28] =	ssyncadd.s32 $0xFFFFC000  }
0x92: {  	[hbm4b:s31+s2] =	stream.linear.scatter [tilespmem:s19], [sflag:$0x5], $0xC000, $0x38;
	[tilespmem:$0x18D80] =	vst v63  }
0x93: {  	_ =	swait.ge [sflag:s12], $0xC000  }
0x94: {  	[sflag:s12] =	ssyncset.done $0x0  }
0x95: {  	[sflag:s12] =	ssyncadd.s32 $0xFFFF4000  }
0x96: {  	_ =	swait.ge [sflag:s14], $0xC000  }
0x97: {  	[sflag:s14] =	ssyncset.done $0x0  }
0x98: {  	[sflag:s14] =	ssyncadd.s32 $0xFFFF4000;
	(ifvalue) =	ssetifvalue $0xFFFFFFFF  }
0x99: {  	(ifvalue) =	ssetifvalue $0xFFFFFFFF  }
0x9a: {  	[tilespmem:s13], [sflag:$0x3] =	stream.indirect.gather [hbm4b:s3+s15], $0x80, s5, s15, $0x40b8;
	[tilespmem:$0x18D80] =	vst v63  }
0x9b: {  	(ifvalue) =	ssetifvalue $0xFFFFFFFF  }
0x9c: {  	(ifvalue) =	ssetifvalue $0xFFFFFFFF  }
0x9d: {  	[tilespmem:s16], [sflag:$0x3] =	stream.indirect.gather [hbm4b:s3+s15], $0x80, s6, s15, $0x40b8;
	[tilespmem:$0x18D80] =	vst v63  }
0x9e: {  	(ifvalue) =	ssetifvalue $0xFFFFFFFF  }
0x9f: {  	(ifvalue) =	ssetifvalue $0xFFFFFFFF  }
0xa0: {  	[tilespmem:s18], [sflag:$0x3] =	stream.indirect.gather [hbm4b:s3+s15], $0x80, s22, s15, $0x40b8;
	[tilespmem:$0x18D80] =	vst v63  }
0xa1: {  	s31 =	rddreg [dreg:$0x1e]  }
0xa2: {  	[tilespmem:s19], [sflag:$0x2] =	stream.linear.gather [hbm4b:s31+s2], $0xC000, $0x38;
	[tilespmem:$0x18D80] =	vst v63  }
0xa3: {  	_ =	swait.ge [sflag:s20], $0x4000  }
0xa4: {  	[sflag:s20] =	ssyncset.done $0x0  }
0xa5: {  	[sflag:s20] =	ssyncadd.s32 $0xFFFFC000  }
0xa6: {  	_ =	swait.ge [sflag:s20], $0x4000  }
0xa7: {  	[sflag:s20] =	ssyncset.done $0x0  }
0xa8: {  	[sflag:s20] =	ssyncadd.s32 $0xFFFFC000  }
0xa9: {  	_ =	swait.ge [sflag:s20], $0x4000  }
0xaa: {  	s31 =	sld [smem:$0x7F8]  }
0xab: {  	[sflag:s20] =	ssyncset.done $0x0  }
0xac: {  	[sflag:s20] =	ssyncadd.s32 $0xFFFFC000  }
0xad: {  	[hbm4b:s31+s2] =	stream.linear.scatter [tilespmem:s13], [sflag:$0x5], $0xC000, $0x38;
	[tilespmem:$0x18D80] =	vst v63  }
0xae: {  	_ =	swait.ge [sflag:s12], $0xC000  }
0xaf: {  	[sflag:s12] =	ssyncset.done $0x0  }
0xb0: {  	[sflag:s12] =	ssyncadd.s32 $0xFFFF4000  }
0xb1: {  	_ =	swait.ge [sflag:s21], $0xC000  }
0xb2: {  	[sflag:s21] =	ssyncset.done $0x0  }
0xb3: {  	[sflag:s21] =	ssyncadd.s32 $0xFFFF4000;
	(ifvalue) =	ssetifvalue $0xFFFFFFFF  }
0xb4: {  	(ifvalue) =	ssetifvalue $0xFFFFFFFF  }
0xb5: {  	[tilespmem:s19], [sflag:$0x4] =	stream.indirect.gather [hbm4b:s3+s15], $0x80, s7, s15, $0x40b8;
	[tilespmem:$0x18D80] =	vst v63  }
0xb6: {  	(ifvalue) =	ssetifvalue $0xFFFFFFFF  }
0xb7: {  	(ifvalue) =	ssetifvalue $0xFFFFFFFF  }
0xb8: {  	[tilespmem:s24], [sflag:$0x4] =	stream.indirect.gather [hbm4b:s3+s15], $0x80, s23, s15, $0x40b8;
	[tilespmem:$0x18D80] =	vst v63  }
0xb9: {  	(ifvalue) =	ssetifvalue $0xFFFFFFFF  }
0xba: {  	(ifvalue) =	ssetifvalue $0xFFFFFFFF;
	s31 =	sld [smem:$0x7FA]  }
0xbb: {  	[tilespmem:s26], [sflag:$0x4] =	stream.indirect.gather [hbm4b:s3+s15], $0x80, s8, s15, $0x40b8;
	[tilespmem:$0x18D80] =	vst v63  }
0xbc: {  	_ = 	snop  }
0xbd: {  	[tilespmem:s13], [sflag:$0x1] =	stream.linear.gather [hbm4b:s31+s2], $0xC000, $0x38;
	[tilespmem:$0x18D80] =	vst v63  }
0xbe: {  	_ =	swait.ge [sflag:s28], $0x4000  }
0xbf: {  	[sflag:s28] =	ssyncset.done $0x0  }
0xc0: {  	[sflag:s28] =	ssyncadd.s32 $0xFFFFC000  }
0xc1: {  	_ =	swait.ge [sflag:s28], $0x4000  }
0xc2: {  	[sflag:s28] =	ssyncset.done $0x0  }
0xc3: {  	[sflag:s28] =	ssyncadd.s32 $0xFFFFC000  }
0xc4: {  	_ =	swait.ge [sflag:s28], $0x4000  }
0xc5: {  	s31 =	sld [smem:$0x7FB]  }
0xc6: {  	[sflag:s28] =	ssyncset.done $0x0  }
0xc7: {  	[sflag:s28] =	ssyncadd.s32 $0xFFFFC000  }
0xc8: {  	[hbm4b:s31+s2] =	stream.linear.scatter [tilespmem:s19], [sflag:$0x5], $0xC000, $0x38;
	[tilespmem:$0x18D80] =	vst v63  }
0xc9: {  	_ =	swait.ge [sflag:s12], $0xC000  }
0xca: {  	[sflag:s12] =	ssyncset.done $0x0  }
0xcb: {  	[sflag:s12] =	ssyncadd.s32 $0xFFFF4000  }
0xcc: {  	_ =	swait.ge [sflag:s14], $0xC000  }
0xcd: {  	[sflag:s14] =	ssyncset.done $0x0  }
0xce: {  	[sflag:s14] =	ssyncadd.s32 $0xFFFF4000;
	(ifvalue) =	ssetifvalue $0xFFFFFFFF  }
0xcf: {  	(ifvalue) =	ssetifvalue $0xFFFFFFFF  }
0xd0: {  	[tilespmem:s13], [sflag:$0x3] =	stream.indirect.gather [hbm4b:s3+s15], $0x80, s9, s15, $0x40b8;
	[tilespmem:$0x18D80] =	vst v63  }
0xd1: {  	(ifvalue) =	ssetifvalue $0xFFFFFFFF  }
0xd2: {  	(ifvalue) =	ssetifvalue $0xFFFFFFFF  }
0xd3: {  	[tilespmem:s16], [sflag:$0x3] =	stream.indirect.gather [hbm4b:s3+s15], $0x80, s10, s15, $0x40b8;
	[tilespmem:$0x18D80] =	vst v63  }
0xd4: {  	(ifvalue) =	ssetifvalue $0xFFFFFFFF  }
0xd5: {  	(ifvalue) =	ssetifvalue $0xFFFFFFFF;
	s31 =	sld [smem:$0x7F9]  }
0xd6: {  	[tilespmem:s18], [sflag:$0x3] =	stream.indirect.gather [hbm4b:s3+s15], $0x80, s25, s15, $0x40b8;
	[tilespmem:$0x18D80] =	vst v63  }
0xd7: {  	_ = 	snop  }
0xd8: {  	[tilespmem:s19], [sflag:$0x2] =	stream.linear.gather [hbm4b:s31+s2], $0xAC00, $0x38;
	[tilespmem:$0x18D80] =	vst v63  }
0xd9: {  	_ =	swait.ge [sflag:s20], $0x4000  }
0xda: {  	[sflag:s20] =	ssyncset.done $0x0  }
0xdb: {  	[sflag:s20] =	ssyncadd.s32 $0xFFFFC000  }
0xdc: {  	_ =	swait.ge [sflag:s20], $0x4000  }
0xdd: {  	[sflag:s20] =	ssyncset.done $0x0  }
0xde: {  	[sflag:s20] =	ssyncadd.s32 $0xFFFFC000  }
0xdf: {  	_ =	swait.ge [sflag:s20], $0x4000  }
0xe0: {  	s31 =	sld [smem:$0x7FC]  }
0xe1: {  	[sflag:s20] =	ssyncset.done $0x0  }
0xe2: {  	[sflag:s20] =	ssyncadd.s32 $0xFFFFC000  }
0xe3: {  	[hbm4b:s31+s2] =	stream.linear.scatter [tilespmem:s13], [sflag:$0x5], $0xC000, $0x38;
	[tilespmem:$0x18D80] =	vst v63  }
0xe4: {  	_ =	swait.ge [sflag:s12], $0xC000  }
0xe5: {  	[sflag:s12] =	ssyncset.done $0x0  }
0xe6: {  	[sflag:s12] =	ssyncadd.s32 $0xFFFF4000  }
0xe7: {  	_ =	swait.ge [sflag:s21], $0xAC00  }
0xe8: {  	[sflag:s21] =	ssyncset.done $0x0  }
0xe9: {  	[sflag:s21] =	ssyncadd.s32 $0xFFFF5400;
	(ifvalue) =	ssetifvalue $0xFFFFFFFF  }
0xea: {  	(ifvalue) =	ssetifvalue $0xFFFFFFFF  }
0xeb: {  	[tilespmem:s19], [sflag:$0x4] =	stream.indirect.gather [hbm4b:s3+s15], $0x80, s29, s15, $0x40b8;
	[tilespmem:$0x18D80] =	vst v63  }
0xec: {  	(ifvalue) =	ssetifvalue $0xFFFFFFFF  }
0xed: {  	(ifvalue) =	ssetifvalue $0xFFFFFFFF  }
0xee: {  	[tilespmem:s24], [sflag:$0x4] =	stream.indirect.gather [hbm4b:s3+s15], $0x80, s30, s15, $0x40b8;
	[tilespmem:$0x18D80] =	vst v63  }
0xef: {  	(ifvalue) =	ssetifvalue $0xFFFFFFFF  }
0xf0: {  	s31 =	simm.s32 $0x58;
	(ifvalue) =	ssetifvalue $0xFFFFFFFF  }
0xf1: {  	[tilespmem:s26], [sflag:$0x4] =	stream.indirect.gather [hbm4b:s3+s31], $0x80, s17, s31, $0x40b8;
	[tilespmem:$0x18D80] =	vst v63  }
0xf2: {  	_ =	swait.ge [sflag:s28], $0x4000  }
0xf3: {  	[sflag:s28] =	ssyncset.done $0x0  }
0xf4: {  	[sflag:s28] =	ssyncadd.s32 $0xFFFFC000  }
0xf5: {  	_ =	swait.ge [sflag:s28], $0x4000  }
0xf6: {  	[sflag:s28] =	ssyncset.done $0x0  }
0xf7: {  	[sflag:s28] =	ssyncadd.s32 $0xFFFFC000  }
0xf8: {  	_ =	swait.ge [sflag:s28], $0x2C00  }
0xf9: {  	s31 =	sld [smem:$0x7FD]  }
0xfa: {  	[sflag:s28] =	ssyncset.done $0x0  }
0xfb: {  	[sflag:s28] =	ssyncadd.s32 $0xFFFFD400  }
0xfc: {  	[hbm4b:s31+s2] =	stream.linear.scatter [tilespmem:s19], [sflag:$0x5], $0xAC00, $0x38;
	[tilespmem:$0x18D80] =	vst v63  }
0xfd: {  	_ =	swait.ge [sflag:s12], $0xAC00  }
0xfe: {  	[sflag:s12] =	ssyncset.done $0x0  }
0xff: {  	[sflag:s12] =	ssyncadd.s32 $0xFFFF5400  }
.LBB2_4:
0x100: {  	s11 =	sadd.s32 $0xFFFFFFFF, s11  }
0x101: {  	p1 =	sne.s32 s11, $0x0  }
.Ltmp1:
0x102: {  	_ = 	snop;
	(pc) =	sbr.rel @!p1 .LBB2_5-.Ltmp1, $1  }
0x103: {  	_ =	sdelay $0x3  }
.LBB2_1:
.Ltmp2:
0x104: {  	(pc) =	sbr.rel @p0 .LBB2_3-.Ltmp2, $4  }
0x105: {  	[tilespmem:s2], [sflag:$0x5] =	stream.linear.gather [hbm4b:s4+s2], $0xD80, $0x38;
	[tilespmem:$0x18D80] =	vst v63  }
0x106: {  	_ =	swait.ge [sflag:s12], $0xD80  }
0x107: {  	[sflag:s12] =	ssyncset.done $0x0  }
0x108: {  	[sflag:s12] =	ssyncadd.s32 $0xFFFFF280  }
0x109: {  	s31 =	rddreg [dreg:$0x4]  }
0x10a: {  	[tilespmem:s13], [sflag:$0x1] =	stream.linear.gather [hbm4b:s31+s2], $0xC000, $0x38;
	[tilespmem:$0x18D80] =	vst v63  }
0x10b: {  	_ =	swait.ge [sflag:s14], $0xC000  }
0x10c: {  	[sflag:s14] =	ssyncset.done $0x0  }
0x10d: {  	[sflag:s14] =	ssyncadd.s32 $0xFFFF4000;
	(ifvalue) =	ssetifvalue $0xFFFFFFFF  }
0x10e: {  	(ifvalue) =	ssetifvalue $0xFFFFFFFF  }
0x10f: {  	[tilespmem:s13], [sflag:$0x3] =	stream.indirect.gather [hbm4b:s3+s15], $0x80, s2, s15, $0x40b8;
	[tilespmem:$0x18D80] =	vst v63  }
0x110: {  	(ifvalue) =	ssetifvalue $0xFFFFFFFF  }
0x111: {  	(ifvalue) =	ssetifvalue $0xFFFFFFFF  }
0x112: {  	[tilespmem:s16], [sflag:$0x3] =	stream.indirect.gather [hbm4b:s3+s15], $0x80, s15, s15, $0x40b8;
	[tilespmem:$0x18D80] =	vst v63  }
0x113: {  	(ifvalue) =	ssetifvalue $0xFFFFFFFF  }
0x114: {  	s31 =	simm.s32 $0x100;
	(ifvalue) =	ssetifvalue $0xFFFFFFFF  }
0x115: {  	[tilespmem:s18], [sflag:$0x3] =	stream.indirect.gather [hbm4b:s3+s15], $0x80, s31, s15, $0x40b8;
	[tilespmem:$0x18D80] =	vst v63  }
0x116: {  	s31 =	rddreg [dreg:$0x5]  }
0x117: {  	[tilespmem:s19], [sflag:$0x2] =	stream.linear.gather [hbm4b:s31+s2], $0xC000, $0x38;
	[tilespmem:$0x18D80] =	vst v63  }
0x118: {  	_ =	swait.ge [sflag:s20], $0x4000  }
0x119: {  	[sflag:s20] =	ssyncset.done $0x0  }
0x11a: {  	[sflag:s20] =	ssyncadd.s32 $0xFFFFC000  }
0x11b: {  	_ =	swait.ge [sflag:s20], $0x4000  }
0x11c: {  	[sflag:s20] =	ssyncset.done $0x0  }
0x11d: {  	[sflag:s20] =	ssyncadd.s32 $0xFFFFC000  }
0x11e: {  	_ =	swait.ge [sflag:s20], $0x4000  }
0x11f: {  	[sflag:s20] =	ssyncset.done $0x0  }
0x120: {  	s31 =	rddreg [dreg:$0x6];
	[sflag:s20] =	ssyncadd.s32 $0xFFFFC000  }
0x121: {  	[hbm4b:s31+s2] =	stream.linear.scatter [tilespmem:s13], [sflag:$0x5], $0xC000, $0x38;
	[tilespmem:$0x18D80] =	vst v63  }
0x122: {  	_ =	swait.ge [sflag:s12], $0xC000  }
0x123: {  	[sflag:s12] =	ssyncset.done $0x0  }
0x124: {  	[sflag:s12] =	ssyncadd.s32 $0xFFFF4000  }
0x125: {  	_ =	swait.ge [sflag:s21], $0xC000  }
0x126: {  	[sflag:s21] =	ssyncset.done $0x0  }
0x127: {  	[sflag:s21] =	ssyncadd.s32 $0xFFFF4000;
	(ifvalue) =	ssetifvalue $0xFFFFFFFF  }
0x128: {  	s31 =	simm.s32 $0x180;
	(ifvalue) =	ssetifvalue $0xFFFFFFFF  }
0x129: {  	[tilespmem:s19], [sflag:$0x4] =	stream.indirect.gather [hbm4b:s3+s15], $0x80, s31, s15, $0x40b8;
	[tilespmem:$0x18D80] =	vst v63  }
0x12a: {  	(ifvalue) =	ssetifvalue $0xFFFFFFFF  }
0x12b: {  	s31 =	simm.s32 $0x200;
	(ifvalue) =	ssetifvalue $0xFFFFFFFF  }
0x12c: {  	[tilespmem:s24], [sflag:$0x4] =	stream.indirect.gather [hbm4b:s3+s15], $0x80, s31, s15, $0x40b8;
	[tilespmem:$0x18D80] =	vst v63  }
0x12d: {  	(ifvalue) =	ssetifvalue $0xFFFFFFFF  }
0x12e: {  	s31 =	simm.s32 $0x280;
	(ifvalue) =	ssetifvalue $0xFFFFFFFF  }
0x12f: {  	[tilespmem:s26], [sflag:$0x4] =	stream.indirect.gather [hbm4b:s3+s15], $0x80, s31, s15, $0x40b8;
	[tilespmem:$0x18D80] =	vst v63  }
0x130: {  	s31 =	rddreg [dreg:$0x7]  }
0x131: {  	[tilespmem:s13], [sflag:$0x1] =	stream.linear.gather [hbm4b:s31+s2], $0xC000, $0x38;
	[tilespmem:$0x18D80] =	vst v63  }
0x132: {  	_ =	swait.ge [sflag:s28], $0x4000  }
0x133: {  	[sflag:s28] =	ssyncset.done $0x0  }
0x134: {  	[sflag:s28] =	ssyncadd.s32 $0xFFFFC000  }
0x135: {  	_ =	swait.ge [sflag:s28], $0x4000  }
0x136: {  	[sflag:s28] =	ssyncset.done $0x0  }
0x137: {  	[sflag:s28] =	ssyncadd.s32 $0xFFFFC000  }
0x138: {  	_ =	swait.ge [sflag:s28], $0x4000  }
0x139: {  	[sflag:s28] =	ssyncset.done $0x0  }
0x13a: {  	s31 =	rddreg [dreg:$0x8];
	[sflag:s28] =	ssyncadd.s32 $0xFFFFC000  }
0x13b: {  	[hbm4b:s31+s2] =	stream.linear.scatter [tilespmem:s19], [sflag:$0x5], $0xC000, $0x38;
	[tilespmem:$0x18D80] =	vst v63  }
0x13c: {  	_ =	swait.ge [sflag:s12], $0xC000  }
0x13d: {  	[sflag:s12] =	ssyncset.done $0x0  }
0x13e: {  	[sflag:s12] =	ssyncadd.s32 $0xFFFF4000  }
0x13f: {  	_ =	swait.ge [sflag:s14], $0xC000  }
0x140: {  	[sflag:s14] =	ssyncset.done $0x0  }
0x141: {  	[sflag:s14] =	ssyncadd.s32 $0xFFFF4000;
	(ifvalue) =	ssetifvalue $0xFFFFFFFF  }
0x142: {  	s31 =	simm.s32 $0x300;
	(ifvalue) =	ssetifvalue $0xFFFFFFFF  }
0x143: {  	[tilespmem:s13], [sflag:$0x3] =	stream.indirect.gather [hbm4b:s3+s15], $0x80, s31, s15, $0x40b8;
	[tilespmem:$0x18D80] =	vst v63  }
0x144: {  	(ifvalue) =	ssetifvalue $0xFFFFFFFF  }
0x145: {  	s31 =	simm.s32 $0x380;
	(ifvalue) =	ssetifvalue $0xFFFFFFFF  }
0x146: {  	[tilespmem:s16], [sflag:$0x3] =	stream.indirect.gather [hbm4b:s3+s15], $0x80, s31, s15, $0x40b8;
	[tilespmem:$0x18D80] =	vst v63  }
0x147: {  	(ifvalue) =	ssetifvalue $0xFFFFFFFF  }
0x148: {  	s31 =	simm.s32 $0x400;
	(ifvalue) =	ssetifvalue $0xFFFFFFFF  }
0x149: {  	[tilespmem:s18], [sflag:$0x3] =	stream.indirect.gather [hbm4b:s3+s15], $0x80, s31, s15, $0x40b8;
	[tilespmem:$0x18D80] =	vst v63  }
0x14a: {  	s31 =	rddreg [dreg:$0x9]  }
0x14b: {  	[tilespmem:s19], [sflag:$0x2] =	stream.linear.gather [hbm4b:s31+s2], $0xC000, $0x38;
	[tilespmem:$0x18D80] =	vst v63  }
0x14c: {  	_ =	swait.ge [sflag:s20], $0x4000  }
0x14d: {  	[sflag:s20] =	ssyncset.done $0x0  }
0x14e: {  	[sflag:s20] =	ssyncadd.s32 $0xFFFFC000  }
0x14f: {  	_ =	swait.ge [sflag:s20], $0x4000  }
0x150: {  	[sflag:s20] =	ssyncset.done $0x0  }
0x151: {  	[sflag:s20] =	ssyncadd.s32 $0xFFFFC000  }
0x152: {  	_ =	swait.ge [sflag:s20], $0x4000  }
0x153: {  	[sflag:s20] =	ssyncset.done $0x0  }
0x154: {  	s31 =	rddreg [dreg:$0xa];
	[sflag:s20] =	ssyncadd.s32 $0xFFFFC000  }
0x155: {  	[hbm4b:s31+s2] =	stream.linear.scatter [tilespmem:s13], [sflag:$0x5], $0xC000, $0x38;
	[tilespmem:$0x18D80] =	vst v63  }
0x156: {  	_ =	swait.ge [sflag:s12], $0xC000  }
0x157: {  	[sflag:s12] =	ssyncset.done $0x0  }
0x158: {  	[sflag:s12] =	ssyncadd.s32 $0xFFFF4000  }
0x159: {  	_ =	swait.ge [sflag:s21], $0xC000  }
0x15a: {  	[sflag:s21] =	ssyncset.done $0x0  }
0x15b: {  	[sflag:s21] =	ssyncadd.s32 $0xFFFF4000;
	(ifvalue) =	ssetifvalue $0xFFFFFFFF  }
0x15c: {  	s31 =	simm.s32 $0x480;
	(ifvalue) =	ssetifvalue $0xFFFFFFFF  }
0x15d: {  	[tilespmem:s19], [sflag:$0x4] =	stream.indirect.gather [hbm4b:s3+s15], $0x80, s31, s15, $0x40b8;
	[tilespmem:$0x18D80] =	vst v63  }
0x15e: {  	(ifvalue) =	ssetifvalue $0xFFFFFFFF  }
0x15f: {  	(ifvalue) =	ssetifvalue $0xFFFFFFFF  }
0x160: {  	[tilespmem:s24], [sflag:$0x4] =	stream.indirect.gather [hbm4b:s3+s15], $0x80, s1, s15, $0x40b8;
	[tilespmem:$0x18D80] =	vst v63  }
0x161: {  	(ifvalue) =	ssetifvalue $0xFFFFFFFF  }
0x162: {  	(ifvalue) =	ssetifvalue $0xFFFFFFFF  }
0x163: {  	[tilespmem:s26], [sflag:$0x4] =	stream.indirect.gather [hbm4b:s3+s15], $0x80, s0, s15, $0x40b8;
	[tilespmem:$0x18D80] =	vst v63  }
0x164: {  	s1 =	rddreg [dreg:$0xb]  }
0x165: {  	[tilespmem:s13], [sflag:$0x1] =	stream.linear.gather [hbm4b:s1+s2], $0xC000, $0x38;
	[tilespmem:$0x18D80] =	vst v63  }
0x166: {  	_ =	swait.ge [sflag:s28], $0x4000  }
0x167: {  	[sflag:s28] =	ssyncset.done $0x0  }
0x168: {  	[sflag:s28] =	ssyncadd.s32 $0xFFFFC000  }
0x169: {  	_ =	swait.ge [sflag:s28], $0x4000  }
0x16a: {  	[sflag:s28] =	ssyncset.done $0x0  }
0x16b: {  	[sflag:s28] =	ssyncadd.s32 $0xFFFFC000  }
0x16c: {  	_ =	swait.ge [sflag:s28], $0x4000  }
0x16d: {  	[sflag:s28] =	ssyncset.done $0x0  }
0x16e: {  	s1 =	rddreg [dreg:$0xc];
	[sflag:s28] =	ssyncadd.s32 $0xFFFFC000  }
0x16f: {  	[hbm4b:s1+s2] =	stream.linear.scatter [tilespmem:s19], [sflag:$0x5], $0xC000, $0x38;
	[tilespmem:$0x18D80] =	vst v63  }
0x170: {  	_ =	swait.ge [sflag:s12], $0xC000  }
0x171: {  	[sflag:s12] =	ssyncset.done $0x0  }
0x172: {  	[sflag:s12] =	ssyncadd.s32 $0xFFFF4000  }
0x173: {  	_ =	swait.ge [sflag:s14], $0xC000  }
0x174: {  	[sflag:s14] =	ssyncset.done $0x0  }
0x175: {  	[sflag:s14] =	ssyncadd.s32 $0xFFFF4000;
	(ifvalue) =	ssetifvalue $0xFFFFFFFF  }
0x176: {  	(ifvalue) =	ssetifvalue $0xFFFFFFFF  }
0x177: {  	[tilespmem:s13], [sflag:$0x3] =	stream.indirect.gather [hbm4b:s3+s15], $0x80, s5, s15, $0x40b8;
	[tilespmem:$0x18D80] =	vst v63  }
0x178: {  	(ifvalue) =	ssetifvalue $0xFFFFFFFF  }
0x179: {  	(ifvalue) =	ssetifvalue $0xFFFFFFFF  }
0x17a: {  	[tilespmem:s16], [sflag:$0x3] =	stream.indirect.gather [hbm4b:s3+s15], $0x80, s6, s15, $0x40b8;
	[tilespmem:$0x18D80] =	vst v63  }
0x17b: {  	(ifvalue) =	ssetifvalue $0xFFFFFFFF  }
0x17c: {  	(ifvalue) =	ssetifvalue $0xFFFFFFFF  }
0x17d: {  	[tilespmem:s18], [sflag:$0x3] =	stream.indirect.gather [hbm4b:s3+s15], $0x80, s22, s15, $0x40b8;
	[tilespmem:$0x18D80] =	vst v63  }
0x17e: {  	s1 =	rddreg [dreg:$0xd]  }
0x17f: {  	[tilespmem:s19], [sflag:$0x2] =	stream.linear.gather [hbm4b:s1+s2], $0xC000, $0x38;
	[tilespmem:$0x18D80] =	vst v63  }
0x180: {  	_ =	swait.ge [sflag:s20], $0x4000  }
0x181: {  	[sflag:s20] =	ssyncset.done $0x0  }
0x182: {  	[sflag:s20] =	ssyncadd.s32 $0xFFFFC000  }
0x183: {  	_ =	swait.ge [sflag:s20], $0x4000  }
0x184: {  	[sflag:s20] =	ssyncset.done $0x0  }
0x185: {  	[sflag:s20] =	ssyncadd.s32 $0xFFFFC000  }
0x186: {  	_ =	swait.ge [sflag:s20], $0x4000  }
0x187: {  	[sflag:s20] =	ssyncset.done $0x0  }
0x188: {  	s1 =	rddreg [dreg:$0xe];
	[sflag:s20] =	ssyncadd.s32 $0xFFFFC000  }
0x189: {  	[hbm4b:s1+s2] =	stream.linear.scatter [tilespmem:s13], [sflag:$0x5], $0xC000, $0x38;
	[tilespmem:$0x18D80] =	vst v63  }
0x18a: {  	_ =	swait.ge [sflag:s12], $0xC000  }
0x18b: {  	[sflag:s12] =	ssyncset.done $0x0  }
0x18c: {  	[sflag:s12] =	ssyncadd.s32 $0xFFFF4000  }
0x18d: {  	_ =	swait.ge [sflag:s21], $0xC000  }
0x18e: {  	[sflag:s21] =	ssyncset.done $0x0  }
0x18f: {  	[sflag:s21] =	ssyncadd.s32 $0xFFFF4000;
	(ifvalue) =	ssetifvalue $0xFFFFFFFF  }
0x190: {  	(ifvalue) =	ssetifvalue $0xFFFFFFFF  }
0x191: {  	[tilespmem:s19], [sflag:$0x4] =	stream.indirect.gather [hbm4b:s3+s15], $0x80, s7, s15, $0x40b8;
	[tilespmem:$0x18D80] =	vst v63  }
0x192: {  	(ifvalue) =	ssetifvalue $0xFFFFFFFF  }
0x193: {  	(ifvalue) =	ssetifvalue $0xFFFFFFFF  }
0x194: {  	[tilespmem:s24], [sflag:$0x4] =	stream.indirect.gather [hbm4b:s3+s15], $0x80, s23, s15, $0x40b8;
	[tilespmem:$0x18D80] =	vst v63  }
0x195: {  	(ifvalue) =	ssetifvalue $0xFFFFFFFF  }
0x196: {  	(ifvalue) =	ssetifvalue $0xFFFFFFFF  }
0x197: {  	[tilespmem:s26], [sflag:$0x4] =	stream.indirect.gather [hbm4b:s3+s15], $0x80, s8, s15, $0x40b8;
	[tilespmem:$0x18D80] =	vst v63  }
0x198: {  	s1 =	rddreg [dreg:$0xf]  }
0x199: {  	[tilespmem:s13], [sflag:$0x1] =	stream.linear.gather [hbm4b:s1+s2], $0xC000, $0x38;
	[tilespmem:$0x18D80] =	vst v63  }
0x19a: {  	_ =	swait.ge [sflag:s28], $0x4000  }
0x19b: {  	[sflag:s28] =	ssyncset.done $0x0  }
0x19c: {  	[sflag:s28] =	ssyncadd.s32 $0xFFFFC000  }
0x19d: {  	_ =	swait.ge [sflag:s28], $0x4000  }
0x19e: {  	[sflag:s28] =	ssyncset.done $0x0  }
0x19f: {  	[sflag:s28] =	ssyncadd.s32 $0xFFFFC000  }
0x1a0: {  	_ =	swait.ge [sflag:s28], $0x4000  }
0x1a1: {  	[sflag:s28] =	ssyncset.done $0x0  }
0x1a2: {  	s1 =	rddreg [dreg:$0x10];
	[sflag:s28] =	ssyncadd.s32 $0xFFFFC000  }
0x1a3: {  	[hbm4b:s1+s2] =	stream.linear.scatter [tilespmem:s19], [sflag:$0x5], $0xC000, $0x38;
	[tilespmem:$0x18D80] =	vst v63  }
0x1a4: {  	_ =	swait.ge [sflag:s12], $0xC000  }
0x1a5: {  	[sflag:s12] =	ssyncset.done $0x0  }
0x1a6: {  	[sflag:s12] =	ssyncadd.s32 $0xFFFF4000  }
0x1a7: {  	_ =	swait.ge [sflag:s14], $0xC000  }
0x1a8: {  	[sflag:s14] =	ssyncset.done $0x0  }
0x1a9: {  	[sflag:s14] =	ssyncadd.s32 $0xFFFF4000;
	(ifvalue) =	ssetifvalue $0xFFFFFFFF  }
0x1aa: {  	(ifvalue) =	ssetifvalue $0xFFFFFFFF  }
0x1ab: {  	[tilespmem:s13], [sflag:$0x3] =	stream.indirect.gather [hbm4b:s3+s15], $0x80, s9, s15, $0x40b8;
	[tilespmem:$0x18D80] =	vst v63  }
0x1ac: {  	(ifvalue) =	ssetifvalue $0xFFFFFFFF  }
0x1ad: {  	(ifvalue) =	ssetifvalue $0xFFFFFFFF  }
0x1ae: {  	[tilespmem:s16], [sflag:$0x3] =	stream.indirect.gather [hbm4b:s3+s15], $0x80, s10, s15, $0x40b8;
	[tilespmem:$0x18D80] =	vst v63  }
0x1af: {  	(ifvalue) =	ssetifvalue $0xFFFFFFFF  }
0x1b0: {  	(ifvalue) =	ssetifvalue $0xFFFFFFFF  }
0x1b1: {  	[tilespmem:s18], [sflag:$0x3] =	stream.indirect.gather [hbm4b:s3+s15], $0x80, s25, s15, $0x40b8;
	[tilespmem:$0x18D80] =	vst v63  }
0x1b2: {  	s1 =	rddreg [dreg:$0x11]  }
0x1b3: {  	[tilespmem:s19], [sflag:$0x2] =	stream.linear.gather [hbm4b:s1+s2], $0xC000, $0x38;
	[tilespmem:$0x18D80] =	vst v63  }
0x1b4: {  	_ =	swait.ge [sflag:s20], $0x4000  }
0x1b5: {  	[sflag:s20] =	ssyncset.done $0x0  }
0x1b6: {  	[sflag:s20] =	ssyncadd.s32 $0xFFFFC000  }
0x1b7: {  	_ =	swait.ge [sflag:s20], $0x4000  }
0x1b8: {  	[sflag:s20] =	ssyncset.done $0x0  }
0x1b9: {  	[sflag:s20] =	ssyncadd.s32 $0xFFFFC000  }
0x1ba: {  	_ =	swait.ge [sflag:s20], $0x4000  }
0x1bb: {  	[sflag:s20] =	ssyncset.done $0x0  }
0x1bc: {  	s1 =	rddreg [dreg:$0x12];
	[sflag:s20] =	ssyncadd.s32 $0xFFFFC000  }
0x1bd: {  	[hbm4b:s1+s2] =	stream.linear.scatter [tilespmem:s13], [sflag:$0x5], $0xC000, $0x38;
	[tilespmem:$0x18D80] =	vst v63  }
0x1be: {  	_ =	swait.ge [sflag:s12], $0xC000  }
0x1bf: {  	[sflag:s12] =	ssyncset.done $0x0  }
0x1c0: {  	[sflag:s12] =	ssyncadd.s32 $0xFFFF4000  }
0x1c1: {  	_ =	swait.ge [sflag:s21], $0xC000  }
0x1c2: {  	[sflag:s21] =	ssyncset.done $0x0  }
0x1c3: {  	[sflag:s21] =	ssyncadd.s32 $0xFFFF4000;
	(ifvalue) =	ssetifvalue $0xFFFFFFFF  }
0x1c4: {  	(ifvalue) =	ssetifvalue $0xFFFFFFFF  }
0x1c5: {  	[tilespmem:s19], [sflag:$0x4] =	stream.indirect.gather [hbm4b:s3+s15], $0x80, s29, s15, $0x40b8;
	[tilespmem:$0x18D80] =	vst v63  }
0x1c6: {  	(ifvalue) =	ssetifvalue $0xFFFFFFFF  }
0x1c7: {  	(ifvalue) =	ssetifvalue $0xFFFFFFFF  }
0x1c8: {  	[tilespmem:s24], [sflag:$0x4] =	stream.indirect.gather [hbm4b:s3+s15], $0x80, s30, s15, $0x40b8;
	[tilespmem:$0x18D80] =	vst v63  }
0x1c9: {  	(ifvalue) =	ssetifvalue $0xFFFFFFFF  }
0x1ca: {  	(ifvalue) =	ssetifvalue $0xFFFFFFFF  }
0x1cb: {  	[tilespmem:s26], [sflag:$0x4] =	stream.indirect.gather [hbm4b:s3+s15], $0x80, s17, s15, $0x40b8;
	[tilespmem:$0x18D80] =	vst v63  }
0x1cc: {  	s1 =	rddreg [dreg:$0x13]  }
0x1cd: {  	[tilespmem:s13], [sflag:$0x1] =	stream.linear.gather [hbm4b:s1+s2], $0x1C00, $0x38;
	[tilespmem:$0x18D80] =	vst v63  }
0x1ce: {  	_ =	swait.ge [sflag:s28], $0x4000  }
0x1cf: {  	[sflag:s28] =	ssyncset.done $0x0  }
0x1d0: {  	[sflag:s28] =	ssyncadd.s32 $0xFFFFC000  }
0x1d1: {  	_ =	swait.ge [sflag:s28], $0x4000  }
0x1d2: {  	[sflag:s28] =	ssyncset.done $0x0  }
0x1d3: {  	[sflag:s28] =	ssyncadd.s32 $0xFFFFC000  }
0x1d4: {  	_ =	swait.ge [sflag:s28], $0x4000  }
0x1d5: {  	[sflag:s28] =	ssyncset.done $0x0  }
0x1d6: {  	s1 =	rddreg [dreg:$0x14];
	[sflag:s28] =	ssyncadd.s32 $0xFFFFC000  }
0x1d7: {  	[hbm4b:s1+s2] =	stream.linear.scatter [tilespmem:s19], [sflag:$0x5], $0xC000, $0x38;
	[tilespmem:$0x18D80] =	vst v63  }
0x1d8: {  	_ =	swait.ge [sflag:s12], $0xC000  }
0x1d9: {  	[sflag:s12] =	ssyncset.done $0x0  }
0x1da: {  	[sflag:s12] =	ssyncadd.s32 $0xFFFF4000  }
0x1db: {  	_ =	swait.ge [sflag:s14], $0x1C00  }
0x1dc: {  	[sflag:s14] =	ssyncset.done $0x0  }
0x1dd: {  	[sflag:s14] =	ssyncadd.s32 $0xFFFFE400;
	(ifvalue) =	ssetifvalue $0xFFFFFFFF  }
0x1de: {  	s31 =	simm.s32 $0x38;
	s1 =	simm.s32 $0xC00;
	(ifvalue) =	ssetifvalue $0xFFFFFFFF  }
0x1df: {  	[tilespmem:s13], [sflag:$0x3] =	stream.indirect.gather [hbm4b:s3+s31], $0x80, s1, s31, $0x40b8;
	[tilespmem:$0x18D80] =	vst v63  }
0x1e0: {  	_ =	swait.ge [sflag:s20], $0x1C00  }
0x1e1: {  	[sflag:s20] =	ssyncset.done $0x0  }
.Ltmp3:
0x1e2: {  	s31 =	rddreg [dreg:$0x15];
	[sflag:s20] =	ssyncadd.s32 $0xFFFFE400;
	(pc) =	sbr.rel .LBB2_4-.Ltmp3, $4  }
0x1e3: {  	[hbm4b:s31+s2] =	stream.linear.scatter [tilespmem:s13], [sflag:$0x5], $0x1C00, $0x38;
	[tilespmem:$0x18D80] =	vst v63  }
0x1e4: {  	_ =	swait.ge [sflag:s12], $0x1C00  }
0x1e5: {  	[sflag:s12] =	ssyncset.done $0x0  }
0x1e6: {  	s1 =	simm.s32 $0x500;
	[sflag:s12] =	ssyncadd.s32 $0xFFFFE400  }
.LBB2_5:
0x1e7: {  	_ =	sfence.sel $0x180000  }
0x1e8: {  	[bflag:$0x0] =	sbarrier.arrive $0xFFFF  }
0x1e9: {  	_ =	strace $0x9000004A  }
0x1ea: {  	s0 =	stileid.u32;
	[bflag:$0x2] =	sbarrier.arrive $0xFFFF  }
0x1eb: {  	p0 =	sne.s32 s0, $0x0;
	s0 =	rddreg [dreg:$0x3]  }
0x1ec: {  	s0 =	sadd.s32 @!p0 $0x100000, s0  }
0x1ed: {  	[sflag:s0] =	ssyncadd.tile.s32 @!p0 $0x1;
	_ =	shalt  }
.Lfunc_end2:
_tile_overlayer_lowered:
.L_overlay_start_2:
0x1ee: {  	(tag) =	ssettag $0x2  }
0x1ef: {  	s0 =	rddreg [dreg:$0x0];
	s2 =	stileid.u32  }
0x1f0: {  	s1 =	rddreg [dreg:$0x1];
	p0 =	sne.s32 s2, $0x0  }
0x1f1: {  	s3 =	rddreg [dreg:$0x2];
	[bflag:$0x3] =	sbarrier.arrive $0xFFFF;
	s2 =	simm.s32 @!p0 $0x1C05  }
0x1f2: {  	[timem:s3], [sflag:s2] =	dma.local @!p0 [hbm:s0], s1  }
0x1f3: {  	s0 =	simm.s32 @!p0 $0x5  }
0x1f4: {  	_ =	swait.ge @!p0 [sflag:s0], s1  }
0x1f5: {  	s1 =	ssub.s32 @!p0 $0x0, s1;
	[sflag:s0] =	ssyncset.done @!p0 $0x0  }
0x1f6: {  	[sflag:s0] =	ssyncadd.s32 @!p0 s1  }
0x1f7: {  	[bflag:$0x3] =	sbarrier.arrive $0xFFFF  }
0x1f8: {  	_ =	shalt  }

</sc_bundles>
